<compile_context>
chip_gen: v7x
topology: tpu7x:2x2x1
jax: 0.10.2.dev20260603
libtpu: 0.0.44.dev20260713+nightly
codegen_flags: <defaults>
</compile_context>

<pallas_src>
import functools

import jax
import jax.numpy as jnp
from jax import lax
from jax.experimental import pallas as pl
from jax.experimental.pallas import tpu as pltpu
from jax.experimental.pallas import tpu_sc as plsc

_N = 10000
_NP = 10240
_E = 320000
_EP = 327680
_D = 128
_G = 64
_NC = 2
_NS = 16
_CH = 128
_EPW = _EP // (_NC * _NS)
_RPT = _NP // _NS
_ZBASE = _NP - _CH
_BN = 1024
_EPS = 1e-5


_NB = 4
_CPW = _EPW // _CH
_C0 = 108


def _sc_segment_sum(xb, sd3, zr):
    mesh = plsc.VectorSubcoreMesh(core_axis_name="c", subcore_axis_name="s")

    @functools.partial(
        pl.kernel,
        mesh=mesh,
        compiler_params=pltpu.CompilerParams(use_tc_tiling_on_sc=False),
        out_type=jax.ShapeDtypeStruct((_NC * _NP, _D), jnp.float32),
        scratch_types=[
            pltpu.VMEM((_NB, 2, _CH), jnp.int32),
            pltpu.VMEM((2, _CH, _D), jnp.float32),
            pltpu.VMEM_SHARED((_NP, _D), jnp.float32),
            pltpu.SemaphoreType.DMA,
            pltpu.SemaphoreType.DMA,
            pltpu.SemaphoreType.DMA,
            pltpu.SemaphoreType.DMA,
            pltpu.SemaphoreType.DMA,
            pltpu.SemaphoreType.DMA,
        ],
    )
    def _sc(x_hbm, sd_hbm, z_hbm, out_hbm, sd, rows, acc,
            i0, i1, i2, i3, g0, g1):
        cid = lax.axis_index("c")
        sid = lax.axis_index("s")
        isem = (i0, i1, i2, i3)
        gsem = (g0, g1)
        cbase = sid * (2 * _CPW) + jnp.where(cid == 0, 0, _C0)
        nch = jnp.where(cid == 0, _C0, 2 * _CPW - _C0)

        pltpu.sync_copy(z_hbm, rows.at[0])

        def _zero(j, c):
            pltpu.sync_copy(rows.at[0],
                            acc.at[pl.ds(sid * _RPT + j * _CH, _CH)])
            return c

        lax.fori_loop(0, _RPT // _CH, _zero, 0)
        plsc.subcore_barrier()

        def _ifire(c, k):
            pltpu.async_copy(sd_hbm.at[cbase + c], sd.at[k], isem[k])

        def _iwait(c, k):
            pltpu.make_async_copy(sd_hbm.at[cbase + c], sd.at[k],
                                  isem[k]).wait()

        def _gfire(ki, kr):
            pltpu.async_copy(x_hbm.at[sd.at[ki, 0]], rows.at[kr], gsem[kr])

        def _gwait(ki, kr):
            pltpu.make_async_copy(x_hbm.at[sd.at[ki, 0]], rows.at[kr],
                                  gsem[kr]).wait()

        _ifire(0, 0)
        _ifire(1, 1)
        _ifire(2, 2)
        _iwait(0, 0)
        _gfire(0, 0)

        def _step(j, carry):
            for k in range(_NB):
                c = j * _NB + k
                k3 = (k + 3) % _NB
                k1 = (k + 1) % _NB
                kr = k % 2

                @pl.when(c + 3 < nch)
                def _():
                    _ifire(c + 3, k3)

                @pl.when(c + 1 < nch)
                def _():
                    _iwait(c + 1, k1)
                    _gfire(k1, 1 - kr)

                _gwait(k, kr)
                pltpu.sync_copy(rows.at[kr], acc.at[sd.at[k, 1]], add=True)
            return carry

        lax.fori_loop(0, nch // _NB, _step, 0)
        plsc.subcore_barrier()

        def _out(j, c):
            r0 = sid * _RPT + j * _CH
            pltpu.sync_copy(acc.at[pl.ds(r0, _CH)], rows.at[0])
            pltpu.sync_copy(rows.at[0],
                            out_hbm.at[pl.ds(cid * _NP + r0, _CH)])
            return c

        lax.fori_loop(0, _RPT // _CH, _out, 0)

    return _sc(xb, sd3, zr)


def _row_mask(i):
    return i * _BN + lax.broadcasted_iota(jnp.int32, (_BN, _D), 0) < _N


def _mlp_body(x_ref, a0_ref, a1_ref, w1_ref, b1_ref, w2_ref, b2_ref,
              h_ref, st_ref):
    i = pl.program_id(0)
    xin = x_ref[...] + a0_ref[...] + a1_ref[...]
    t = jnp.dot(xin, w1_ref[...],
                preferred_element_type=jnp.float32) + b1_ref[...]
    t = jnp.maximum(t, 0.0)
    u = jnp.dot(t, w2_ref[...],
                preferred_element_type=jnp.float32) + b2_ref[...]
    h = jnp.where(_row_mask(i), jnp.maximum(u, 0.0), 0.0)
    h_ref[...] = h
    s = jnp.sum(h, axis=0, keepdims=True)
    ss = jnp.sum(h * h, axis=0, keepdims=True)
    st = jnp.concatenate([s, ss, jnp.zeros((6, _D), jnp.float32)], axis=0)

    @pl.when(i == 0)
    def _():
        st_ref[...] = st

    @pl.when(i > 0)
    def _():
        st_ref[...] = st_ref[...] + st


def _mlp(xp, agg, w1, b1, w2, b2):
    nb = _NP // _BN
    return pl.pallas_call(
        _mlp_body,
        grid=(nb,),
        in_specs=[
            pl.BlockSpec((_BN, _D), lambda i: (i, 0)),
            pl.BlockSpec((_BN, _D), lambda i: (i, 0)),
            pl.BlockSpec((_BN, _D), lambda i: (i + nb, 0)),
            pl.BlockSpec((_D, _D), lambda i: (0, 0)),
            pl.BlockSpec((1, _D), lambda i: (0, 0)),
            pl.BlockSpec((_D, _D), lambda i: (0, 0)),
            pl.BlockSpec((1, _D), lambda i: (0, 0)),
        ],
        out_specs=[
            pl.BlockSpec((_BN, _D), lambda i: (i, 0)),
            pl.BlockSpec((8, _D), lambda i: (0, 0)),
        ],
        out_shape=[
            jax.ShapeDtypeStruct((_NP, _D), jnp.float32),
            jax.ShapeDtypeStruct((8, _D), jnp.float32),
        ],
    )(xp, agg, agg, w1, b1.reshape(1, _D), w2, b2.reshape(1, _D))


def _affine(st_ref, g_ref, be_ref):
    mean = st_ref[0:1, :] * (1.0 / _N)
    var = st_ref[1:2, :] * (1.0 / _N) - mean * mean
    a = g_ref[...] * lax.rsqrt(var + _EPS)
    b = be_ref[...] - mean * a
    return a, b


def _norm_body(h_ref, st_ref, g_ref, be_ref, o_ref):
    i = pl.program_id(0)
    a, b = _affine(st_ref, g_ref, be_ref)
    o_ref[...] = jnp.where(_row_mask(i), h_ref[...] * a + b, 0.0)


def _norm(h, st, gamma, beta):
    return pl.pallas_call(
        _norm_body,
        grid=(_NP // _BN,),
        in_specs=[
            pl.BlockSpec((_BN, _D), lambda i: (i, 0)),
            pl.BlockSpec((8, _D), lambda i: (0, 0)),
            pl.BlockSpec((1, _D), lambda i: (0, 0)),
            pl.BlockSpec((1, _D), lambda i: (0, 0)),
        ],
        out_specs=pl.BlockSpec((_BN, _D), lambda i: (i, 0)),
        out_shape=jax.ShapeDtypeStruct((_NP, _D), jnp.float32),
    )(h, st, gamma.reshape(1, _D), beta.reshape(1, _D))


def _pool_body(h_ref, st_ref, g_ref, be_ref, seg_ref, o_ref):
    i = pl.program_id(0)
    a, b = _affine(st_ref, g_ref, be_ref)
    hn = jnp.where(_row_mask(i), h_ref[...] * a + b, 0.0)
    seg = seg_ref[0, 0, :]
    onehot = (lax.broadcasted_iota(jnp.int32, (_G, _BN), 0)
              == seg[None, :]).astype(jnp.float32)
    c = jnp.dot(onehot, hn, preferred_element_type=jnp.float32,
                precision=lax.Precision.HIGHEST)

    @pl.when(i == 0)
    def _():
        o_ref[...] = c

    @pl.when(i > 0)
    def _():
        o_ref[...] = o_ref[...] + c


def _pool(h, st, gamma, beta, seg3):
    return pl.pallas_call(
        _pool_body,
        grid=(_NP // _BN,),
        in_specs=[
            pl.BlockSpec((_BN, _D), lambda i: (i, 0)),
            pl.BlockSpec((8, _D), lambda i: (0, 0)),
            pl.BlockSpec((1, _D), lambda i: (0, 0)),
            pl.BlockSpec((1, _D), lambda i: (0, 0)),
            pl.BlockSpec((1, 1, _BN), lambda i: (i, 0, 0)),
        ],
        out_specs=pl.BlockSpec((_G, _D), lambda i: (0, 0)),
        out_shape=jax.ShapeDtypeStruct((_G, _D), jnp.float32),
    )(h, st, gamma.reshape(1, _D), beta.reshape(1, _D), seg3)


def kernel(x, edge_index, batch,
           W1_1, b1_1, W1_2, b1_2, gamma1, beta1,
           W2_1, b2_1, W2_2, b2_2, gamma2, beta2,
           W3_1, b3_1, W3_2, b3_2, gamma3, beta3):
    f32 = jnp.float32
    epad = jnp.full((2, _EP - _E), _N, jnp.int32)
    sd3 = jnp.concatenate([edge_index, epad], axis=1)
    sd3 = sd3.reshape(2, _EP // _CH, _CH).transpose(1, 0, 2)
    xp = jnp.concatenate([x.astype(f32), jnp.zeros((_NP - _N, _D), f32)])
    seg3 = jnp.concatenate([batch, jnp.zeros((_NP - _N,), jnp.int32)])
    seg3 = seg3.reshape(_NP // _BN, 1, _BN)
    zr = jnp.zeros((_CH, _D), f32)

    agg1 = _sc_segment_sum(xp, sd3, zr)
    h1, st1 = _mlp(xp, agg1, W1_1, b1_1, W1_2, b1_2)
    h1n = _norm(h1, st1, gamma1, beta1)
    agg2 = _sc_segment_sum(h1n, sd3, zr)
    h2, st2 = _mlp(h1n, agg2, W2_1, b2_1, W2_2, b2_2)
    h2n = _norm(h2, st2, gamma2, beta2)
    agg3 = _sc_segment_sum(h2n, sd3, zr)
    h3, st3 = _mlp(h2n, agg3, W3_1, b3_1, W3_2, b3_2)
    return _pool(h3, st3, gamma3, beta3, seg3)

# --- scband reference (transcript-rebuilt; emitter-appended) ---
"""Pipeline reference for scband-ginencoder-16114717295311 (READ-ONLY COPY).

The authoritative reference and input builder live on the scoring server;
editing this copy changes nothing except your own understanding.
"""

import jax, jax.numpy as jnp
import numpy as np

N = 10000
E = 320000
F_IN = 128
DIM = 128
G = 64

def setup_inputs(seed: int = 0):
    key = jax.random.key(seed)
    ks = jax.random.split(key, 16)
    inp = {}
    inp["x"] = jax.random.normal(ks[0], (N, F_IN), dtype=jnp.float32)
    inp["edge_index"] = jax.random.randint(ks[1], (2, E), 0, N, dtype=jnp.int32)
    inp["batch"] = jnp.sort(jax.random.randint(ks[2], (N,), 0, G, dtype=jnp.int32))
    dims = [(F_IN, DIM), (DIM, DIM), (DIM, DIM)]
    i = 3
    for l, (fin, dout) in enumerate(dims, start=1):
        inp["W{}_1".format(l)] = jax.random.normal(ks[i], (fin, dout), dtype=jnp.float32) / np.sqrt(fin); i += 1
        inp["b{}_1".format(l)] = jnp.zeros((dout,), dtype=jnp.float32)
        inp["W{}_2".format(l)] = jax.random.normal(ks[i], (dout, dout), dtype=jnp.float32) / np.sqrt(dout); i += 1
        inp["b{}_2".format(l)] = jnp.zeros((dout,), dtype=jnp.float32)
        inp["gamma{}".format(l)] = jnp.ones((dout,), dtype=jnp.float32)
        inp["beta{}".format(l)] = jnp.zeros((dout,), dtype=jnp.float32)
    return inp

def _gin_conv(x, edge_index, W1, b1, W2, b2):
    # PyG GINConv with eps=0: mlp(x + sum_{j in N(i)} x_j), messages src->dst
    src = edge_index[0]
    dst = edge_index[1]
    aggr = jax.ops.segment_sum(x[src], dst, num_segments=x.shape[0])
    h = x + aggr
    h = jnp.maximum(h @ W1 + b1, 0.0)
    return h @ W2 + b2

def _batch_norm(x, gamma, beta, eps=1e-5):
    mean = jnp.mean(x, axis=0)
    var = jnp.var(x, axis=0)
    return (x - mean) / jnp.sqrt(var + eps) * gamma + beta

def reference(x, edge_index, batch, W1_1, b1_1, W1_2, b1_2, gamma1, beta1, W2_1, b2_1, W2_2, b2_2, gamma2, beta2, W3_1, b3_1, W3_2, b3_2, gamma3, beta3):
    h = jnp.maximum(_gin_conv(x, edge_index, W1_1, b1_1, W1_2, b1_2), 0.0)
    h = _batch_norm(h, gamma1, beta1)
    h = jnp.maximum(_gin_conv(h, edge_index, W2_1, b2_1, W2_2, b2_2), 0.0)
    h = _batch_norm(h, gamma2, beta2)
    h = jnp.maximum(_gin_conv(h, edge_index, W3_1, b3_1, W3_2, b3_2), 0.0)
    h = _batch_norm(h, gamma3, beta3)
    out = jax.ops.segment_sum(h, batch, num_segments=G)
    return out

if __name__ == "__main__":
    import jax
    _d = setup_inputs()
    print(jax.jit(kernel)(*tuple(_d.values())))

</pallas_src>

<mosaic_0001>
#map = affine_map<(d0, d1) -> (0, 0)>
#map1 = affine_map<(d0, d1) -> (0, 0, 0)>
module attributes {stable_mosaic.version = 14 : i64} {
  func.func @_sc(%arg0: i32, %arg1: i32, %arg2: memref<10240x128xf32, #tpu.memory_space<hbm>>, %arg3: memref<2560x2x128xi32, #tpu.memory_space<hbm>>, %arg4: memref<128x128xf32, #tpu.memory_space<hbm>>, %arg5: memref<20480x128xf32, #tpu.memory_space<hbm>>, %arg6: memref<4x2x128xi32, #tpu.memory_space<vmem>>, %arg7: memref<2x128x128xf32, #tpu.memory_space<vmem>>, %arg8: memref<10240x128xf32, #tpu.memory_space<vmem_shared>>, %arg9: memref<!tpu.dma_semaphore, #tpu.memory_space<semaphore_mem>>, %arg10: memref<!tpu.dma_semaphore, #tpu.memory_space<semaphore_mem>>, %arg11: memref<!tpu.dma_semaphore, #tpu.memory_space<semaphore_mem>>, %arg12: memref<!tpu.dma_semaphore, #tpu.memory_space<semaphore_mem>>, %arg13: memref<!tpu.dma_semaphore, #tpu.memory_space<semaphore_mem>>, %arg14: memref<!tpu.dma_semaphore, #tpu.memory_space<semaphore_mem>>) attributes {dimension_semantics = [#tpu.dimension_semantics<core_parallel>, #tpu.dimension_semantics<subcore_parallel>], iteration_bounds = array<i64: 2, 16>, scalar_prefetch = 0 : i64, scratch_operands = 9 : i64, tpu.core_type = #tpu.core_type<sc_vector_subcore>, window_params = [{transform_indices = #map}, {transform_indices = #map1}, {transform_indices = #map}, {transform_indices = #map}]} {
    %mul3A = arith.constant 160 : i32
    %mul3A_0 = arith.muli %arg1, %mul3A : i32
    %eq3A = arith.constant 0 : i32
    %eq3A_1 = arith.cmpi eq, %arg0, %eq3A : i32
    %jit3A = arith.constant 0 : i32
    %jit3A_2 = arith.constant 108 : i32
    %select_n3A = arith.select %eq3A_1, %jit3A, %jit3A_2 : i32
    %add3A = arith.addi %mul3A_0, %select_n3A : i32
    %eq3A_3 = arith.constant 0 : i32
    %eq3A_4 = arith.cmpi eq, %arg0, %eq3A_3 : i32
    %jit3A_5 = arith.constant 108 : i32
    %jit3A_6 = arith.constant 52 : i32
    %select_n3A_7 = arith.select %eq3A_4, %jit3A_5, %jit3A_6 : i32
    %run_scoped3A = arith.constant 0 : i32
    "tpu.region"() ({
      %run_scoped3A_134 = tpu.sem_alloc : memref<!tpu.dma_semaphore, #tpu.memory_space<semaphore_mem>>
      %dma_start3A_135 = arith.constant 0 : i32
      %dma_start3A_136 = arith.constant 0 : i32
      %dma_start3A_137 = tpu.memref_slice %arg7[%run_scoped3A, %dma_start3A_135, %dma_start3A_136] : memref<2x128x128xf32, #tpu.memory_space<vmem>> -> memref<1x128x128xf32, #tpu.memory_space<vmem>>
      %dma_start3A_138 = tpu.memref_squeeze %dma_start3A_137 : memref<1x128x128xf32, #tpu.memory_space<vmem>> -> memref<128x128xf32, #tpu.memory_space<vmem>>
      %dma_start3A_139 = arith.constant 0 : i32
      %dma_start3A_140 = arith.constant 0 : i32
      %dma_start3A_141 = tpu.memref_slice %arg7[%run_scoped3A, %dma_start3A_139, %dma_start3A_140] : memref<2x128x128xf32, #tpu.memory_space<vmem>> -> memref<1x128x128xf32, #tpu.memory_space<vmem>>
      %dma_start3A_142 = tpu.memref_squeeze %dma_start3A_141 : memref<1x128x128xf32, #tpu.memory_space<vmem>> -> memref<128x128xf32, #tpu.memory_space<vmem>>
      tpu.enqueue_dma source(%arg4 : memref<128x128xf32, #tpu.memory_space<hbm>>) target(%dma_start3A_142 : memref<128x128xf32, #tpu.memory_space<vmem>>) target_semaphore(%run_scoped3A_134 : memref<!tpu.dma_semaphore, #tpu.memory_space<semaphore_mem>>)
      %dma_wait3A_143 = arith.constant 0 : i32
      %dma_wait3A_144 = arith.constant 0 : i32
      %dma_wait3A_145 = tpu.memref_slice %arg7[%run_scoped3A, %dma_wait3A_143, %dma_wait3A_144] : memref<2x128x128xf32, #tpu.memory_space<vmem>> -> memref<1x128x128xf32, #tpu.memory_space<vmem>>
      %dma_wait3A_146 = tpu.memref_squeeze %dma_wait3A_145 : memref<1x128x128xf32, #tpu.memory_space<vmem>> -> memref<128x128xf32, #tpu.memory_space<vmem>>
      %dma_wait3A_147 = arith.constant 0 : i32
      %dma_wait3A_148 = arith.constant 0 : i32
      %dma_wait3A_149 = tpu.memref_slice %arg7[%run_scoped3A, %dma_wait3A_147, %dma_wait3A_148] : memref<2x128x128xf32, #tpu.memory_space<vmem>> -> memref<1x128x128xf32, #tpu.memory_space<vmem>>
      %dma_wait3A_150 = tpu.memref_squeeze %dma_wait3A_149 : memref<1x128x128xf32, #tpu.memory_space<vmem>> -> memref<128x128xf32, #tpu.memory_space<vmem>>
      tpu.wait_dma2 semaphore(%run_scoped3A_134 : memref<!tpu.dma_semaphore, #tpu.memory_space<semaphore_mem>>) src(%arg4 : memref<128x128xf32, #tpu.memory_space<hbm>>) dst(%dma_wait3A_150 : memref<128x128xf32, #tpu.memory_space<vmem>>)
      tpu.yield
    }) : () -> ()
    %scan3A = arith.constant 0 : i32
    %scan3A_8 = arith.constant 0 : i32
    %scan3A_9 = arith.constant 5 : i32
    %scan3A_10 = arith.addi %scan3A_8, %scan3A_9 : i32
    %scan3A_11 = arith.constant 1 : i32
    scf.for %scan3A_134 = %scan3A_8 to %scan3A_10 step %scan3A_11  : i32 {
      %mul3A_135 = arith.constant 640 : i32
      %mul3A_136 = arith.muli %arg1, %mul3A_135 : i32
      %mul3A_137 = arith.constant 128 : i32
      %mul3A_138 = arith.muli %scan3A_134, %mul3A_137 : i32
      %add3A_139 = arith.addi %mul3A_136, %mul3A_138 : i32
      %run_scoped3A_140 = arith.constant 0 : i32
      "tpu.region"() ({
        %run_scoped3A_141 = tpu.sem_alloc : memref<!tpu.dma_semaphore, #tpu.memory_space<semaphore_mem>>
        %dma_start3A_142 = arith.constant 0 : i32
        %dma_start3A_143 = arith.constant 0 : i32
        %dma_start3A_144 = tpu.memref_slice %arg7[%run_scoped3A_140, %dma_start3A_142, %dma_start3A_143] : memref<2x128x128xf32, #tpu.memory_space<vmem>> -> memref<1x128x128xf32, #tpu.memory_space<vmem>>
        %dma_start3A_145 = tpu.memref_squeeze %dma_start3A_144 : memref<1x128x128xf32, #tpu.memory_space<vmem>> -> memref<128x128xf32, #tpu.memory_space<vmem>>
        %dma_start3A_146 = arith.constant 0 : i32
        %dma_start3A_147 = tpu.memref_slice %arg8[%add3A_139, %dma_start3A_146] : memref<10240x128xf32, #tpu.memory_space<vmem_shared>> -> memref<128x128xf32, #tpu.memory_space<vmem_shared>>
        %dma_start3A_148 = arith.constant 0 : i32
        %dma_start3A_149 = tpu.memref_slice %arg8[%add3A_139, %dma_start3A_148] : memref<10240x128xf32, #tpu.memory_space<vmem_shared>> -> memref<128x128xf32, #tpu.memory_space<vmem_shared>>
        %dma_start3A_150 = arith.constant 0 : i32
        %dma_start3A_151 = arith.constant 0 : i32
        %dma_start3A_152 = tpu.memref_slice %arg7[%run_scoped3A_140, %dma_start3A_150, %dma_start3A_151] : memref<2x128x128xf32, #tpu.memory_space<vmem>> -> memref<1x128x128xf32, #tpu.memory_space<vmem>>
        %dma_start3A_153 = tpu.memref_squeeze %dma_start3A_152 : memref<1x128x128xf32, #tpu.memory_space<vmem>> -> memref<128x128xf32, #tpu.memory_space<vmem>>
        tpu.enqueue_dma source(%dma_start3A_153 : memref<128x128xf32, #tpu.memory_space<vmem>>) target(%dma_start3A_149 : memref<128x128xf32, #tpu.memory_space<vmem_shared>>) target_semaphore(%run_scoped3A_141 : memref<!tpu.dma_semaphore, #tpu.memory_space<semaphore_mem>>)
        %dma_wait3A_154 = arith.constant 0 : i32
        %dma_wait3A_155 = arith.constant 0 : i32
        %dma_wait3A_156 = tpu.memref_slice %arg7[%run_scoped3A_140, %dma_wait3A_154, %dma_wait3A_155] : memref<2x128x128xf32, #tpu.memory_space<vmem>> -> memref<1x128x128xf32, #tpu.memory_space<vmem>>
        %dma_wait3A_157 = tpu.memref_squeeze %dma_wait3A_156 : memref<1x128x128xf32, #tpu.memory_space<vmem>> -> memref<128x128xf32, #tpu.memory_space<vmem>>
        %dma_wait3A_158 = arith.constant 0 : i32
        %dma_wait3A_159 = tpu.memref_slice %arg8[%add3A_139, %dma_wait3A_158] : memref<10240x128xf32, #tpu.memory_space<vmem_shared>> -> memref<128x128xf32, #tpu.memory_space<vmem_shared>>
        %dma_wait3A_160 = arith.constant 0 : i32
        %dma_wait3A_161 = tpu.memref_slice %arg8[%add3A_139, %dma_wait3A_160] : memref<10240x128xf32, #tpu.memory_space<vmem_shared>> -> memref<128x128xf32, #tpu.memory_space<vmem_shared>>
        %dma_wait3A_162 = arith.constant 0 : i32
        %dma_wait3A_163 = arith.constant 0 : i32
        %dma_wait3A_164 = tpu.memref_slice %arg7[%run_scoped3A_140, %dma_wait3A_162, %dma_wait3A_163] : memref<2x128x128xf32, #tpu.memory_space<vmem>> -> memref<1x128x128xf32, #tpu.memory_space<vmem>>
        %dma_wait3A_165 = tpu.memref_squeeze %dma_wait3A_164 : memref<1x128x128xf32, #tpu.memory_space<vmem>> -> memref<128x128xf32, #tpu.memory_space<vmem>>
        tpu.wait_dma2 semaphore(%run_scoped3A_141 : memref<!tpu.dma_semaphore, #tpu.memory_space<semaphore_mem>>) src(%dma_wait3A_165 : memref<128x128xf32, #tpu.memory_space<vmem>>) dst(%dma_wait3A_161 : memref<128x128xf32, #tpu.memory_space<vmem_shared>>)
        tpu.yield
      }) : () -> ()
    }
    %scan3A_12 = arith.constant 5 : i32
    %barrier3A = arith.constant 0 : index
    tpu.barrier barrier_id(%barrier3A)
    %add3A_13 = arith.constant 0 : i32
    %add3A_14 = arith.addi %add3A, %add3A_13 : i32
    %dma_start3A = arith.constant 0 : i32
    %dma_start3A_15 = arith.constant 0 : i32
    %dma_start3A_16 = arith.constant 0 : i32
    %dma_start3A_17 = tpu.memref_slice %arg6[%dma_start3A, %dma_start3A_15, %dma_start3A_16] : memref<4x2x128xi32, #tpu.memory_space<vmem>> -> memref<1x2x128xi32, #tpu.memory_space<vmem>>
    %dma_start3A_18 = tpu.memref_squeeze %dma_start3A_17 : memref<1x2x128xi32, #tpu.memory_space<vmem>> -> memref<2x128xi32, #tpu.memory_space<vmem>>
    %dma_start3A_19 = arith.constant 0 : i32
    %dma_start3A_20 = arith.constant 0 : i32
    %dma_start3A_21 = tpu.memref_slice %arg3[%add3A_14, %dma_start3A_19, %dma_start3A_20] : memref<2560x2x128xi32, #tpu.memory_space<hbm>> -> memref<1x2x128xi32, #tpu.memory_space<hbm>>
    %dma_start3A_22 = tpu.memref_squeeze %dma_start3A_21 : memref<1x2x128xi32, #tpu.memory_space<hbm>> -> memref<2x128xi32, #tpu.memory_space<hbm>>
    %dma_start3A_23 = arith.constant 0 : i32
    %dma_start3A_24 = arith.constant 0 : i32
    %dma_start3A_25 = tpu.memref_slice %arg6[%dma_start3A, %dma_start3A_23, %dma_start3A_24] : memref<4x2x128xi32, #tpu.memory_space<vmem>> -> memref<1x2x128xi32, #tpu.memory_space<vmem>>
    %dma_start3A_26 = tpu.memref_squeeze %dma_start3A_25 : memref<1x2x128xi32, #tpu.memory_space<vmem>> -> memref<2x128xi32, #tpu.memory_space<vmem>>
    %dma_start3A_27 = arith.constant 0 : i32
    %dma_start3A_28 = arith.constant 0 : i32
    %dma_start3A_29 = tpu.memref_slice %arg3[%add3A_14, %dma_start3A_27, %dma_start3A_28] : memref<2560x2x128xi32, #tpu.memory_space<hbm>> -> memref<1x2x128xi32, #tpu.memory_space<hbm>>
    %dma_start3A_30 = tpu.memref_squeeze %dma_start3A_29 : memref<1x2x128xi32, #tpu.memory_space<hbm>> -> memref<2x128xi32, #tpu.memory_space<hbm>>
    tpu.enqueue_dma source(%dma_start3A_30 : memref<2x128xi32, #tpu.memory_space<hbm>>) target(%dma_start3A_26 : memref<2x128xi32, #tpu.memory_space<vmem>>) target_semaphore(%arg9 : memref<!tpu.dma_semaphore, #tpu.memory_space<semaphore_mem>>)
    %add3A_31 = arith.constant 1 : i32
    %add3A_32 = arith.addi %add3A, %add3A_31 : i32
    %dma_start3A_33 = arith.constant 1 : i32
    %dma_start3A_34 = arith.constant 0 : i32
    %dma_start3A_35 = arith.constant 0 : i32
    %dma_start3A_36 = tpu.memref_slice %arg6[%dma_start3A_33, %dma_start3A_34, %dma_start3A_35] : memref<4x2x128xi32, #tpu.memory_space<vmem>> -> memref<1x2x128xi32, #tpu.memory_space<vmem>>
    %dma_start3A_37 = tpu.memref_squeeze %dma_start3A_36 : memref<1x2x128xi32, #tpu.memory_space<vmem>> -> memref<2x128xi32, #tpu.memory_space<vmem>>
    %dma_start3A_38 = arith.constant 0 : i32
    %dma_start3A_39 = arith.constant 0 : i32
    %dma_start3A_40 = tpu.memref_slice %arg3[%add3A_32, %dma_start3A_38, %dma_start3A_39] : memref<2560x2x128xi32, #tpu.memory_space<hbm>> -> memref<1x2x128xi32, #tpu.memory_space<hbm>>
    %dma_start3A_41 = tpu.memref_squeeze %dma_start3A_40 : memref<1x2x128xi32, #tpu.memory_space<hbm>> -> memref<2x128xi32, #tpu.memory_space<hbm>>
    %dma_start3A_42 = arith.constant 0 : i32
    %dma_start3A_43 = arith.constant 0 : i32
    %dma_start3A_44 = tpu.memref_slice %arg6[%dma_start3A_33, %dma_start3A_42, %dma_start3A_43] : memref<4x2x128xi32, #tpu.memory_space<vmem>> -> memref<1x2x128xi32, #tpu.memory_space<vmem>>
    %dma_start3A_45 = tpu.memref_squeeze %dma_start3A_44 : memref<1x2x128xi32, #tpu.memory_space<vmem>> -> memref<2x128xi32, #tpu.memory_space<vmem>>
    %dma_start3A_46 = arith.constant 0 : i32
    %dma_start3A_47 = arith.constant 0 : i32
    %dma_start3A_48 = tpu.memref_slice %arg3[%add3A_32, %dma_start3A_46, %dma_start3A_47] : memref<2560x2x128xi32, #tpu.memory_space<hbm>> -> memref<1x2x128xi32, #tpu.memory_space<hbm>>
    %dma_start3A_49 = tpu.memref_squeeze %dma_start3A_48 : memref<1x2x128xi32, #tpu.memory_space<hbm>> -> memref<2x128xi32, #tpu.memory_space<hbm>>
    tpu.enqueue_dma source(%dma_start3A_49 : memref<2x128xi32, #tpu.memory_space<hbm>>) target(%dma_start3A_45 : memref<2x128xi32, #tpu.memory_space<vmem>>) target_semaphore(%arg10 : memref<!tpu.dma_semaphore, #tpu.memory_space<semaphore_mem>>)
    %add3A_50 = arith.constant 2 : i32
    %add3A_51 = arith.addi %add3A, %add3A_50 : i32
    %dma_start3A_52 = arith.constant 2 : i32
    %dma_start3A_53 = arith.constant 0 : i32
    %dma_start3A_54 = arith.constant 0 : i32
    %dma_start3A_55 = tpu.memref_slice %arg6[%dma_start3A_52, %dma_start3A_53, %dma_start3A_54] : memref<4x2x128xi32, #tpu.memory_space<vmem>> -> memref<1x2x128xi32, #tpu.memory_space<vmem>>
    %dma_start3A_56 = tpu.memref_squeeze %dma_start3A_55 : memref<1x2x128xi32, #tpu.memory_space<vmem>> -> memref<2x128xi32, #tpu.memory_space<vmem>>
    %dma_start3A_57 = arith.constant 0 : i32
    %dma_start3A_58 = arith.constant 0 : i32
    %dma_start3A_59 = tpu.memref_slice %arg3[%add3A_51, %dma_start3A_57, %dma_start3A_58] : memref<2560x2x128xi32, #tpu.memory_space<hbm>> -> memref<1x2x128xi32, #tpu.memory_space<hbm>>
    %dma_start3A_60 = tpu.memref_squeeze %dma_start3A_59 : memref<1x2x128xi32, #tpu.memory_space<hbm>> -> memref<2x128xi32, #tpu.memory_space<hbm>>
    %dma_start3A_61 = arith.constant 0 : i32
    %dma_start3A_62 = arith.constant 0 : i32
    %dma_start3A_63 = tpu.memref_slice %arg6[%dma_start3A_52, %dma_start3A_61, %dma_start3A_62] : memref<4x2x128xi32, #tpu.memory_space<vmem>> -> memref<1x2x128xi32, #tpu.memory_space<vmem>>
    %dma_start3A_64 = tpu.memref_squeeze %dma_start3A_63 : memref<1x2x128xi32, #tpu.memory_space<vmem>> -> memref<2x128xi32, #tpu.memory_space<vmem>>
    %dma_start3A_65 = arith.constant 0 : i32
    %dma_start3A_66 = arith.constant 0 : i32
    %dma_start3A_67 = tpu.memref_slice %arg3[%add3A_51, %dma_start3A_65, %dma_start3A_66] : memref<2560x2x128xi32, #tpu.memory_space<hbm>> -> memref<1x2x128xi32, #tpu.memory_space<hbm>>
    %dma_start3A_68 = tpu.memref_squeeze %dma_start3A_67 : memref<1x2x128xi32, #tpu.memory_space<hbm>> -> memref<2x128xi32, #tpu.memory_space<hbm>>
    tpu.enqueue_dma source(%dma_start3A_68 : memref<2x128xi32, #tpu.memory_space<hbm>>) target(%dma_start3A_64 : memref<2x128xi32, #tpu.memory_space<vmem>>) target_semaphore(%arg11 : memref<!tpu.dma_semaphore, #tpu.memory_space<semaphore_mem>>)
    %add3A_69 = arith.constant 0 : i32
    %add3A_70 = arith.addi %add3A, %add3A_69 : i32
    %dma_wait3A = arith.constant 0 : i32
    %dma_wait3A_71 = arith.constant 0 : i32
    %dma_wait3A_72 = arith.constant 0 : i32
    %dma_wait3A_73 = tpu.memref_slice %arg6[%dma_wait3A, %dma_wait3A_71, %dma_wait3A_72] : memref<4x2x128xi32, #tpu.memory_space<vmem>> -> memref<1x2x128xi32, #tpu.memory_space<vmem>>
    %dma_wait3A_74 = tpu.memref_squeeze %dma_wait3A_73 : memref<1x2x128xi32, #tpu.memory_space<vmem>> -> memref<2x128xi32, #tpu.memory_space<vmem>>
    %dma_wait3A_75 = arith.constant 0 : i32
    %dma_wait3A_76 = arith.constant 0 : i32
    %dma_wait3A_77 = tpu.memref_slice %arg3[%add3A_70, %dma_wait3A_75, %dma_wait3A_76] : memref<2560x2x128xi32, #tpu.memory_space<hbm>> -> memref<1x2x128xi32, #tpu.memory_space<hbm>>
    %dma_wait3A_78 = tpu.memref_squeeze %dma_wait3A_77 : memref<1x2x128xi32, #tpu.memory_space<hbm>> -> memref<2x128xi32, #tpu.memory_space<hbm>>
    %dma_wait3A_79 = arith.constant 0 : i32
    %dma_wait3A_80 = arith.constant 0 : i32
    %dma_wait3A_81 = tpu.memref_slice %arg6[%dma_wait3A, %dma_wait3A_79, %dma_wait3A_80] : memref<4x2x128xi32, #tpu.memory_space<vmem>> -> memref<1x2x128xi32, #tpu.memory_space<vmem>>
    %dma_wait3A_82 = tpu.memref_squeeze %dma_wait3A_81 : memref<1x2x128xi32, #tpu.memory_space<vmem>> -> memref<2x128xi32, #tpu.memory_space<vmem>>
    %dma_wait3A_83 = arith.constant 0 : i32
    %dma_wait3A_84 = arith.constant 0 : i32
    %dma_wait3A_85 = tpu.memref_slice %arg3[%add3A_70, %dma_wait3A_83, %dma_wait3A_84] : memref<2560x2x128xi32, #tpu.memory_space<hbm>> -> memref<1x2x128xi32, #tpu.memory_space<hbm>>
    %dma_wait3A_86 = tpu.memref_squeeze %dma_wait3A_85 : memref<1x2x128xi32, #tpu.memory_space<hbm>> -> memref<2x128xi32, #tpu.memory_space<hbm>>
    tpu.wait_dma2 semaphore(%arg9 : memref<!tpu.dma_semaphore, #tpu.memory_space<semaphore_mem>>) src(%dma_wait3A_86 : memref<2x128xi32, #tpu.memory_space<hbm>>) dst(%dma_wait3A_82 : memref<2x128xi32, #tpu.memory_space<vmem>>)
    %dma_start3A_87 = arith.constant 0 : i32
    %dma_start3A_88 = arith.constant 0 : i32
    %dma_start3A_89 = arith.constant 0 : i32
    %dma_start3A_90 = arith.constant 0 : i32
    %dma_start3A_91 = arith.constant 0 : i32
    %dma_start3A_92 = tpu.memref_slice %arg7[%dma_start3A_89, %dma_start3A_90, %dma_start3A_91] : memref<2x128x128xf32, #tpu.memory_space<vmem>> -> memref<1x128x128xf32, #tpu.memory_space<vmem>>
    %dma_start3A_93 = tpu.memref_squeeze %dma_start3A_92 : memref<1x128x128xf32, #tpu.memory_space<vmem>> -> memref<128x128xf32, #tpu.memory_space<vmem>>
    %dma_start3A_94 = arith.constant 0 : i32
    %dma_start3A_95 = tpu.memref_slice %arg6[%dma_start3A_87, %dma_start3A_88, %dma_start3A_94] : memref<4x2x128xi32, #tpu.memory_space<vmem>> -> memref<1x1x128xi32, #tpu.memory_space<vmem>>
    %dma_start3A_96 = tpu.memref_squeeze %dma_start3A_95 : memref<1x1x128xi32, #tpu.memory_space<vmem>> -> memref<128xi32, #tpu.memory_space<vmem>>
    %dma_start3A_97 = arith.constant 0 : i32
    %dma_start3A_98 = arith.constant 0 : i32
    %dma_start3A_99 = tpu.memref_slice %arg2[%dma_start3A_97, %dma_start3A_98] : memref<10240x128xf32, #tpu.memory_space<hbm>> -> memref<10240x128xf32, #tpu.memory_space<hbm>>
    tpu.enqueue_indirect_dma source(%dma_start3A_99 : memref<10240x128xf32, #tpu.memory_space<hbm>>) target(%dma_start3A_93 : memref<128x128xf32, #tpu.memory_space<vmem>>) offsets(%dma_start3A_96 : memref<128xi32, #tpu.memory_space<vmem>>) semaphore(%arg13 : memref<!tpu.dma_semaphore, #tpu.memory_space<semaphore_mem>>)
    %jit3A_100 = arith.constant 4 : i32
    %div3A = arith.divsi %select_n3A_7, %jit3A_100 : i32
    %sign3A = arith.constant 0 : i32
    %sign3A_101 = arith.cmpi sgt, %select_n3A_7, %sign3A : i32
    %sign3A_102 = arith.extui %sign3A_101 : i1 to i32
    %sign3A_103 = arith.constant 0 : i32
    %sign3A_104 = arith.cmpi slt, %select_n3A_7, %sign3A_103 : i32
    %sign3A_105 = arith.extui %sign3A_104 : i1 to i32
    %sign3A_106 = arith.subi %sign3A_102, %sign3A_105 : i32
    %sign3A_107 = arith.constant 0 : i32
    %sign3A_108 = arith.cmpi sgt, %jit3A_100, %sign3A_107 : i32
    %sign3A_109 = arith.extui %sign3A_108 : i1 to i32
    %sign3A_110 = arith.constant 0 : i32
    %sign3A_111 = arith.cmpi slt, %jit3A_100, %sign3A_110 : i32
    %sign3A_112 = arith.extui %sign3A_111 : i1 to i32
    %sign3A_113 = arith.subi %sign3A_109, %sign3A_112 : i32
    %ne3A = arith.cmpi ne, %sign3A_106, %sign3A_113 : i32
    %rem3A = arith.remsi %select_n3A_7, %jit3A_100 : i32
    %ne3A_114 = arith.constant 0 : i32
    %ne3A_115 = arith.cmpi ne, %rem3A, %ne3A_114 : i32
    %and3A = arith.andi %ne3A, %ne3A_115 : i1
    %sub3A = arith.constant 1 : i32
    %sub3A_116 = arith.subi %div3A, %sub3A : i32
    %select_n3A_117 = arith.select %and3A, %sub3A_116, %div3A : i32
    %while3A = arith.constant 0 : i32
    %while3A_118 = arith.constant 0 : i32
    %while3A_119 = arith.subi %select_n3A_117, %while3A_118 : i32
    %while3A_120 = arith.addi %while3A_118, %while3A_119 : i32
    %while3A_121 = arith.constant 1 : i32
    %while3A_122 = arith.divsi %while3A_119, %while3A_121 : i32
    %while3A_123 = arith.muli %while3A_122, %while3A_121 : i32
    %while3A_124 = arith.addi %while3A_118, %while3A_123 : i32
    %while3A_125 = arith.constant 1 : i32
    scf.for %while3A_134 = %while3A_118 to %while3A_124 step %while3A_125  : i32 {
      %mul3A_135 = arith.constant 4 : i32
      %mul3A_136 = arith.muli %while3A_134, %mul3A_135 : i32
      %add3A_137 = arith.constant 0 : i32
      %add3A_138 = arith.addi %mul3A_136, %add3A_137 : i32
      %add3A_139 = arith.constant 3 : i32
      %add3A_140 = arith.addi %add3A_138, %add3A_139 : i32
      %lt3A = arith.cmpi slt, %add3A_140, %select_n3A_7 : i32
      %convert_element_type3A = arith.extui %lt3A : i1 to i32
      %cond3A = arith.constant 0 : i32
      %cond3A_141 = arith.cmpi ne, %convert_element_type3A, %cond3A : i32
      scf.if %cond3A_141 {
        %add3A_260 = arith.constant 3 : i32
        %add3A_261 = arith.addi %add3A_138, %add3A_260 : i32
        %add3A_262 = arith.addi %add3A, %add3A_261 : i32
        %dma_start3A_263 = arith.constant 3 : i32
        %dma_start3A_264 = arith.constant 0 : i32
        %dma_start3A_265 = arith.constant 0 : i32
        %dma_start3A_266 = tpu.memref_slice %arg6[%dma_start3A_263, %dma_start3A_264, %dma_start3A_265] : memref<4x2x128xi32, #tpu.memory_space<vmem>> -> memref<1x2x128xi32, #tpu.memory_space<vmem>>
        %dma_start3A_267 = tpu.memref_squeeze %dma_start3A_266 : memref<1x2x128xi32, #tpu.memory_space<vmem>> -> memref<2x128xi32, #tpu.memory_space<vmem>>
        %dma_start3A_268 = arith.constant 0 : i32
        %dma_start3A_269 = arith.constant 0 : i32
        %dma_start3A_270 = tpu.memref_slice %arg3[%add3A_262, %dma_start3A_268, %dma_start3A_269] : memref<2560x2x128xi32, #tpu.memory_space<hbm>> -> memref<1x2x128xi32, #tpu.memory_space<hbm>>
        %dma_start3A_271 = tpu.memref_squeeze %dma_start3A_270 : memref<1x2x128xi32, #tpu.memory_space<hbm>> -> memref<2x128xi32, #tpu.memory_space<hbm>>
        %dma_start3A_272 = arith.constant 0 : i32
        %dma_start3A_273 = arith.constant 0 : i32
        %dma_start3A_274 = tpu.memref_slice %arg6[%dma_start3A_263, %dma_start3A_272, %dma_start3A_273] : memref<4x2x128xi32, #tpu.memory_space<vmem>> -> memref<1x2x128xi32, #tpu.memory_space<vmem>>
        %dma_start3A_275 = tpu.memref_squeeze %dma_start3A_274 : memref<1x2x128xi32, #tpu.memory_space<vmem>> -> memref<2x128xi32, #tpu.memory_space<vmem>>
        %dma_start3A_276 = arith.constant 0 : i32
        %dma_start3A_277 = arith.constant 0 : i32
        %dma_start3A_278 = tpu.memref_slice %arg3[%add3A_262, %dma_start3A_276, %dma_start3A_277] : memref<2560x2x128xi32, #tpu.memory_space<hbm>> -> memref<1x2x128xi32, #tpu.memory_space<hbm>>
        %dma_start3A_279 = tpu.memref_squeeze %dma_start3A_278 : memref<1x2x128xi32, #tpu.memory_space<hbm>> -> memref<2x128xi32, #tpu.memory_space<hbm>>
        tpu.enqueue_dma source(%dma_start3A_279 : memref<2x128xi32, #tpu.memory_space<hbm>>) target(%dma_start3A_275 : memref<2x128xi32, #tpu.memory_space<vmem>>) target_semaphore(%arg12 : memref<!tpu.dma_semaphore, #tpu.memory_space<semaphore_mem>>)
      } else {
      }
      %add3A_142 = arith.constant 1 : i32
      %add3A_143 = arith.addi %add3A_138, %add3A_142 : i32
      %lt3A_144 = arith.cmpi slt, %add3A_143, %select_n3A_7 : i32
      %convert_element_type3A_145 = arith.extui %lt3A_144 : i1 to i32
      %cond3A_146 = arith.constant 0 : i32
      %cond3A_147 = arith.cmpi ne, %convert_element_type3A_145, %cond3A_146 : i32
      scf.if %cond3A_147 {
        %add3A_260 = arith.constant 1 : i32
        %add3A_261 = arith.addi %add3A_138, %add3A_260 : i32
        %add3A_262 = arith.addi %add3A, %add3A_261 : i32
        %dma_wait3A_263 = arith.constant 1 : i32
        %dma_wait3A_264 = arith.constant 0 : i32
        %dma_wait3A_265 = arith.constant 0 : i32
        %dma_wait3A_266 = tpu.memref_slice %arg6[%dma_wait3A_263, %dma_wait3A_264, %dma_wait3A_265] : memref<4x2x128xi32, #tpu.memory_space<vmem>> -> memref<1x2x128xi32, #tpu.memory_space<vmem>>
        %dma_wait3A_267 = tpu.memref_squeeze %dma_wait3A_266 : memref<1x2x128xi32, #tpu.memory_space<vmem>> -> memref<2x128xi32, #tpu.memory_space<vmem>>
        %dma_wait3A_268 = arith.constant 0 : i32
        %dma_wait3A_269 = arith.constant 0 : i32
        %dma_wait3A_270 = tpu.memref_slice %arg3[%add3A_262, %dma_wait3A_268, %dma_wait3A_269] : memref<2560x2x128xi32, #tpu.memory_space<hbm>> -> memref<1x2x128xi32, #tpu.memory_space<hbm>>
        %dma_wait3A_271 = tpu.memref_squeeze %dma_wait3A_270 : memref<1x2x128xi32, #tpu.memory_space<hbm>> -> memref<2x128xi32, #tpu.memory_space<hbm>>
        %dma_wait3A_272 = arith.constant 0 : i32
        %dma_wait3A_273 = arith.constant 0 : i32
        %dma_wait3A_274 = tpu.memref_slice %arg6[%dma_wait3A_263, %dma_wait3A_272, %dma_wait3A_273] : memref<4x2x128xi32, #tpu.memory_space<vmem>> -> memref<1x2x128xi32, #tpu.memory_space<vmem>>
        %dma_wait3A_275 = tpu.memref_squeeze %dma_wait3A_274 : memref<1x2x128xi32, #tpu.memory_space<vmem>> -> memref<2x128xi32, #tpu.memory_space<vmem>>
        %dma_wait3A_276 = arith.constant 0 : i32
        %dma_wait3A_277 = arith.constant 0 : i32
        %dma_wait3A_278 = tpu.memref_slice %arg3[%add3A_262, %dma_wait3A_276, %dma_wait3A_277] : memref<2560x2x128xi32, #tpu.memory_space<hbm>> -> memref<1x2x128xi32, #tpu.memory_space<hbm>>
        %dma_wait3A_279 = tpu.memref_squeeze %dma_wait3A_278 : memref<1x2x128xi32, #tpu.memory_space<hbm>> -> memref<2x128xi32, #tpu.memory_space<hbm>>
        tpu.wait_dma2 semaphore(%arg10 : memref<!tpu.dma_semaphore, #tpu.memory_space<semaphore_mem>>) src(%dma_wait3A_279 : memref<2x128xi32, #tpu.memory_space<hbm>>) dst(%dma_wait3A_275 : memref<2x128xi32, #tpu.memory_space<vmem>>)
        %dma_start3A_280 = arith.constant 1 : i32
        %dma_start3A_281 = arith.constant 0 : i32
        %dma_start3A_282 = arith.constant 1 : i32
        %dma_start3A_283 = arith.constant 0 : i32
        %dma_start3A_284 = arith.constant 0 : i32
        %dma_start3A_285 = tpu.memref_slice %arg7[%dma_start3A_282, %dma_start3A_283, %dma_start3A_284] : memref<2x128x128xf32, #tpu.memory_space<vmem>> -> memref<1x128x128xf32, #tpu.memory_space<vmem>>
        %dma_start3A_286 = tpu.memref_squeeze %dma_start3A_285 : memref<1x128x128xf32, #tpu.memory_space<vmem>> -> memref<128x128xf32, #tpu.memory_space<vmem>>
        %dma_start3A_287 = arith.constant 0 : i32
        %dma_start3A_288 = tpu.memref_slice %arg6[%dma_start3A_280, %dma_start3A_281, %dma_start3A_287] : memref<4x2x128xi32, #tpu.memory_space<vmem>> -> memref<1x1x128xi32, #tpu.memory_space<vmem>>
        %dma_start3A_289 = tpu.memref_squeeze %dma_start3A_288 : memref<1x1x128xi32, #tpu.memory_space<vmem>> -> memref<128xi32, #tpu.memory_space<vmem>>
        %dma_start3A_290 = arith.constant 0 : i32
        %dma_start3A_291 = arith.constant 0 : i32
        %dma_start3A_292 = tpu.memref_slice %arg2[%dma_start3A_290, %dma_start3A_291] : memref<10240x128xf32, #tpu.memory_space<hbm>> -> memref<10240x128xf32, #tpu.memory_space<hbm>>
        tpu.enqueue_indirect_dma source(%dma_start3A_292 : memref<10240x128xf32, #tpu.memory_space<hbm>>) target(%dma_start3A_286 : memref<128x128xf32, #tpu.memory_space<vmem>>) offsets(%dma_start3A_289 : memref<128xi32, #tpu.memory_space<vmem>>) semaphore(%arg14 : memref<!tpu.dma_semaphore, #tpu.memory_space<semaphore_mem>>)
      } else {
      }
      %dma_wait3A_148 = arith.constant 0 : i32
      %dma_wait3A_149 = arith.constant 0 : i32
      %dma_wait3A_150 = arith.constant 0 : i32
      %dma_wait3A_151 = arith.constant 0 : i32
      %dma_wait3A_152 = arith.constant 0 : i32
      %dma_wait3A_153 = tpu.memref_slice %arg7[%dma_wait3A_150, %dma_wait3A_151, %dma_wait3A_152] : memref<2x128x128xf32, #tpu.memory_space<vmem>> -> memref<1x128x128xf32, #tpu.memory_space<vmem>>
      %dma_wait3A_154 = tpu.memref_squeeze %dma_wait3A_153 : memref<1x128x128xf32, #tpu.memory_space<vmem>> -> memref<128x128xf32, #tpu.memory_space<vmem>>
      %dma_wait3A_155 = arith.constant 0 : i32
      %dma_wait3A_156 = tpu.memref_slice %arg6[%dma_wait3A_148, %dma_wait3A_149, %dma_wait3A_155] : memref<4x2x128xi32, #tpu.memory_space<vmem>> -> memref<1x1x128xi32, #tpu.memory_space<vmem>>
      %dma_wait3A_157 = tpu.memref_squeeze %dma_wait3A_156 : memref<1x1x128xi32, #tpu.memory_space<vmem>> -> memref<128xi32, #tpu.memory_space<vmem>>
      %dma_wait3A_158 = arith.constant 0 : i32
      %dma_wait3A_159 = arith.constant 0 : i32
      %dma_wait3A_160 = tpu.memref_slice %arg2[%dma_wait3A_158, %dma_wait3A_159] : memref<10240x128xf32, #tpu.memory_space<hbm>> -> memref<10240x128xf32, #tpu.memory_space<hbm>>
      tpu.wait_indirect_dma semaphore(%arg13 : memref<!tpu.dma_semaphore, #tpu.memory_space<semaphore_mem>>) src(%dma_wait3A_160 : memref<10240x128xf32, #tpu.memory_space<hbm>>) dst(%dma_wait3A_154 : memref<128x128xf32, #tpu.memory_space<vmem>>)
      %run_scoped3A_161 = arith.constant 0 : i32
      %run_scoped3A_162 = arith.constant 0 : i32
      %run_scoped3A_163 = arith.constant 1 : i32
      "tpu.region"() ({
        %run_scoped3A_260 = tpu.sem_alloc : memref<!tpu.dma_semaphore, #tpu.memory_space<semaphore_mem>>
        %dma_start3A_261 = arith.constant 0 : i32
        %dma_start3A_262 = arith.constant 0 : i32
        %dma_start3A_263 = tpu.memref_slice %arg7[%run_scoped3A_161, %dma_start3A_261, %dma_start3A_262] : memref<2x128x128xf32, #tpu.memory_space<vmem>> -> memref<1x128x128xf32, #tpu.memory_space<vmem>>
        %dma_start3A_264 = tpu.memref_squeeze %dma_start3A_263 : memref<1x128x128xf32, #tpu.memory_space<vmem>> -> memref<128x128xf32, #tpu.memory_space<vmem>>
        %dma_start3A_265 = arith.constant 0 : i32
        %dma_start3A_266 = tpu.memref_slice %arg6[%run_scoped3A_162, %run_scoped3A_163, %dma_start3A_265] : memref<4x2x128xi32, #tpu.memory_space<vmem>> -> memref<1x1x128xi32, #tpu.memory_space<vmem>>
        %dma_start3A_267 = tpu.memref_squeeze %dma_start3A_266 : memref<1x1x128xi32, #tpu.memory_space<vmem>> -> memref<128xi32, #tpu.memory_space<vmem>>
        %dma_start3A_268 = arith.constant 0 : i32
        %dma_start3A_269 = arith.constant 0 : i32
        %dma_start3A_270 = tpu.memref_slice %arg8[%dma_start3A_268, %dma_start3A_269] : memref<10240x128xf32, #tpu.memory_space<vmem_shared>> -> memref<10240x128xf32, #tpu.memory_space<vmem_shared>>
        tpu.enqueue_indirect_dma source(%dma_start3A_264 : memref<128x128xf32, #tpu.memory_space<vmem>>) target(%dma_start3A_270 : memref<10240x128xf32, #tpu.memory_space<vmem_shared>>) offsets(%dma_start3A_267 : memref<128xi32, #tpu.memory_space<vmem>>) semaphore(%run_scoped3A_260 : memref<!tpu.dma_semaphore, #tpu.memory_space<semaphore_mem>>) {add = true}
        %dma_wait3A_271 = arith.constant 0 : i32
        %dma_wait3A_272 = arith.constant 0 : i32
        %dma_wait3A_273 = tpu.memref_slice %arg7[%run_scoped3A_161, %dma_wait3A_271, %dma_wait3A_272] : memref<2x128x128xf32, #tpu.memory_space<vmem>> -> memref<1x128x128xf32, #tpu.memory_space<vmem>>
        %dma_wait3A_274 = tpu.memref_squeeze %dma_wait3A_273 : memref<1x128x128xf32, #tpu.memory_space<vmem>> -> memref<128x128xf32, #tpu.memory_space<vmem>>
        %dma_wait3A_275 = arith.constant 0 : i32
        %dma_wait3A_276 = tpu.memref_slice %arg6[%run_scoped3A_162, %run_scoped3A_163, %dma_wait3A_275] : memref<4x2x128xi32, #tpu.memory_space<vmem>> -> memref<1x1x128xi32, #tpu.memory_space<vmem>>
        %dma_wait3A_277 = tpu.memref_squeeze %dma_wait3A_276 : memref<1x1x128xi32, #tpu.memory_space<vmem>> -> memref<128xi32, #tpu.memory_space<vmem>>
        %dma_wait3A_278 = arith.constant 0 : i32
        %dma_wait3A_279 = arith.constant 0 : i32
        %dma_wait3A_280 = tpu.memref_slice %arg8[%dma_wait3A_278, %dma_wait3A_279] : memref<10240x128xf32, #tpu.memory_space<vmem_shared>> -> memref<10240x128xf32, #tpu.memory_space<vmem_shared>>
        tpu.wait_indirect_dma semaphore(%run_scoped3A_260 : memref<!tpu.dma_semaphore, #tpu.memory_space<semaphore_mem>>) src(%dma_wait3A_274 : memref<128x128xf32, #tpu.memory_space<vmem>>) dst(%dma_wait3A_280 : memref<10240x128xf32, #tpu.memory_space<vmem_shared>>)
        tpu.yield
      }) : () -> ()
      %mul3A_164 = arith.constant 4 : i32
      %mul3A_165 = arith.muli %while3A_134, %mul3A_164 : i32
      %add3A_166 = arith.constant 1 : i32
      %add3A_167 = arith.addi %mul3A_165, %add3A_166 : i32
      %add3A_168 = arith.constant 3 : i32
      %add3A_169 = arith.addi %add3A_167, %add3A_168 : i32
      %lt3A_170 = arith.cmpi slt, %add3A_169, %select_n3A_7 : i32
      %convert_element_type3A_171 = arith.extui %lt3A_170 : i1 to i32
      %cond3A_172 = arith.constant 0 : i32
      %cond3A_173 = arith.cmpi ne, %convert_element_type3A_171, %cond3A_172 : i32
      scf.if %cond3A_173 {
        %add3A_260 = arith.constant 3 : i32
        %add3A_261 = arith.addi %add3A_167, %add3A_260 : i32
        %add3A_262 = arith.addi %add3A, %add3A_261 : i32
        %dma_start3A_263 = arith.constant 0 : i32
        %dma_start3A_264 = arith.constant 0 : i32
        %dma_start3A_265 = arith.constant 0 : i32
        %dma_start3A_266 = tpu.memref_slice %arg6[%dma_start3A_263, %dma_start3A_264, %dma_start3A_265] : memref<4x2x128xi32, #tpu.memory_space<vmem>> -> memref<1x2x128xi32, #tpu.memory_space<vmem>>
        %dma_start3A_267 = tpu.memref_squeeze %dma_start3A_266 : memref<1x2x128xi32, #tpu.memory_space<vmem>> -> memref<2x128xi32, #tpu.memory_space<vmem>>
        %dma_start3A_268 = arith.constant 0 : i32
        %dma_start3A_269 = arith.constant 0 : i32
        %dma_start3A_270 = tpu.memref_slice %arg3[%add3A_262, %dma_start3A_268, %dma_start3A_269] : memref<2560x2x128xi32, #tpu.memory_space<hbm>> -> memref<1x2x128xi32, #tpu.memory_space<hbm>>
        %dma_start3A_271 = tpu.memref_squeeze %dma_start3A_270 : memref<1x2x128xi32, #tpu.memory_space<hbm>> -> memref<2x128xi32, #tpu.memory_space<hbm>>
        %dma_start3A_272 = arith.constant 0 : i32
        %dma_start3A_273 = arith.constant 0 : i32
        %dma_start3A_274 = tpu.memref_slice %arg6[%dma_start3A_263, %dma_start3A_272, %dma_start3A_273] : memref<4x2x128xi32, #tpu.memory_space<vmem>> -> memref<1x2x128xi32, #tpu.memory_space<vmem>>
        %dma_start3A_275 = tpu.memref_squeeze %dma_start3A_274 : memref<1x2x128xi32, #tpu.memory_space<vmem>> -> memref<2x128xi32, #tpu.memory_space<vmem>>
        %dma_start3A_276 = arith.constant 0 : i32
        %dma_start3A_277 = arith.constant 0 : i32
        %dma_start3A_278 = tpu.memref_slice %arg3[%add3A_262, %dma_start3A_276, %dma_start3A_277] : memref<2560x2x128xi32, #tpu.memory_space<hbm>> -> memref<1x2x128xi32, #tpu.memory_space<hbm>>
        %dma_start3A_279 = tpu.memref_squeeze %dma_start3A_278 : memref<1x2x128xi32, #tpu.memory_space<hbm>> -> memref<2x128xi32, #tpu.memory_space<hbm>>
        tpu.enqueue_dma source(%dma_start3A_279 : memref<2x128xi32, #tpu.memory_space<hbm>>) target(%dma_start3A_275 : memref<2x128xi32, #tpu.memory_space<vmem>>) target_semaphore(%arg9 : memref<!tpu.dma_semaphore, #tpu.memory_space<semaphore_mem>>)
      } else {
      }
      %add3A_174 = arith.constant 1 : i32
      %add3A_175 = arith.addi %add3A_167, %add3A_174 : i32
      %lt3A_176 = arith.cmpi slt, %add3A_175, %select_n3A_7 : i32
      %convert_element_type3A_177 = arith.extui %lt3A_176 : i1 to i32
      %cond3A_178 = arith.constant 0 : i32
      %cond3A_179 = arith.cmpi ne, %convert_element_type3A_177, %cond3A_178 : i32
      scf.if %cond3A_179 {
        %add3A_260 = arith.constant 1 : i32
        %add3A_261 = arith.addi %add3A_167, %add3A_260 : i32
        %add3A_262 = arith.addi %add3A, %add3A_261 : i32
        %dma_wait3A_263 = arith.constant 2 : i32
        %dma_wait3A_264 = arith.constant 0 : i32
        %dma_wait3A_265 = arith.constant 0 : i32
        %dma_wait3A_266 = tpu.memref_slice %arg6[%dma_wait3A_263, %dma_wait3A_264, %dma_wait3A_265] : memref<4x2x128xi32, #tpu.memory_space<vmem>> -> memref<1x2x128xi32, #tpu.memory_space<vmem>>
        %dma_wait3A_267 = tpu.memref_squeeze %dma_wait3A_266 : memref<1x2x128xi32, #tpu.memory_space<vmem>> -> memref<2x128xi32, #tpu.memory_space<vmem>>
        %dma_wait3A_268 = arith.constant 0 : i32
        %dma_wait3A_269 = arith.constant 0 : i32
        %dma_wait3A_270 = tpu.memref_slice %arg3[%add3A_262, %dma_wait3A_268, %dma_wait3A_269] : memref<2560x2x128xi32, #tpu.memory_space<hbm>> -> memref<1x2x128xi32, #tpu.memory_space<hbm>>
        %dma_wait3A_271 = tpu.memref_squeeze %dma_wait3A_270 : memref<1x2x128xi32, #tpu.memory_space<hbm>> -> memref<2x128xi32, #tpu.memory_space<hbm>>
        %dma_wait3A_272 = arith.constant 0 : i32
        %dma_wait3A_273 = arith.constant 0 : i32
        %dma_wait3A_274 = tpu.memref_slice %arg6[%dma_wait3A_263, %dma_wait3A_272, %dma_wait3A_273] : memref<4x2x128xi32, #tpu.memory_space<vmem>> -> memref<1x2x128xi32, #tpu.memory_space<vmem>>
        %dma_wait3A_275 = tpu.memref_squeeze %dma_wait3A_274 : memref<1x2x128xi32, #tpu.memory_space<vmem>> -> memref<2x128xi32, #tpu.memory_space<vmem>>
        %dma_wait3A_276 = arith.constant 0 : i32
        %dma_wait3A_277 = arith.constant 0 : i32
        %dma_wait3A_278 = tpu.memref_slice %arg3[%add3A_262, %dma_wait3A_276, %dma_wait3A_277] : memref<2560x2x128xi32, #tpu.memory_space<hbm>> -> memref<1x2x128xi32, #tpu.memory_space<hbm>>
        %dma_wait3A_279 = tpu.memref_squeeze %dma_wait3A_278 : memref<1x2x128xi32, #tpu.memory_space<hbm>> -> memref<2x128xi32, #tpu.memory_space<hbm>>
        tpu.wait_dma2 semaphore(%arg11 : memref<!tpu.dma_semaphore, #tpu.memory_space<semaphore_mem>>) src(%dma_wait3A_279 : memref<2x128xi32, #tpu.memory_space<hbm>>) dst(%dma_wait3A_275 : memref<2x128xi32, #tpu.memory_space<vmem>>)
        %dma_start3A_280 = arith.constant 2 : i32
        %dma_start3A_281 = arith.constant 0 : i32
        %dma_start3A_282 = arith.constant 0 : i32
        %dma_start3A_283 = arith.constant 0 : i32
        %dma_start3A_284 = arith.constant 0 : i32
        %dma_start3A_285 = tpu.memref_slice %arg7[%dma_start3A_282, %dma_start3A_283, %dma_start3A_284] : memref<2x128x128xf32, #tpu.memory_space<vmem>> -> memref<1x128x128xf32, #tpu.memory_space<vmem>>
        %dma_start3A_286 = tpu.memref_squeeze %dma_start3A_285 : memref<1x128x128xf32, #tpu.memory_space<vmem>> -> memref<128x128xf32, #tpu.memory_space<vmem>>
        %dma_start3A_287 = arith.constant 0 : i32
        %dma_start3A_288 = tpu.memref_slice %arg6[%dma_start3A_280, %dma_start3A_281, %dma_start3A_287] : memref<4x2x128xi32, #tpu.memory_space<vmem>> -> memref<1x1x128xi32, #tpu.memory_space<vmem>>
        %dma_start3A_289 = tpu.memref_squeeze %dma_start3A_288 : memref<1x1x128xi32, #tpu.memory_space<vmem>> -> memref<128xi32, #tpu.memory_space<vmem>>
        %dma_start3A_290 = arith.constant 0 : i32
        %dma_start3A_291 = arith.constant 0 : i32
        %dma_start3A_292 = tpu.memref_slice %arg2[%dma_start3A_290, %dma_start3A_291] : memref<10240x128xf32, #tpu.memory_space<hbm>> -> memref<10240x128xf32, #tpu.memory_space<hbm>>
        tpu.enqueue_indirect_dma source(%dma_start3A_292 : memref<10240x128xf32, #tpu.memory_space<hbm>>) target(%dma_start3A_286 : memref<128x128xf32, #tpu.memory_space<vmem>>) offsets(%dma_start3A_289 : memref<128xi32, #tpu.memory_space<vmem>>) semaphore(%arg13 : memref<!tpu.dma_semaphore, #tpu.memory_space<semaphore_mem>>)
      } else {
      }
      %dma_wait3A_180 = arith.constant 1 : i32
      %dma_wait3A_181 = arith.constant 0 : i32
      %dma_wait3A_182 = arith.constant 1 : i32
      %dma_wait3A_183 = arith.constant 0 : i32
      %dma_wait3A_184 = arith.constant 0 : i32
      %dma_wait3A_185 = tpu.memref_slice %arg7[%dma_wait3A_182, %dma_wait3A_183, %dma_wait3A_184] : memref<2x128x128xf32, #tpu.memory_space<vmem>> -> memref<1x128x128xf32, #tpu.memory_space<vmem>>
      %dma_wait3A_186 = tpu.memref_squeeze %dma_wait3A_185 : memref<1x128x128xf32, #tpu.memory_space<vmem>> -> memref<128x128xf32, #tpu.memory_space<vmem>>
      %dma_wait3A_187 = arith.constant 0 : i32
      %dma_wait3A_188 = tpu.memref_slice %arg6[%dma_wait3A_180, %dma_wait3A_181, %dma_wait3A_187] : memref<4x2x128xi32, #tpu.memory_space<vmem>> -> memref<1x1x128xi32, #tpu.memory_space<vmem>>
      %dma_wait3A_189 = tpu.memref_squeeze %dma_wait3A_188 : memref<1x1x128xi32, #tpu.memory_space<vmem>> -> memref<128xi32, #tpu.memory_space<vmem>>
      %dma_wait3A_190 = arith.constant 0 : i32
      %dma_wait3A_191 = arith.constant 0 : i32
      %dma_wait3A_192 = tpu.memref_slice %arg2[%dma_wait3A_190, %dma_wait3A_191] : memref<10240x128xf32, #tpu.memory_space<hbm>> -> memref<10240x128xf32, #tpu.memory_space<hbm>>
      tpu.wait_indirect_dma semaphore(%arg14 : memref<!tpu.dma_semaphore, #tpu.memory_space<semaphore_mem>>) src(%dma_wait3A_192 : memref<10240x128xf32, #tpu.memory_space<hbm>>) dst(%dma_wait3A_186 : memref<128x128xf32, #tpu.memory_space<vmem>>)
      %run_scoped3A_193 = arith.constant 1 : i32
      %run_scoped3A_194 = arith.constant 1 : i32
      %run_scoped3A_195 = arith.constant 1 : i32
      "tpu.region"() ({
        %run_scoped3A_260 = tpu.sem_alloc : memref<!tpu.dma_semaphore, #tpu.memory_space<semaphore_mem>>
        %dma_start3A_261 = arith.constant 0 : i32
        %dma_start3A_262 = arith.constant 0 : i32
        %dma_start3A_263 = tpu.memref_slice %arg7[%run_scoped3A_193, %dma_start3A_261, %dma_start3A_262] : memref<2x128x128xf32, #tpu.memory_space<vmem>> -> memref<1x128x128xf32, #tpu.memory_space<vmem>>
        %dma_start3A_264 = tpu.memref_squeeze %dma_start3A_263 : memref<1x128x128xf32, #tpu.memory_space<vmem>> -> memref<128x128xf32, #tpu.memory_space<vmem>>
        %dma_start3A_265 = arith.constant 0 : i32
        %dma_start3A_266 = tpu.memref_slice %arg6[%run_scoped3A_194, %run_scoped3A_195, %dma_start3A_265] : memref<4x2x128xi32, #tpu.memory_space<vmem>> -> memref<1x1x128xi32, #tpu.memory_space<vmem>>
        %dma_start3A_267 = tpu.memref_squeeze %dma_start3A_266 : memref<1x1x128xi32, #tpu.memory_space<vmem>> -> memref<128xi32, #tpu.memory_space<vmem>>
        %dma_start3A_268 = arith.constant 0 : i32
        %dma_start3A_269 = arith.constant 0 : i32
        %dma_start3A_270 = tpu.memref_slice %arg8[%dma_start3A_268, %dma_start3A_269] : memref<10240x128xf32, #tpu.memory_space<vmem_shared>> -> memref<10240x128xf32, #tpu.memory_space<vmem_shared>>
        tpu.enqueue_indirect_dma source(%dma_start3A_264 : memref<128x128xf32, #tpu.memory_space<vmem>>) target(%dma_start3A_270 : memref<10240x128xf32, #tpu.memory_space<vmem_shared>>) offsets(%dma_start3A_267 : memref<128xi32, #tpu.memory_space<vmem>>) semaphore(%run_scoped3A_260 : memref<!tpu.dma_semaphore, #tpu.memory_space<semaphore_mem>>) {add = true}
        %dma_wait3A_271 = arith.constant 0 : i32
        %dma_wait3A_272 = arith.constant 0 : i32
        %dma_wait3A_273 = tpu.memref_slice %arg7[%run_scoped3A_193, %dma_wait3A_271, %dma_wait3A_272] : memref<2x128x128xf32, #tpu.memory_space<vmem>> -> memref<1x128x128xf32, #tpu.memory_space<vmem>>
        %dma_wait3A_274 = tpu.memref_squeeze %dma_wait3A_273 : memref<1x128x128xf32, #tpu.memory_space<vmem>> -> memref<128x128xf32, #tpu.memory_space<vmem>>
        %dma_wait3A_275 = arith.constant 0 : i32
        %dma_wait3A_276 = tpu.memref_slice %arg6[%run_scoped3A_194, %run_scoped3A_195, %dma_wait3A_275] : memref<4x2x128xi32, #tpu.memory_space<vmem>> -> memref<1x1x128xi32, #tpu.memory_space<vmem>>
        %dma_wait3A_277 = tpu.memref_squeeze %dma_wait3A_276 : memref<1x1x128xi32, #tpu.memory_space<vmem>> -> memref<128xi32, #tpu.memory_space<vmem>>
        %dma_wait3A_278 = arith.constant 0 : i32
        %dma_wait3A_279 = arith.constant 0 : i32
        %dma_wait3A_280 = tpu.memref_slice %arg8[%dma_wait3A_278, %dma_wait3A_279] : memref<10240x128xf32, #tpu.memory_space<vmem_shared>> -> memref<10240x128xf32, #tpu.memory_space<vmem_shared>>
        tpu.wait_indirect_dma semaphore(%run_scoped3A_260 : memref<!tpu.dma_semaphore, #tpu.memory_space<semaphore_mem>>) src(%dma_wait3A_274 : memref<128x128xf32, #tpu.memory_space<vmem>>) dst(%dma_wait3A_280 : memref<10240x128xf32, #tpu.memory_space<vmem_shared>>)
        tpu.yield
      }) : () -> ()
      %mul3A_196 = arith.constant 4 : i32
      %mul3A_197 = arith.muli %while3A_134, %mul3A_196 : i32
      %add3A_198 = arith.constant 2 : i32
      %add3A_199 = arith.addi %mul3A_197, %add3A_198 : i32
      %add3A_200 = arith.constant 3 : i32
      %add3A_201 = arith.addi %add3A_199, %add3A_200 : i32
      %lt3A_202 = arith.cmpi slt, %add3A_201, %select_n3A_7 : i32
      %convert_element_type3A_203 = arith.extui %lt3A_202 : i1 to i32
      %cond3A_204 = arith.constant 0 : i32
      %cond3A_205 = arith.cmpi ne, %convert_element_type3A_203, %cond3A_204 : i32
      scf.if %cond3A_205 {
        %add3A_260 = arith.constant 3 : i32
        %add3A_261 = arith.addi %add3A_199, %add3A_260 : i32
        %add3A_262 = arith.addi %add3A, %add3A_261 : i32
        %dma_start3A_263 = arith.constant 1 : i32
        %dma_start3A_264 = arith.constant 0 : i32
        %dma_start3A_265 = arith.constant 0 : i32
        %dma_start3A_266 = tpu.memref_slice %arg6[%dma_start3A_263, %dma_start3A_264, %dma_start3A_265] : memref<4x2x128xi32, #tpu.memory_space<vmem>> -> memref<1x2x128xi32, #tpu.memory_space<vmem>>
        %dma_start3A_267 = tpu.memref_squeeze %dma_start3A_266 : memref<1x2x128xi32, #tpu.memory_space<vmem>> -> memref<2x128xi32, #tpu.memory_space<vmem>>
        %dma_start3A_268 = arith.constant 0 : i32
        %dma_start3A_269 = arith.constant 0 : i32
        %dma_start3A_270 = tpu.memref_slice %arg3[%add3A_262, %dma_start3A_268, %dma_start3A_269] : memref<2560x2x128xi32, #tpu.memory_space<hbm>> -> memref<1x2x128xi32, #tpu.memory_space<hbm>>
        %dma_start3A_271 = tpu.memref_squeeze %dma_start3A_270 : memref<1x2x128xi32, #tpu.memory_space<hbm>> -> memref<2x128xi32, #tpu.memory_space<hbm>>
        %dma_start3A_272 = arith.constant 0 : i32
        %dma_start3A_273 = arith.constant 0 : i32
        %dma_start3A_274 = tpu.memref_slice %arg6[%dma_start3A_263, %dma_start3A_272, %dma_start3A_273] : memref<4x2x128xi32, #tpu.memory_space<vmem>> -> memref<1x2x128xi32, #tpu.memory_space<vmem>>
        %dma_start3A_275 = tpu.memref_squeeze %dma_start3A_274 : memref<1x2x128xi32, #tpu.memory_space<vmem>> -> memref<2x128xi32, #tpu.memory_space<vmem>>
        %dma_start3A_276 = arith.constant 0 : i32
        %dma_start3A_277 = arith.constant 0 : i32
        %dma_start3A_278 = tpu.memref_slice %arg3[%add3A_262, %dma_start3A_276, %dma_start3A_277] : memref<2560x2x128xi32, #tpu.memory_space<hbm>> -> memref<1x2x128xi32, #tpu.memory_space<hbm>>
        %dma_start3A_279 = tpu.memref_squeeze %dma_start3A_278 : memref<1x2x128xi32, #tpu.memory_space<hbm>> -> memref<2x128xi32, #tpu.memory_space<hbm>>
        tpu.enqueue_dma source(%dma_start3A_279 : memref<2x128xi32, #tpu.memory_space<hbm>>) target(%dma_start3A_275 : memref<2x128xi32, #tpu.memory_space<vmem>>) target_semaphore(%arg10 : memref<!tpu.dma_semaphore, #tpu.memory_space<semaphore_mem>>)
      } else {
      }
      %add3A_206 = arith.constant 1 : i32
      %add3A_207 = arith.addi %add3A_199, %add3A_206 : i32
      %lt3A_208 = arith.cmpi slt, %add3A_207, %select_n3A_7 : i32
      %convert_element_type3A_209 = arith.extui %lt3A_208 : i1 to i32
      %cond3A_210 = arith.constant 0 : i32
      %cond3A_211 = arith.cmpi ne, %convert_element_type3A_209, %cond3A_210 : i32
      scf.if %cond3A_211 {
        %add3A_260 = arith.constant 1 : i32
        %add3A_261 = arith.addi %add3A_199, %add3A_260 : i32
        %add3A_262 = arith.addi %add3A, %add3A_261 : i32
        %dma_wait3A_263 = arith.constant 3 : i32
        %dma_wait3A_264 = arith.constant 0 : i32
        %dma_wait3A_265 = arith.constant 0 : i32
        %dma_wait3A_266 = tpu.memref_slice %arg6[%dma_wait3A_263, %dma_wait3A_264, %dma_wait3A_265] : memref<4x2x128xi32, #tpu.memory_space<vmem>> -> memref<1x2x128xi32, #tpu.memory_space<vmem>>
        %dma_wait3A_267 = tpu.memref_squeeze %dma_wait3A_266 : memref<1x2x128xi32, #tpu.memory_space<vmem>> -> memref<2x128xi32, #tpu.memory_space<vmem>>
        %dma_wait3A_268 = arith.constant 0 : i32
        %dma_wait3A_269 = arith.constant 0 : i32
        %dma_wait3A_270 = tpu.memref_slice %arg3[%add3A_262, %dma_wait3A_268, %dma_wait3A_269] : memref<2560x2x128xi32, #tpu.memory_space<hbm>> -> memref<1x2x128xi32, #tpu.memory_space<hbm>>
        %dma_wait3A_271 = tpu.memref_squeeze %dma_wait3A_270 : memref<1x2x128xi32, #tpu.memory_space<hbm>> -> memref<2x128xi32, #tpu.memory_space<hbm>>
        %dma_wait3A_272 = arith.constant 0 : i32
        %dma_wait3A_273 = arith.constant 0 : i32
        %dma_wait3A_274 = tpu.memref_slice %arg6[%dma_wait3A_263, %dma_wait3A_272, %dma_wait3A_273] : memref<4x2x128xi32, #tpu.memory_space<vmem>> -> memref<1x2x128xi32, #tpu.memory_space<vmem>>
        %dma_wait3A_275 = tpu.memref_squeeze %dma_wait3A_274 : memref<1x2x128xi32, #tpu.memory_space<vmem>> -> memref<2x128xi32, #tpu.memory_space<vmem>>
        %dma_wait3A_276 = arith.constant 0 : i32
        %dma_wait3A_277 = arith.constant 0 : i32
        %dma_wait3A_278 = tpu.memref_slice %arg3[%add3A_262, %dma_wait3A_276, %dma_wait3A_277] : memref<2560x2x128xi32, #tpu.memory_space<hbm>> -> memref<1x2x128xi32, #tpu.memory_space<hbm>>
        %dma_wait3A_279 = tpu.memref_squeeze %dma_wait3A_278 : memref<1x2x128xi32, #tpu.memory_space<hbm>> -> memref<2x128xi32, #tpu.memory_space<hbm>>
        tpu.wait_dma2 semaphore(%arg12 : memref<!tpu.dma_semaphore, #tpu.memory_space<semaphore_mem>>) src(%dma_wait3A_279 : memref<2x128xi32, #tpu.memory_space<hbm>>) dst(%dma_wait3A_275 : memref<2x128xi32, #tpu.memory_space<vmem>>)
        %dma_start3A_280 = arith.constant 3 : i32
        %dma_start3A_281 = arith.constant 0 : i32
        %dma_start3A_282 = arith.constant 1 : i32
        %dma_start3A_283 = arith.constant 0 : i32
        %dma_start3A_284 = arith.constant 0 : i32
        %dma_start3A_285 = tpu.memref_slice %arg7[%dma_start3A_282, %dma_start3A_283, %dma_start3A_284] : memref<2x128x128xf32, #tpu.memory_space<vmem>> -> memref<1x128x128xf32, #tpu.memory_space<vmem>>
        %dma_start3A_286 = tpu.memref_squeeze %dma_start3A_285 : memref<1x128x128xf32, #tpu.memory_space<vmem>> -> memref<128x128xf32, #tpu.memory_space<vmem>>
        %dma_start3A_287 = arith.constant 0 : i32
        %dma_start3A_288 = tpu.memref_slice %arg6[%dma_start3A_280, %dma_start3A_281, %dma_start3A_287] : memref<4x2x128xi32, #tpu.memory_space<vmem>> -> memref<1x1x128xi32, #tpu.memory_space<vmem>>
        %dma_start3A_289 = tpu.memref_squeeze %dma_start3A_288 : memref<1x1x128xi32, #tpu.memory_space<vmem>> -> memref<128xi32, #tpu.memory_space<vmem>>
        %dma_start3A_290 = arith.constant 0 : i32
        %dma_start3A_291 = arith.constant 0 : i32
        %dma_start3A_292 = tpu.memref_slice %arg2[%dma_start3A_290, %dma_start3A_291] : memref<10240x128xf32, #tpu.memory_space<hbm>> -> memref<10240x128xf32, #tpu.memory_space<hbm>>
        tpu.enqueue_indirect_dma source(%dma_start3A_292 : memref<10240x128xf32, #tpu.memory_space<hbm>>) target(%dma_start3A_286 : memref<128x128xf32, #tpu.memory_space<vmem>>) offsets(%dma_start3A_289 : memref<128xi32, #tpu.memory_space<vmem>>) semaphore(%arg14 : memref<!tpu.dma_semaphore, #tpu.memory_space<semaphore_mem>>)
      } else {
      }
      %dma_wait3A_212 = arith.constant 2 : i32
      %dma_wait3A_213 = arith.constant 0 : i32
      %dma_wait3A_214 = arith.constant 0 : i32
      %dma_wait3A_215 = arith.constant 0 : i32
      %dma_wait3A_216 = arith.constant 0 : i32
      %dma_wait3A_217 = tpu.memref_slice %arg7[%dma_wait3A_214, %dma_wait3A_215, %dma_wait3A_216] : memref<2x128x128xf32, #tpu.memory_space<vmem>> -> memref<1x128x128xf32, #tpu.memory_space<vmem>>
      %dma_wait3A_218 = tpu.memref_squeeze %dma_wait3A_217 : memref<1x128x128xf32, #tpu.memory_space<vmem>> -> memref<128x128xf32, #tpu.memory_space<vmem>>
      %dma_wait3A_219 = arith.constant 0 : i32
      %dma_wait3A_220 = tpu.memref_slice %arg6[%dma_wait3A_212, %dma_wait3A_213, %dma_wait3A_219] : memref<4x2x128xi32, #tpu.memory_space<vmem>> -> memref<1x1x128xi32, #tpu.memory_space<vmem>>
      %dma_wait3A_221 = tpu.memref_squeeze %dma_wait3A_220 : memref<1x1x128xi32, #tpu.memory_space<vmem>> -> memref<128xi32, #tpu.memory_space<vmem>>
      %dma_wait3A_222 = arith.constant 0 : i32
      %dma_wait3A_223 = arith.constant 0 : i32
      %dma_wait3A_224 = tpu.memref_slice %arg2[%dma_wait3A_222, %dma_wait3A_223] : memref<10240x128xf32, #tpu.memory_space<hbm>> -> memref<10240x128xf32, #tpu.memory_space<hbm>>
      tpu.wait_indirect_dma semaphore(%arg13 : memref<!tpu.dma_semaphore, #tpu.memory_space<semaphore_mem>>) src(%dma_wait3A_224 : memref<10240x128xf32, #tpu.memory_space<hbm>>) dst(%dma_wait3A_218 : memref<128x128xf32, #tpu.memory_space<vmem>>)
      %run_scoped3A_225 = arith.constant 0 : i32
      %run_scoped3A_226 = arith.constant 2 : i32
      %run_scoped3A_227 = arith.constant 1 : i32
      "tpu.region"() ({
        %run_scoped3A_260 = tpu.sem_alloc : memref<!tpu.dma_semaphore, #tpu.memory_space<semaphore_mem>>
        %dma_start3A_261 = arith.constant 0 : i32
        %dma_start3A_262 = arith.constant 0 : i32
        %dma_start3A_263 = tpu.memref_slice %arg7[%run_scoped3A_225, %dma_start3A_261, %dma_start3A_262] : memref<2x128x128xf32, #tpu.memory_space<vmem>> -> memref<1x128x128xf32, #tpu.memory_space<vmem>>
        %dma_start3A_264 = tpu.memref_squeeze %dma_start3A_263 : memref<1x128x128xf32, #tpu.memory_space<vmem>> -> memref<128x128xf32, #tpu.memory_space<vmem>>
        %dma_start3A_265 = arith.constant 0 : i32
        %dma_start3A_266 = tpu.memref_slice %arg6[%run_scoped3A_226, %run_scoped3A_227, %dma_start3A_265] : memref<4x2x128xi32, #tpu.memory_space<vmem>> -> memref<1x1x128xi32, #tpu.memory_space<vmem>>
        %dma_start3A_267 = tpu.memref_squeeze %dma_start3A_266 : memref<1x1x128xi32, #tpu.memory_space<vmem>> -> memref<128xi32, #tpu.memory_space<vmem>>
        %dma_start3A_268 = arith.constant 0 : i32
        %dma_start3A_269 = arith.constant 0 : i32
        %dma_start3A_270 = tpu.memref_slice %arg8[%dma_start3A_268, %dma_start3A_269] : memref<10240x128xf32, #tpu.memory_space<vmem_shared>> -> memref<10240x128xf32, #tpu.memory_space<vmem_shared>>
        tpu.enqueue_indirect_dma source(%dma_start3A_264 : memref<128x128xf32, #tpu.memory_space<vmem>>) target(%dma_start3A_270 : memref<10240x128xf32, #tpu.memory_space<vmem_shared>>) offsets(%dma_start3A_267 : memref<128xi32, #tpu.memory_space<vmem>>) semaphore(%run_scoped3A_260 : memref<!tpu.dma_semaphore, #tpu.memory_space<semaphore_mem>>) {add = true}
        %dma_wait3A_271 = arith.constant 0 : i32
        %dma_wait3A_272 = arith.constant 0 : i32
        %dma_wait3A_273 = tpu.memref_slice %arg7[%run_scoped3A_225, %dma_wait3A_271, %dma_wait3A_272] : memref<2x128x128xf32, #tpu.memory_space<vmem>> -> memref<1x128x128xf32, #tpu.memory_space<vmem>>
        %dma_wait3A_274 = tpu.memref_squeeze %dma_wait3A_273 : memref<1x128x128xf32, #tpu.memory_space<vmem>> -> memref<128x128xf32, #tpu.memory_space<vmem>>
        %dma_wait3A_275 = arith.constant 0 : i32
        %dma_wait3A_276 = tpu.memref_slice %arg6[%run_scoped3A_226, %run_scoped3A_227, %dma_wait3A_275] : memref<4x2x128xi32, #tpu.memory_space<vmem>> -> memref<1x1x128xi32, #tpu.memory_space<vmem>>
        %dma_wait3A_277 = tpu.memref_squeeze %dma_wait3A_276 : memref<1x1x128xi32, #tpu.memory_space<vmem>> -> memref<128xi32, #tpu.memory_space<vmem>>
        %dma_wait3A_278 = arith.constant 0 : i32
        %dma_wait3A_279 = arith.constant 0 : i32
        %dma_wait3A_280 = tpu.memref_slice %arg8[%dma_wait3A_278, %dma_wait3A_279] : memref<10240x128xf32, #tpu.memory_space<vmem_shared>> -> memref<10240x128xf32, #tpu.memory_space<vmem_shared>>
        tpu.wait_indirect_dma semaphore(%run_scoped3A_260 : memref<!tpu.dma_semaphore, #tpu.memory_space<semaphore_mem>>) src(%dma_wait3A_274 : memref<128x128xf32, #tpu.memory_space<vmem>>) dst(%dma_wait3A_280 : memref<10240x128xf32, #tpu.memory_space<vmem_shared>>)
        tpu.yield
      }) : () -> ()
      %mul3A_228 = arith.constant 4 : i32
      %mul3A_229 = arith.muli %while3A_134, %mul3A_228 : i32
      %add3A_230 = arith.constant 3 : i32
      %add3A_231 = arith.addi %mul3A_229, %add3A_230 : i32
      %add3A_232 = arith.constant 3 : i32
      %add3A_233 = arith.addi %add3A_231, %add3A_232 : i32
      %lt3A_234 = arith.cmpi slt, %add3A_233, %select_n3A_7 : i32
      %convert_element_type3A_235 = arith.extui %lt3A_234 : i1 to i32
      %cond3A_236 = arith.constant 0 : i32
      %cond3A_237 = arith.cmpi ne, %convert_element_type3A_235, %cond3A_236 : i32
      scf.if %cond3A_237 {
        %add3A_260 = arith.constant 3 : i32
        %add3A_261 = arith.addi %add3A_231, %add3A_260 : i32
        %add3A_262 = arith.addi %add3A, %add3A_261 : i32
        %dma_start3A_263 = arith.constant 2 : i32
        %dma_start3A_264 = arith.constant 0 : i32
        %dma_start3A_265 = arith.constant 0 : i32
        %dma_start3A_266 = tpu.memref_slice %arg6[%dma_start3A_263, %dma_start3A_264, %dma_start3A_265] : memref<4x2x128xi32, #tpu.memory_space<vmem>> -> memref<1x2x128xi32, #tpu.memory_space<vmem>>
        %dma_start3A_267 = tpu.memref_squeeze %dma_start3A_266 : memref<1x2x128xi32, #tpu.memory_space<vmem>> -> memref<2x128xi32, #tpu.memory_space<vmem>>
        %dma_start3A_268 = arith.constant 0 : i32
        %dma_start3A_269 = arith.constant 0 : i32
        %dma_start3A_270 = tpu.memref_slice %arg3[%add3A_262, %dma_start3A_268, %dma_start3A_269] : memref<2560x2x128xi32, #tpu.memory_space<hbm>> -> memref<1x2x128xi32, #tpu.memory_space<hbm>>
        %dma_start3A_271 = tpu.memref_squeeze %dma_start3A_270 : memref<1x2x128xi32, #tpu.memory_space<hbm>> -> memref<2x128xi32, #tpu.memory_space<hbm>>
        %dma_start3A_272 = arith.constant 0 : i32
        %dma_start3A_273 = arith.constant 0 : i32
        %dma_start3A_274 = tpu.memref_slice %arg6[%dma_start3A_263, %dma_start3A_272, %dma_start3A_273] : memref<4x2x128xi32, #tpu.memory_space<vmem>> -> memref<1x2x128xi32, #tpu.memory_space<vmem>>
        %dma_start3A_275 = tpu.memref_squeeze %dma_start3A_274 : memref<1x2x128xi32, #tpu.memory_space<vmem>> -> memref<2x128xi32, #tpu.memory_space<vmem>>
        %dma_start3A_276 = arith.constant 0 : i32
        %dma_start3A_277 = arith.constant 0 : i32
        %dma_start3A_278 = tpu.memref_slice %arg3[%add3A_262, %dma_start3A_276, %dma_start3A_277] : memref<2560x2x128xi32, #tpu.memory_space<hbm>> -> memref<1x2x128xi32, #tpu.memory_space<hbm>>
        %dma_start3A_279 = tpu.memref_squeeze %dma_start3A_278 : memref<1x2x128xi32, #tpu.memory_space<hbm>> -> memref<2x128xi32, #tpu.memory_space<hbm>>
        tpu.enqueue_dma source(%dma_start3A_279 : memref<2x128xi32, #tpu.memory_space<hbm>>) target(%dma_start3A_275 : memref<2x128xi32, #tpu.memory_space<vmem>>) target_semaphore(%arg11 : memref<!tpu.dma_semaphore, #tpu.memory_space<semaphore_mem>>)
      } else {
      }
      %add3A_238 = arith.constant 1 : i32
      %add3A_239 = arith.addi %add3A_231, %add3A_238 : i32
      %lt3A_240 = arith.cmpi slt, %add3A_239, %select_n3A_7 : i32
      %convert_element_type3A_241 = arith.extui %lt3A_240 : i1 to i32
      %cond3A_242 = arith.constant 0 : i32
      %cond3A_243 = arith.cmpi ne, %convert_element_type3A_241, %cond3A_242 : i32
      scf.if %cond3A_243 {
        %add3A_260 = arith.constant 1 : i32
        %add3A_261 = arith.addi %add3A_231, %add3A_260 : i32
        %add3A_262 = arith.addi %add3A, %add3A_261 : i32
        %dma_wait3A_263 = arith.constant 0 : i32
        %dma_wait3A_264 = arith.constant 0 : i32
        %dma_wait3A_265 = arith.constant 0 : i32
        %dma_wait3A_266 = tpu.memref_slice %arg6[%dma_wait3A_263, %dma_wait3A_264, %dma_wait3A_265] : memref<4x2x128xi32, #tpu.memory_space<vmem>> -> memref<1x2x128xi32, #tpu.memory_space<vmem>>
        %dma_wait3A_267 = tpu.memref_squeeze %dma_wait3A_266 : memref<1x2x128xi32, #tpu.memory_space<vmem>> -> memref<2x128xi32, #tpu.memory_space<vmem>>
        %dma_wait3A_268 = arith.constant 0 : i32
        %dma_wait3A_269 = arith.constant 0 : i32
        %dma_wait3A_270 = tpu.memref_slice %arg3[%add3A_262, %dma_wait3A_268, %dma_wait3A_269] : memref<2560x2x128xi32, #tpu.memory_space<hbm>> -> memref<1x2x128xi32, #tpu.memory_space<hbm>>
        %dma_wait3A_271 = tpu.memref_squeeze %dma_wait3A_270 : memref<1x2x128xi32, #tpu.memory_space<hbm>> -> memref<2x128xi32, #tpu.memory_space<hbm>>
        %dma_wait3A_272 = arith.constant 0 : i32
        %dma_wait3A_273 = arith.constant 0 : i32
        %dma_wait3A_274 = tpu.memref_slice %arg6[%dma_wait3A_263, %dma_wait3A_272, %dma_wait3A_273] : memref<4x2x128xi32, #tpu.memory_space<vmem>> -> memref<1x2x128xi32, #tpu.memory_space<vmem>>
        %dma_wait3A_275 = tpu.memref_squeeze %dma_wait3A_274 : memref<1x2x128xi32, #tpu.memory_space<vmem>> -> memref<2x128xi32, #tpu.memory_space<vmem>>
        %dma_wait3A_276 = arith.constant 0 : i32
        %dma_wait3A_277 = arith.constant 0 : i32
        %dma_wait3A_278 = tpu.memref_slice %arg3[%add3A_262, %dma_wait3A_276, %dma_wait3A_277] : memref<2560x2x128xi32, #tpu.memory_space<hbm>> -> memref<1x2x128xi32, #tpu.memory_space<hbm>>
        %dma_wait3A_279 = tpu.memref_squeeze %dma_wait3A_278 : memref<1x2x128xi32, #tpu.memory_space<hbm>> -> memref<2x128xi32, #tpu.memory_space<hbm>>
        tpu.wait_dma2 semaphore(%arg9 : memref<!tpu.dma_semaphore, #tpu.memory_space<semaphore_mem>>) src(%dma_wait3A_279 : memref<2x128xi32, #tpu.memory_space<hbm>>) dst(%dma_wait3A_275 : memref<2x128xi32, #tpu.memory_space<vmem>>)
        %dma_start3A_280 = arith.constant 0 : i32
        %dma_start3A_281 = arith.constant 0 : i32
        %dma_start3A_282 = arith.constant 0 : i32
        %dma_start3A_283 = arith.constant 0 : i32
        %dma_start3A_284 = arith.constant 0 : i32
        %dma_start3A_285 = tpu.memref_slice %arg7[%dma_start3A_282, %dma_start3A_283, %dma_start3A_284] : memref<2x128x128xf32, #tpu.memory_space<vmem>> -> memref<1x128x128xf32, #tpu.memory_space<vmem>>
        %dma_start3A_286 = tpu.memref_squeeze %dma_start3A_285 : memref<1x128x128xf32, #tpu.memory_space<vmem>> -> memref<128x128xf32, #tpu.memory_space<vmem>>
        %dma_start3A_287 = arith.constant 0 : i32
        %dma_start3A_288 = tpu.memref_slice %arg6[%dma_start3A_280, %dma_start3A_281, %dma_start3A_287] : memref<4x2x128xi32, #tpu.memory_space<vmem>> -> memref<1x1x128xi32, #tpu.memory_space<vmem>>
        %dma_start3A_289 = tpu.memref_squeeze %dma_start3A_288 : memref<1x1x128xi32, #tpu.memory_space<vmem>> -> memref<128xi32, #tpu.memory_space<vmem>>
        %dma_start3A_290 = arith.constant 0 : i32
        %dma_start3A_291 = arith.constant 0 : i32
        %dma_start3A_292 = tpu.memref_slice %arg2[%dma_start3A_290, %dma_start3A_291] : memref<10240x128xf32, #tpu.memory_space<hbm>> -> memref<10240x128xf32, #tpu.memory_space<hbm>>
        tpu.enqueue_indirect_dma source(%dma_start3A_292 : memref<10240x128xf32, #tpu.memory_space<hbm>>) target(%dma_start3A_286 : memref<128x128xf32, #tpu.memory_space<vmem>>) offsets(%dma_start3A_289 : memref<128xi32, #tpu.memory_space<vmem>>) semaphore(%arg13 : memref<!tpu.dma_semaphore, #tpu.memory_space<semaphore_mem>>)
      } else {
      }
      %dma_wait3A_244 = arith.constant 3 : i32
      %dma_wait3A_245 = arith.constant 0 : i32
      %dma_wait3A_246 = arith.constant 1 : i32
      %dma_wait3A_247 = arith.constant 0 : i32
      %dma_wait3A_248 = arith.constant 0 : i32
      %dma_wait3A_249 = tpu.memref_slice %arg7[%dma_wait3A_246, %dma_wait3A_247, %dma_wait3A_248] : memref<2x128x128xf32, #tpu.memory_space<vmem>> -> memref<1x128x128xf32, #tpu.memory_space<vmem>>
      %dma_wait3A_250 = tpu.memref_squeeze %dma_wait3A_249 : memref<1x128x128xf32, #tpu.memory_space<vmem>> -> memref<128x128xf32, #tpu.memory_space<vmem>>
      %dma_wait3A_251 = arith.constant 0 : i32
      %dma_wait3A_252 = tpu.memref_slice %arg6[%dma_wait3A_244, %dma_wait3A_245, %dma_wait3A_251] : memref<4x2x128xi32, #tpu.memory_space<vmem>> -> memref<1x1x128xi32, #tpu.memory_space<vmem>>
      %dma_wait3A_253 = tpu.memref_squeeze %dma_wait3A_252 : memref<1x1x128xi32, #tpu.memory_space<vmem>> -> memref<128xi32, #tpu.memory_space<vmem>>
      %dma_wait3A_254 = arith.constant 0 : i32
      %dma_wait3A_255 = arith.constant 0 : i32
      %dma_wait3A_256 = tpu.memref_slice %arg2[%dma_wait3A_254, %dma_wait3A_255] : memref<10240x128xf32, #tpu.memory_space<hbm>> -> memref<10240x128xf32, #tpu.memory_space<hbm>>
      tpu.wait_indirect_dma semaphore(%arg14 : memref<!tpu.dma_semaphore, #tpu.memory_space<semaphore_mem>>) src(%dma_wait3A_256 : memref<10240x128xf32, #tpu.memory_space<hbm>>) dst(%dma_wait3A_250 : memref<128x128xf32, #tpu.memory_space<vmem>>)
      %run_scoped3A_257 = arith.constant 1 : i32
      %run_scoped3A_258 = arith.constant 3 : i32
      %run_scoped3A_259 = arith.constant 1 : i32
      "tpu.region"() ({
        %run_scoped3A_260 = tpu.sem_alloc : memref<!tpu.dma_semaphore, #tpu.memory_space<semaphore_mem>>
        %dma_start3A_261 = arith.constant 0 : i32
        %dma_start3A_262 = arith.constant 0 : i32
        %dma_start3A_263 = tpu.memref_slice %arg7[%run_scoped3A_257, %dma_start3A_261, %dma_start3A_262] : memref<2x128x128xf32, #tpu.memory_space<vmem>> -> memref<1x128x128xf32, #tpu.memory_space<vmem>>
        %dma_start3A_264 = tpu.memref_squeeze %dma_start3A_263 : memref<1x128x128xf32, #tpu.memory_space<vmem>> -> memref<128x128xf32, #tpu.memory_space<vmem>>
        %dma_start3A_265 = arith.constant 0 : i32
        %dma_start3A_266 = tpu.memref_slice %arg6[%run_scoped3A_258, %run_scoped3A_259, %dma_start3A_265] : memref<4x2x128xi32, #tpu.memory_space<vmem>> -> memref<1x1x128xi32, #tpu.memory_space<vmem>>
        %dma_start3A_267 = tpu.memref_squeeze %dma_start3A_266 : memref<1x1x128xi32, #tpu.memory_space<vmem>> -> memref<128xi32, #tpu.memory_space<vmem>>
        %dma_start3A_268 = arith.constant 0 : i32
        %dma_start3A_269 = arith.constant 0 : i32
        %dma_start3A_270 = tpu.memref_slice %arg8[%dma_start3A_268, %dma_start3A_269] : memref<10240x128xf32, #tpu.memory_space<vmem_shared>> -> memref<10240x128xf32, #tpu.memory_space<vmem_shared>>
        tpu.enqueue_indirect_dma source(%dma_start3A_264 : memref<128x128xf32, #tpu.memory_space<vmem>>) target(%dma_start3A_270 : memref<10240x128xf32, #tpu.memory_space<vmem_shared>>) offsets(%dma_start3A_267 : memref<128xi32, #tpu.memory_space<vmem>>) semaphore(%run_scoped3A_260 : memref<!tpu.dma_semaphore, #tpu.memory_space<semaphore_mem>>) {add = true}
        %dma_wait3A_271 = arith.constant 0 : i32
        %dma_wait3A_272 = arith.constant 0 : i32
        %dma_wait3A_273 = tpu.memref_slice %arg7[%run_scoped3A_257, %dma_wait3A_271, %dma_wait3A_272] : memref<2x128x128xf32, #tpu.memory_space<vmem>> -> memref<1x128x128xf32, #tpu.memory_space<vmem>>
        %dma_wait3A_274 = tpu.memref_squeeze %dma_wait3A_273 : memref<1x128x128xf32, #tpu.memory_space<vmem>> -> memref<128x128xf32, #tpu.memory_space<vmem>>
        %dma_wait3A_275 = arith.constant 0 : i32
        %dma_wait3A_276 = tpu.memref_slice %arg6[%run_scoped3A_258, %run_scoped3A_259, %dma_wait3A_275] : memref<4x2x128xi32, #tpu.memory_space<vmem>> -> memref<1x1x128xi32, #tpu.memory_space<vmem>>
        %dma_wait3A_277 = tpu.memref_squeeze %dma_wait3A_276 : memref<1x1x128xi32, #tpu.memory_space<vmem>> -> memref<128xi32, #tpu.memory_space<vmem>>
        %dma_wait3A_278 = arith.constant 0 : i32
        %dma_wait3A_279 = arith.constant 0 : i32
        %dma_wait3A_280 = tpu.memref_slice %arg8[%dma_wait3A_278, %dma_wait3A_279] : memref<10240x128xf32, #tpu.memory_space<vmem_shared>> -> memref<10240x128xf32, #tpu.memory_space<vmem_shared>>
        tpu.wait_indirect_dma semaphore(%run_scoped3A_260 : memref<!tpu.dma_semaphore, #tpu.memory_space<semaphore_mem>>) src(%dma_wait3A_274 : memref<128x128xf32, #tpu.memory_space<vmem>>) dst(%dma_wait3A_280 : memref<10240x128xf32, #tpu.memory_space<vmem_shared>>)
        tpu.yield
      }) : () -> ()
    }
    %while3A_126 = arith.constant 1 : i32
    scf.for %while3A_134 = %while3A_124 to %while3A_120 step %while3A_126  : i32 {
      %mul3A_135 = arith.constant 4 : i32
      %mul3A_136 = arith.muli %while3A_134, %mul3A_135 : i32
      %add3A_137 = arith.constant 0 : i32
      %add3A_138 = arith.addi %mul3A_136, %add3A_137 : i32
      %add3A_139 = arith.constant 3 : i32
      %add3A_140 = arith.addi %add3A_138, %add3A_139 : i32
      %lt3A = arith.cmpi slt, %add3A_140, %select_n3A_7 : i32
      %convert_element_type3A = arith.extui %lt3A : i1 to i32
      %cond3A = arith.constant 0 : i32
      %cond3A_141 = arith.cmpi ne, %convert_element_type3A, %cond3A : i32
      scf.if %cond3A_141 {
        %add3A_260 = arith.constant 3 : i32
        %add3A_261 = arith.addi %add3A_138, %add3A_260 : i32
        %add3A_262 = arith.addi %add3A, %add3A_261 : i32
        %dma_start3A_263 = arith.constant 3 : i32
        %dma_start3A_264 = arith.constant 0 : i32
        %dma_start3A_265 = arith.constant 0 : i32
        %dma_start3A_266 = tpu.memref_slice %arg6[%dma_start3A_263, %dma_start3A_264, %dma_start3A_265] : memref<4x2x128xi32, #tpu.memory_space<vmem>> -> memref<1x2x128xi32, #tpu.memory_space<vmem>>
        %dma_start3A_267 = tpu.memref_squeeze %dma_start3A_266 : memref<1x2x128xi32, #tpu.memory_space<vmem>> -> memref<2x128xi32, #tpu.memory_space<vmem>>
        %dma_start3A_268 = arith.constant 0 : i32
        %dma_start3A_269 = arith.constant 0 : i32
        %dma_start3A_270 = tpu.memref_slice %arg3[%add3A_262, %dma_start3A_268, %dma_start3A_269] : memref<2560x2x128xi32, #tpu.memory_space<hbm>> -> memref<1x2x128xi32, #tpu.memory_space<hbm>>
        %dma_start3A_271 = tpu.memref_squeeze %dma_start3A_270 : memref<1x2x128xi32, #tpu.memory_space<hbm>> -> memref<2x128xi32, #tpu.memory_space<hbm>>
        %dma_start3A_272 = arith.constant 0 : i32
        %dma_start3A_273 = arith.constant 0 : i32
        %dma_start3A_274 = tpu.memref_slice %arg6[%dma_start3A_263, %dma_start3A_272, %dma_start3A_273] : memref<4x2x128xi32, #tpu.memory_space<vmem>> -> memref<1x2x128xi32, #tpu.memory_space<vmem>>
        %dma_start3A_275 = tpu.memref_squeeze %dma_start3A_274 : memref<1x2x128xi32, #tpu.memory_space<vmem>> -> memref<2x128xi32, #tpu.memory_space<vmem>>
        %dma_start3A_276 = arith.constant 0 : i32
        %dma_start3A_277 = arith.constant 0 : i32
        %dma_start3A_278 = tpu.memref_slice %arg3[%add3A_262, %dma_start3A_276, %dma_start3A_277] : memref<2560x2x128xi32, #tpu.memory_space<hbm>> -> memref<1x2x128xi32, #tpu.memory_space<hbm>>
        %dma_start3A_279 = tpu.memref_squeeze %dma_start3A_278 : memref<1x2x128xi32, #tpu.memory_space<hbm>> -> memref<2x128xi32, #tpu.memory_space<hbm>>
        tpu.enqueue_dma source(%dma_start3A_279 : memref<2x128xi32, #tpu.memory_space<hbm>>) target(%dma_start3A_275 : memref<2x128xi32, #tpu.memory_space<vmem>>) target_semaphore(%arg12 : memref<!tpu.dma_semaphore, #tpu.memory_space<semaphore_mem>>)
      } else {
      }
      %add3A_142 = arith.constant 1 : i32
      %add3A_143 = arith.addi %add3A_138, %add3A_142 : i32
      %lt3A_144 = arith.cmpi slt, %add3A_143, %select_n3A_7 : i32
      %convert_element_type3A_145 = arith.extui %lt3A_144 : i1 to i32
      %cond3A_146 = arith.constant 0 : i32
      %cond3A_147 = arith.cmpi ne, %convert_element_type3A_145, %cond3A_146 : i32
      scf.if %cond3A_147 {
        %add3A_260 = arith.constant 1 : i32
        %add3A_261 = arith.addi %add3A_138, %add3A_260 : i32
        %add3A_262 = arith.addi %add3A, %add3A_261 : i32
        %dma_wait3A_263 = arith.constant 1 : i32
        %dma_wait3A_264 = arith.constant 0 : i32
        %dma_wait3A_265 = arith.constant 0 : i32
        %dma_wait3A_266 = tpu.memref_slice %arg6[%dma_wait3A_263, %dma_wait3A_264, %dma_wait3A_265] : memref<4x2x128xi32, #tpu.memory_space<vmem>> -> memref<1x2x128xi32, #tpu.memory_space<vmem>>
        %dma_wait3A_267 = tpu.memref_squeeze %dma_wait3A_266 : memref<1x2x128xi32, #tpu.memory_space<vmem>> -> memref<2x128xi32, #tpu.memory_space<vmem>>
        %dma_wait3A_268 = arith.constant 0 : i32
        %dma_wait3A_269 = arith.constant 0 : i32
        %dma_wait3A_270 = tpu.memref_slice %arg3[%add3A_262, %dma_wait3A_268, %dma_wait3A_269] : memref<2560x2x128xi32, #tpu.memory_space<hbm>> -> memref<1x2x128xi32, #tpu.memory_space<hbm>>
        %dma_wait3A_271 = tpu.memref_squeeze %dma_wait3A_270 : memref<1x2x128xi32, #tpu.memory_space<hbm>> -> memref<2x128xi32, #tpu.memory_space<hbm>>
        %dma_wait3A_272 = arith.constant 0 : i32
        %dma_wait3A_273 = arith.constant 0 : i32
        %dma_wait3A_274 = tpu.memref_slice %arg6[%dma_wait3A_263, %dma_wait3A_272, %dma_wait3A_273] : memref<4x2x128xi32, #tpu.memory_space<vmem>> -> memref<1x2x128xi32, #tpu.memory_space<vmem>>
        %dma_wait3A_275 = tpu.memref_squeeze %dma_wait3A_274 : memref<1x2x128xi32, #tpu.memory_space<vmem>> -> memref<2x128xi32, #tpu.memory_space<vmem>>
        %dma_wait3A_276 = arith.constant 0 : i32
        %dma_wait3A_277 = arith.constant 0 : i32
        %dma_wait3A_278 = tpu.memref_slice %arg3[%add3A_262, %dma_wait3A_276, %dma_wait3A_277] : memref<2560x2x128xi32, #tpu.memory_space<hbm>> -> memref<1x2x128xi32, #tpu.memory_space<hbm>>
        %dma_wait3A_279 = tpu.memref_squeeze %dma_wait3A_278 : memref<1x2x128xi32, #tpu.memory_space<hbm>> -> memref<2x128xi32, #tpu.memory_space<hbm>>
        tpu.wait_dma2 semaphore(%arg10 : memref<!tpu.dma_semaphore, #tpu.memory_space<semaphore_mem>>) src(%dma_wait3A_279 : memref<2x128xi32, #tpu.memory_space<hbm>>) dst(%dma_wait3A_275 : memref<2x128xi32, #tpu.memory_space<vmem>>)
        %dma_start3A_280 = arith.constant 1 : i32
        %dma_start3A_281 = arith.constant 0 : i32
        %dma_start3A_282 = arith.constant 1 : i32
        %dma_start3A_283 = arith.constant 0 : i32
        %dma_start3A_284 = arith.constant 0 : i32
        %dma_start3A_285 = tpu.memref_slice %arg7[%dma_start3A_282, %dma_start3A_283, %dma_start3A_284] : memref<2x128x128xf32, #tpu.memory_space<vmem>> -> memref<1x128x128xf32, #tpu.memory_space<vmem>>
        %dma_start3A_286 = tpu.memref_squeeze %dma_start3A_285 : memref<1x128x128xf32, #tpu.memory_space<vmem>> -> memref<128x128xf32, #tpu.memory_space<vmem>>
        %dma_start3A_287 = arith.constant 0 : i32
        %dma_start3A_288 = tpu.memref_slice %arg6[%dma_start3A_280, %dma_start3A_281, %dma_start3A_287] : memref<4x2x128xi32, #tpu.memory_space<vmem>> -> memref<1x1x128xi32, #tpu.memory_space<vmem>>
        %dma_start3A_289 = tpu.memref_squeeze %dma_start3A_288 : memref<1x1x128xi32, #tpu.memory_space<vmem>> -> memref<128xi32, #tpu.memory_space<vmem>>
        %dma_start3A_290 = arith.constant 0 : i32
        %dma_start3A_291 = arith.constant 0 : i32
        %dma_start3A_292 = tpu.memref_slice %arg2[%dma_start3A_290, %dma_start3A_291] : memref<10240x128xf32, #tpu.memory_space<hbm>> -> memref<10240x128xf32, #tpu.memory_space<hbm>>
        tpu.enqueue_indirect_dma source(%dma_start3A_292 : memref<10240x128xf32, #tpu.memory_space<hbm>>) target(%dma_start3A_286 : memref<128x128xf32, #tpu.memory_space<vmem>>) offsets(%dma_start3A_289 : memref<128xi32, #tpu.memory_space<vmem>>) semaphore(%arg14 : memref<!tpu.dma_semaphore, #tpu.memory_space<semaphore_mem>>)
      } else {
      }
      %dma_wait3A_148 = arith.constant 0 : i32
      %dma_wait3A_149 = arith.constant 0 : i32
      %dma_wait3A_150 = arith.constant 0 : i32
      %dma_wait3A_151 = arith.constant 0 : i32
      %dma_wait3A_152 = arith.constant 0 : i32
      %dma_wait3A_153 = tpu.memref_slice %arg7[%dma_wait3A_150, %dma_wait3A_151, %dma_wait3A_152] : memref<2x128x128xf32, #tpu.memory_space<vmem>> -> memref<1x128x128xf32, #tpu.memory_space<vmem>>
      %dma_wait3A_154 = tpu.memref_squeeze %dma_wait3A_153 : memref<1x128x128xf32, #tpu.memory_space<vmem>> -> memref<128x128xf32, #tpu.memory_space<vmem>>
      %dma_wait3A_155 = arith.constant 0 : i32
      %dma_wait3A_156 = tpu.memref_slice %arg6[%dma_wait3A_148, %dma_wait3A_149, %dma_wait3A_155] : memref<4x2x128xi32, #tpu.memory_space<vmem>> -> memref<1x1x128xi32, #tpu.memory_space<vmem>>
      %dma_wait3A_157 = tpu.memref_squeeze %dma_wait3A_156 : memref<1x1x128xi32, #tpu.memory_space<vmem>> -> memref<128xi32, #tpu.memory_space<vmem>>
      %dma_wait3A_158 = arith.constant 0 : i32
      %dma_wait3A_159 = arith.constant 0 : i32
      %dma_wait3A_160 = tpu.memref_slice %arg2[%dma_wait3A_158, %dma_wait3A_159] : memref<10240x128xf32, #tpu.memory_space<hbm>> -> memref<10240x128xf32, #tpu.memory_space<hbm>>
      tpu.wait_indirect_dma semaphore(%arg13 : memref<!tpu.dma_semaphore, #tpu.memory_space<semaphore_mem>>) src(%dma_wait3A_160 : memref<10240x128xf32, #tpu.memory_space<hbm>>) dst(%dma_wait3A_154 : memref<128x128xf32, #tpu.memory_space<vmem>>)
      %run_scoped3A_161 = arith.constant 0 : i32
      %run_scoped3A_162 = arith.constant 0 : i32
      %run_scoped3A_163 = arith.constant 1 : i32
      "tpu.region"() ({
        %run_scoped3A_260 = tpu.sem_alloc : memref<!tpu.dma_semaphore, #tpu.memory_space<semaphore_mem>>
        %dma_start3A_261 = arith.constant 0 : i32
        %dma_start3A_262 = arith.constant 0 : i32
        %dma_start3A_263 = tpu.memref_slice %arg7[%run_scoped3A_161, %dma_start3A_261, %dma_start3A_262] : memref<2x128x128xf32, #tpu.memory_space<vmem>> -> memref<1x128x128xf32, #tpu.memory_space<vmem>>
        %dma_start3A_264 = tpu.memref_squeeze %dma_start3A_263 : memref<1x128x128xf32, #tpu.memory_space<vmem>> -> memref<128x128xf32, #tpu.memory_space<vmem>>
        %dma_start3A_265 = arith.constant 0 : i32
        %dma_start3A_266 = tpu.memref_slice %arg6[%run_scoped3A_162, %run_scoped3A_163, %dma_start3A_265] : memref<4x2x128xi32, #tpu.memory_space<vmem>> -> memref<1x1x128xi32, #tpu.memory_space<vmem>>
        %dma_start3A_267 = tpu.memref_squeeze %dma_start3A_266 : memref<1x1x128xi32, #tpu.memory_space<vmem>> -> memref<128xi32, #tpu.memory_space<vmem>>
        %dma_start3A_268 = arith.constant 0 : i32
        %dma_start3A_269 = arith.constant 0 : i32
        %dma_start3A_270 = tpu.memref_slice %arg8[%dma_start3A_268, %dma_start3A_269] : memref<10240x128xf32, #tpu.memory_space<vmem_shared>> -> memref<10240x128xf32, #tpu.memory_space<vmem_shared>>
        tpu.enqueue_indirect_dma source(%dma_start3A_264 : memref<128x128xf32, #tpu.memory_space<vmem>>) target(%dma_start3A_270 : memref<10240x128xf32, #tpu.memory_space<vmem_shared>>) offsets(%dma_start3A_267 : memref<128xi32, #tpu.memory_space<vmem>>) semaphore(%run_scoped3A_260 : memref<!tpu.dma_semaphore, #tpu.memory_space<semaphore_mem>>) {add = true}
        %dma_wait3A_271 = arith.constant 0 : i32
        %dma_wait3A_272 = arith.constant 0 : i32
        %dma_wait3A_273 = tpu.memref_slice %arg7[%run_scoped3A_161, %dma_wait3A_271, %dma_wait3A_272] : memref<2x128x128xf32, #tpu.memory_space<vmem>> -> memref<1x128x128xf32, #tpu.memory_space<vmem>>
        %dma_wait3A_274 = tpu.memref_squeeze %dma_wait3A_273 : memref<1x128x128xf32, #tpu.memory_space<vmem>> -> memref<128x128xf32, #tpu.memory_space<vmem>>
        %dma_wait3A_275 = arith.constant 0 : i32
        %dma_wait3A_276 = tpu.memref_slice %arg6[%run_scoped3A_162, %run_scoped3A_163, %dma_wait3A_275] : memref<4x2x128xi32, #tpu.memory_space<vmem>> -> memref<1x1x128xi32, #tpu.memory_space<vmem>>
        %dma_wait3A_277 = tpu.memref_squeeze %dma_wait3A_276 : memref<1x1x128xi32, #tpu.memory_space<vmem>> -> memref<128xi32, #tpu.memory_space<vmem>>
        %dma_wait3A_278 = arith.constant 0 : i32
        %dma_wait3A_279 = arith.constant 0 : i32
        %dma_wait3A_280 = tpu.memref_slice %arg8[%dma_wait3A_278, %dma_wait3A_279] : memref<10240x128xf32, #tpu.memory_space<vmem_shared>> -> memref<10240x128xf32, #tpu.memory_space<vmem_shared>>
        tpu.wait_indirect_dma semaphore(%run_scoped3A_260 : memref<!tpu.dma_semaphore, #tpu.memory_space<semaphore_mem>>) src(%dma_wait3A_274 : memref<128x128xf32, #tpu.memory_space<vmem>>) dst(%dma_wait3A_280 : memref<10240x128xf32, #tpu.memory_space<vmem_shared>>)
        tpu.yield
      }) : () -> ()
      %mul3A_164 = arith.constant 4 : i32
      %mul3A_165 = arith.muli %while3A_134, %mul3A_164 : i32
      %add3A_166 = arith.constant 1 : i32
      %add3A_167 = arith.addi %mul3A_165, %add3A_166 : i32
      %add3A_168 = arith.constant 3 : i32
      %add3A_169 = arith.addi %add3A_167, %add3A_168 : i32
      %lt3A_170 = arith.cmpi slt, %add3A_169, %select_n3A_7 : i32
      %convert_element_type3A_171 = arith.extui %lt3A_170 : i1 to i32
      %cond3A_172 = arith.constant 0 : i32
      %cond3A_173 = arith.cmpi ne, %convert_element_type3A_171, %cond3A_172 : i32
      scf.if %cond3A_173 {
        %add3A_260 = arith.constant 3 : i32
        %add3A_261 = arith.addi %add3A_167, %add3A_260 : i32
        %add3A_262 = arith.addi %add3A, %add3A_261 : i32
        %dma_start3A_263 = arith.constant 0 : i32
        %dma_start3A_264 = arith.constant 0 : i32
        %dma_start3A_265 = arith.constant 0 : i32
        %dma_start3A_266 = tpu.memref_slice %arg6[%dma_start3A_263, %dma_start3A_264, %dma_start3A_265] : memref<4x2x128xi32, #tpu.memory_space<vmem>> -> memref<1x2x128xi32, #tpu.memory_space<vmem>>
        %dma_start3A_267 = tpu.memref_squeeze %dma_start3A_266 : memref<1x2x128xi32, #tpu.memory_space<vmem>> -> memref<2x128xi32, #tpu.memory_space<vmem>>
        %dma_start3A_268 = arith.constant 0 : i32
        %dma_start3A_269 = arith.constant 0 : i32
        %dma_start3A_270 = tpu.memref_slice %arg3[%add3A_262, %dma_start3A_268, %dma_start3A_269] : memref<2560x2x128xi32, #tpu.memory_space<hbm>> -> memref<1x2x128xi32, #tpu.memory_space<hbm>>
        %dma_start3A_271 = tpu.memref_squeeze %dma_start3A_270 : memref<1x2x128xi32, #tpu.memory_space<hbm>> -> memref<2x128xi32, #tpu.memory_space<hbm>>
        %dma_start3A_272 = arith.constant 0 : i32
        %dma_start3A_273 = arith.constant 0 : i32
        %dma_start3A_274 = tpu.memref_slice %arg6[%dma_start3A_263, %dma_start3A_272, %dma_start3A_273] : memref<4x2x128xi32, #tpu.memory_space<vmem>> -> memref<1x2x128xi32, #tpu.memory_space<vmem>>
        %dma_start3A_275 = tpu.memref_squeeze %dma_start3A_274 : memref<1x2x128xi32, #tpu.memory_space<vmem>> -> memref<2x128xi32, #tpu.memory_space<vmem>>
        %dma_start3A_276 = arith.constant 0 : i32
        %dma_start3A_277 = arith.constant 0 : i32
        %dma_start3A_278 = tpu.memref_slice %arg3[%add3A_262, %dma_start3A_276, %dma_start3A_277] : memref<2560x2x128xi32, #tpu.memory_space<hbm>> -> memref<1x2x128xi32, #tpu.memory_space<hbm>>
        %dma_start3A_279 = tpu.memref_squeeze %dma_start3A_278 : memref<1x2x128xi32, #tpu.memory_space<hbm>> -> memref<2x128xi32, #tpu.memory_space<hbm>>
        tpu.enqueue_dma source(%dma_start3A_279 : memref<2x128xi32, #tpu.memory_space<hbm>>) target(%dma_start3A_275 : memref<2x128xi32, #tpu.memory_space<vmem>>) target_semaphore(%arg9 : memref<!tpu.dma_semaphore, #tpu.memory_space<semaphore_mem>>)
      } else {
      }
      %add3A_174 = arith.constant 1 : i32
      %add3A_175 = arith.addi %add3A_167, %add3A_174 : i32
      %lt3A_176 = arith.cmpi slt, %add3A_175, %select_n3A_7 : i32
      %convert_element_type3A_177 = arith.extui %lt3A_176 : i1 to i32
      %cond3A_178 = arith.constant 0 : i32
      %cond3A_179 = arith.cmpi ne, %convert_element_type3A_177, %cond3A_178 : i32
      scf.if %cond3A_179 {
        %add3A_260 = arith.constant 1 : i32
        %add3A_261 = arith.addi %add3A_167, %add3A_260 : i32
        %add3A_262 = arith.addi %add3A, %add3A_261 : i32
        %dma_wait3A_263 = arith.constant 2 : i32
        %dma_wait3A_264 = arith.constant 0 : i32
        %dma_wait3A_265 = arith.constant 0 : i32
        %dma_wait3A_266 = tpu.memref_slice %arg6[%dma_wait3A_263, %dma_wait3A_264, %dma_wait3A_265] : memref<4x2x128xi32, #tpu.memory_space<vmem>> -> memref<1x2x128xi32, #tpu.memory_space<vmem>>
        %dma_wait3A_267 = tpu.memref_squeeze %dma_wait3A_266 : memref<1x2x128xi32, #tpu.memory_space<vmem>> -> memref<2x128xi32, #tpu.memory_space<vmem>>
        %dma_wait3A_268 = arith.constant 0 : i32
        %dma_wait3A_269 = arith.constant 0 : i32
        %dma_wait3A_270 = tpu.memref_slice %arg3[%add3A_262, %dma_wait3A_268, %dma_wait3A_269] : memref<2560x2x128xi32, #tpu.memory_space<hbm>> -> memref<1x2x128xi32, #tpu.memory_space<hbm>>
        %dma_wait3A_271 = tpu.memref_squeeze %dma_wait3A_270 : memref<1x2x128xi32, #tpu.memory_space<hbm>> -> memref<2x128xi32, #tpu.memory_space<hbm>>
        %dma_wait3A_272 = arith.constant 0 : i32
        %dma_wait3A_273 = arith.constant 0 : i32
        %dma_wait3A_274 = tpu.memref_slice %arg6[%dma_wait3A_263, %dma_wait3A_272, %dma_wait3A_273] : memref<4x2x128xi32, #tpu.memory_space<vmem>> -> memref<1x2x128xi32, #tpu.memory_space<vmem>>
        %dma_wait3A_275 = tpu.memref_squeeze %dma_wait3A_274 : memref<1x2x128xi32, #tpu.memory_space<vmem>> -> memref<2x128xi32, #tpu.memory_space<vmem>>
        %dma_wait3A_276 = arith.constant 0 : i32
        %dma_wait3A_277 = arith.constant 0 : i32
        %dma_wait3A_278 = tpu.memref_slice %arg3[%add3A_262, %dma_wait3A_276, %dma_wait3A_277] : memref<2560x2x128xi32, #tpu.memory_space<hbm>> -> memref<1x2x128xi32, #tpu.memory_space<hbm>>
        %dma_wait3A_279 = tpu.memref_squeeze %dma_wait3A_278 : memref<1x2x128xi32, #tpu.memory_space<hbm>> -> memref<2x128xi32, #tpu.memory_space<hbm>>
        tpu.wait_dma2 semaphore(%arg11 : memref<!tpu.dma_semaphore, #tpu.memory_space<semaphore_mem>>) src(%dma_wait3A_279 : memref<2x128xi32, #tpu.memory_space<hbm>>) dst(%dma_wait3A_275 : memref<2x128xi32, #tpu.memory_space<vmem>>)
        %dma_start3A_280 = arith.constant 2 : i32
        %dma_start3A_281 = arith.constant 0 : i32
        %dma_start3A_282 = arith.constant 0 : i32
        %dma_start3A_283 = arith.constant 0 : i32
        %dma_start3A_284 = arith.constant 0 : i32
        %dma_start3A_285 = tpu.memref_slice %arg7[%dma_start3A_282, %dma_start3A_283, %dma_start3A_284] : memref<2x128x128xf32, #tpu.memory_space<vmem>> -> memref<1x128x128xf32, #tpu.memory_space<vmem>>
        %dma_start3A_286 = tpu.memref_squeeze %dma_start3A_285 : memref<1x128x128xf32, #tpu.memory_space<vmem>> -> memref<128x128xf32, #tpu.memory_space<vmem>>
        %dma_start3A_287 = arith.constant 0 : i32
        %dma_start3A_288 = tpu.memref_slice %arg6[%dma_start3A_280, %dma_start3A_281, %dma_start3A_287] : memref<4x2x128xi32, #tpu.memory_space<vmem>> -> memref<1x1x128xi32, #tpu.memory_space<vmem>>
        %dma_start3A_289 = tpu.memref_squeeze %dma_start3A_288 : memref<1x1x128xi32, #tpu.memory_space<vmem>> -> memref<128xi32, #tpu.memory_space<vmem>>
        %dma_start3A_290 = arith.constant 0 : i32
        %dma_start3A_291 = arith.constant 0 : i32
        %dma_start3A_292 = tpu.memref_slice %arg2[%dma_start3A_290, %dma_start3A_291] : memref<10240x128xf32, #tpu.memory_space<hbm>> -> memref<10240x128xf32, #tpu.memory_space<hbm>>
        tpu.enqueue_indirect_dma source(%dma_start3A_292 : memref<10240x128xf32, #tpu.memory_space<hbm>>) target(%dma_start3A_286 : memref<128x128xf32, #tpu.memory_space<vmem>>) offsets(%dma_start3A_289 : memref<128xi32, #tpu.memory_space<vmem>>) semaphore(%arg13 : memref<!tpu.dma_semaphore, #tpu.memory_space<semaphore_mem>>)
      } else {
      }
      %dma_wait3A_180 = arith.constant 1 : i32
      %dma_wait3A_181 = arith.constant 0 : i32
      %dma_wait3A_182 = arith.constant 1 : i32
      %dma_wait3A_183 = arith.constant 0 : i32
      %dma_wait3A_184 = arith.constant 0 : i32
      %dma_wait3A_185 = tpu.memref_slice %arg7[%dma_wait3A_182, %dma_wait3A_183, %dma_wait3A_184] : memref<2x128x128xf32, #tpu.memory_space<vmem>> -> memref<1x128x128xf32, #tpu.memory_space<vmem>>
      %dma_wait3A_186 = tpu.memref_squeeze %dma_wait3A_185 : memref<1x128x128xf32, #tpu.memory_space<vmem>> -> memref<128x128xf32, #tpu.memory_space<vmem>>
      %dma_wait3A_187 = arith.constant 0 : i32
      %dma_wait3A_188 = tpu.memref_slice %arg6[%dma_wait3A_180, %dma_wait3A_181, %dma_wait3A_187] : memref<4x2x128xi32, #tpu.memory_space<vmem>> -> memref<1x1x128xi32, #tpu.memory_space<vmem>>
      %dma_wait3A_189 = tpu.memref_squeeze %dma_wait3A_188 : memref<1x1x128xi32, #tpu.memory_space<vmem>> -> memref<128xi32, #tpu.memory_space<vmem>>
      %dma_wait3A_190 = arith.constant 0 : i32
      %dma_wait3A_191 = arith.constant 0 : i32
      %dma_wait3A_192 = tpu.memref_slice %arg2[%dma_wait3A_190, %dma_wait3A_191] : memref<10240x128xf32, #tpu.memory_space<hbm>> -> memref<10240x128xf32, #tpu.memory_space<hbm>>
      tpu.wait_indirect_dma semaphore(%arg14 : memref<!tpu.dma_semaphore, #tpu.memory_space<semaphore_mem>>) src(%dma_wait3A_192 : memref<10240x128xf32, #tpu.memory_space<hbm>>) dst(%dma_wait3A_186 : memref<128x128xf32, #tpu.memory_space<vmem>>)
      %run_scoped3A_193 = arith.constant 1 : i32
      %run_scoped3A_194 = arith.constant 1 : i32
      %run_scoped3A_195 = arith.constant 1 : i32
      "tpu.region"() ({
        %run_scoped3A_260 = tpu.sem_alloc : memref<!tpu.dma_semaphore, #tpu.memory_space<semaphore_mem>>
        %dma_start3A_261 = arith.constant 0 : i32
        %dma_start3A_262 = arith.constant 0 : i32
        %dma_start3A_263 = tpu.memref_slice %arg7[%run_scoped3A_193, %dma_start3A_261, %dma_start3A_262] : memref<2x128x128xf32, #tpu.memory_space<vmem>> -> memref<1x128x128xf32, #tpu.memory_space<vmem>>
        %dma_start3A_264 = tpu.memref_squeeze %dma_start3A_263 : memref<1x128x128xf32, #tpu.memory_space<vmem>> -> memref<128x128xf32, #tpu.memory_space<vmem>>
        %dma_start3A_265 = arith.constant 0 : i32
        %dma_start3A_266 = tpu.memref_slice %arg6[%run_scoped3A_194, %run_scoped3A_195, %dma_start3A_265] : memref<4x2x128xi32, #tpu.memory_space<vmem>> -> memref<1x1x128xi32, #tpu.memory_space<vmem>>
        %dma_start3A_267 = tpu.memref_squeeze %dma_start3A_266 : memref<1x1x128xi32, #tpu.memory_space<vmem>> -> memref<128xi32, #tpu.memory_space<vmem>>
        %dma_start3A_268 = arith.constant 0 : i32
        %dma_start3A_269 = arith.constant 0 : i32
        %dma_start3A_270 = tpu.memref_slice %arg8[%dma_start3A_268, %dma_start3A_269] : memref<10240x128xf32, #tpu.memory_space<vmem_shared>> -> memref<10240x128xf32, #tpu.memory_space<vmem_shared>>
        tpu.enqueue_indirect_dma source(%dma_start3A_264 : memref<128x128xf32, #tpu.memory_space<vmem>>) target(%dma_start3A_270 : memref<10240x128xf32, #tpu.memory_space<vmem_shared>>) offsets(%dma_start3A_267 : memref<128xi32, #tpu.memory_space<vmem>>) semaphore(%run_scoped3A_260 : memref<!tpu.dma_semaphore, #tpu.memory_space<semaphore_mem>>) {add = true}
        %dma_wait3A_271 = arith.constant 0 : i32
        %dma_wait3A_272 = arith.constant 0 : i32
        %dma_wait3A_273 = tpu.memref_slice %arg7[%run_scoped3A_193, %dma_wait3A_271, %dma_wait3A_272] : memref<2x128x128xf32, #tpu.memory_space<vmem>> -> memref<1x128x128xf32, #tpu.memory_space<vmem>>
        %dma_wait3A_274 = tpu.memref_squeeze %dma_wait3A_273 : memref<1x128x128xf32, #tpu.memory_space<vmem>> -> memref<128x128xf32, #tpu.memory_space<vmem>>
        %dma_wait3A_275 = arith.constant 0 : i32
        %dma_wait3A_276 = tpu.memref_slice %arg6[%run_scoped3A_194, %run_scoped3A_195, %dma_wait3A_275] : memref<4x2x128xi32, #tpu.memory_space<vmem>> -> memref<1x1x128xi32, #tpu.memory_space<vmem>>
        %dma_wait3A_277 = tpu.memref_squeeze %dma_wait3A_276 : memref<1x1x128xi32, #tpu.memory_space<vmem>> -> memref<128xi32, #tpu.memory_space<vmem>>
        %dma_wait3A_278 = arith.constant 0 : i32
        %dma_wait3A_279 = arith.constant 0 : i32
        %dma_wait3A_280 = tpu.memref_slice %arg8[%dma_wait3A_278, %dma_wait3A_279] : memref<10240x128xf32, #tpu.memory_space<vmem_shared>> -> memref<10240x128xf32, #tpu.memory_space<vmem_shared>>
        tpu.wait_indirect_dma semaphore(%run_scoped3A_260 : memref<!tpu.dma_semaphore, #tpu.memory_space<semaphore_mem>>) src(%dma_wait3A_274 : memref<128x128xf32, #tpu.memory_space<vmem>>) dst(%dma_wait3A_280 : memref<10240x128xf32, #tpu.memory_space<vmem_shared>>)
        tpu.yield
      }) : () -> ()
      %mul3A_196 = arith.constant 4 : i32
      %mul3A_197 = arith.muli %while3A_134, %mul3A_196 : i32
      %add3A_198 = arith.constant 2 : i32
      %add3A_199 = arith.addi %mul3A_197, %add3A_198 : i32
      %add3A_200 = arith.constant 3 : i32
      %add3A_201 = arith.addi %add3A_199, %add3A_200 : i32
      %lt3A_202 = arith.cmpi slt, %add3A_201, %select_n3A_7 : i32
      %convert_element_type3A_203 = arith.extui %lt3A_202 : i1 to i32
      %cond3A_204 = arith.constant 0 : i32
      %cond3A_205 = arith.cmpi ne, %convert_element_type3A_203, %cond3A_204 : i32
      scf.if %cond3A_205 {
        %add3A_260 = arith.constant 3 : i32
        %add3A_261 = arith.addi %add3A_199, %add3A_260 : i32
        %add3A_262 = arith.addi %add3A, %add3A_261 : i32
        %dma_start3A_263 = arith.constant 1 : i32
        %dma_start3A_264 = arith.constant 0 : i32
        %dma_start3A_265 = arith.constant 0 : i32
        %dma_start3A_266 = tpu.memref_slice %arg6[%dma_start3A_263, %dma_start3A_264, %dma_start3A_265] : memref<4x2x128xi32, #tpu.memory_space<vmem>> -> memref<1x2x128xi32, #tpu.memory_space<vmem>>
        %dma_start3A_267 = tpu.memref_squeeze %dma_start3A_266 : memref<1x2x128xi32, #tpu.memory_space<vmem>> -> memref<2x128xi32, #tpu.memory_space<vmem>>
        %dma_start3A_268 = arith.constant 0 : i32
        %dma_start3A_269 = arith.constant 0 : i32
        %dma_start3A_270 = tpu.memref_slice %arg3[%add3A_262, %dma_start3A_268, %dma_start3A_269] : memref<2560x2x128xi32, #tpu.memory_space<hbm>> -> memref<1x2x128xi32, #tpu.memory_space<hbm>>
        %dma_start3A_271 = tpu.memref_squeeze %dma_start3A_270 : memref<1x2x128xi32, #tpu.memory_space<hbm>> -> memref<2x128xi32, #tpu.memory_space<hbm>>
        %dma_start3A_272 = arith.constant 0 : i32
        %dma_start3A_273 = arith.constant 0 : i32
        %dma_start3A_274 = tpu.memref_slice %arg6[%dma_start3A_263, %dma_start3A_272, %dma_start3A_273] : memref<4x2x128xi32, #tpu.memory_space<vmem>> -> memref<1x2x128xi32, #tpu.memory_space<vmem>>
        %dma_start3A_275 = tpu.memref_squeeze %dma_start3A_274 : memref<1x2x128xi32, #tpu.memory_space<vmem>> -> memref<2x128xi32, #tpu.memory_space<vmem>>
        %dma_start3A_276 = arith.constant 0 : i32
        %dma_start3A_277 = arith.constant 0 : i32
        %dma_start3A_278 = tpu.memref_slice %arg3[%add3A_262, %dma_start3A_276, %dma_start3A_277] : memref<2560x2x128xi32, #tpu.memory_space<hbm>> -> memref<1x2x128xi32, #tpu.memory_space<hbm>>
        %dma_start3A_279 = tpu.memref_squeeze %dma_start3A_278 : memref<1x2x128xi32, #tpu.memory_space<hbm>> -> memref<2x128xi32, #tpu.memory_space<hbm>>
        tpu.enqueue_dma source(%dma_start3A_279 : memref<2x128xi32, #tpu.memory_space<hbm>>) target(%dma_start3A_275 : memref<2x128xi32, #tpu.memory_space<vmem>>) target_semaphore(%arg10 : memref<!tpu.dma_semaphore, #tpu.memory_space<semaphore_mem>>)
      } else {
      }
      %add3A_206 = arith.constant 1 : i32
      %add3A_207 = arith.addi %add3A_199, %add3A_206 : i32
      %lt3A_208 = arith.cmpi slt, %add3A_207, %select_n3A_7 : i32
      %convert_element_type3A_209 = arith.extui %lt3A_208 : i1 to i32
      %cond3A_210 = arith.constant 0 : i32
      %cond3A_211 = arith.cmpi ne, %convert_element_type3A_209, %cond3A_210 : i32
      scf.if %cond3A_211 {
        %add3A_260 = arith.constant 1 : i32
        %add3A_261 = arith.addi %add3A_199, %add3A_260 : i32
        %add3A_262 = arith.addi %add3A, %add3A_261 : i32
        %dma_wait3A_263 = arith.constant 3 : i32
        %dma_wait3A_264 = arith.constant 0 : i32
        %dma_wait3A_265 = arith.constant 0 : i32
        %dma_wait3A_266 = tpu.memref_slice %arg6[%dma_wait3A_263, %dma_wait3A_264, %dma_wait3A_265] : memref<4x2x128xi32, #tpu.memory_space<vmem>> -> memref<1x2x128xi32, #tpu.memory_space<vmem>>
        %dma_wait3A_267 = tpu.memref_squeeze %dma_wait3A_266 : memref<1x2x128xi32, #tpu.memory_space<vmem>> -> memref<2x128xi32, #tpu.memory_space<vmem>>
        %dma_wait3A_268 = arith.constant 0 : i32
        %dma_wait3A_269 = arith.constant 0 : i32
        %dma_wait3A_270 = tpu.memref_slice %arg3[%add3A_262, %dma_wait3A_268, %dma_wait3A_269] : memref<2560x2x128xi32, #tpu.memory_space<hbm>> -> memref<1x2x128xi32, #tpu.memory_space<hbm>>
        %dma_wait3A_271 = tpu.memref_squeeze %dma_wait3A_270 : memref<1x2x128xi32, #tpu.memory_space<hbm>> -> memref<2x128xi32, #tpu.memory_space<hbm>>
        %dma_wait3A_272 = arith.constant 0 : i32
        %dma_wait3A_273 = arith.constant 0 : i32
        %dma_wait3A_274 = tpu.memref_slice %arg6[%dma_wait3A_263, %dma_wait3A_272, %dma_wait3A_273] : memref<4x2x128xi32, #tpu.memory_space<vmem>> -> memref<1x2x128xi32, #tpu.memory_space<vmem>>
        %dma_wait3A_275 = tpu.memref_squeeze %dma_wait3A_274 : memref<1x2x128xi32, #tpu.memory_space<vmem>> -> memref<2x128xi32, #tpu.memory_space<vmem>>
        %dma_wait3A_276 = arith.constant 0 : i32
        %dma_wait3A_277 = arith.constant 0 : i32
        %dma_wait3A_278 = tpu.memref_slice %arg3[%add3A_262, %dma_wait3A_276, %dma_wait3A_277] : memref<2560x2x128xi32, #tpu.memory_space<hbm>> -> memref<1x2x128xi32, #tpu.memory_space<hbm>>
        %dma_wait3A_279 = tpu.memref_squeeze %dma_wait3A_278 : memref<1x2x128xi32, #tpu.memory_space<hbm>> -> memref<2x128xi32, #tpu.memory_space<hbm>>
        tpu.wait_dma2 semaphore(%arg12 : memref<!tpu.dma_semaphore, #tpu.memory_space<semaphore_mem>>) src(%dma_wait3A_279 : memref<2x128xi32, #tpu.memory_space<hbm>>) dst(%dma_wait3A_275 : memref<2x128xi32, #tpu.memory_space<vmem>>)
        %dma_start3A_280 = arith.constant 3 : i32
        %dma_start3A_281 = arith.constant 0 : i32
        %dma_start3A_282 = arith.constant 1 : i32
        %dma_start3A_283 = arith.constant 0 : i32
        %dma_start3A_284 = arith.constant 0 : i32
        %dma_start3A_285 = tpu.memref_slice %arg7[%dma_start3A_282, %dma_start3A_283, %dma_start3A_284] : memref<2x128x128xf32, #tpu.memory_space<vmem>> -> memref<1x128x128xf32, #tpu.memory_space<vmem>>
        %dma_start3A_286 = tpu.memref_squeeze %dma_start3A_285 : memref<1x128x128xf32, #tpu.memory_space<vmem>> -> memref<128x128xf32, #tpu.memory_space<vmem>>
        %dma_start3A_287 = arith.constant 0 : i32
        %dma_start3A_288 = tpu.memref_slice %arg6[%dma_start3A_280, %dma_start3A_281, %dma_start3A_287] : memref<4x2x128xi32, #tpu.memory_space<vmem>> -> memref<1x1x128xi32, #tpu.memory_space<vmem>>
        %dma_start3A_289 = tpu.memref_squeeze %dma_start3A_288 : memref<1x1x128xi32, #tpu.memory_space<vmem>> -> memref<128xi32, #tpu.memory_space<vmem>>
        %dma_start3A_290 = arith.constant 0 : i32
        %dma_start3A_291 = arith.constant 0 : i32
        %dma_start3A_292 = tpu.memref_slice %arg2[%dma_start3A_290, %dma_start3A_291] : memref<10240x128xf32, #tpu.memory_space<hbm>> -> memref<10240x128xf32, #tpu.memory_space<hbm>>
        tpu.enqueue_indirect_dma source(%dma_start3A_292 : memref<10240x128xf32, #tpu.memory_space<hbm>>) target(%dma_start3A_286 : memref<128x128xf32, #tpu.memory_space<vmem>>) offsets(%dma_start3A_289 : memref<128xi32, #tpu.memory_space<vmem>>) semaphore(%arg14 : memref<!tpu.dma_semaphore, #tpu.memory_space<semaphore_mem>>)
      } else {
      }
      %dma_wait3A_212 = arith.constant 2 : i32
      %dma_wait3A_213 = arith.constant 0 : i32
      %dma_wait3A_214 = arith.constant 0 : i32
      %dma_wait3A_215 = arith.constant 0 : i32
      %dma_wait3A_216 = arith.constant 0 : i32
      %dma_wait3A_217 = tpu.memref_slice %arg7[%dma_wait3A_214, %dma_wait3A_215, %dma_wait3A_216] : memref<2x128x128xf32, #tpu.memory_space<vmem>> -> memref<1x128x128xf32, #tpu.memory_space<vmem>>
      %dma_wait3A_218 = tpu.memref_squeeze %dma_wait3A_217 : memref<1x128x128xf32, #tpu.memory_space<vmem>> -> memref<128x128xf32, #tpu.memory_space<vmem>>
      %dma_wait3A_219 = arith.constant 0 : i32
      %dma_wait3A_220 = tpu.memref_slice %arg6[%dma_wait3A_212, %dma_wait3A_213, %dma_wait3A_219] : memref<4x2x128xi32, #tpu.memory_space<vmem>> -> memref<1x1x128xi32, #tpu.memory_space<vmem>>
      %dma_wait3A_221 = tpu.memref_squeeze %dma_wait3A_220 : memref<1x1x128xi32, #tpu.memory_space<vmem>> -> memref<128xi32, #tpu.memory_space<vmem>>
      %dma_wait3A_222 = arith.constant 0 : i32
      %dma_wait3A_223 = arith.constant 0 : i32
      %dma_wait3A_224 = tpu.memref_slice %arg2[%dma_wait3A_222, %dma_wait3A_223] : memref<10240x128xf32, #tpu.memory_space<hbm>> -> memref<10240x128xf32, #tpu.memory_space<hbm>>
      tpu.wait_indirect_dma semaphore(%arg13 : memref<!tpu.dma_semaphore, #tpu.memory_space<semaphore_mem>>) src(%dma_wait3A_224 : memref<10240x128xf32, #tpu.memory_space<hbm>>) dst(%dma_wait3A_218 : memref<128x128xf32, #tpu.memory_space<vmem>>)
      %run_scoped3A_225 = arith.constant 0 : i32
      %run_scoped3A_226 = arith.constant 2 : i32
      %run_scoped3A_227 = arith.constant 1 : i32
      "tpu.region"() ({
        %run_scoped3A_260 = tpu.sem_alloc : memref<!tpu.dma_semaphore, #tpu.memory_space<semaphore_mem>>
        %dma_start3A_261 = arith.constant 0 : i32
        %dma_start3A_262 = arith.constant 0 : i32
        %dma_start3A_263 = tpu.memref_slice %arg7[%run_scoped3A_225, %dma_start3A_261, %dma_start3A_262] : memref<2x128x128xf32, #tpu.memory_space<vmem>> -> memref<1x128x128xf32, #tpu.memory_space<vmem>>
        %dma_start3A_264 = tpu.memref_squeeze %dma_start3A_263 : memref<1x128x128xf32, #tpu.memory_space<vmem>> -> memref<128x128xf32, #tpu.memory_space<vmem>>
        %dma_start3A_265 = arith.constant 0 : i32
        %dma_start3A_266 = tpu.memref_slice %arg6[%run_scoped3A_226, %run_scoped3A_227, %dma_start3A_265] : memref<4x2x128xi32, #tpu.memory_space<vmem>> -> memref<1x1x128xi32, #tpu.memory_space<vmem>>
        %dma_start3A_267 = tpu.memref_squeeze %dma_start3A_266 : memref<1x1x128xi32, #tpu.memory_space<vmem>> -> memref<128xi32, #tpu.memory_space<vmem>>
        %dma_start3A_268 = arith.constant 0 : i32
        %dma_start3A_269 = arith.constant 0 : i32
        %dma_start3A_270 = tpu.memref_slice %arg8[%dma_start3A_268, %dma_start3A_269] : memref<10240x128xf32, #tpu.memory_space<vmem_shared>> -> memref<10240x128xf32, #tpu.memory_space<vmem_shared>>
        tpu.enqueue_indirect_dma source(%dma_start3A_264 : memref<128x128xf32, #tpu.memory_space<vmem>>) target(%dma_start3A_270 : memref<10240x128xf32, #tpu.memory_space<vmem_shared>>) offsets(%dma_start3A_267 : memref<128xi32, #tpu.memory_space<vmem>>) semaphore(%run_scoped3A_260 : memref<!tpu.dma_semaphore, #tpu.memory_space<semaphore_mem>>) {add = true}
        %dma_wait3A_271 = arith.constant 0 : i32
        %dma_wait3A_272 = arith.constant 0 : i32
        %dma_wait3A_273 = tpu.memref_slice %arg7[%run_scoped3A_225, %dma_wait3A_271, %dma_wait3A_272] : memref<2x128x128xf32, #tpu.memory_space<vmem>> -> memref<1x128x128xf32, #tpu.memory_space<vmem>>
        %dma_wait3A_274 = tpu.memref_squeeze %dma_wait3A_273 : memref<1x128x128xf32, #tpu.memory_space<vmem>> -> memref<128x128xf32, #tpu.memory_space<vmem>>
        %dma_wait3A_275 = arith.constant 0 : i32
        %dma_wait3A_276 = tpu.memref_slice %arg6[%run_scoped3A_226, %run_scoped3A_227, %dma_wait3A_275] : memref<4x2x128xi32, #tpu.memory_space<vmem>> -> memref<1x1x128xi32, #tpu.memory_space<vmem>>
        %dma_wait3A_277 = tpu.memref_squeeze %dma_wait3A_276 : memref<1x1x128xi32, #tpu.memory_space<vmem>> -> memref<128xi32, #tpu.memory_space<vmem>>
        %dma_wait3A_278 = arith.constant 0 : i32
        %dma_wait3A_279 = arith.constant 0 : i32
        %dma_wait3A_280 = tpu.memref_slice %arg8[%dma_wait3A_278, %dma_wait3A_279] : memref<10240x128xf32, #tpu.memory_space<vmem_shared>> -> memref<10240x128xf32, #tpu.memory_space<vmem_shared>>
        tpu.wait_indirect_dma semaphore(%run_scoped3A_260 : memref<!tpu.dma_semaphore, #tpu.memory_space<semaphore_mem>>) src(%dma_wait3A_274 : memref<128x128xf32, #tpu.memory_space<vmem>>) dst(%dma_wait3A_280 : memref<10240x128xf32, #tpu.memory_space<vmem_shared>>)
        tpu.yield
      }) : () -> ()
      %mul3A_228 = arith.constant 4 : i32
      %mul3A_229 = arith.muli %while3A_134, %mul3A_228 : i32
      %add3A_230 = arith.constant 3 : i32
      %add3A_231 = arith.addi %mul3A_229, %add3A_230 : i32
      %add3A_232 = arith.constant 3 : i32
      %add3A_233 = arith.addi %add3A_231, %add3A_232 : i32
      %lt3A_234 = arith.cmpi slt, %add3A_233, %select_n3A_7 : i32
      %convert_element_type3A_235 = arith.extui %lt3A_234 : i1 to i32
      %cond3A_236 = arith.constant 0 : i32
      %cond3A_237 = arith.cmpi ne, %convert_element_type3A_235, %cond3A_236 : i32
      scf.if %cond3A_237 {
        %add3A_260 = arith.constant 3 : i32
        %add3A_261 = arith.addi %add3A_231, %add3A_260 : i32
        %add3A_262 = arith.addi %add3A, %add3A_261 : i32
        %dma_start3A_263 = arith.constant 2 : i32
        %dma_start3A_264 = arith.constant 0 : i32
        %dma_start3A_265 = arith.constant 0 : i32
        %dma_start3A_266 = tpu.memref_slice %arg6[%dma_start3A_263, %dma_start3A_264, %dma_start3A_265] : memref<4x2x128xi32, #tpu.memory_space<vmem>> -> memref<1x2x128xi32, #tpu.memory_space<vmem>>
        %dma_start3A_267 = tpu.memref_squeeze %dma_start3A_266 : memref<1x2x128xi32, #tpu.memory_space<vmem>> -> memref<2x128xi32, #tpu.memory_space<vmem>>
        %dma_start3A_268 = arith.constant 0 : i32
        %dma_start3A_269 = arith.constant 0 : i32
        %dma_start3A_270 = tpu.memref_slice %arg3[%add3A_262, %dma_start3A_268, %dma_start3A_269] : memref<2560x2x128xi32, #tpu.memory_space<hbm>> -> memref<1x2x128xi32, #tpu.memory_space<hbm>>
        %dma_start3A_271 = tpu.memref_squeeze %dma_start3A_270 : memref<1x2x128xi32, #tpu.memory_space<hbm>> -> memref<2x128xi32, #tpu.memory_space<hbm>>
        %dma_start3A_272 = arith.constant 0 : i32
        %dma_start3A_273 = arith.constant 0 : i32
        %dma_start3A_274 = tpu.memref_slice %arg6[%dma_start3A_263, %dma_start3A_272, %dma_start3A_273] : memref<4x2x128xi32, #tpu.memory_space<vmem>> -> memref<1x2x128xi32, #tpu.memory_space<vmem>>
        %dma_start3A_275 = tpu.memref_squeeze %dma_start3A_274 : memref<1x2x128xi32, #tpu.memory_space<vmem>> -> memref<2x128xi32, #tpu.memory_space<vmem>>
        %dma_start3A_276 = arith.constant 0 : i32
        %dma_start3A_277 = arith.constant 0 : i32
        %dma_start3A_278 = tpu.memref_slice %arg3[%add3A_262, %dma_start3A_276, %dma_start3A_277] : memref<2560x2x128xi32, #tpu.memory_space<hbm>> -> memref<1x2x128xi32, #tpu.memory_space<hbm>>
        %dma_start3A_279 = tpu.memref_squeeze %dma_start3A_278 : memref<1x2x128xi32, #tpu.memory_space<hbm>> -> memref<2x128xi32, #tpu.memory_space<hbm>>
        tpu.enqueue_dma source(%dma_start3A_279 : memref<2x128xi32, #tpu.memory_space<hbm>>) target(%dma_start3A_275 : memref<2x128xi32, #tpu.memory_space<vmem>>) target_semaphore(%arg11 : memref<!tpu.dma_semaphore, #tpu.memory_space<semaphore_mem>>)
      } else {
      }
      %add3A_238 = arith.constant 1 : i32
      %add3A_239 = arith.addi %add3A_231, %add3A_238 : i32
      %lt3A_240 = arith.cmpi slt, %add3A_239, %select_n3A_7 : i32
      %convert_element_type3A_241 = arith.extui %lt3A_240 : i1 to i32
      %cond3A_242 = arith.constant 0 : i32
      %cond3A_243 = arith.cmpi ne, %convert_element_type3A_241, %cond3A_242 : i32
      scf.if %cond3A_243 {
        %add3A_260 = arith.constant 1 : i32
        %add3A_261 = arith.addi %add3A_231, %add3A_260 : i32
        %add3A_262 = arith.addi %add3A, %add3A_261 : i32
        %dma_wait3A_263 = arith.constant 0 : i32
        %dma_wait3A_264 = arith.constant 0 : i32
        %dma_wait3A_265 = arith.constant 0 : i32
        %dma_wait3A_266 = tpu.memref_slice %arg6[%dma_wait3A_263, %dma_wait3A_264, %dma_wait3A_265] : memref<4x2x128xi32, #tpu.memory_space<vmem>> -> memref<1x2x128xi32, #tpu.memory_space<vmem>>
        %dma_wait3A_267 = tpu.memref_squeeze %dma_wait3A_266 : memref<1x2x128xi32, #tpu.memory_space<vmem>> -> memref<2x128xi32, #tpu.memory_space<vmem>>
        %dma_wait3A_268 = arith.constant 0 : i32
        %dma_wait3A_269 = arith.constant 0 : i32
        %dma_wait3A_270 = tpu.memref_slice %arg3[%add3A_262, %dma_wait3A_268, %dma_wait3A_269] : memref<2560x2x128xi32, #tpu.memory_space<hbm>> -> memref<1x2x128xi32, #tpu.memory_space<hbm>>
        %dma_wait3A_271 = tpu.memref_squeeze %dma_wait3A_270 : memref<1x2x128xi32, #tpu.memory_space<hbm>> -> memref<2x128xi32, #tpu.memory_space<hbm>>
        %dma_wait3A_272 = arith.constant 0 : i32
        %dma_wait3A_273 = arith.constant 0 : i32
        %dma_wait3A_274 = tpu.memref_slice %arg6[%dma_wait3A_263, %dma_wait3A_272, %dma_wait3A_273] : memref<4x2x128xi32, #tpu.memory_space<vmem>> -> memref<1x2x128xi32, #tpu.memory_space<vmem>>
        %dma_wait3A_275 = tpu.memref_squeeze %dma_wait3A_274 : memref<1x2x128xi32, #tpu.memory_space<vmem>> -> memref<2x128xi32, #tpu.memory_space<vmem>>
        %dma_wait3A_276 = arith.constant 0 : i32
        %dma_wait3A_277 = arith.constant 0 : i32
        %dma_wait3A_278 = tpu.memref_slice %arg3[%add3A_262, %dma_wait3A_276, %dma_wait3A_277] : memref<2560x2x128xi32, #tpu.memory_space<hbm>> -> memref<1x2x128xi32, #tpu.memory_space<hbm>>
        %dma_wait3A_279 = tpu.memref_squeeze %dma_wait3A_278 : memref<1x2x128xi32, #tpu.memory_space<hbm>> -> memref<2x128xi32, #tpu.memory_space<hbm>>
        tpu.wait_dma2 semaphore(%arg9 : memref<!tpu.dma_semaphore, #tpu.memory_space<semaphore_mem>>) src(%dma_wait3A_279 : memref<2x128xi32, #tpu.memory_space<hbm>>) dst(%dma_wait3A_275 : memref<2x128xi32, #tpu.memory_space<vmem>>)
        %dma_start3A_280 = arith.constant 0 : i32
        %dma_start3A_281 = arith.constant 0 : i32
        %dma_start3A_282 = arith.constant 0 : i32
        %dma_start3A_283 = arith.constant 0 : i32
        %dma_start3A_284 = arith.constant 0 : i32
        %dma_start3A_285 = tpu.memref_slice %arg7[%dma_start3A_282, %dma_start3A_283, %dma_start3A_284] : memref<2x128x128xf32, #tpu.memory_space<vmem>> -> memref<1x128x128xf32, #tpu.memory_space<vmem>>
        %dma_start3A_286 = tpu.memref_squeeze %dma_start3A_285 : memref<1x128x128xf32, #tpu.memory_space<vmem>> -> memref<128x128xf32, #tpu.memory_space<vmem>>
        %dma_start3A_287 = arith.constant 0 : i32
        %dma_start3A_288 = tpu.memref_slice %arg6[%dma_start3A_280, %dma_start3A_281, %dma_start3A_287] : memref<4x2x128xi32, #tpu.memory_space<vmem>> -> memref<1x1x128xi32, #tpu.memory_space<vmem>>
        %dma_start3A_289 = tpu.memref_squeeze %dma_start3A_288 : memref<1x1x128xi32, #tpu.memory_space<vmem>> -> memref<128xi32, #tpu.memory_space<vmem>>
        %dma_start3A_290 = arith.constant 0 : i32
        %dma_start3A_291 = arith.constant 0 : i32
        %dma_start3A_292 = tpu.memref_slice %arg2[%dma_start3A_290, %dma_start3A_291] : memref<10240x128xf32, #tpu.memory_space<hbm>> -> memref<10240x128xf32, #tpu.memory_space<hbm>>
        tpu.enqueue_indirect_dma source(%dma_start3A_292 : memref<10240x128xf32, #tpu.memory_space<hbm>>) target(%dma_start3A_286 : memref<128x128xf32, #tpu.memory_space<vmem>>) offsets(%dma_start3A_289 : memref<128xi32, #tpu.memory_space<vmem>>) semaphore(%arg13 : memref<!tpu.dma_semaphore, #tpu.memory_space<semaphore_mem>>)
      } else {
      }
      %dma_wait3A_244 = arith.constant 3 : i32
      %dma_wait3A_245 = arith.constant 0 : i32
      %dma_wait3A_246 = arith.constant 1 : i32
      %dma_wait3A_247 = arith.constant 0 : i32
      %dma_wait3A_248 = arith.constant 0 : i32
      %dma_wait3A_249 = tpu.memref_slice %arg7[%dma_wait3A_246, %dma_wait3A_247, %dma_wait3A_248] : memref<2x128x128xf32, #tpu.memory_space<vmem>> -> memref<1x128x128xf32, #tpu.memory_space<vmem>>
      %dma_wait3A_250 = tpu.memref_squeeze %dma_wait3A_249 : memref<1x128x128xf32, #tpu.memory_space<vmem>> -> memref<128x128xf32, #tpu.memory_space<vmem>>
      %dma_wait3A_251 = arith.constant 0 : i32
      %dma_wait3A_252 = tpu.memref_slice %arg6[%dma_wait3A_244, %dma_wait3A_245, %dma_wait3A_251] : memref<4x2x128xi32, #tpu.memory_space<vmem>> -> memref<1x1x128xi32, #tpu.memory_space<vmem>>
      %dma_wait3A_253 = tpu.memref_squeeze %dma_wait3A_252 : memref<1x1x128xi32, #tpu.memory_space<vmem>> -> memref<128xi32, #tpu.memory_space<vmem>>
      %dma_wait3A_254 = arith.constant 0 : i32
      %dma_wait3A_255 = arith.constant 0 : i32
      %dma_wait3A_256 = tpu.memref_slice %arg2[%dma_wait3A_254, %dma_wait3A_255] : memref<10240x128xf32, #tpu.memory_space<hbm>> -> memref<10240x128xf32, #tpu.memory_space<hbm>>
      tpu.wait_indirect_dma semaphore(%arg14 : memref<!tpu.dma_semaphore, #tpu.memory_space<semaphore_mem>>) src(%dma_wait3A_256 : memref<10240x128xf32, #tpu.memory_space<hbm>>) dst(%dma_wait3A_250 : memref<128x128xf32, #tpu.memory_space<vmem>>)
      %run_scoped3A_257 = arith.constant 1 : i32
      %run_scoped3A_258 = arith.constant 3 : i32
      %run_scoped3A_259 = arith.constant 1 : i32
      "tpu.region"() ({
        %run_scoped3A_260 = tpu.sem_alloc : memref<!tpu.dma_semaphore, #tpu.memory_space<semaphore_mem>>
        %dma_start3A_261 = arith.constant 0 : i32
        %dma_start3A_262 = arith.constant 0 : i32
        %dma_start3A_263 = tpu.memref_slice %arg7[%run_scoped3A_257, %dma_start3A_261, %dma_start3A_262] : memref<2x128x128xf32, #tpu.memory_space<vmem>> -> memref<1x128x128xf32, #tpu.memory_space<vmem>>
        %dma_start3A_264 = tpu.memref_squeeze %dma_start3A_263 : memref<1x128x128xf32, #tpu.memory_space<vmem>> -> memref<128x128xf32, #tpu.memory_space<vmem>>
        %dma_start3A_265 = arith.constant 0 : i32
        %dma_start3A_266 = tpu.memref_slice %arg6[%run_scoped3A_258, %run_scoped3A_259, %dma_start3A_265] : memref<4x2x128xi32, #tpu.memory_space<vmem>> -> memref<1x1x128xi32, #tpu.memory_space<vmem>>
        %dma_start3A_267 = tpu.memref_squeeze %dma_start3A_266 : memref<1x1x128xi32, #tpu.memory_space<vmem>> -> memref<128xi32, #tpu.memory_space<vmem>>
        %dma_start3A_268 = arith.constant 0 : i32
        %dma_start3A_269 = arith.constant 0 : i32
        %dma_start3A_270 = tpu.memref_slice %arg8[%dma_start3A_268, %dma_start3A_269] : memref<10240x128xf32, #tpu.memory_space<vmem_shared>> -> memref<10240x128xf32, #tpu.memory_space<vmem_shared>>
        tpu.enqueue_indirect_dma source(%dma_start3A_264 : memref<128x128xf32, #tpu.memory_space<vmem>>) target(%dma_start3A_270 : memref<10240x128xf32, #tpu.memory_space<vmem_shared>>) offsets(%dma_start3A_267 : memref<128xi32, #tpu.memory_space<vmem>>) semaphore(%run_scoped3A_260 : memref<!tpu.dma_semaphore, #tpu.memory_space<semaphore_mem>>) {add = true}
        %dma_wait3A_271 = arith.constant 0 : i32
        %dma_wait3A_272 = arith.constant 0 : i32
        %dma_wait3A_273 = tpu.memref_slice %arg7[%run_scoped3A_257, %dma_wait3A_271, %dma_wait3A_272] : memref<2x128x128xf32, #tpu.memory_space<vmem>> -> memref<1x128x128xf32, #tpu.memory_space<vmem>>
        %dma_wait3A_274 = tpu.memref_squeeze %dma_wait3A_273 : memref<1x128x128xf32, #tpu.memory_space<vmem>> -> memref<128x128xf32, #tpu.memory_space<vmem>>
        %dma_wait3A_275 = arith.constant 0 : i32
        %dma_wait3A_276 = tpu.memref_slice %arg6[%run_scoped3A_258, %run_scoped3A_259, %dma_wait3A_275] : memref<4x2x128xi32, #tpu.memory_space<vmem>> -> memref<1x1x128xi32, #tpu.memory_space<vmem>>
        %dma_wait3A_277 = tpu.memref_squeeze %dma_wait3A_276 : memref<1x1x128xi32, #tpu.memory_space<vmem>> -> memref<128xi32, #tpu.memory_space<vmem>>
        %dma_wait3A_278 = arith.constant 0 : i32
        %dma_wait3A_279 = arith.constant 0 : i32
        %dma_wait3A_280 = tpu.memref_slice %arg8[%dma_wait3A_278, %dma_wait3A_279] : memref<10240x128xf32, #tpu.memory_space<vmem_shared>> -> memref<10240x128xf32, #tpu.memory_space<vmem_shared>>
        tpu.wait_indirect_dma semaphore(%run_scoped3A_260 : memref<!tpu.dma_semaphore, #tpu.memory_space<semaphore_mem>>) src(%dma_wait3A_274 : memref<128x128xf32, #tpu.memory_space<vmem>>) dst(%dma_wait3A_280 : memref<10240x128xf32, #tpu.memory_space<vmem_shared>>)
        tpu.yield
      }) : () -> ()
    }
    %barrier3A_127 = arith.constant 0 : index
    tpu.barrier barrier_id(%barrier3A_127)
    %scan3A_128 = arith.constant 0 : i32
    %scan3A_129 = arith.constant 0 : i32
    %scan3A_130 = arith.constant 5 : i32
    %scan3A_131 = arith.addi %scan3A_129, %scan3A_130 : i32
    %scan3A_132 = arith.constant 1 : i32
    scf.for %scan3A_134 = %scan3A_129 to %scan3A_131 step %scan3A_132  : i32 {
      %mul3A_135 = arith.constant 640 : i32
      %mul3A_136 = arith.muli %arg1, %mul3A_135 : i32
      %mul3A_137 = arith.constant 128 : i32
      %mul3A_138 = arith.muli %scan3A_134, %mul3A_137 : i32
      %add3A_139 = arith.addi %mul3A_136, %mul3A_138 : i32
      %run_scoped3A_140 = arith.constant 0 : i32
      "tpu.region"() ({
        %run_scoped3A_145 = tpu.sem_alloc : memref<!tpu.dma_semaphore, #tpu.memory_space<semaphore_mem>>
        %dma_start3A_146 = arith.constant 0 : i32
        %dma_start3A_147 = arith.constant 0 : i32
        %dma_start3A_148 = tpu.memref_slice %arg7[%run_scoped3A_140, %dma_start3A_146, %dma_start3A_147] : memref<2x128x128xf32, #tpu.memory_space<vmem>> -> memref<1x128x128xf32, #tpu.memory_space<vmem>>
        %dma_start3A_149 = tpu.memref_squeeze %dma_start3A_148 : memref<1x128x128xf32, #tpu.memory_space<vmem>> -> memref<128x128xf32, #tpu.memory_space<vmem>>
        %dma_start3A_150 = arith.constant 0 : i32
        %dma_start3A_151 = tpu.memref_slice %arg8[%add3A_139, %dma_start3A_150] : memref<10240x128xf32, #tpu.memory_space<vmem_shared>> -> memref<128x128xf32, #tpu.memory_space<vmem_shared>>
        %dma_start3A_152 = arith.constant 0 : i32
        %dma_start3A_153 = arith.constant 0 : i32
        %dma_start3A_154 = tpu.memref_slice %arg7[%run_scoped3A_140, %dma_start3A_152, %dma_start3A_153] : memref<2x128x128xf32, #tpu.memory_space<vmem>> -> memref<1x128x128xf32, #tpu.memory_space<vmem>>
        %dma_start3A_155 = tpu.memref_squeeze %dma_start3A_154 : memref<1x128x128xf32, #tpu.memory_space<vmem>> -> memref<128x128xf32, #tpu.memory_space<vmem>>
        %dma_start3A_156 = arith.constant 0 : i32
        %dma_start3A_157 = tpu.memref_slice %arg8[%add3A_139, %dma_start3A_156] : memref<10240x128xf32, #tpu.memory_space<vmem_shared>> -> memref<128x128xf32, #tpu.memory_space<vmem_shared>>
        tpu.enqueue_dma source(%dma_start3A_157 : memref<128x128xf32, #tpu.memory_space<vmem_shared>>) target(%dma_start3A_155 : memref<128x128xf32, #tpu.memory_space<vmem>>) target_semaphore(%run_scoped3A_145 : memref<!tpu.dma_semaphore, #tpu.memory_space<semaphore_mem>>)
        %dma_wait3A_158 = arith.constant 0 : i32
        %dma_wait3A_159 = arith.constant 0 : i32
        %dma_wait3A_160 = tpu.memref_slice %arg7[%run_scoped3A_140, %dma_wait3A_158, %dma_wait3A_159] : memref<2x128x128xf32, #tpu.memory_space<vmem>> -> memref<1x128x128xf32, #tpu.memory_space<vmem>>
        %dma_wait3A_161 = tpu.memref_squeeze %dma_wait3A_160 : memref<1x128x128xf32, #tpu.memory_space<vmem>> -> memref<128x128xf32, #tpu.memory_space<vmem>>
        %dma_wait3A_162 = arith.constant 0 : i32
        %dma_wait3A_163 = tpu.memref_slice %arg8[%add3A_139, %dma_wait3A_162] : memref<10240x128xf32, #tpu.memory_space<vmem_shared>> -> memref<128x128xf32, #tpu.memory_space<vmem_shared>>
        %dma_wait3A_164 = arith.constant 0 : i32
        %dma_wait3A_165 = arith.constant 0 : i32
        %dma_wait3A_166 = tpu.memref_slice %arg7[%run_scoped3A_140, %dma_wait3A_164, %dma_wait3A_165] : memref<2x128x128xf32, #tpu.memory_space<vmem>> -> memref<1x128x128xf32, #tpu.memory_space<vmem>>
        %dma_wait3A_167 = tpu.memref_squeeze %dma_wait3A_166 : memref<1x128x128xf32, #tpu.memory_space<vmem>> -> memref<128x128xf32, #tpu.memory_space<vmem>>
        %dma_wait3A_168 = arith.constant 0 : i32
        %dma_wait3A_169 = tpu.memref_slice %arg8[%add3A_139, %dma_wait3A_168] : memref<10240x128xf32, #tpu.memory_space<vmem_shared>> -> memref<128x128xf32, #tpu.memory_space<vmem_shared>>
        tpu.wait_dma2 semaphore(%run_scoped3A_145 : memref<!tpu.dma_semaphore, #tpu.memory_space<semaphore_mem>>) src(%dma_wait3A_169 : memref<128x128xf32, #tpu.memory_space<vmem_shared>>) dst(%dma_wait3A_167 : memref<128x128xf32, #tpu.memory_space<vmem>>)
        tpu.yield
      }) : () -> ()
      %mul3A_141 = arith.constant 10240 : i32
      %mul3A_142 = arith.muli %arg0, %mul3A_141 : i32
      %add3A_143 = arith.addi %mul3A_142, %add3A_139 : i32
      %run_scoped3A_144 = arith.constant 0 : i32
      "tpu.region"() ({
        %run_scoped3A_145 = tpu.sem_alloc : memref<!tpu.dma_semaphore, #tpu.memory_space<semaphore_mem>>
        %dma_start3A_146 = arith.constant 0 : i32
        %dma_start3A_147 = arith.constant 0 : i32
        %dma_start3A_148 = tpu.memref_slice %arg7[%run_scoped3A_144, %dma_start3A_146, %dma_start3A_147] : memref<2x128x128xf32, #tpu.memory_space<vmem>> -> memref<1x128x128xf32, #tpu.memory_space<vmem>>
        %dma_start3A_149 = tpu.memref_squeeze %dma_start3A_148 : memref<1x128x128xf32, #tpu.memory_space<vmem>> -> memref<128x128xf32, #tpu.memory_space<vmem>>
        %dma_start3A_150 = arith.constant 0 : i32
        %dma_start3A_151 = tpu.memref_slice %arg5[%add3A_143, %dma_start3A_150] : memref<20480x128xf32, #tpu.memory_space<hbm>> -> memref<128x128xf32, #tpu.memory_space<hbm>>
        %dma_start3A_152 = arith.constant 0 : i32
        %dma_start3A_153 = tpu.memref_slice %arg5[%add3A_143, %dma_start3A_152] : memref<20480x128xf32, #tpu.memory_space<hbm>> -> memref<128x128xf32, #tpu.memory_space<hbm>>
        %dma_start3A_154 = arith.constant 0 : i32
        %dma_start3A_155 = arith.constant 0 : i32
        %dma_start3A_156 = tpu.memref_slice %arg7[%run_scoped3A_144, %dma_start3A_154, %dma_start3A_155] : memref<2x128x128xf32, #tpu.memory_space<vmem>> -> memref<1x128x128xf32, #tpu.memory_space<vmem>>
        %dma_start3A_157 = tpu.memref_squeeze %dma_start3A_156 : memref<1x128x128xf32, #tpu.memory_space<vmem>> -> memref<128x128xf32, #tpu.memory_space<vmem>>
        tpu.enqueue_dma source(%dma_start3A_157 : memref<128x128xf32, #tpu.memory_space<vmem>>) target(%dma_start3A_153 : memref<128x128xf32, #tpu.memory_space<hbm>>) target_semaphore(%run_scoped3A_145 : memref<!tpu.dma_semaphore, #tpu.memory_space<semaphore_mem>>)
        %dma_wait3A_158 = arith.constant 0 : i32
        %dma_wait3A_159 = arith.constant 0 : i32
        %dma_wait3A_160 = tpu.memref_slice %arg7[%run_scoped3A_144, %dma_wait3A_158, %dma_wait3A_159] : memref<2x128x128xf32, #tpu.memory_space<vmem>> -> memref<1x128x128xf32, #tpu.memory_space<vmem>>
        %dma_wait3A_161 = tpu.memref_squeeze %dma_wait3A_160 : memref<1x128x128xf32, #tpu.memory_space<vmem>> -> memref<128x128xf32, #tpu.memory_space<vmem>>
        %dma_wait3A_162 = arith.constant 0 : i32
        %dma_wait3A_163 = tpu.memref_slice %arg5[%add3A_143, %dma_wait3A_162] : memref<20480x128xf32, #tpu.memory_space<hbm>> -> memref<128x128xf32, #tpu.memory_space<hbm>>
        %dma_wait3A_164 = arith.constant 0 : i32
        %dma_wait3A_165 = tpu.memref_slice %arg5[%add3A_143, %dma_wait3A_164] : memref<20480x128xf32, #tpu.memory_space<hbm>> -> memref<128x128xf32, #tpu.memory_space<hbm>>
        %dma_wait3A_166 = arith.constant 0 : i32
        %dma_wait3A_167 = arith.constant 0 : i32
        %dma_wait3A_168 = tpu.memref_slice %arg7[%run_scoped3A_144, %dma_wait3A_166, %dma_wait3A_167] : memref<2x128x128xf32, #tpu.memory_space<vmem>> -> memref<1x128x128xf32, #tpu.memory_space<vmem>>
        %dma_wait3A_169 = tpu.memref_squeeze %dma_wait3A_168 : memref<1x128x128xf32, #tpu.memory_space<vmem>> -> memref<128x128xf32, #tpu.memory_space<vmem>>
        tpu.wait_dma2 semaphore(%run_scoped3A_145 : memref<!tpu.dma_semaphore, #tpu.memory_space<semaphore_mem>>) src(%dma_wait3A_169 : memref<128x128xf32, #tpu.memory_space<vmem>>) dst(%dma_wait3A_165 : memref<128x128xf32, #tpu.memory_space<hbm>>)
        tpu.yield
      }) : () -> ()
    }
    %scan3A_133 = arith.constant 5 : i32
    return
  }
}

#map = affine_map<(d0, d1) -> (0, 0)>
#map1 = affine_map<(d0, d1) -> (0, 0, 0)>
module attributes {stable_mosaic.version = 14 : i64} {
  func.func @_sc(%arg0: i32, %arg1: i32, %arg2: memref<10240x128xf32, #tpu.memory_space<hbm>>, %arg3: memref<2560x2x128xi32, #tpu.memory_space<hbm>>, %arg4: memref<128x128xf32, #tpu.memory_space<hbm>>, %arg5: memref<20480x128xf32, #tpu.memory_space<hbm>>, %arg6: memref<4x2x128xi32, #tpu.memory_space<vmem>>, %arg7: memref<2x128x128xf32, #tpu.memory_space<vmem>>, %arg8: memref<10240x128xf32, #tpu.memory_space<vmem_shared>>, %arg9: memref<!tpu.dma_semaphore, #tpu.memory_space<semaphore_mem>>, %arg10: memref<!tpu.dma_semaphore, #tpu.memory_space<semaphore_mem>>, %arg11: memref<!tpu.dma_semaphore, #tpu.memory_space<semaphore_mem>>, %arg12: memref<!tpu.dma_semaphore, #tpu.memory_space<semaphore_mem>>, %arg13: memref<!tpu.dma_semaphore, #tpu.memory_space<semaphore_mem>>, %arg14: memref<!tpu.dma_semaphore, #tpu.memory_space<semaphore_mem>>) attributes {dimension_semantics = [#tpu.dimension_semantics<core_parallel>, #tpu.dimension_semantics<subcore_parallel>], iteration_bounds = array<i64: 2, 16>, scalar_prefetch = 0 : i64, scratch_operands = 9 : i64, tpu.core_type = #tpu.core_type<sc_vector_subcore>, window_params = [{transform_indices = #map}, {transform_indices = #map1}, {transform_indices = #map}, {transform_indices = #map}]} {
    %mul3A = arith.constant 160 : i32
    %mul3A_0 = arith.muli %arg1, %mul3A : i32
    %eq3A = arith.constant 0 : i32
    %eq3A_1 = arith.cmpi eq, %arg0, %eq3A : i32
    %jit3A = arith.constant 0 : i32
    %jit3A_2 = arith.constant 108 : i32
    %select_n3A = arith.select %eq3A_1, %jit3A, %jit3A_2 : i32
    %add3A = arith.addi %mul3A_0, %select_n3A : i32
    %eq3A_3 = arith.constant 0 : i32
    %eq3A_4 = arith.cmpi eq, %arg0, %eq3A_3 : i32
    %jit3A_5 = arith.constant 108 : i32
    %jit3A_6 = arith.constant 52 : i32
    %select_n3A_7 = arith.select %eq3A_4, %jit3A_5, %jit3A_6 : i32
    %run_scoped3A = arith.constant 0 : i32
    "tpu.region"() ({
      %run_scoped3A_134 = tpu.sem_alloc : memref<!tpu.dma_semaphore, #tpu.memory_space<semaphore_mem>>
      %dma_start3A_135 = arith.constant 0 : i32
      %dma_start3A_136 = arith.constant 0 : i32
      %dma_start3A_137 = tpu.memref_slice %arg7[%run_scoped3A, %dma_start3A_135, %dma_start3A_136] : memref<2x128x128xf32, #tpu.memory_space<vmem>> -> memref<1x128x128xf32, #tpu.memory_space<vmem>>
      %dma_start3A_138 = tpu.memref_squeeze %dma_start3A_137 : memref<1x128x128xf32, #tpu.memory_space<vmem>> -> memref<128x128xf32, #tpu.memory_space<vmem>>
      %dma_start3A_139 = arith.constant 0 : i32
      %dma_start3A_140 = arith.constant 0 : i32
      %dma_start3A_141 = tpu.memref_slice %arg7[%run_scoped3A, %dma_start3A_139, %dma_start3A_140] : memref<2x128x128xf32, #tpu.memory_space<vmem>> -> memref<1x128x128xf32, #tpu.memory_space<vmem>>
      %dma_start3A_142 = tpu.memref_squeeze %dma_start3A_141 : memref<1x128x128xf32, #tpu.memory_space<vmem>> -> memref<128x128xf32, #tpu.memory_space<vmem>>
      tpu.enqueue_dma source(%arg4 : memref<128x128xf32, #tpu.memory_space<hbm>>) target(%dma_start3A_142 : memref<128x128xf32, #tpu.memory_space<vmem>>) target_semaphore(%run_scoped3A_134 : memref<!tpu.dma_semaphore, #tpu.memory_space<semaphore_mem>>)
      %dma_wait3A_143 = arith.constant 0 : i32
      %dma_wait3A_144 = arith.constant 0 : i32
      %dma_wait3A_145 = tpu.memref_slice %arg7[%run_scoped3A, %dma_wait3A_143, %dma_wait3A_144] : memref<2x128x128xf32, #tpu.memory_space<vmem>> -> memref<1x128x128xf32, #tpu.memory_space<vmem>>
      %dma_wait3A_146 = tpu.memref_squeeze %dma_wait3A_145 : memref<1x128x128xf32, #tpu.memory_space<vmem>> -> memref<128x128xf32, #tpu.memory_space<vmem>>
      %dma_wait3A_147 = arith.constant 0 : i32
      %dma_wait3A_148 = arith.constant 0 : i32
      %dma_wait3A_149 = tpu.memref_slice %arg7[%run_scoped3A, %dma_wait3A_147, %dma_wait3A_148] : memref<2x128x128xf32, #tpu.memory_space<vmem>> -> memref<1x128x128xf32, #tpu.memory_space<vmem>>
      %dma_wait3A_150 = tpu.memref_squeeze %dma_wait3A_149 : memref<1x128x128xf32, #tpu.memory_space<vmem>> -> memref<128x128xf32, #tpu.memory_space<vmem>>
      tpu.wait_dma2 semaphore(%run_scoped3A_134 : memref<!tpu.dma_semaphore, #tpu.memory_space<semaphore_mem>>) src(%arg4 : memref<128x128xf32, #tpu.memory_space<hbm>>) dst(%dma_wait3A_150 : memref<128x128xf32, #tpu.memory_space<vmem>>)
      tpu.yield
    }) : () -> ()
    %scan3A = arith.constant 0 : i32
    %scan3A_8 = arith.constant 0 : i32
    %scan3A_9 = arith.constant 5 : i32
    %scan3A_10 = arith.addi %scan3A_8, %scan3A_9 : i32
    %scan3A_11 = arith.constant 1 : i32
    scf.for %scan3A_134 = %scan3A_8 to %scan3A_10 step %scan3A_11  : i32 {
      %mul3A_135 = arith.constant 640 : i32
      %mul3A_136 = arith.muli %arg1, %mul3A_135 : i32
      %mul3A_137 = arith.constant 128 : i32
      %mul3A_138 = arith.muli %scan3A_134, %mul3A_137 : i32
      %add3A_139 = arith.addi %mul3A_136, %mul3A_138 : i32
      %run_scoped3A_140 = arith.constant 0 : i32
      "tpu.region"() ({
        %run_scoped3A_141 = tpu.sem_alloc : memref<!tpu.dma_semaphore, #tpu.memory_space<semaphore_mem>>
        %dma_start3A_142 = arith.constant 0 : i32
        %dma_start3A_143 = arith.constant 0 : i32
        %dma_start3A_144 = tpu.memref_slice %arg7[%run_scoped3A_140, %dma_start3A_142, %dma_start3A_143] : memref<2x128x128xf32, #tpu.memory_space<vmem>> -> memref<1x128x128xf32, #tpu.memory_space<vmem>>
        %dma_start3A_145 = tpu.memref_squeeze %dma_start3A_144 : memref<1x128x128xf32, #tpu.memory_space<vmem>> -> memref<128x128xf32, #tpu.memory_space<vmem>>
        %dma_start3A_146 = arith.constant 0 : i32
        %dma_start3A_147 = tpu.memref_slice %arg8[%add3A_139, %dma_start3A_146] : memref<10240x128xf32, #tpu.memory_space<vmem_shared>> -> memref<128x128xf32, #tpu.memory_space<vmem_shared>>
        %dma_start3A_148 = arith.constant 0 : i32
        %dma_start3A_149 = tpu.memref_slice %arg8[%add3A_139, %dma_start3A_148] : memref<10240x128xf32, #tpu.memory_space<vmem_shared>> -> memref<128x128xf32, #tpu.memory_space<vmem_shared>>
        %dma_start3A_150 = arith.constant 0 : i32
        %dma_start3A_151 = arith.constant 0 : i32
        %dma_start3A_152 = tpu.memref_slice %arg7[%run_scoped3A_140, %dma_start3A_150, %dma_start3A_151] : memref<2x128x128xf32, #tpu.memory_space<vmem>> -> memref<1x128x128xf32, #tpu.memory_space<vmem>>
        %dma_start3A_153 = tpu.memref_squeeze %dma_start3A_152 : memref<1x128x128xf32, #tpu.memory_space<vmem>> -> memref<128x128xf32, #tpu.memory_space<vmem>>
        tpu.enqueue_dma source(%dma_start3A_153 : memref<128x128xf32, #tpu.memory_space<vmem>>) target(%dma_start3A_149 : memref<128x128xf32, #tpu.memory_space<vmem_shared>>) target_semaphore(%run_scoped3A_141 : memref<!tpu.dma_semaphore, #tpu.memory_space<semaphore_mem>>)
        %dma_wait3A_154 = arith.constant 0 : i32
        %dma_wait3A_155 = arith.constant 0 : i32
        %dma_wait3A_156 = tpu.memref_slice %arg7[%run_scoped3A_140, %dma_wait3A_154, %dma_wait3A_155] : memref<2x128x128xf32, #tpu.memory_space<vmem>> -> memref<1x128x128xf32, #tpu.memory_space<vmem>>
        %dma_wait3A_157 = tpu.memref_squeeze %dma_wait3A_156 : memref<1x128x128xf32, #tpu.memory_space<vmem>> -> memref<128x128xf32, #tpu.memory_space<vmem>>
        %dma_wait3A_158 = arith.constant 0 : i32
        %dma_wait3A_159 = tpu.memref_slice %arg8[%add3A_139, %dma_wait3A_158] : memref<10240x128xf32, #tpu.memory_space<vmem_shared>> -> memref<128x128xf32, #tpu.memory_space<vmem_shared>>
        %dma_wait3A_160 = arith.constant 0 : i32
        %dma_wait3A_161 = tpu.memref_slice %arg8[%add3A_139, %dma_wait3A_160] : memref<10240x128xf32, #tpu.memory_space<vmem_shared>> -> memref<128x128xf32, #tpu.memory_space<vmem_shared>>
        %dma_wait3A_162 = arith.constant 0 : i32
        %dma_wait3A_163 = arith.constant 0 : i32
        %dma_wait3A_164 = tpu.memref_slice %arg7[%run_scoped3A_140, %dma_wait3A_162, %dma_wait3A_163] : memref<2x128x128xf32, #tpu.memory_space<vmem>> -> memref<1x128x128xf32, #tpu.memory_space<vmem>>
        %dma_wait3A_165 = tpu.memref_squeeze %dma_wait3A_164 : memref<1x128x128xf32, #tpu.memory_space<vmem>> -> memref<128x128xf32, #tpu.memory_space<vmem>>
        tpu.wait_dma2 semaphore(%run_scoped3A_141 : memref<!tpu.dma_semaphore, #tpu.memory_space<semaphore_mem>>) src(%dma_wait3A_165 : memref<128x128xf32, #tpu.memory_space<vmem>>) dst(%dma_wait3A_161 : memref<128x128xf32, #tpu.memory_space<vmem_shared>>)
        tpu.yield
      }) : () -> ()
    }
    %scan3A_12 = arith.constant 5 : i32
    %barrier3A = arith.constant 0 : index
    tpu.barrier barrier_id(%barrier3A)
    %add3A_13 = arith.constant 0 : i32
    %add3A_14 = arith.addi %add3A, %add3A_13 : i32
    %dma_start3A = arith.constant 0 : i32
    %dma_start3A_15 = arith.constant 0 : i32
    %dma_start3A_16 = arith.constant 0 : i32
    %dma_start3A_17 = tpu.memref_slice %arg6[%dma_start3A, %dma_start3A_15, %dma_start3A_16] : memref<4x2x128xi32, #tpu.memory_space<vmem>> -> memref<1x2x128xi32, #tpu.memory_space<vmem>>
    %dma_start3A_18 = tpu.memref_squeeze %dma_start3A_17 : memref<1x2x128xi32, #tpu.memory_space<vmem>> -> memref<2x128xi32, #tpu.memory_space<vmem>>
    %dma_start3A_19 = arith.constant 0 : i32
    %dma_start3A_20 = arith.constant 0 : i32
    %dma_start3A_21 = tpu.memref_slice %arg3[%add3A_14, %dma_start3A_19, %dma_start3A_20] : memref<2560x2x128xi32, #tpu.memory_space<hbm>> -> memref<1x2x128xi32, #tpu.memory_space<hbm>>
    %dma_start3A_22 = tpu.memref_squeeze %dma_start3A_21 : memref<1x2x128xi32, #tpu.memory_space<hbm>> -> memref<2x128xi32, #tpu.memory_space<hbm>>
    %dma_start3A_23 = arith.constant 0 : i32
    %dma_start3A_24 = arith.constant 0 : i32
    %dma_start3A_25 = tpu.memref_slice %arg6[%dma_start3A, %dma_start3A_23, %dma_start3A_24] : memref<4x2x128xi32, #tpu.memory_space<vmem>> -> memref<1x2x128xi32, #tpu.memory_space<vmem>>
    %dma_start3A_26 = tpu.memref_squeeze %dma_start3A_25 : memref<1x2x128xi32, #tpu.memory_space<vmem>> -> memref<2x128xi32, #tpu.memory_space<vmem>>
    %dma_start3A_27 = arith.constant 0 : i32
    %dma_start3A_28 = arith.constant 0 : i32
    %dma_start3A_29 = tpu.memref_slice %arg3[%add3A_14, %dma_start3A_27, %dma_start3A_28] : memref<2560x2x128xi32, #tpu.memory_space<hbm>> -> memref<1x2x128xi32, #tpu.memory_space<hbm>>
    %dma_start3A_30 = tpu.memref_squeeze %dma_start3A_29 : memref<1x2x128xi32, #tpu.memory_space<hbm>> -> memref<2x128xi32, #tpu.memory_space<hbm>>
    tpu.enqueue_dma source(%dma_start3A_30 : memref<2x128xi32, #tpu.memory_space<hbm>>) target(%dma_start3A_26 : memref<2x128xi32, #tpu.memory_space<vmem>>) target_semaphore(%arg9 : memref<!tpu.dma_semaphore, #tpu.memory_space<semaphore_mem>>)
    %add3A_31 = arith.constant 1 : i32
    %add3A_32 = arith.addi %add3A, %add3A_31 : i32
    %dma_start3A_33 = arith.constant 1 : i32
    %dma_start3A_34 = arith.constant 0 : i32
    %dma_start3A_35 = arith.constant 0 : i32
    %dma_start3A_36 = tpu.memref_slice %arg6[%dma_start3A_33, %dma_start3A_34, %dma_start3A_35] : memref<4x2x128xi32, #tpu.memory_space<vmem>> -> memref<1x2x128xi32, #tpu.memory_space<vmem>>
    %dma_start3A_37 = tpu.memref_squeeze %dma_start3A_36 : memref<1x2x128xi32, #tpu.memory_space<vmem>> -> memref<2x128xi32, #tpu.memory_space<vmem>>
    %dma_start3A_38 = arith.constant 0 : i32
    %dma_start3A_39 = arith.constant 0 : i32
    %dma_start3A_40 = tpu.memref_slice %arg3[%add3A_32, %dma_start3A_38, %dma_start3A_39] : memref<2560x2x128xi32, #tpu.memory_space<hbm>> -> memref<1x2x128xi32, #tpu.memory_space<hbm>>
    %dma_start3A_41 = tpu.memref_squeeze %dma_start3A_40 : memref<1x2x128xi32, #tpu.memory_space<hbm>> -> memref<2x128xi32, #tpu.memory_space<hbm>>
    %dma_start3A_42 = arith.constant 0 : i32
    %dma_start3A_43 = arith.constant 0 : i32
    %dma_start3A_44 = tpu.memref_slice %arg6[%dma_start3A_33, %dma_start3A_42, %dma_start3A_43] : memref<4x2x128xi32, #tpu.memory_space<vmem>> -> memref<1x2x128xi32, #tpu.memory_space<vmem>>
    %dma_start3A_45 = tpu.memref_squeeze %dma_start3A_44 : memref<1x2x128xi32, #tpu.memory_space<vmem>> -> memref<2x128xi32, #tpu.memory_space<vmem>>
    %dma_start3A_46 = arith.constant 0 : i32
    %dma_start3A_47 = arith.constant 0 : i32
    %dma_start3A_48 = tpu.memref_slice %arg3[%add3A_32, %dma_start3A_46, %dma_start3A_47] : memref<2560x2x128xi32, #tpu.memory_space<hbm>> -> memref<1x2x128xi32, #tpu.memory_space<hbm>>
    %dma_start3A_49 = tpu.memref_squeeze %dma_start3A_48 : memref<1x2x128xi32, #tpu.memory_space<hbm>> -> memref<2x128xi32, #tpu.memory_space<hbm>>
    tpu.enqueue_dma source(%dma_start3A_49 : memref<2x128xi32, #tpu.memory_space<hbm>>) target(%dma_start3A_45 : memref<2x128xi32, #tpu.memory_space<vmem>>) target_semaphore(%arg10 : memref<!tpu.dma_semaphore, #tpu.memory_space<semaphore_mem>>)
    %add3A_50 = arith.constant 2 : i32
    %add3A_51 = arith.addi %add3A, %add3A_50 : i32
    %dma_start3A_52 = arith.constant 2 : i32
    %dma_start3A_53 = arith.constant 0 : i32
    %dma_start3A_54 = arith.constant 0 : i32
    %dma_start3A_55 = tpu.memref_slice %arg6[%dma_start3A_52, %dma_start3A_53, %dma_start3A_54] : memref<4x2x128xi32, #tpu.memory_space<vmem>> -> memref<1x2x128xi32, #tpu.memory_space<vmem>>
    %dma_start3A_56 = tpu.memref_squeeze %dma_start3A_55 : memref<1x2x128xi32, #tpu.memory_space<vmem>> -> memref<2x128xi32, #tpu.memory_space<vmem>>
    %dma_start3A_57 = arith.constant 0 : i32
    %dma_start3A_58 = arith.constant 0 : i32
    %dma_start3A_59 = tpu.memref_slice %arg3[%add3A_51, %dma_start3A_57, %dma_start3A_58] : memref<2560x2x128xi32, #tpu.memory_space<hbm>> -> memref<1x2x128xi32, #tpu.memory_space<hbm>>
    %dma_start3A_60 = tpu.memref_squeeze %dma_start3A_59 : memref<1x2x128xi32, #tpu.memory_space<hbm>> -> memref<2x128xi32, #tpu.memory_space<hbm>>
    %dma_start3A_61 = arith.constant 0 : i32
    %dma_start3A_62 = arith.constant 0 : i32
    %dma_start3A_63 = tpu.memref_slice %arg6[%dma_start3A_52, %dma_start3A_61, %dma_start3A_62] : memref<4x2x128xi32, #tpu.memory_space<vmem>> -> memref<1x2x128xi32, #tpu.memory_space<vmem>>
    %dma_start3A_64 = tpu.memref_squeeze %dma_start3A_63 : memref<1x2x128xi32, #tpu.memory_space<vmem>> -> memref<2x128xi32, #tpu.memory_space<vmem>>
    %dma_start3A_65 = arith.constant 0 : i32
    %dma_start3A_66 = arith.constant 0 : i32
    %dma_start3A_67 = tpu.memref_slice %arg3[%add3A_51, %dma_start3A_65, %dma_start3A_66] : memref<2560x2x128xi32, #tpu.memory_space<hbm>> -> memref<1x2x128xi32, #tpu.memory_space<hbm>>
    %dma_start3A_68 = tpu.memref_squeeze %dma_start3A_67 : memref<1x2x128xi32, #tpu.memory_space<hbm>> -> memref<2x128xi32, #tpu.memory_space<hbm>>
    tpu.enqueue_dma source(%dma_start3A_68 : memref<2x128xi32, #tpu.memory_space<hbm>>) target(%dma_start3A_64 : memref<2x128xi32, #tpu.memory_space<vmem>>) target_semaphore(%arg11 : memref<!tpu.dma_semaphore, #tpu.memory_space<semaphore_mem>>)
    %add3A_69 = arith.constant 0 : i32
    %add3A_70 = arith.addi %add3A, %add3A_69 : i32
    %dma_wait3A = arith.constant 0 : i32
    %dma_wait3A_71 = arith.constant 0 : i32
    %dma_wait3A_72 = arith.constant 0 : i32
    %dma_wait3A_73 = tpu.memref_slice %arg6[%dma_wait3A, %dma_wait3A_71, %dma_wait3A_72] : memref<4x2x128xi32, #tpu.memory_space<vmem>> -> memref<1x2x128xi32, #tpu.memory_space<vmem>>
    %dma_wait3A_74 = tpu.memref_squeeze %dma_wait3A_73 : memref<1x2x128xi32, #tpu.memory_space<vmem>> -> memref<2x128xi32, #tpu.memory_space<vmem>>
    %dma_wait3A_75 = arith.constant 0 : i32
    %dma_wait3A_76 = arith.constant 0 : i32
    %dma_wait3A_77 = tpu.memref_slice %arg3[%add3A_70, %dma_wait3A_75, %dma_wait3A_76] : memref<2560x2x128xi32, #tpu.memory_space<hbm>> -> memref<1x2x128xi32, #tpu.memory_space<hbm>>
    %dma_wait3A_78 = tpu.memref_squeeze %dma_wait3A_77 : memref<1x2x128xi32, #tpu.memory_space<hbm>> -> memref<2x128xi32, #tpu.memory_space<hbm>>
    %dma_wait3A_79 = arith.constant 0 : i32
    %dma_wait3A_80 = arith.constant 0 : i32
    %dma_wait3A_81 = tpu.memref_slice %arg6[%dma_wait3A, %dma_wait3A_79, %dma_wait3A_80] : memref<4x2x128xi32, #tpu.memory_space<vmem>> -> memref<1x2x128xi32, #tpu.memory_space<vmem>>
    %dma_wait3A_82 = tpu.memref_squeeze %dma_wait3A_81 : memref<1x2x128xi32, #tpu.memory_space<vmem>> -> memref<2x128xi32, #tpu.memory_space<vmem>>
    %dma_wait3A_83 = arith.constant 0 : i32
    %dma_wait3A_84 = arith.constant 0 : i32
    %dma_wait3A_85 = tpu.memref_slice %arg3[%add3A_70, %dma_wait3A_83, %dma_wait3A_84] : memref<2560x2x128xi32, #tpu.memory_space<hbm>> -> memref<1x2x128xi32, #tpu.memory_space<hbm>>
    %dma_wait3A_86 = tpu.memref_squeeze %dma_wait3A_85 : memref<1x2x128xi32, #tpu.memory_space<hbm>> -> memref<2x128xi32, #tpu.memory_space<hbm>>
    tpu.wait_dma2 semaphore(%arg9 : memref<!tpu.dma_semaphore, #tpu.memory_space<semaphore_mem>>) src(%dma_wait3A_86 : memref<2x128xi32, #tpu.memory_space<hbm>>) dst(%dma_wait3A_82 : memref<2x128xi32, #tpu.memory_space<vmem>>)
    %dma_start3A_87 = arith.constant 0 : i32
    %dma_start3A_88 = arith.constant 0 : i32
    %dma_start3A_89 = arith.constant 0 : i32
    %dma_start3A_90 = arith.constant 0 : i32
    %dma_start3A_91 = arith.constant 0 : i32
    %dma_start3A_92 = tpu.memref_slice %arg7[%dma_start3A_89, %dma_start3A_90, %dma_start3A_91] : memref<2x128x128xf32, #tpu.memory_space<vmem>> -> memref<1x128x128xf32, #tpu.memory_space<vmem>>
    %dma_start3A_93 = tpu.memref_squeeze %dma_start3A_92 : memref<1x128x128xf32, #tpu.memory_space<vmem>> -> memref<128x128xf32, #tpu.memory_space<vmem>>
    %dma_start3A_94 = arith.constant 0 : i32
    %dma_start3A_95 = tpu.memref_slice %arg6[%dma_start3A_87, %dma_start3A_88, %dma_start3A_94] : memref<4x2x128xi32, #tpu.memory_space<vmem>> -> memref<1x1x128xi32, #tpu.memory_space<vmem>>
    %dma_start3A_96 = tpu.memref_squeeze %dma_start3A_95 : memref<1x1x128xi32, #tpu.memory_space<vmem>> -> memref<128xi32, #tpu.memory_space<vmem>>
    %dma_start3A_97 = arith.constant 0 : i32
    %dma_start3A_98 = arith.constant 0 : i32
    %dma_start3A_99 = tpu.memref_slice %arg2[%dma_start3A_97, %dma_start3A_98] : memref<10240x128xf32, #tpu.memory_space<hbm>> -> memref<10240x128xf32, #tpu.memory_space<hbm>>
    tpu.enqueue_indirect_dma source(%dma_start3A_99 : memref<10240x128xf32, #tpu.memory_space<hbm>>) target(%dma_start3A_93 : memref<128x128xf32, #tpu.memory_space<vmem>>) offsets(%dma_start3A_96 : memref<128xi32, #tpu.memory_space<vmem>>) semaphore(%arg13 : memref<!tpu.dma_semaphore, #tpu.memory_space<semaphore_mem>>)
    %jit3A_100 = arith.constant 4 : i32
    %div3A = arith.divsi %select_n3A_7, %jit3A_100 : i32
    %sign3A = arith.constant 0 : i32
    %sign3A_101 = arith.cmpi sgt, %select_n3A_7, %sign3A : i32
    %sign3A_102 = arith.extui %sign3A_101 : i1 to i32
    %sign3A_103 = arith.constant 0 : i32
    %sign3A_104 = arith.cmpi slt, %select_n3A_7, %sign3A_103 : i32
    %sign3A_105 = arith.extui %sign3A_104 : i1 to i32
    %sign3A_106 = arith.subi %sign3A_102, %sign3A_105 : i32
    %sign3A_107 = arith.constant 0 : i32
    %sign3A_108 = arith.cmpi sgt, %jit3A_100, %sign3A_107 : i32
    %sign3A_109 = arith.extui %sign3A_108 : i1 to i32
    %sign3A_110 = arith.constant 0 : i32
    %sign3A_111 = arith.cmpi slt, %jit3A_100, %sign3A_110 : i32
    %sign3A_112 = arith.extui %sign3A_111 : i1 to i32
    %sign3A_113 = arith.subi %sign3A_109, %sign3A_112 : i32
    %ne3A = arith.cmpi ne, %sign3A_106, %sign3A_113 : i32
    %rem3A = arith.remsi %select_n3A_7, %jit3A_100 : i32
    %ne3A_114 = arith.constant 0 : i32
    %ne3A_115 = arith.cmpi ne, %rem3A, %ne3A_114 : i32
    %and3A = arith.andi %ne3A, %ne3A_115 : i1
    %sub3A = arith.constant 1 : i32
    %sub3A_116 = arith.subi %div3A, %sub3A : i32
    %select_n3A_117 = arith.select %and3A, %sub3A_116, %div3A : i32
    %while3A = arith.constant 0 : i32
    %while3A_118 = arith.constant 0 : i32
    %while3A_119 = arith.subi %select_n3A_117, %while3A_118 : i32
    %while3A_120 = arith.addi %while3A_118, %while3A_119 : i32
    %while3A_121 = arith.constant 1 : i32
    %while3A_122 = arith.divsi %while3A_119, %while3A_121 : i32
    %while3A_123 = arith.muli %while3A_122, %while3A_121 : i32
    %while3A_124 = arith.addi %while3A_118, %while3A_123 : i32
    %while3A_125 = arith.constant 1 : i32
    scf.for %while3A_134 = %while3A_118 to %while3A_124 step %while3A_125  : i32 {
      %mul3A_135 = arith.constant 4 : i32
      %mul3A_136 = arith.muli %while3A_134, %mul3A_135 : i32
      %add3A_137 = arith.constant 0 : i32
      %add3A_138 = arith.addi %mul3A_136, %add3A_137 : i32
      %add3A_139 = arith.constant 3 : i32
      %add3A_140 = arith.addi %add3A_138, %add3A_139 : i32
      %lt3A = arith.cmpi slt, %add3A_140, %select_n3A_7 : i32
      %convert_element_type3A = arith.extui %lt3A : i1 to i32
      %cond3A = arith.constant 0 : i32
      %cond3A_141 = arith.cmpi ne, %convert_element_type3A, %cond3A : i32
      scf.if %cond3A_141 {
        %add3A_260 = arith.constant 3 : i32
        %add3A_261 = arith.addi %add3A_138, %add3A_260 : i32
        %add3A_262 = arith.addi %add3A, %add3A_261 : i32
        %dma_start3A_263 = arith.constant 3 : i32
        %dma_start3A_264 = arith.constant 0 : i32
        %dma_start3A_265 = arith.constant 0 : i32
        %dma_start3A_266 = tpu.memref_slice %arg6[%dma_start3A_263, %dma_start3A_264, %dma_start3A_265] : memref<4x2x128xi32, #tpu.memory_space<vmem>> -> memref<1x2x128xi32, #tpu.memory_space<vmem>>
        %dma_start3A_267 = tpu.memref_squeeze %dma_start3A_266 : memref<1x2x128xi32, #tpu.memory_space<vmem>> -> memref<2x128xi32, #tpu.memory_space<vmem>>
        %dma_start3A_268 = arith.constant 0 : i32
        %dma_start3A_269 = arith.constant 0 : i32
        %dma_start3A_270 = tpu.memref_slice %arg3[%add3A_262, %dma_start3A_268, %dma_start3A_269] : memref<2560x2x128xi32, #tpu.memory_space<hbm>> -> memref<1x2x128xi32, #tpu.memory_space<hbm>>
        %dma_start3A_271 = tpu.memref_squeeze %dma_start3A_270 : memref<1x2x128xi32, #tpu.memory_space<hbm>> -> memref<2x128xi32, #tpu.memory_space<hbm>>
        %dma_start3A_272 = arith.constant 0 : i32
        %dma_start3A_273 = arith.constant 0 : i32
        %dma_start3A_274 = tpu.memref_slice %arg6[%dma_start3A_263, %dma_start3A_272, %dma_start3A_273] : memref<4x2x128xi32, #tpu.memory_space<vmem>> -> memref<1x2x128xi32, #tpu.memory_space<vmem>>
        %dma_start3A_275 = tpu.memref_squeeze %dma_start3A_274 : memref<1x2x128xi32, #tpu.memory_space<vmem>> -> memref<2x128xi32, #tpu.memory_space<vmem>>
        %dma_start3A_276 = arith.constant 0 : i32
        %dma_start3A_277 = arith.constant 0 : i32
        %dma_start3A_278 = tpu.memref_slice %arg3[%add3A_262, %dma_start3A_276, %dma_start3A_277] : memref<2560x2x128xi32, #tpu.memory_space<hbm>> -> memref<1x2x128xi32, #tpu.memory_space<hbm>>
        %dma_start3A_279 = tpu.memref_squeeze %dma_start3A_278 : memref<1x2x128xi32, #tpu.memory_space<hbm>> -> memref<2x128xi32, #tpu.memory_space<hbm>>
        tpu.enqueue_dma source(%dma_start3A_279 : memref<2x128xi32, #tpu.memory_space<hbm>>) target(%dma_start3A_275 : memref<2x128xi32, #tpu.memory_space<vmem>>) target_semaphore(%arg12 : memref<!tpu.dma_semaphore, #tpu.memory_space<semaphore_mem>>)
      } else {
      }
      %add3A_142 = arith.constant 1 : i32
      %add3A_143 = arith.addi %add3A_138, %add3A_142 : i32
      %lt3A_144 = arith.cmpi slt, %add3A_143, %select_n3A_7 : i32
      %convert_element_type3A_145 = arith.extui %lt3A_144 : i1 to i32
      %cond3A_146 = arith.constant 0 : i32
      %cond3A_147 = arith.cmpi ne, %convert_element_type3A_145, %cond3A_146 : i32
      scf.if %cond3A_147 {
        %add3A_260 = arith.constant 1 : i32
        %add3A_261 = arith.addi %add3A_138, %add3A_260 : i32
        %add3A_262 = arith.addi %add3A, %add3A_261 : i32
        %dma_wait3A_263 = arith.constant 1 : i32
        %dma_wait3A_264 = arith.constant 0 : i32
        %dma_wait3A_265 = arith.constant 0 : i32
        %dma_wait3A_266 = tpu.memref_slice %arg6[%dma_wait3A_263, %dma_wait3A_264, %dma_wait3A_265] : memref<4x2x128xi32, #tpu.memory_space<vmem>> -> memref<1x2x128xi32, #tpu.memory_space<vmem>>
        %dma_wait3A_267 = tpu.memref_squeeze %dma_wait3A_266 : memref<1x2x128xi32, #tpu.memory_space<vmem>> -> memref<2x128xi32, #tpu.memory_space<vmem>>
        %dma_wait3A_268 = arith.constant 0 : i32
        %dma_wait3A_269 = arith.constant 0 : i32
        %dma_wait3A_270 = tpu.memref_slice %arg3[%add3A_262, %dma_wait3A_268, %dma_wait3A_269] : memref<2560x2x128xi32, #tpu.memory_space<hbm>> -> memref<1x2x128xi32, #tpu.memory_space<hbm>>
        %dma_wait3A_271 = tpu.memref_squeeze %dma_wait3A_270 : memref<1x2x128xi32, #tpu.memory_space<hbm>> -> memref<2x128xi32, #tpu.memory_space<hbm>>
        %dma_wait3A_272 = arith.constant 0 : i32
        %dma_wait3A_273 = arith.constant 0 : i32
        %dma_wait3A_274 = tpu.memref_slice %arg6[%dma_wait3A_263, %dma_wait3A_272, %dma_wait3A_273] : memref<4x2x128xi32, #tpu.memory_space<vmem>> -> memref<1x2x128xi32, #tpu.memory_space<vmem>>
        %dma_wait3A_275 = tpu.memref_squeeze %dma_wait3A_274 : memref<1x2x128xi32, #tpu.memory_space<vmem>> -> memref<2x128xi32, #tpu.memory_space<vmem>>
        %dma_wait3A_276 = arith.constant 0 : i32
        %dma_wait3A_277 = arith.constant 0 : i32
        %dma_wait3A_278 = tpu.memref_slice %arg3[%add3A_262, %dma_wait3A_276, %dma_wait3A_277] : memref<2560x2x128xi32, #tpu.memory_space<hbm>> -> memref<1x2x128xi32, #tpu.memory_space<hbm>>
        %dma_wait3A_279 = tpu.memref_squeeze %dma_wait3A_278 : memref<1x2x128xi32, #tpu.memory_space<hbm>> -> memref<2x128xi32, #tpu.memory_space<hbm>>
        tpu.wait_dma2 semaphore(%arg10 : memref<!tpu.dma_semaphore, #tpu.memory_space<semaphore_mem>>) src(%dma_wait3A_279 : memref<2x128xi32, #tpu.memory_space<hbm>>) dst(%dma_wait3A_275 : memref<2x128xi32, #tpu.memory_space<vmem>>)
        %dma_start3A_280 = arith.constant 1 : i32
        %dma_start3A_281 = arith.constant 0 : i32
        %dma_start3A_282 = arith.constant 1 : i32
        %dma_start3A_283 = arith.constant 0 : i32
        %dma_start3A_284 = arith.constant 0 : i32
        %dma_start3A_285 = tpu.memref_slice %arg7[%dma_start3A_282, %dma_start3A_283, %dma_start3A_284] : memref<2x128x128xf32, #tpu.memory_space<vmem>> -> memref<1x128x128xf32, #tpu.memory_space<vmem>>
        %dma_start3A_286 = tpu.memref_squeeze %dma_start3A_285 : memref<1x128x128xf32, #tpu.memory_space<vmem>> -> memref<128x128xf32, #tpu.memory_space<vmem>>
        %dma_start3A_287 = arith.constant 0 : i32
        %dma_start3A_288 = tpu.memref_slice %arg6[%dma_start3A_280, %dma_start3A_281, %dma_start3A_287] : memref<4x2x128xi32, #tpu.memory_space<vmem>> -> memref<1x1x128xi32, #tpu.memory_space<vmem>>
        %dma_start3A_289 = tpu.memref_squeeze %dma_start3A_288 : memref<1x1x128xi32, #tpu.memory_space<vmem>> -> memref<128xi32, #tpu.memory_space<vmem>>
        %dma_start3A_290 = arith.constant 0 : i32
        %dma_start3A_291 = arith.constant 0 : i32
        %dma_start3A_292 = tpu.memref_slice %arg2[%dma_start3A_290, %dma_start3A_291] : memref<10240x128xf32, #tpu.memory_space<hbm>> -> memref<10240x128xf32, #tpu.memory_space<hbm>>
        tpu.enqueue_indirect_dma source(%dma_start3A_292 : memref<10240x128xf32, #tpu.memory_space<hbm>>) target(%dma_start3A_286 : memref<128x128xf32, #tpu.memory_space<vmem>>) offsets(%dma_start3A_289 : memref<128xi32, #tpu.memory_space<vmem>>) semaphore(%arg14 : memref<!tpu.dma_semaphore, #tpu.memory_space<semaphore_mem>>)
      } else {
      }
      %dma_wait3A_148 = arith.constant 0 : i32
      %dma_wait3A_149 = arith.constant 0 : i32
      %dma_wait3A_150 = arith.constant 0 : i32
      %dma_wait3A_151 = arith.constant 0 : i32
      %dma_wait3A_152 = arith.constant 0 : i32
      %dma_wait3A_153 = tpu.memref_slice %arg7[%dma_wait3A_150, %dma_wait3A_151, %dma_wait3A_152] : memref<2x128x128xf32, #tpu.memory_space<vmem>> -> memref<1x128x128xf32, #tpu.memory_space<vmem>>
      %dma_wait3A_154 = tpu.memref_squeeze %dma_wait3A_153 : memref<1x128x128xf32, #tpu.memory_space<vmem>> -> memref<128x128xf32, #tpu.memory_space<vmem>>
      %dma_wait3A_155 = arith.constant 0 : i32
      %dma_wait3A_156 = tpu.memref_slice %arg6[%dma_wait3A_148, %dma_wait3A_149, %dma_wait3A_155] : memref<4x2x128xi32, #tpu.memory_space<vmem>> -> memref<1x1x128xi32, #tpu.memory_space<vmem>>
      %dma_wait3A_157 = tpu.memref_squeeze %dma_wait3A_156 : memref<1x1x128xi32, #tpu.memory_space<vmem>> -> memref<128xi32, #tpu.memory_space<vmem>>
      %dma_wait3A_158 = arith.constant 0 : i32
      %dma_wait3A_159 = arith.constant 0 : i32
      %dma_wait3A_160 = tpu.memref_slice %arg2[%dma_wait3A_158, %dma_wait3A_159] : memref<10240x128xf32, #tpu.memory_space<hbm>> -> memref<10240x128xf32, #tpu.memory_space<hbm>>
      tpu.wait_indirect_dma semaphore(%arg13 : memref<!tpu.dma_semaphore, #tpu.memory_space<semaphore_mem>>) src(%dma_wait3A_160 : memref<10240x128xf32, #tpu.memory_space<hbm>>) dst(%dma_wait3A_154 : memref<128x128xf32, #tpu.memory_space<vmem>>)
      %run_scoped3A_161 = arith.constant 0 : i32
      %run_scoped3A_162 = arith.constant 0 : i32
      %run_scoped3A_163 = arith.constant 1 : i32
      "tpu.region"() ({
        %run_scoped3A_260 = tpu.sem_alloc : memref<!tpu.dma_semaphore, #tpu.memory_space<semaphore_mem>>
        %dma_start3A_261 = arith.constant 0 : i32
        %dma_start3A_262 = arith.constant 0 : i32
        %dma_start3A_263 = tpu.memref_slice %arg7[%run_scoped3A_161, %dma_start3A_261, %dma_start3A_262] : memref<2x128x128xf32, #tpu.memory_space<vmem>> -> memref<1x128x128xf32, #tpu.memory_space<vmem>>
        %dma_start3A_264 = tpu.memref_squeeze %dma_start3A_263 : memref<1x128x128xf32, #tpu.memory_space<vmem>> -> memref<128x128xf32, #tpu.memory_space<vmem>>
        %dma_start3A_265 = arith.constant 0 : i32
        %dma_start3A_266 = tpu.memref_slice %arg6[%run_scoped3A_162, %run_scoped3A_163, %dma_start3A_265] : memref<4x2x128xi32, #tpu.memory_space<vmem>> -> memref<1x1x128xi32, #tpu.memory_space<vmem>>
        %dma_start3A_267 = tpu.memref_squeeze %dma_start3A_266 : memref<1x1x128xi32, #tpu.memory_space<vmem>> -> memref<128xi32, #tpu.memory_space<vmem>>
        %dma_start3A_268 = arith.constant 0 : i32
        %dma_start3A_269 = arith.constant 0 : i32
        %dma_start3A_270 = tpu.memref_slice %arg8[%dma_start3A_268, %dma_start3A_269] : memref<10240x128xf32, #tpu.memory_space<vmem_shared>> -> memref<10240x128xf32, #tpu.memory_space<vmem_shared>>
        tpu.enqueue_indirect_dma source(%dma_start3A_264 : memref<128x128xf32, #tpu.memory_space<vmem>>) target(%dma_start3A_270 : memref<10240x128xf32, #tpu.memory_space<vmem_shared>>) offsets(%dma_start3A_267 : memref<128xi32, #tpu.memory_space<vmem>>) semaphore(%run_scoped3A_260 : memref<!tpu.dma_semaphore, #tpu.memory_space<semaphore_mem>>) {add = true}
        %dma_wait3A_271 = arith.constant 0 : i32
        %dma_wait3A_272 = arith.constant 0 : i32
        %dma_wait3A_273 = tpu.memref_slice %arg7[%run_scoped3A_161, %dma_wait3A_271, %dma_wait3A_272] : memref<2x128x128xf32, #tpu.memory_space<vmem>> -> memref<1x128x128xf32, #tpu.memory_space<vmem>>
        %dma_wait3A_274 = tpu.memref_squeeze %dma_wait3A_273 : memref<1x128x128xf32, #tpu.memory_space<vmem>> -> memref<128x128xf32, #tpu.memory_space<vmem>>
        %dma_wait3A_275 = arith.constant 0 : i32
        %dma_wait3A_276 = tpu.memref_slice %arg6[%run_scoped3A_162, %run_scoped3A_163, %dma_wait3A_275] : memref<4x2x128xi32, #tpu.memory_space<vmem>> -> memref<1x1x128xi32, #tpu.memory_space<vmem>>
        %dma_wait3A_277 = tpu.memref_squeeze %dma_wait3A_276 : memref<1x1x128xi32, #tpu.memory_space<vmem>> -> memref<128xi32, #tpu.memory_space<vmem>>
        %dma_wait3A_278 = arith.constant 0 : i32
        %dma_wait3A_279 = arith.constant 0 : i32
        %dma_wait3A_280 = tpu.memref_slice %arg8[%dma_wait3A_278, %dma_wait3A_279] : memref<10240x128xf32, #tpu.memory_space<vmem_shared>> -> memref<10240x128xf32, #tpu.memory_space<vmem_shared>>
        tpu.wait_indirect_dma semaphore(%run_scoped3A_260 : memref<!tpu.dma_semaphore, #tpu.memory_space<semaphore_mem>>) src(%dma_wait3A_274 : memref<128x128xf32, #tpu.memory_space<vmem>>) dst(%dma_wait3A_280 : memref<10240x128xf32, #tpu.memory_space<vmem_shared>>)
        tpu.yield
      }) : () -> ()
      %mul3A_164 = arith.constant 4 : i32
      %mul3A_165 = arith.muli %while3A_134, %mul3A_164 : i32
      %add3A_166 = arith.constant 1 : i32
      %add3A_167 = arith.addi %mul3A_165, %add3A_166 : i32
      %add3A_168 = arith.constant 3 : i32
      %add3A_169 = arith.addi %add3A_167, %add3A_168 : i32
      %lt3A_170 = arith.cmpi slt, %add3A_169, %select_n3A_7 : i32
      %convert_element_type3A_171 = arith.extui %lt3A_170 : i1 to i32
      %cond3A_172 = arith.constant 0 : i32
      %cond3A_173 = arith.cmpi ne, %convert_element_type3A_171, %cond3A_172 : i32
      scf.if %cond3A_173 {
        %add3A_260 = arith.constant 3 : i32
        %add3A_261 = arith.addi %add3A_167, %add3A_260 : i32
        %add3A_262 = arith.addi %add3A, %add3A_261 : i32
        %dma_start3A_263 = arith.constant 0 : i32
        %dma_start3A_264 = arith.constant 0 : i32
        %dma_start3A_265 = arith.constant 0 : i32
        %dma_start3A_266 = tpu.memref_slice %arg6[%dma_start3A_263, %dma_start3A_264, %dma_start3A_265] : memref<4x2x128xi32, #tpu.memory_space<vmem>> -> memref<1x2x128xi32, #tpu.memory_space<vmem>>
        %dma_start3A_267 = tpu.memref_squeeze %dma_start3A_266 : memref<1x2x128xi32, #tpu.memory_space<vmem>> -> memref<2x128xi32, #tpu.memory_space<vmem>>
        %dma_start3A_268 = arith.constant 0 : i32
        %dma_start3A_269 = arith.constant 0 : i32
        %dma_start3A_270 = tpu.memref_slice %arg3[%add3A_262, %dma_start3A_268, %dma_start3A_269] : memref<2560x2x128xi32, #tpu.memory_space<hbm>> -> memref<1x2x128xi32, #tpu.memory_space<hbm>>
        %dma_start3A_271 = tpu.memref_squeeze %dma_start3A_270 : memref<1x2x128xi32, #tpu.memory_space<hbm>> -> memref<2x128xi32, #tpu.memory_space<hbm>>
        %dma_start3A_272 = arith.constant 0 : i32
        %dma_start3A_273 = arith.constant 0 : i32
        %dma_start3A_274 = tpu.memref_slice %arg6[%dma_start3A_263, %dma_start3A_272, %dma_start3A_273] : memref<4x2x128xi32, #tpu.memory_space<vmem>> -> memref<1x2x128xi32, #tpu.memory_space<vmem>>
        %dma_start3A_275 = tpu.memref_squeeze %dma_start3A_274 : memref<1x2x128xi32, #tpu.memory_space<vmem>> -> memref<2x128xi32, #tpu.memory_space<vmem>>
        %dma_start3A_276 = arith.constant 0 : i32
        %dma_start3A_277 = arith.constant 0 : i32
        %dma_start3A_278 = tpu.memref_slice %arg3[%add3A_262, %dma_start3A_276, %dma_start3A_277] : memref<2560x2x128xi32, #tpu.memory_space<hbm>> -> memref<1x2x128xi32, #tpu.memory_space<hbm>>
        %dma_start3A_279 = tpu.memref_squeeze %dma_start3A_278 : memref<1x2x128xi32, #tpu.memory_space<hbm>> -> memref<2x128xi32, #tpu.memory_space<hbm>>
        tpu.enqueue_dma source(%dma_start3A_279 : memref<2x128xi32, #tpu.memory_space<hbm>>) target(%dma_start3A_275 : memref<2x128xi32, #tpu.memory_space<vmem>>) target_semaphore(%arg9 : memref<!tpu.dma_semaphore, #tpu.memory_space<semaphore_mem>>)
      } else {
      }
      %add3A_174 = arith.constant 1 : i32
      %add3A_175 = arith.addi %add3A_167, %add3A_174 : i32
      %lt3A_176 = arith.cmpi slt, %add3A_175, %select_n3A_7 : i32
      %convert_element_type3A_177 = arith.extui %lt3A_176 : i1 to i32
      %cond3A_178 = arith.constant 0 : i32
      %cond3A_179 = arith.cmpi ne, %convert_element_type3A_177, %cond3A_178 : i32
      scf.if %cond3A_179 {
        %add3A_260 = arith.constant 1 : i32
        %add3A_261 = arith.addi %add3A_167, %add3A_260 : i32
        %add3A_262 = arith.addi %add3A, %add3A_261 : i32
        %dma_wait3A_263 = arith.constant 2 : i32
        %dma_wait3A_264 = arith.constant 0 : i32
        %dma_wait3A_265 = arith.constant 0 : i32
        %dma_wait3A_266 = tpu.memref_slice %arg6[%dma_wait3A_263, %dma_wait3A_264, %dma_wait3A_265] : memref<4x2x128xi32, #tpu.memory_space<vmem>> -> memref<1x2x128xi32, #tpu.memory_space<vmem>>
        %dma_wait3A_267 = tpu.memref_squeeze %dma_wait3A_266 : memref<1x2x128xi32, #tpu.memory_space<vmem>> -> memref<2x128xi32, #tpu.memory_space<vmem>>
        %dma_wait3A_268 = arith.constant 0 : i32
        %dma_wait3A_269 = arith.constant 0 : i32
        %dma_wait3A_270 = tpu.memref_slice %arg3[%add3A_262, %dma_wait3A_268, %dma_wait3A_269] : memref<2560x2x128xi32, #tpu.memory_space<hbm>> -> memref<1x2x128xi32, #tpu.memory_space<hbm>>
        %dma_wait3A_271 = tpu.memref_squeeze %dma_wait3A_270 : memref<1x2x128xi32, #tpu.memory_space<hbm>> -> memref<2x128xi32, #tpu.memory_space<hbm>>
        %dma_wait3A_272 = arith.constant 0 : i32
        %dma_wait3A_273 = arith.constant 0 : i32
        %dma_wait3A_274 = tpu.memref_slice %arg6[%dma_wait3A_263, %dma_wait3A_272, %dma_wait3A_273] : memref<4x2x128xi32, #tpu.memory_space<vmem>> -> memref<1x2x128xi32, #tpu.memory_space<vmem>>
        %dma_wait3A_275 = tpu.memref_squeeze %dma_wait3A_274 : memref<1x2x128xi32, #tpu.memory_space<vmem>> -> memref<2x128xi32, #tpu.memory_space<vmem>>
        %dma_wait3A_276 = arith.constant 0 : i32
        %dma_wait3A_277 = arith.constant 0 : i32
        %dma_wait3A_278 = tpu.memref_slice %arg3[%add3A_262, %dma_wait3A_276, %dma_wait3A_277] : memref<2560x2x128xi32, #tpu.memory_space<hbm>> -> memref<1x2x128xi32, #tpu.memory_space<hbm>>
        %dma_wait3A_279 = tpu.memref_squeeze %dma_wait3A_278 : memref<1x2x128xi32, #tpu.memory_space<hbm>> -> memref<2x128xi32, #tpu.memory_space<hbm>>
        tpu.wait_dma2 semaphore(%arg11 : memref<!tpu.dma_semaphore, #tpu.memory_space<semaphore_mem>>) src(%dma_wait3A_279 : memref<2x128xi32, #tpu.memory_space<hbm>>) dst(%dma_wait3A_275 : memref<2x128xi32, #tpu.memory_space<vmem>>)
        %dma_start3A_280 = arith.constant 2 : i32
        %dma_start3A_281 = arith.constant 0 : i32
        %dma_start3A_282 = arith.constant 0 : i32
        %dma_start3A_283 = arith.constant 0 : i32
        %dma_start3A_284 = arith.constant 0 : i32
        %dma_start3A_285 = tpu.memref_slice %arg7[%dma_start3A_282, %dma_start3A_283, %dma_start3A_284] : memref<2x128x128xf32, #tpu.memory_space<vmem>> -> memref<1x128x128xf32, #tpu.memory_space<vmem>>
        %dma_start3A_286 = tpu.memref_squeeze %dma_start3A_285 : memref<1x128x128xf32, #tpu.memory_space<vmem>> -> memref<128x128xf32, #tpu.memory_space<vmem>>
        %dma_start3A_287 = arith.constant 0 : i32
        %dma_start3A_288 = tpu.memref_slice %arg6[%dma_start3A_280, %dma_start3A_281, %dma_start3A_287] : memref<4x2x128xi32, #tpu.memory_space<vmem>> -> memref<1x1x128xi32, #tpu.memory_space<vmem>>
        %dma_start3A_289 = tpu.memref_squeeze %dma_start3A_288 : memref<1x1x128xi32, #tpu.memory_space<vmem>> -> memref<128xi32, #tpu.memory_space<vmem>>
        %dma_start3A_290 = arith.constant 0 : i32
        %dma_start3A_291 = arith.constant 0 : i32
        %dma_start3A_292 = tpu.memref_slice %arg2[%dma_start3A_290, %dma_start3A_291] : memref<10240x128xf32, #tpu.memory_space<hbm>> -> memref<10240x128xf32, #tpu.memory_space<hbm>>
        tpu.enqueue_indirect_dma source(%dma_start3A_292 : memref<10240x128xf32, #tpu.memory_space<hbm>>) target(%dma_start3A_286 : memref<128x128xf32, #tpu.memory_space<vmem>>) offsets(%dma_start3A_289 : memref<128xi32, #tpu.memory_space<vmem>>) semaphore(%arg13 : memref<!tpu.dma_semaphore, #tpu.memory_space<semaphore_mem>>)
      } else {
      }
      %dma_wait3A_180 = arith.constant 1 : i32
      %dma_wait3A_181 = arith.constant 0 : i32
      %dma_wait3A_182 = arith.constant 1 : i32
      %dma_wait3A_183 = arith.constant 0 : i32
      %dma_wait3A_184 = arith.constant 0 : i32
      %dma_wait3A_185 = tpu.memref_slice %arg7[%dma_wait3A_182, %dma_wait3A_183, %dma_wait3A_184] : memref<2x128x128xf32, #tpu.memory_space<vmem>> -> memref<1x128x128xf32, #tpu.memory_space<vmem>>
      %dma_wait3A_186 = tpu.memref_squeeze %dma_wait3A_185 : memref<1x128x128xf32, #tpu.memory_space<vmem>> -> memref<128x128xf32, #tpu.memory_space<vmem>>
      %dma_wait3A_187 = arith.constant 0 : i32
      %dma_wait3A_188 = tpu.memref_slice %arg6[%dma_wait3A_180, %dma_wait3A_181, %dma_wait3A_187] : memref<4x2x128xi32, #tpu.memory_space<vmem>> -> memref<1x1x128xi32, #tpu.memory_space<vmem>>
      %dma_wait3A_189 = tpu.memref_squeeze %dma_wait3A_188 : memref<1x1x128xi32, #tpu.memory_space<vmem>> -> memref<128xi32, #tpu.memory_space<vmem>>
      %dma_wait3A_190 = arith.constant 0 : i32
      %dma_wait3A_191 = arith.constant 0 : i32
      %dma_wait3A_192 = tpu.memref_slice %arg2[%dma_wait3A_190, %dma_wait3A_191] : memref<10240x128xf32, #tpu.memory_space<hbm>> -> memref<10240x128xf32, #tpu.memory_space<hbm>>
      tpu.wait_indirect_dma semaphore(%arg14 : memref<!tpu.dma_semaphore, #tpu.memory_space<semaphore_mem>>) src(%dma_wait3A_192 : memref<10240x128xf32, #tpu.memory_space<hbm>>) dst(%dma_wait3A_186 : memref<128x128xf32, #tpu.memory_space<vmem>>)
      %run_scoped3A_193 = arith.constant 1 : i32
      %run_scoped3A_194 = arith.constant 1 : i32
      %run_scoped3A_195 = arith.constant 1 : i32
      "tpu.region"() ({
        %run_scoped3A_260 = tpu.sem_alloc : memref<!tpu.dma_semaphore, #tpu.memory_space<semaphore_mem>>
        %dma_start3A_261 = arith.constant 0 : i32
        %dma_start3A_262 = arith.constant 0 : i32
        %dma_start3A_263 = tpu.memref_slice %arg7[%run_scoped3A_193, %dma_start3A_261, %dma_start3A_262] : memref<2x128x128xf32, #tpu.memory_space<vmem>> -> memref<1x128x128xf32, #tpu.memory_space<vmem>>
        %dma_start3A_264 = tpu.memref_squeeze %dma_start3A_263 : memref<1x128x128xf32, #tpu.memory_space<vmem>> -> memref<128x128xf32, #tpu.memory_space<vmem>>
        %dma_start3A_265 = arith.constant 0 : i32
        %dma_start3A_266 = tpu.memref_slice %arg6[%run_scoped3A_194, %run_scoped3A_195, %dma_start3A_265] : memref<4x2x128xi32, #tpu.memory_space<vmem>> -> memref<1x1x128xi32, #tpu.memory_space<vmem>>
        %dma_start3A_267 = tpu.memref_squeeze %dma_start3A_266 : memref<1x1x128xi32, #tpu.memory_space<vmem>> -> memref<128xi32, #tpu.memory_space<vmem>>
        %dma_start3A_268 = arith.constant 0 : i32
        %dma_start3A_269 = arith.constant 0 : i32
        %dma_start3A_270 = tpu.memref_slice %arg8[%dma_start3A_268, %dma_start3A_269] : memref<10240x128xf32, #tpu.memory_space<vmem_shared>> -> memref<10240x128xf32, #tpu.memory_space<vmem_shared>>
        tpu.enqueue_indirect_dma source(%dma_start3A_264 : memref<128x128xf32, #tpu.memory_space<vmem>>) target(%dma_start3A_270 : memref<10240x128xf32, #tpu.memory_space<vmem_shared>>) offsets(%dma_start3A_267 : memref<128xi32, #tpu.memory_space<vmem>>) semaphore(%run_scoped3A_260 : memref<!tpu.dma_semaphore, #tpu.memory_space<semaphore_mem>>) {add = true}
        %dma_wait3A_271 = arith.constant 0 : i32
        %dma_wait3A_272 = arith.constant 0 : i32
        %dma_wait3A_273 = tpu.memref_slice %arg7[%run_scoped3A_193, %dma_wait3A_271, %dma_wait3A_272] : memref<2x128x128xf32, #tpu.memory_space<vmem>> -> memref<1x128x128xf32, #tpu.memory_space<vmem>>
        %dma_wait3A_274 = tpu.memref_squeeze %dma_wait3A_273 : memref<1x128x128xf32, #tpu.memory_space<vmem>> -> memref<128x128xf32, #tpu.memory_space<vmem>>
        %dma_wait3A_275 = arith.constant 0 : i32
        %dma_wait3A_276 = tpu.memref_slice %arg6[%run_scoped3A_194, %run_scoped3A_195, %dma_wait3A_275] : memref<4x2x128xi32, #tpu.memory_space<vmem>> -> memref<1x1x128xi32, #tpu.memory_space<vmem>>
        %dma_wait3A_277 = tpu.memref_squeeze %dma_wait3A_276 : memref<1x1x128xi32, #tpu.memory_space<vmem>> -> memref<128xi32, #tpu.memory_space<vmem>>
        %dma_wait3A_278 = arith.constant 0 : i32
        %dma_wait3A_279 = arith.constant 0 : i32
        %dma_wait3A_280 = tpu.memref_slice %arg8[%dma_wait3A_278, %dma_wait3A_279] : memref<10240x128xf32, #tpu.memory_space<vmem_shared>> -> memref<10240x128xf32, #tpu.memory_space<vmem_shared>>
        tpu.wait_indirect_dma semaphore(%run_scoped3A_260 : memref<!tpu.dma_semaphore, #tpu.memory_space<semaphore_mem>>) src(%dma_wait3A_274 : memref<128x128xf32, #tpu.memory_space<vmem>>) dst(%dma_wait3A_280 : memref<10240x128xf32, #tpu.memory_space<vmem_shared>>)
        tpu.yield
      }) : () -> ()
      %mul3A_196 = arith.constant 4 : i32
      %mul3A_197 = arith.muli %while3A_134, %mul3A_196 : i32
      %add3A_198 = arith.constant 2 : i32
      %add3A_199 = arith.addi %mul3A_197, %add3A_198 : i32
      %add3A_200 = arith.constant 3 : i32
      %add3A_201 = arith.addi %add3A_199, %add3A_200 : i32
      %lt3A_202 = arith.cmpi slt, %add3A_201, %select_n3A_7 : i32
      %convert_element_type3A_203 = arith.extui %lt3A_202 : i1 to i32
      %cond3A_204 = arith.constant 0 : i32
      %cond3A_205 = arith.cmpi ne, %convert_element_type3A_203, %cond3A_204 : i32
      scf.if %cond3A_205 {
        %add3A_260 = arith.constant 3 : i32
        %add3A_261 = arith.addi %add3A_199, %add3A_260 : i32
        %add3A_262 = arith.addi %add3A, %add3A_261 : i32
        %dma_start3A_263 = arith.constant 1 : i32
        %dma_start3A_264 = arith.constant 0 : i32
        %dma_start3A_265 = arith.constant 0 : i32
        %dma_start3A_266 = tpu.memref_slice %arg6[%dma_start3A_263, %dma_start3A_264, %dma_start3A_265] : memref<4x2x128xi32, #tpu.memory_space<vmem>> -> memref<1x2x128xi32, #tpu.memory_space<vmem>>
        %dma_start3A_267 = tpu.memref_squeeze %dma_start3A_266 : memref<1x2x128xi32, #tpu.memory_space<vmem>> -> memref<2x128xi32, #tpu.memory_space<vmem>>
        %dma_start3A_268 = arith.constant 0 : i32
        %dma_start3A_269 = arith.constant 0 : i32
        %dma_start3A_270 = tpu.memref_slice %arg3[%add3A_262, %dma_start3A_268, %dma_start3A_269] : memref<2560x2x128xi32, #tpu.memory_space<hbm>> -> memref<1x2x128xi32, #tpu.memory_space<hbm>>
        %dma_start3A_271 = tpu.memref_squeeze %dma_start3A_270 : memref<1x2x128xi32, #tpu.memory_space<hbm>> -> memref<2x128xi32, #tpu.memory_space<hbm>>
        %dma_start3A_272 = arith.constant 0 : i32
        %dma_start3A_273 = arith.constant 0 : i32
        %dma_start3A_274 = tpu.memref_slice %arg6[%dma_start3A_263, %dma_start3A_272, %dma_start3A_273] : memref<4x2x128xi32, #tpu.memory_space<vmem>> -> memref<1x2x128xi32, #tpu.memory_space<vmem>>
        %dma_start3A_275 = tpu.memref_squeeze %dma_start3A_274 : memref<1x2x128xi32, #tpu.memory_space<vmem>> -> memref<2x128xi32, #tpu.memory_space<vmem>>
        %dma_start3A_276 = arith.constant 0 : i32
        %dma_start3A_277 = arith.constant 0 : i32
        %dma_start3A_278 = tpu.memref_slice %arg3[%add3A_262, %dma_start3A_276, %dma_start3A_277] : memref<2560x2x128xi32, #tpu.memory_space<hbm>> -> memref<1x2x128xi32, #tpu.memory_space<hbm>>
        %dma_start3A_279 = tpu.memref_squeeze %dma_start3A_278 : memref<1x2x128xi32, #tpu.memory_space<hbm>> -> memref<2x128xi32, #tpu.memory_space<hbm>>
        tpu.enqueue_dma source(%dma_start3A_279 : memref<2x128xi32, #tpu.memory_space<hbm>>) target(%dma_start3A_275 : memref<2x128xi32, #tpu.memory_space<vmem>>) target_semaphore(%arg10 : memref<!tpu.dma_semaphore, #tpu.memory_space<semaphore_mem>>)
      } else {
      }
      %add3A_206 = arith.constant 1 : i32
      %add3A_207 = arith.addi %add3A_199, %add3A_206 : i32
      %lt3A_208 = arith.cmpi slt, %add3A_207, %select_n3A_7 : i32
      %convert_element_type3A_209 = arith.extui %lt3A_208 : i1 to i32
      %cond3A_210 = arith.constant 0 : i32
      %cond3A_211 = arith.cmpi ne, %convert_element_type3A_209, %cond3A_210 : i32
      scf.if %cond3A_211 {
        %add3A_260 = arith.constant 1 : i32
        %add3A_261 = arith.addi %add3A_199, %add3A_260 : i32
        %add3A_262 = arith.addi %add3A, %add3A_261 : i32
        %dma_wait3A_263 = arith.constant 3 : i32
        %dma_wait3A_264 = arith.constant 0 : i32
        %dma_wait3A_265 = arith.constant 0 : i32
        %dma_wait3A_266 = tpu.memref_slice %arg6[%dma_wait3A_263, %dma_wait3A_264, %dma_wait3A_265] : memref<4x2x128xi32, #tpu.memory_space<vmem>> -> memref<1x2x128xi32, #tpu.memory_space<vmem>>
        %dma_wait3A_267 = tpu.memref_squeeze %dma_wait3A_266 : memref<1x2x128xi32, #tpu.memory_space<vmem>> -> memref<2x128xi32, #tpu.memory_space<vmem>>
        %dma_wait3A_268 = arith.constant 0 : i32
        %dma_wait3A_269 = arith.constant 0 : i32
        %dma_wait3A_270 = tpu.memref_slice %arg3[%add3A_262, %dma_wait3A_268, %dma_wait3A_269] : memref<2560x2x128xi32, #tpu.memory_space<hbm>> -> memref<1x2x128xi32, #tpu.memory_space<hbm>>
        %dma_wait3A_271 = tpu.memref_squeeze %dma_wait3A_270 : memref<1x2x128xi32, #tpu.memory_space<hbm>> -> memref<2x128xi32, #tpu.memory_space<hbm>>
        %dma_wait3A_272 = arith.constant 0 : i32
        %dma_wait3A_273 = arith.constant 0 : i32
        %dma_wait3A_274 = tpu.memref_slice %arg6[%dma_wait3A_263, %dma_wait3A_272, %dma_wait3A_273] : memref<4x2x128xi32, #tpu.memory_space<vmem>> -> memref<1x2x128xi32, #tpu.memory_space<vmem>>
        %dma_wait3A_275 = tpu.memref_squeeze %dma_wait3A_274 : memref<1x2x128xi32, #tpu.memory_space<vmem>> -> memref<2x128xi32, #tpu.memory_space<vmem>>
        %dma_wait3A_276 = arith.constant 0 : i32
        %dma_wait3A_277 = arith.constant 0 : i32
        %dma_wait3A_278 = tpu.memref_slice %arg3[%add3A_262, %dma_wait3A_276, %dma_wait3A_277] : memref<2560x2x128xi32, #tpu.memory_space<hbm>> -> memref<1x2x128xi32, #tpu.memory_space<hbm>>
        %dma_wait3A_279 = tpu.memref_squeeze %dma_wait3A_278 : memref<1x2x128xi32, #tpu.memory_space<hbm>> -> memref<2x128xi32, #tpu.memory_space<hbm>>
        tpu.wait_dma2 semaphore(%arg12 : memref<!tpu.dma_semaphore, #tpu.memory_space<semaphore_mem>>) src(%dma_wait3A_279 : memref<2x128xi32, #tpu.memory_space<hbm>>) dst(%dma_wait3A_275 : memref<2x128xi32, #tpu.memory_space<vmem>>)
        %dma_start3A_280 = arith.constant 3 : i32
        %dma_start3A_281 = arith.constant 0 : i32
        %dma_start3A_282 = arith.constant 1 : i32
        %dma_start3A_283 = arith.constant 0 : i32
        %dma_start3A_284 = arith.constant 0 : i32
        %dma_start3A_285 = tpu.memref_slice %arg7[%dma_start3A_282, %dma_start3A_283, %dma_start3A_284] : memref<2x128x128xf32, #tpu.memory_space<vmem>> -> memref<1x128x128xf32, #tpu.memory_space<vmem>>
        %dma_start3A_286 = tpu.memref_squeeze %dma_start3A_285 : memref<1x128x128xf32, #tpu.memory_space<vmem>> -> memref<128x128xf32, #tpu.memory_space<vmem>>
        %dma_start3A_287 = arith.constant 0 : i32
        %dma_start3A_288 = tpu.memref_slice %arg6[%dma_start3A_280, %dma_start3A_281, %dma_start3A_287] : memref<4x2x128xi32, #tpu.memory_space<vmem>> -> memref<1x1x128xi32, #tpu.memory_space<vmem>>
        %dma_start3A_289 = tpu.memref_squeeze %dma_start3A_288 : memref<1x1x128xi32, #tpu.memory_space<vmem>> -> memref<128xi32, #tpu.memory_space<vmem>>
        %dma_start3A_290 = arith.constant 0 : i32
        %dma_start3A_291 = arith.constant 0 : i32
        %dma_start3A_292 = tpu.memref_slice %arg2[%dma_start3A_290, %dma_start3A_291] : memref<10240x128xf32, #tpu.memory_space<hbm>> -> memref<10240x128xf32, #tpu.memory_space<hbm>>
        tpu.enqueue_indirect_dma source(%dma_start3A_292 : memref<10240x128xf32, #tpu.memory_space<hbm>>) target(%dma_start3A_286 : memref<128x128xf32, #tpu.memory_space<vmem>>) offsets(%dma_start3A_289 : memref<128xi32, #tpu.memory_space<vmem>>) semaphore(%arg14 : memref<!tpu.dma_semaphore, #tpu.memory_space<semaphore_mem>>)
      } else {
      }
      %dma_wait3A_212 = arith.constant 2 : i32
      %dma_wait3A_213 = arith.constant 0 : i32
      %dma_wait3A_214 = arith.constant 0 : i32
      %dma_wait3A_215 = arith.constant 0 : i32
      %dma_wait3A_216 = arith.constant 0 : i32
      %dma_wait3A_217 = tpu.memref_slice %arg7[%dma_wait3A_214, %dma_wait3A_215, %dma_wait3A_216] : memref<2x128x128xf32, #tpu.memory_space<vmem>> -> memref<1x128x128xf32, #tpu.memory_space<vmem>>
      %dma_wait3A_218 = tpu.memref_squeeze %dma_wait3A_217 : memref<1x128x128xf32, #tpu.memory_space<vmem>> -> memref<128x128xf32, #tpu.memory_space<vmem>>
      %dma_wait3A_219 = arith.constant 0 : i32
      %dma_wait3A_220 = tpu.memref_slice %arg6[%dma_wait3A_212, %dma_wait3A_213, %dma_wait3A_219] : memref<4x2x128xi32, #tpu.memory_space<vmem>> -> memref<1x1x128xi32, #tpu.memory_space<vmem>>
      %dma_wait3A_221 = tpu.memref_squeeze %dma_wait3A_220 : memref<1x1x128xi32, #tpu.memory_space<vmem>> -> memref<128xi32, #tpu.memory_space<vmem>>
      %dma_wait3A_222 = arith.constant 0 : i32
      %dma_wait3A_223 = arith.constant 0 : i32
      %dma_wait3A_224 = tpu.memref_slice %arg2[%dma_wait3A_222, %dma_wait3A_223] : memref<10240x128xf32, #tpu.memory_space<hbm>> -> memref<10240x128xf32, #tpu.memory_space<hbm>>
      tpu.wait_indirect_dma semaphore(%arg13 : memref<!tpu.dma_semaphore, #tpu.memory_space<semaphore_mem>>) src(%dma_wait3A_224 : memref<10240x128xf32, #tpu.memory_space<hbm>>) dst(%dma_wait3A_218 : memref<128x128xf32, #tpu.memory_space<vmem>>)
      %run_scoped3A_225 = arith.constant 0 : i32
      %run_scoped3A_226 = arith.constant 2 : i32
      %run_scoped3A_227 = arith.constant 1 : i32
      "tpu.region"() ({
        %run_scoped3A_260 = tpu.sem_alloc : memref<!tpu.dma_semaphore, #tpu.memory_space<semaphore_mem>>
        %dma_start3A_261 = arith.constant 0 : i32
        %dma_start3A_262 = arith.constant 0 : i32
        %dma_start3A_263 = tpu.memref_slice %arg7[%run_scoped3A_225, %dma_start3A_261, %dma_start3A_262] : memref<2x128x128xf32, #tpu.memory_space<vmem>> -> memref<1x128x128xf32, #tpu.memory_space<vmem>>
        %dma_start3A_264 = tpu.memref_squeeze %dma_start3A_263 : memref<1x128x128xf32, #tpu.memory_space<vmem>> -> memref<128x128xf32, #tpu.memory_space<vmem>>
        %dma_start3A_265 = arith.constant 0 : i32
        %dma_start3A_266 = tpu.memref_slice %arg6[%run_scoped3A_226, %run_scoped3A_227, %dma_start3A_265] : memref<4x2x128xi32, #tpu.memory_space<vmem>> -> memref<1x1x128xi32, #tpu.memory_space<vmem>>
        %dma_start3A_267 = tpu.memref_squeeze %dma_start3A_266 : memref<1x1x128xi32, #tpu.memory_space<vmem>> -> memref<128xi32, #tpu.memory_space<vmem>>
        %dma_start3A_268 = arith.constant 0 : i32
        %dma_start3A_269 = arith.constant 0 : i32
        %dma_start3A_270 = tpu.memref_slice %arg8[%dma_start3A_268, %dma_start3A_269] : memref<10240x128xf32, #tpu.memory_space<vmem_shared>> -> memref<10240x128xf32, #tpu.memory_space<vmem_shared>>
        tpu.enqueue_indirect_dma source(%dma_start3A_264 : memref<128x128xf32, #tpu.memory_space<vmem>>) target(%dma_start3A_270 : memref<10240x128xf32, #tpu.memory_space<vmem_shared>>) offsets(%dma_start3A_267 : memref<128xi32, #tpu.memory_space<vmem>>) semaphore(%run_scoped3A_260 : memref<!tpu.dma_semaphore, #tpu.memory_space<semaphore_mem>>) {add = true}
        %dma_wait3A_271 = arith.constant 0 : i32
        %dma_wait3A_272 = arith.constant 0 : i32
        %dma_wait3A_273 = tpu.memref_slice %arg7[%run_scoped3A_225, %dma_wait3A_271, %dma_wait3A_272] : memref<2x128x128xf32, #tpu.memory_space<vmem>> -> memref<1x128x128xf32, #tpu.memory_space<vmem>>
        %dma_wait3A_274 = tpu.memref_squeeze %dma_wait3A_273 : memref<1x128x128xf32, #tpu.memory_space<vmem>> -> memref<128x128xf32, #tpu.memory_space<vmem>>
        %dma_wait3A_275 = arith.constant 0 : i32
        %dma_wait3A_276 = tpu.memref_slice %arg6[%run_scoped3A_226, %run_scoped3A_227, %dma_wait3A_275] : memref<4x2x128xi32, #tpu.memory_space<vmem>> -> memref<1x1x128xi32, #tpu.memory_space<vmem>>
        %dma_wait3A_277 = tpu.memref_squeeze %dma_wait3A_276 : memref<1x1x128xi32, #tpu.memory_space<vmem>> -> memref<128xi32, #tpu.memory_space<vmem>>
        %dma_wait3A_278 = arith.constant 0 : i32
        %dma_wait3A_279 = arith.constant 0 : i32
        %dma_wait3A_280 = tpu.memref_slice %arg8[%dma_wait3A_278, %dma_wait3A_279] : memref<10240x128xf32, #tpu.memory_space<vmem_shared>> -> memref<10240x128xf32, #tpu.memory_space<vmem_shared>>
        tpu.wait_indirect_dma semaphore(%run_scoped3A_260 : memref<!tpu.dma_semaphore, #tpu.memory_space<semaphore_mem>>) src(%dma_wait3A_274 : memref<128x128xf32, #tpu.memory_space<vmem>>) dst(%dma_wait3A_280 : memref<10240x128xf32, #tpu.memory_space<vmem_shared>>)
        tpu.yield
      }) : () -> ()
      %mul3A_228 = arith.constant 4 : i32
      %mul3A_229 = arith.muli %while3A_134, %mul3A_228 : i32
      %add3A_230 = arith.constant 3 : i32
      %add3A_231 = arith.addi %mul3A_229, %add3A_230 : i32
      %add3A_232 = arith.constant 3 : i32
      %add3A_233 = arith.addi %add3A_231, %add3A_232 : i32
      %lt3A_234 = arith.cmpi slt, %add3A_233, %select_n3A_7 : i32
      %convert_element_type3A_235 = arith.extui %lt3A_234 : i1 to i32
      %cond3A_236 = arith.constant 0 : i32
      %cond3A_237 = arith.cmpi ne, %convert_element_type3A_235, %cond3A_236 : i32
      scf.if %cond3A_237 {
        %add3A_260 = arith.constant 3 : i32
        %add3A_261 = arith.addi %add3A_231, %add3A_260 : i32
        %add3A_262 = arith.addi %add3A, %add3A_261 : i32
        %dma_start3A_263 = arith.constant 2 : i32
        %dma_start3A_264 = arith.constant 0 : i32
        %dma_start3A_265 = arith.constant 0 : i32
        %dma_start3A_266 = tpu.memref_slice %arg6[%dma_start3A_263, %dma_start3A_264, %dma_start3A_265] : memref<4x2x128xi32, #tpu.memory_space<vmem>> -> memref<1x2x128xi32, #tpu.memory_space<vmem>>
        %dma_start3A_267 = tpu.memref_squeeze %dma_start3A_266 : memref<1x2x128xi32, #tpu.memory_space<vmem>> -> memref<2x128xi32, #tpu.memory_space<vmem>>
        %dma_start3A_268 = arith.constant 0 : i32
        %dma_start3A_269 = arith.constant 0 : i32
        %dma_start3A_270 = tpu.memref_slice %arg3[%add3A_262, %dma_start3A_268, %dma_start3A_269] : memref<2560x2x128xi32, #tpu.memory_space<hbm>> -> memref<1x2x128xi32, #tpu.memory_space<hbm>>
        %dma_start3A_271 = tpu.memref_squeeze %dma_start3A_270 : memref<1x2x128xi32, #tpu.memory_space<hbm>> -> memref<2x128xi32, #tpu.memory_space<hbm>>
        %dma_start3A_272 = arith.constant 0 : i32
        %dma_start3A_273 = arith.constant 0 : i32
        %dma_start3A_274 = tpu.memref_slice %arg6[%dma_start3A_263, %dma_start3A_272, %dma_start3A_273] : memref<4x2x128xi32, #tpu.memory_space<vmem>> -> memref<1x2x128xi32, #tpu.memory_space<vmem>>
        %dma_start3A_275 = tpu.memref_squeeze %dma_start3A_274 : memref<1x2x128xi32, #tpu.memory_space<vmem>> -> memref<2x128xi32, #tpu.memory_space<vmem>>
        %dma_start3A_276 = arith.constant 0 : i32
        %dma_start3A_277 = arith.constant 0 : i32
        %dma_start3A_278 = tpu.memref_slice %arg3[%add3A_262, %dma_start3A_276, %dma_start3A_277] : memref<2560x2x128xi32, #tpu.memory_space<hbm>> -> memref<1x2x128xi32, #tpu.memory_space<hbm>>
        %dma_start3A_279 = tpu.memref_squeeze %dma_start3A_278 : memref<1x2x128xi32, #tpu.memory_space<hbm>> -> memref<2x128xi32, #tpu.memory_space<hbm>>
        tpu.enqueue_dma source(%dma_start3A_279 : memref<2x128xi32, #tpu.memory_space<hbm>>) target(%dma_start3A_275 : memref<2x128xi32, #tpu.memory_space<vmem>>) target_semaphore(%arg11 : memref<!tpu.dma_semaphore, #tpu.memory_space<semaphore_mem>>)
      } else {
      }
      %add3A_238 = arith.constant 1 : i32
      %add3A_239 = arith.addi %add3A_231, %add3A_238 : i32
      %lt3A_240 = arith.cmpi slt, %add3A_239, %select_n3A_7 : i32
      %convert_element_type3A_241 = arith.extui %lt3A_240 : i1 to i32
      %cond3A_242 = arith.constant 0 : i32
      %cond3A_243 = arith.cmpi ne, %convert_element_type3A_241, %cond3A_242 : i32
      scf.if %cond3A_243 {
        %add3A_260 = arith.constant 1 : i32
        %add3A_261 = arith.addi %add3A_231, %add3A_260 : i32
        %add3A_262 = arith.addi %add3A, %add3A_261 : i32
        %dma_wait3A_263 = arith.constant 0 : i32
        %dma_wait3A_264 = arith.constant 0 : i32
        %dma_wait3A_265 = arith.constant 0 : i32
        %dma_wait3A_266 = tpu.memref_slice %arg6[%dma_wait3A_263, %dma_wait3A_264, %dma_wait3A_265] : memref<4x2x128xi32, #tpu.memory_space<vmem>> -> memref<1x2x128xi32, #tpu.memory_space<vmem>>
        %dma_wait3A_267 = tpu.memref_squeeze %dma_wait3A_266 : memref<1x2x128xi32, #tpu.memory_space<vmem>> -> memref<2x128xi32, #tpu.memory_space<vmem>>
        %dma_wait3A_268 = arith.constant 0 : i32
        %dma_wait3A_269 = arith.constant 0 : i32
        %dma_wait3A_270 = tpu.memref_slice %arg3[%add3A_262, %dma_wait3A_268, %dma_wait3A_269] : memref<2560x2x128xi32, #tpu.memory_space<hbm>> -> memref<1x2x128xi32, #tpu.memory_space<hbm>>
        %dma_wait3A_271 = tpu.memref_squeeze %dma_wait3A_270 : memref<1x2x128xi32, #tpu.memory_space<hbm>> -> memref<2x128xi32, #tpu.memory_space<hbm>>
        %dma_wait3A_272 = arith.constant 0 : i32
        %dma_wait3A_273 = arith.constant 0 : i32
        %dma_wait3A_274 = tpu.memref_slice %arg6[%dma_wait3A_263, %dma_wait3A_272, %dma_wait3A_273] : memref<4x2x128xi32, #tpu.memory_space<vmem>> -> memref<1x2x128xi32, #tpu.memory_space<vmem>>
        %dma_wait3A_275 = tpu.memref_squeeze %dma_wait3A_274 : memref<1x2x128xi32, #tpu.memory_space<vmem>> -> memref<2x128xi32, #tpu.memory_space<vmem>>
        %dma_wait3A_276 = arith.constant 0 : i32
        %dma_wait3A_277 = arith.constant 0 : i32
        %dma_wait3A_278 = tpu.memref_slice %arg3[%add3A_262, %dma_wait3A_276, %dma_wait3A_277] : memref<2560x2x128xi32, #tpu.memory_space<hbm>> -> memref<1x2x128xi32, #tpu.memory_space<hbm>>
        %dma_wait3A_279 = tpu.memref_squeeze %dma_wait3A_278 : memref<1x2x128xi32, #tpu.memory_space<hbm>> -> memref<2x128xi32, #tpu.memory_space<hbm>>
        tpu.wait_dma2 semaphore(%arg9 : memref<!tpu.dma_semaphore, #tpu.memory_space<semaphore_mem>>) src(%dma_wait3A_279 : memref<2x128xi32, #tpu.memory_space<hbm>>) dst(%dma_wait3A_275 : memref<2x128xi32, #tpu.memory_space<vmem>>)
        %dma_start3A_280 = arith.constant 0 : i32
        %dma_start3A_281 = arith.constant 0 : i32
        %dma_start3A_282 = arith.constant 0 : i32
        %dma_start3A_283 = arith.constant 0 : i32
        %dma_start3A_284 = arith.constant 0 : i32
        %dma_start3A_285 = tpu.memref_slice %arg7[%dma_start3A_282, %dma_start3A_283, %dma_start3A_284] : memref<2x128x128xf32, #tpu.memory_space<vmem>> -> memref<1x128x128xf32, #tpu.memory_space<vmem>>
        %dma_start3A_286 = tpu.memref_squeeze %dma_start3A_285 : memref<1x128x128xf32, #tpu.memory_space<vmem>> -> memref<128x128xf32, #tpu.memory_space<vmem>>
        %dma_start3A_287 = arith.constant 0 : i32
        %dma_start3A_288 = tpu.memref_slice %arg6[%dma_start3A_280, %dma_start3A_281, %dma_start3A_287] : memref<4x2x128xi32, #tpu.memory_space<vmem>> -> memref<1x1x128xi32, #tpu.memory_space<vmem>>
        %dma_start3A_289 = tpu.memref_squeeze %dma_start3A_288 : memref<1x1x128xi32, #tpu.memory_space<vmem>> -> memref<128xi32, #tpu.memory_space<vmem>>
        %dma_start3A_290 = arith.constant 0 : i32
        %dma_start3A_291 = arith.constant 0 : i32
        %dma_start3A_292 = tpu.memref_slice %arg2[%dma_start3A_290, %dma_start3A_291] : memref<10240x128xf32, #tpu.memory_space<hbm>> -> memref<10240x128xf32, #tpu.memory_space<hbm>>
        tpu.enqueue_indirect_dma source(%dma_start3A_292 : memref<10240x128xf32, #tpu.memory_space<hbm>>) target(%dma_start3A_286 : memref<128x128xf32, #tpu.memory_space<vmem>>) offsets(%dma_start3A_289 : memref<128xi32, #tpu.memory_space<vmem>>) semaphore(%arg13 : memref<!tpu.dma_semaphore, #tpu.memory_space<semaphore_mem>>)
      } else {
      }
      %dma_wait3A_244 = arith.constant 3 : i32
      %dma_wait3A_245 = arith.constant 0 : i32
      %dma_wait3A_246 = arith.constant 1 : i32
      %dma_wait3A_247 = arith.constant 0 : i32
      %dma_wait3A_248 = arith.constant 0 : i32
      %dma_wait3A_249 = tpu.memref_slice %arg7[%dma_wait3A_246, %dma_wait3A_247, %dma_wait3A_248] : memref<2x128x128xf32, #tpu.memory_space<vmem>> -> memref<1x128x128xf32, #tpu.memory_space<vmem>>
      %dma_wait3A_250 = tpu.memref_squeeze %dma_wait3A_249 : memref<1x128x128xf32, #tpu.memory_space<vmem>> -> memref<128x128xf32, #tpu.memory_space<vmem>>
      %dma_wait3A_251 = arith.constant 0 : i32
      %dma_wait3A_252 = tpu.memref_slice %arg6[%dma_wait3A_244, %dma_wait3A_245, %dma_wait3A_251] : memref<4x2x128xi32, #tpu.memory_space<vmem>> -> memref<1x1x128xi32, #tpu.memory_space<vmem>>
      %dma_wait3A_253 = tpu.memref_squeeze %dma_wait3A_252 : memref<1x1x128xi32, #tpu.memory_space<vmem>> -> memref<128xi32, #tpu.memory_space<vmem>>
      %dma_wait3A_254 = arith.constant 0 : i32
      %dma_wait3A_255 = arith.constant 0 : i32
      %dma_wait3A_256 = tpu.memref_slice %arg2[%dma_wait3A_254, %dma_wait3A_255] : memref<10240x128xf32, #tpu.memory_space<hbm>> -> memref<10240x128xf32, #tpu.memory_space<hbm>>
      tpu.wait_indirect_dma semaphore(%arg14 : memref<!tpu.dma_semaphore, #tpu.memory_space<semaphore_mem>>) src(%dma_wait3A_256 : memref<10240x128xf32, #tpu.memory_space<hbm>>) dst(%dma_wait3A_250 : memref<128x128xf32, #tpu.memory_space<vmem>>)
      %run_scoped3A_257 = arith.constant 1 : i32
      %run_scoped3A_258 = arith.constant 3 : i32
      %run_scoped3A_259 = arith.constant 1 : i32
      "tpu.region"() ({
        %run_scoped3A_260 = tpu.sem_alloc : memref<!tpu.dma_semaphore, #tpu.memory_space<semaphore_mem>>
        %dma_start3A_261 = arith.constant 0 : i32
        %dma_start3A_262 = arith.constant 0 : i32
        %dma_start3A_263 = tpu.memref_slice %arg7[%run_scoped3A_257, %dma_start3A_261, %dma_start3A_262] : memref<2x128x128xf32, #tpu.memory_space<vmem>> -> memref<1x128x128xf32, #tpu.memory_space<vmem>>
        %dma_start3A_264 = tpu.memref_squeeze %dma_start3A_263 : memref<1x128x128xf32, #tpu.memory_space<vmem>> -> memref<128x128xf32, #tpu.memory_space<vmem>>
        %dma_start3A_265 = arith.constant 0 : i32
        %dma_start3A_266 = tpu.memref_slice %arg6[%run_scoped3A_258, %run_scoped3A_259, %dma_start3A_265] : memref<4x2x128xi32, #tpu.memory_space<vmem>> -> memref<1x1x128xi32, #tpu.memory_space<vmem>>
        %dma_start3A_267 = tpu.memref_squeeze %dma_start3A_266 : memref<1x1x128xi32, #tpu.memory_space<vmem>> -> memref<128xi32, #tpu.memory_space<vmem>>
        %dma_start3A_268 = arith.constant 0 : i32
        %dma_start3A_269 = arith.constant 0 : i32
        %dma_start3A_270 = tpu.memref_slice %arg8[%dma_start3A_268, %dma_start3A_269] : memref<10240x128xf32, #tpu.memory_space<vmem_shared>> -> memref<10240x128xf32, #tpu.memory_space<vmem_shared>>
        tpu.enqueue_indirect_dma source(%dma_start3A_264 : memref<128x128xf32, #tpu.memory_space<vmem>>) target(%dma_start3A_270 : memref<10240x128xf32, #tpu.memory_space<vmem_shared>>) offsets(%dma_start3A_267 : memref<128xi32, #tpu.memory_space<vmem>>) semaphore(%run_scoped3A_260 : memref<!tpu.dma_semaphore, #tpu.memory_space<semaphore_mem>>) {add = true}
        %dma_wait3A_271 = arith.constant 0 : i32
        %dma_wait3A_272 = arith.constant 0 : i32
        %dma_wait3A_273 = tpu.memref_slice %arg7[%run_scoped3A_257, %dma_wait3A_271, %dma_wait3A_272] : memref<2x128x128xf32, #tpu.memory_space<vmem>> -> memref<1x128x128xf32, #tpu.memory_space<vmem>>
        %dma_wait3A_274 = tpu.memref_squeeze %dma_wait3A_273 : memref<1x128x128xf32, #tpu.memory_space<vmem>> -> memref<128x128xf32, #tpu.memory_space<vmem>>
        %dma_wait3A_275 = arith.constant 0 : i32
        %dma_wait3A_276 = tpu.memref_slice %arg6[%run_scoped3A_258, %run_scoped3A_259, %dma_wait3A_275] : memref<4x2x128xi32, #tpu.memory_space<vmem>> -> memref<1x1x128xi32, #tpu.memory_space<vmem>>
        %dma_wait3A_277 = tpu.memref_squeeze %dma_wait3A_276 : memref<1x1x128xi32, #tpu.memory_space<vmem>> -> memref<128xi32, #tpu.memory_space<vmem>>
        %dma_wait3A_278 = arith.constant 0 : i32
        %dma_wait3A_279 = arith.constant 0 : i32
        %dma_wait3A_280 = tpu.memref_slice %arg8[%dma_wait3A_278, %dma_wait3A_279] : memref<10240x128xf32, #tpu.memory_space<vmem_shared>> -> memref<10240x128xf32, #tpu.memory_space<vmem_shared>>
        tpu.wait_indirect_dma semaphore(%run_scoped3A_260 : memref<!tpu.dma_semaphore, #tpu.memory_space<semaphore_mem>>) src(%dma_wait3A_274 : memref<128x128xf32, #tpu.memory_space<vmem>>) dst(%dma_wait3A_280 : memref<10240x128xf32, #tpu.memory_space<vmem_shared>>)
        tpu.yield
      }) : () -> ()
    }
    %while3A_126 = arith.constant 1 : i32
    scf.for %while3A_134 = %while3A_124 to %while3A_120 step %while3A_126  : i32 {
      %mul3A_135 = arith.constant 4 : i32
      %mul3A_136 = arith.muli %while3A_134, %mul3A_135 : i32
      %add3A_137 = arith.constant 0 : i32
      %add3A_138 = arith.addi %mul3A_136, %add3A_137 : i32
      %add3A_139 = arith.constant 3 : i32
      %add3A_140 = arith.addi %add3A_138, %add3A_139 : i32
      %lt3A = arith.cmpi slt, %add3A_140, %select_n3A_7 : i32
      %convert_element_type3A = arith.extui %lt3A : i1 to i32
      %cond3A = arith.constant 0 : i32
      %cond3A_141 = arith.cmpi ne, %convert_element_type3A, %cond3A : i32
      scf.if %cond3A_141 {
        %add3A_260 = arith.constant 3 : i32
        %add3A_261 = arith.addi %add3A_138, %add3A_260 : i32
        %add3A_262 = arith.addi %add3A, %add3A_261 : i32
        %dma_start3A_263 = arith.constant 3 : i32
        %dma_start3A_264 = arith.constant 0 : i32
        %dma_start3A_265 = arith.constant 0 : i32
        %dma_start3A_266 = tpu.memref_slice %arg6[%dma_start3A_263, %dma_start3A_264, %dma_start3A_265] : memref<4x2x128xi32, #tpu.memory_space<vmem>> -> memref<1x2x128xi32, #tpu.memory_space<vmem>>
        %dma_start3A_267 = tpu.memref_squeeze %dma_start3A_266 : memref<1x2x128xi32, #tpu.memory_space<vmem>> -> memref<2x128xi32, #tpu.memory_space<vmem>>
        %dma_start3A_268 = arith.constant 0 : i32
        %dma_start3A_269 = arith.constant 0 : i32
        %dma_start3A_270 = tpu.memref_slice %arg3[%add3A_262, %dma_start3A_268, %dma_start3A_269] : memref<2560x2x128xi32, #tpu.memory_space<hbm>> -> memref<1x2x128xi32, #tpu.memory_space<hbm>>
        %dma_start3A_271 = tpu.memref_squeeze %dma_start3A_270 : memref<1x2x128xi32, #tpu.memory_space<hbm>> -> memref<2x128xi32, #tpu.memory_space<hbm>>
        %dma_start3A_272 = arith.constant 0 : i32
        %dma_start3A_273 = arith.constant 0 : i32
        %dma_start3A_274 = tpu.memref_slice %arg6[%dma_start3A_263, %dma_start3A_272, %dma_start3A_273] : memref<4x2x128xi32, #tpu.memory_space<vmem>> -> memref<1x2x128xi32, #tpu.memory_space<vmem>>
        %dma_start3A_275 = tpu.memref_squeeze %dma_start3A_274 : memref<1x2x128xi32, #tpu.memory_space<vmem>> -> memref<2x128xi32, #tpu.memory_space<vmem>>
        %dma_start3A_276 = arith.constant 0 : i32
        %dma_start3A_277 = arith.constant 0 : i32
        %dma_start3A_278 = tpu.memref_slice %arg3[%add3A_262, %dma_start3A_276, %dma_start3A_277] : memref<2560x2x128xi32, #tpu.memory_space<hbm>> -> memref<1x2x128xi32, #tpu.memory_space<hbm>>
        %dma_start3A_279 = tpu.memref_squeeze %dma_start3A_278 : memref<1x2x128xi32, #tpu.memory_space<hbm>> -> memref<2x128xi32, #tpu.memory_space<hbm>>
        tpu.enqueue_dma source(%dma_start3A_279 : memref<2x128xi32, #tpu.memory_space<hbm>>) target(%dma_start3A_275 : memref<2x128xi32, #tpu.memory_space<vmem>>) target_semaphore(%arg12 : memref<!tpu.dma_semaphore, #tpu.memory_space<semaphore_mem>>)
      } else {
      }
      %add3A_142 = arith.constant 1 : i32
      %add3A_143 = arith.addi %add3A_138, %add3A_142 : i32
      %lt3A_144 = arith.cmpi slt, %add3A_143, %select_n3A_7 : i32
      %convert_element_type3A_145 = arith.extui %lt3A_144 : i1 to i32
      %cond3A_146 = arith.constant 0 : i32
      %cond3A_147 = arith.cmpi ne, %convert_element_type3A_145, %cond3A_146 : i32
      scf.if %cond3A_147 {
        %add3A_260 = arith.constant 1 : i32
        %add3A_261 = arith.addi %add3A_138, %add3A_260 : i32
        %add3A_262 = arith.addi %add3A, %add3A_261 : i32
        %dma_wait3A_263 = arith.constant 1 : i32
        %dma_wait3A_264 = arith.constant 0 : i32
        %dma_wait3A_265 = arith.constant 0 : i32
        %dma_wait3A_266 = tpu.memref_slice %arg6[%dma_wait3A_263, %dma_wait3A_264, %dma_wait3A_265] : memref<4x2x128xi32, #tpu.memory_space<vmem>> -> memref<1x2x128xi32, #tpu.memory_space<vmem>>
        %dma_wait3A_267 = tpu.memref_squeeze %dma_wait3A_266 : memref<1x2x128xi32, #tpu.memory_space<vmem>> -> memref<2x128xi32, #tpu.memory_space<vmem>>
        %dma_wait3A_268 = arith.constant 0 : i32
        %dma_wait3A_269 = arith.constant 0 : i32
        %dma_wait3A_270 = tpu.memref_slice %arg3[%add3A_262, %dma_wait3A_268, %dma_wait3A_269] : memref<2560x2x128xi32, #tpu.memory_space<hbm>> -> memref<1x2x128xi32, #tpu.memory_space<hbm>>
        %dma_wait3A_271 = tpu.memref_squeeze %dma_wait3A_270 : memref<1x2x128xi32, #tpu.memory_space<hbm>> -> memref<2x128xi32, #tpu.memory_space<hbm>>
        %dma_wait3A_272 = arith.constant 0 : i32
        %dma_wait3A_273 = arith.constant 0 : i32
        %dma_wait3A_274 = tpu.memref_slice %arg6[%dma_wait3A_263, %dma_wait3A_272, %dma_wait3A_273] : memref<4x2x128xi32, #tpu.memory_space<vmem>> -> memref<1x2x128xi32, #tpu.memory_space<vmem>>
        %dma_wait3A_275 = tpu.memref_squeeze %dma_wait3A_274 : memref<1x2x128xi32, #tpu.memory_space<vmem>> -> memref<2x128xi32, #tpu.memory_space<vmem>>
        %dma_wait3A_276 = arith.constant 0 : i32
        %dma_wait3A_277 = arith.constant 0 : i32
        %dma_wait3A_278 = tpu.memref_slice %arg3[%add3A_262, %dma_wait3A_276, %dma_wait3A_277] : memref<2560x2x128xi32, #tpu.memory_space<hbm>> -> memref<1x2x128xi32, #tpu.memory_space<hbm>>
        %dma_wait3A_279 = tpu.memref_squeeze %dma_wait3A_278 : memref<1x2x128xi32, #tpu.memory_space<hbm>> -> memref<2x128xi32, #tpu.memory_space<hbm>>
        tpu.wait_dma2 semaphore(%arg10 : memref<!tpu.dma_semaphore, #tpu.memory_space<semaphore_mem>>) src(%dma_wait3A_279 : memref<2x128xi32, #tpu.memory_space<hbm>>) dst(%dma_wait3A_275 : memref<2x128xi32, #tpu.memory_space<vmem>>)
        %dma_start3A_280 = arith.constant 1 : i32
        %dma_start3A_281 = arith.constant 0 : i32
        %dma_start3A_282 = arith.constant 1 : i32
        %dma_start3A_283 = arith.constant 0 : i32
        %dma_start3A_284 = arith.constant 0 : i32
        %dma_start3A_285 = tpu.memref_slice %arg7[%dma_start3A_282, %dma_start3A_283, %dma_start3A_284] : memref<2x128x128xf32, #tpu.memory_space<vmem>> -> memref<1x128x128xf32, #tpu.memory_space<vmem>>
        %dma_start3A_286 = tpu.memref_squeeze %dma_start3A_285 : memref<1x128x128xf32, #tpu.memory_space<vmem>> -> memref<128x128xf32, #tpu.memory_space<vmem>>
        %dma_start3A_287 = arith.constant 0 : i32
        %dma_start3A_288 = tpu.memref_slice %arg6[%dma_start3A_280, %dma_start3A_281, %dma_start3A_287] : memref<4x2x128xi32, #tpu.memory_space<vmem>> -> memref<1x1x128xi32, #tpu.memory_space<vmem>>
        %dma_start3A_289 = tpu.memref_squeeze %dma_start3A_288 : memref<1x1x128xi32, #tpu.memory_space<vmem>> -> memref<128xi32, #tpu.memory_space<vmem>>
        %dma_start3A_290 = arith.constant 0 : i32
        %dma_start3A_291 = arith.constant 0 : i32
        %dma_start3A_292 = tpu.memref_slice %arg2[%dma_start3A_290, %dma_start3A_291] : memref<10240x128xf32, #tpu.memory_space<hbm>> -> memref<10240x128xf32, #tpu.memory_space<hbm>>
        tpu.enqueue_indirect_dma source(%dma_start3A_292 : memref<10240x128xf32, #tpu.memory_space<hbm>>) target(%dma_start3A_286 : memref<128x128xf32, #tpu.memory_space<vmem>>) offsets(%dma_start3A_289 : memref<128xi32, #tpu.memory_space<vmem>>) semaphore(%arg14 : memref<!tpu.dma_semaphore, #tpu.memory_space<semaphore_mem>>)
      } else {
      }
      %dma_wait3A_148 = arith.constant 0 : i32
      %dma_wait3A_149 = arith.constant 0 : i32
      %dma_wait3A_150 = arith.constant 0 : i32
      %dma_wait3A_151 = arith.constant 0 : i32
      %dma_wait3A_152 = arith.constant 0 : i32
      %dma_wait3A_153 = tpu.memref_slice %arg7[%dma_wait3A_150, %dma_wait3A_151, %dma_wait3A_152] : memref<2x128x128xf32, #tpu.memory_space<vmem>> -> memref<1x128x128xf32, #tpu.memory_space<vmem>>
      %dma_wait3A_154 = tpu.memref_squeeze %dma_wait3A_153 : memref<1x128x128xf32, #tpu.memory_space<vmem>> -> memref<128x128xf32, #tpu.memory_space<vmem>>
      %dma_wait3A_155 = arith.constant 0 : i32
      %dma_wait3A_156 = tpu.memref_slice %arg6[%dma_wait3A_148, %dma_wait3A_149, %dma_wait3A_155] : memref<4x2x128xi32, #tpu.memory_space<vmem>> -> memref<1x1x128xi32, #tpu.memory_space<vmem>>
      %dma_wait3A_157 = tpu.memref_squeeze %dma_wait3A_156 : memref<1x1x128xi32, #tpu.memory_space<vmem>> -> memref<128xi32, #tpu.memory_space<vmem>>
      %dma_wait3A_158 = arith.constant 0 : i32
      %dma_wait3A_159 = arith.constant 0 : i32
      %dma_wait3A_160 = tpu.memref_slice %arg2[%dma_wait3A_158, %dma_wait3A_159] : memref<10240x128xf32, #tpu.memory_space<hbm>> -> memref<10240x128xf32, #tpu.memory_space<hbm>>
      tpu.wait_indirect_dma semaphore(%arg13 : memref<!tpu.dma_semaphore, #tpu.memory_space<semaphore_mem>>) src(%dma_wait3A_160 : memref<10240x128xf32, #tpu.memory_space<hbm>>) dst(%dma_wait3A_154 : memref<128x128xf32, #tpu.memory_space<vmem>>)
      %run_scoped3A_161 = arith.constant 0 : i32
      %run_scoped3A_162 = arith.constant 0 : i32
      %run_scoped3A_163 = arith.constant 1 : i32
      "tpu.region"() ({
        %run_scoped3A_260 = tpu.sem_alloc : memref<!tpu.dma_semaphore, #tpu.memory_space<semaphore_mem>>
        %dma_start3A_261 = arith.constant 0 : i32
        %dma_start3A_262 = arith.constant 0 : i32
        %dma_start3A_263 = tpu.memref_slice %arg7[%run_scoped3A_161, %dma_start3A_261, %dma_start3A_262] : memref<2x128x128xf32, #tpu.memory_space<vmem>> -> memref<1x128x128xf32, #tpu.memory_space<vmem>>
        %dma_start3A_264 = tpu.memref_squeeze %dma_start3A_263 : memref<1x128x128xf32, #tpu.memory_space<vmem>> -> memref<128x128xf32, #tpu.memory_space<vmem>>
        %dma_start3A_265 = arith.constant 0 : i32
        %dma_start3A_266 = tpu.memref_slice %arg6[%run_scoped3A_162, %run_scoped3A_163, %dma_start3A_265] : memref<4x2x128xi32, #tpu.memory_space<vmem>> -> memref<1x1x128xi32, #tpu.memory_space<vmem>>
        %dma_start3A_267 = tpu.memref_squeeze %dma_start3A_266 : memref<1x1x128xi32, #tpu.memory_space<vmem>> -> memref<128xi32, #tpu.memory_space<vmem>>
        %dma_start3A_268 = arith.constant 0 : i32
        %dma_start3A_269 = arith.constant 0 : i32
        %dma_start3A_270 = tpu.memref_slice %arg8[%dma_start3A_268, %dma_start3A_269] : memref<10240x128xf32, #tpu.memory_space<vmem_shared>> -> memref<10240x128xf32, #tpu.memory_space<vmem_shared>>
        tpu.enqueue_indirect_dma source(%dma_start3A_264 : memref<128x128xf32, #tpu.memory_space<vmem>>) target(%dma_start3A_270 : memref<10240x128xf32, #tpu.memory_space<vmem_shared>>) offsets(%dma_start3A_267 : memref<128xi32, #tpu.memory_space<vmem>>) semaphore(%run_scoped3A_260 : memref<!tpu.dma_semaphore, #tpu.memory_space<semaphore_mem>>) {add = true}
        %dma_wait3A_271 = arith.constant 0 : i32
        %dma_wait3A_272 = arith.constant 0 : i32
        %dma_wait3A_273 = tpu.memref_slice %arg7[%run_scoped3A_161, %dma_wait3A_271, %dma_wait3A_272] : memref<2x128x128xf32, #tpu.memory_space<vmem>> -> memref<1x128x128xf32, #tpu.memory_space<vmem>>
        %dma_wait3A_274 = tpu.memref_squeeze %dma_wait3A_273 : memref<1x128x128xf32, #tpu.memory_space<vmem>> -> memref<128x128xf32, #tpu.memory_space<vmem>>
        %dma_wait3A_275 = arith.constant 0 : i32
        %dma_wait3A_276 = tpu.memref_slice %arg6[%run_scoped3A_162, %run_scoped3A_163, %dma_wait3A_275] : memref<4x2x128xi32, #tpu.memory_space<vmem>> -> memref<1x1x128xi32, #tpu.memory_space<vmem>>
        %dma_wait3A_277 = tpu.memref_squeeze %dma_wait3A_276 : memref<1x1x128xi32, #tpu.memory_space<vmem>> -> memref<128xi32, #tpu.memory_space<vmem>>
        %dma_wait3A_278 = arith.constant 0 : i32
        %dma_wait3A_279 = arith.constant 0 : i32
        %dma_wait3A_280 = tpu.memref_slice %arg8[%dma_wait3A_278, %dma_wait3A_279] : memref<10240x128xf32, #tpu.memory_space<vmem_shared>> -> memref<10240x128xf32, #tpu.memory_space<vmem_shared>>
        tpu.wait_indirect_dma semaphore(%run_scoped3A_260 : memref<!tpu.dma_semaphore, #tpu.memory_space<semaphore_mem>>) src(%dma_wait3A_274 : memref<128x128xf32, #tpu.memory_space<vmem>>) dst(%dma_wait3A_280 : memref<10240x128xf32, #tpu.memory_space<vmem_shared>>)
        tpu.yield
      }) : () -> ()
      %mul3A_164 = arith.constant 4 : i32
      %mul3A_165 = arith.muli %while3A_134, %mul3A_164 : i32
      %add3A_166 = arith.constant 1 : i32
      %add3A_167 = arith.addi %mul3A_165, %add3A_166 : i32
      %add3A_168 = arith.constant 3 : i32
      %add3A_169 = arith.addi %add3A_167, %add3A_168 : i32
      %lt3A_170 = arith.cmpi slt, %add3A_169, %select_n3A_7 : i32
      %convert_element_type3A_171 = arith.extui %lt3A_170 : i1 to i32
      %cond3A_172 = arith.constant 0 : i32
      %cond3A_173 = arith.cmpi ne, %convert_element_type3A_171, %cond3A_172 : i32
      scf.if %cond3A_173 {
        %add3A_260 = arith.constant 3 : i32
        %add3A_261 = arith.addi %add3A_167, %add3A_260 : i32
        %add3A_262 = arith.addi %add3A, %add3A_261 : i32
        %dma_start3A_263 = arith.constant 0 : i32
        %dma_start3A_264 = arith.constant 0 : i32
        %dma_start3A_265 = arith.constant 0 : i32
        %dma_start3A_266 = tpu.memref_slice %arg6[%dma_start3A_263, %dma_start3A_264, %dma_start3A_265] : memref<4x2x128xi32, #tpu.memory_space<vmem>> -> memref<1x2x128xi32, #tpu.memory_space<vmem>>
        %dma_start3A_267 = tpu.memref_squeeze %dma_start3A_266 : memref<1x2x128xi32, #tpu.memory_space<vmem>> -> memref<2x128xi32, #tpu.memory_space<vmem>>
        %dma_start3A_268 = arith.constant 0 : i32
        %dma_start3A_269 = arith.constant 0 : i32
        %dma_start3A_270 = tpu.memref_slice %arg3[%add3A_262, %dma_start3A_268, %dma_start3A_269] : memref<2560x2x128xi32, #tpu.memory_space<hbm>> -> memref<1x2x128xi32, #tpu.memory_space<hbm>>
        %dma_start3A_271 = tpu.memref_squeeze %dma_start3A_270 : memref<1x2x128xi32, #tpu.memory_space<hbm>> -> memref<2x128xi32, #tpu.memory_space<hbm>>
        %dma_start3A_272 = arith.constant 0 : i32
        %dma_start3A_273 = arith.constant 0 : i32
        %dma_start3A_274 = tpu.memref_slice %arg6[%dma_start3A_263, %dma_start3A_272, %dma_start3A_273] : memref<4x2x128xi32, #tpu.memory_space<vmem>> -> memref<1x2x128xi32, #tpu.memory_space<vmem>>
        %dma_start3A_275 = tpu.memref_squeeze %dma_start3A_274 : memref<1x2x128xi32, #tpu.memory_space<vmem>> -> memref<2x128xi32, #tpu.memory_space<vmem>>
        %dma_start3A_276 = arith.constant 0 : i32
        %dma_start3A_277 = arith.constant 0 : i32
        %dma_start3A_278 = tpu.memref_slice %arg3[%add3A_262, %dma_start3A_276, %dma_start3A_277] : memref<2560x2x128xi32, #tpu.memory_space<hbm>> -> memref<1x2x128xi32, #tpu.memory_space<hbm>>
        %dma_start3A_279 = tpu.memref_squeeze %dma_start3A_278 : memref<1x2x128xi32, #tpu.memory_space<hbm>> -> memref<2x128xi32, #tpu.memory_space<hbm>>
        tpu.enqueue_dma source(%dma_start3A_279 : memref<2x128xi32, #tpu.memory_space<hbm>>) target(%dma_start3A_275 : memref<2x128xi32, #tpu.memory_space<vmem>>) target_semaphore(%arg9 : memref<!tpu.dma_semaphore, #tpu.memory_space<semaphore_mem>>)
      } else {
      }
      %add3A_174 = arith.constant 1 : i32
      %add3A_175 = arith.addi %add3A_167, %add3A_174 : i32
      %lt3A_176 = arith.cmpi slt, %add3A_175, %select_n3A_7 : i32
      %convert_element_type3A_177 = arith.extui %lt3A_176 : i1 to i32
      %cond3A_178 = arith.constant 0 : i32
      %cond3A_179 = arith.cmpi ne, %convert_element_type3A_177, %cond3A_178 : i32
      scf.if %cond3A_179 {
        %add3A_260 = arith.constant 1 : i32
        %add3A_261 = arith.addi %add3A_167, %add3A_260 : i32
        %add3A_262 = arith.addi %add3A, %add3A_261 : i32
        %dma_wait3A_263 = arith.constant 2 : i32
        %dma_wait3A_264 = arith.constant 0 : i32
        %dma_wait3A_265 = arith.constant 0 : i32
        %dma_wait3A_266 = tpu.memref_slice %arg6[%dma_wait3A_263, %dma_wait3A_264, %dma_wait3A_265] : memref<4x2x128xi32, #tpu.memory_space<vmem>> -> memref<1x2x128xi32, #tpu.memory_space<vmem>>
        %dma_wait3A_267 = tpu.memref_squeeze %dma_wait3A_266 : memref<1x2x128xi32, #tpu.memory_space<vmem>> -> memref<2x128xi32, #tpu.memory_space<vmem>>
        %dma_wait3A_268 = arith.constant 0 : i32
        %dma_wait3A_269 = arith.constant 0 : i32
        %dma_wait3A_270 = tpu.memref_slice %arg3[%add3A_262, %dma_wait3A_268, %dma_wait3A_269] : memref<2560x2x128xi32, #tpu.memory_space<hbm>> -> memref<1x2x128xi32, #tpu.memory_space<hbm>>
        %dma_wait3A_271 = tpu.memref_squeeze %dma_wait3A_270 : memref<1x2x128xi32, #tpu.memory_space<hbm>> -> memref<2x128xi32, #tpu.memory_space<hbm>>
        %dma_wait3A_272 = arith.constant 0 : i32
        %dma_wait3A_273 = arith.constant 0 : i32
        %dma_wait3A_274 = tpu.memref_slice %arg6[%dma_wait3A_263, %dma_wait3A_272, %dma_wait3A_273] : memref<4x2x128xi32, #tpu.memory_space<vmem>> -> memref<1x2x128xi32, #tpu.memory_space<vmem>>
        %dma_wait3A_275 = tpu.memref_squeeze %dma_wait3A_274 : memref<1x2x128xi32, #tpu.memory_space<vmem>> -> memref<2x128xi32, #tpu.memory_space<vmem>>
        %dma_wait3A_276 = arith.constant 0 : i32
        %dma_wait3A_277 = arith.constant 0 : i32
        %dma_wait3A_278 = tpu.memref_slice %arg3[%add3A_262, %dma_wait3A_276, %dma_wait3A_277] : memref<2560x2x128xi32, #tpu.memory_space<hbm>> -> memref<1x2x128xi32, #tpu.memory_space<hbm>>
        %dma_wait3A_279 = tpu.memref_squeeze %dma_wait3A_278 : memref<1x2x128xi32, #tpu.memory_space<hbm>> -> memref<2x128xi32, #tpu.memory_space<hbm>>
        tpu.wait_dma2 semaphore(%arg11 : memref<!tpu.dma_semaphore, #tpu.memory_space<semaphore_mem>>) src(%dma_wait3A_279 : memref<2x128xi32, #tpu.memory_space<hbm>>) dst(%dma_wait3A_275 : memref<2x128xi32, #tpu.memory_space<vmem>>)
        %dma_start3A_280 = arith.constant 2 : i32
        %dma_start3A_281 = arith.constant 0 : i32
        %dma_start3A_282 = arith.constant 0 : i32
        %dma_start3A_283 = arith.constant 0 : i32
        %dma_start3A_284 = arith.constant 0 : i32
        %dma_start3A_285 = tpu.memref_slice %arg7[%dma_start3A_282, %dma_start3A_283, %dma_start3A_284] : memref<2x128x128xf32, #tpu.memory_space<vmem>> -> memref<1x128x128xf32, #tpu.memory_space<vmem>>
        %dma_start3A_286 = tpu.memref_squeeze %dma_start3A_285 : memref<1x128x128xf32, #tpu.memory_space<vmem>> -> memref<128x128xf32, #tpu.memory_space<vmem>>
        %dma_start3A_287 = arith.constant 0 : i32
        %dma_start3A_288 = tpu.memref_slice %arg6[%dma_start3A_280, %dma_start3A_281, %dma_start3A_287] : memref<4x2x128xi32, #tpu.memory_space<vmem>> -> memref<1x1x128xi32, #tpu.memory_space<vmem>>
        %dma_start3A_289 = tpu.memref_squeeze %dma_start3A_288 : memref<1x1x128xi32, #tpu.memory_space<vmem>> -> memref<128xi32, #tpu.memory_space<vmem>>
        %dma_start3A_290 = arith.constant 0 : i32
        %dma_start3A_291 = arith.constant 0 : i32
        %dma_start3A_292 = tpu.memref_slice %arg2[%dma_start3A_290, %dma_start3A_291] : memref<10240x128xf32, #tpu.memory_space<hbm>> -> memref<10240x128xf32, #tpu.memory_space<hbm>>
        tpu.enqueue_indirect_dma source(%dma_start3A_292 : memref<10240x128xf32, #tpu.memory_space<hbm>>) target(%dma_start3A_286 : memref<128x128xf32, #tpu.memory_space<vmem>>) offsets(%dma_start3A_289 : memref<128xi32, #tpu.memory_space<vmem>>) semaphore(%arg13 : memref<!tpu.dma_semaphore, #tpu.memory_space<semaphore_mem>>)
      } else {
      }
      %dma_wait3A_180 = arith.constant 1 : i32
      %dma_wait3A_181 = arith.constant 0 : i32
      %dma_wait3A_182 = arith.constant 1 : i32
      %dma_wait3A_183 = arith.constant 0 : i32
      %dma_wait3A_184 = arith.constant 0 : i32
      %dma_wait3A_185 = tpu.memref_slice %arg7[%dma_wait3A_182, %dma_wait3A_183, %dma_wait3A_184] : memref<2x128x128xf32, #tpu.memory_space<vmem>> -> memref<1x128x128xf32, #tpu.memory_space<vmem>>
      %dma_wait3A_186 = tpu.memref_squeeze %dma_wait3A_185 : memref<1x128x128xf32, #tpu.memory_space<vmem>> -> memref<128x128xf32, #tpu.memory_space<vmem>>
      %dma_wait3A_187 = arith.constant 0 : i32
      %dma_wait3A_188 = tpu.memref_slice %arg6[%dma_wait3A_180, %dma_wait3A_181, %dma_wait3A_187] : memref<4x2x128xi32, #tpu.memory_space<vmem>> -> memref<1x1x128xi32, #tpu.memory_space<vmem>>
      %dma_wait3A_189 = tpu.memref_squeeze %dma_wait3A_188 : memref<1x1x128xi32, #tpu.memory_space<vmem>> -> memref<128xi32, #tpu.memory_space<vmem>>
      %dma_wait3A_190 = arith.constant 0 : i32
      %dma_wait3A_191 = arith.constant 0 : i32
      %dma_wait3A_192 = tpu.memref_slice %arg2[%dma_wait3A_190, %dma_wait3A_191] : memref<10240x128xf32, #tpu.memory_space<hbm>> -> memref<10240x128xf32, #tpu.memory_space<hbm>>
      tpu.wait_indirect_dma semaphore(%arg14 : memref<!tpu.dma_semaphore, #tpu.memory_space<semaphore_mem>>) src(%dma_wait3A_192 : memref<10240x128xf32, #tpu.memory_space<hbm>>) dst(%dma_wait3A_186 : memref<128x128xf32, #tpu.memory_space<vmem>>)
      %run_scoped3A_193 = arith.constant 1 : i32
      %run_scoped3A_194 = arith.constant 1 : i32
      %run_scoped3A_195 = arith.constant 1 : i32
      "tpu.region"() ({
        %run_scoped3A_260 = tpu.sem_alloc : memref<!tpu.dma_semaphore, #tpu.memory_space<semaphore_mem>>
        %dma_start3A_261 = arith.constant 0 : i32
        %dma_start3A_262 = arith.constant 0 : i32
        %dma_start3A_263 = tpu.memref_slice %arg7[%run_scoped3A_193, %dma_start3A_261, %dma_start3A_262] : memref<2x128x128xf32, #tpu.memory_space<vmem>> -> memref<1x128x128xf32, #tpu.memory_space<vmem>>
        %dma_start3A_264 = tpu.memref_squeeze %dma_start3A_263 : memref<1x128x128xf32, #tpu.memory_space<vmem>> -> memref<128x128xf32, #tpu.memory_space<vmem>>
        %dma_start3A_265 = arith.constant 0 : i32
        %dma_start3A_266 = tpu.memref_slice %arg6[%run_scoped3A_194, %run_scoped3A_195, %dma_start3A_265] : memref<4x2x128xi32, #tpu.memory_space<vmem>> -> memref<1x1x128xi32, #tpu.memory_space<vmem>>
        %dma_start3A_267 = tpu.memref_squeeze %dma_start3A_266 : memref<1x1x128xi32, #tpu.memory_space<vmem>> -> memref<128xi32, #tpu.memory_space<vmem>>
        %dma_start3A_268 = arith.constant 0 : i32
        %dma_start3A_269 = arith.constant 0 : i32
        %dma_start3A_270 = tpu.memref_slice %arg8[%dma_start3A_268, %dma_start3A_269] : memref<10240x128xf32, #tpu.memory_space<vmem_shared>> -> memref<10240x128xf32, #tpu.memory_space<vmem_shared>>
        tpu.enqueue_indirect_dma source(%dma_start3A_264 : memref<128x128xf32, #tpu.memory_space<vmem>>) target(%dma_start3A_270 : memref<10240x128xf32, #tpu.memory_space<vmem_shared>>) offsets(%dma_start3A_267 : memref<128xi32, #tpu.memory_space<vmem>>) semaphore(%run_scoped3A_260 : memref<!tpu.dma_semaphore, #tpu.memory_space<semaphore_mem>>) {add = true}
        %dma_wait3A_271 = arith.constant 0 : i32
        %dma_wait3A_272 = arith.constant 0 : i32
        %dma_wait3A_273 = tpu.memref_slice %arg7[%run_scoped3A_193, %dma_wait3A_271, %dma_wait3A_272] : memref<2x128x128xf32, #tpu.memory_space<vmem>> -> memref<1x128x128xf32, #tpu.memory_space<vmem>>
        %dma_wait3A_274 = tpu.memref_squeeze %dma_wait3A_273 : memref<1x128x128xf32, #tpu.memory_space<vmem>> -> memref<128x128xf32, #tpu.memory_space<vmem>>
        %dma_wait3A_275 = arith.constant 0 : i32
        %dma_wait3A_276 = tpu.memref_slice %arg6[%run_scoped3A_194, %run_scoped3A_195, %dma_wait3A_275] : memref<4x2x128xi32, #tpu.memory_space<vmem>> -> memref<1x1x128xi32, #tpu.memory_space<vmem>>
        %dma_wait3A_277 = tpu.memref_squeeze %dma_wait3A_276 : memref<1x1x128xi32, #tpu.memory_space<vmem>> -> memref<128xi32, #tpu.memory_space<vmem>>
        %dma_wait3A_278 = arith.constant 0 : i32
        %dma_wait3A_279 = arith.constant 0 : i32
        %dma_wait3A_280 = tpu.memref_slice %arg8[%dma_wait3A_278, %dma_wait3A_279] : memref<10240x128xf32, #tpu.memory_space<vmem_shared>> -> memref<10240x128xf32, #tpu.memory_space<vmem_shared>>
        tpu.wait_indirect_dma semaphore(%run_scoped3A_260 : memref<!tpu.dma_semaphore, #tpu.memory_space<semaphore_mem>>) src(%dma_wait3A_274 : memref<128x128xf32, #tpu.memory_space<vmem>>) dst(%dma_wait3A_280 : memref<10240x128xf32, #tpu.memory_space<vmem_shared>>)
        tpu.yield
      }) : () -> ()
      %mul3A_196 = arith.constant 4 : i32
      %mul3A_197 = arith.muli %while3A_134, %mul3A_196 : i32
      %add3A_198 = arith.constant 2 : i32
      %add3A_199 = arith.addi %mul3A_197, %add3A_198 : i32
      %add3A_200 = arith.constant 3 : i32
      %add3A_201 = arith.addi %add3A_199, %add3A_200 : i32
      %lt3A_202 = arith.cmpi slt, %add3A_201, %select_n3A_7 : i32
      %convert_element_type3A_203 = arith.extui %lt3A_202 : i1 to i32
      %cond3A_204 = arith.constant 0 : i32
      %cond3A_205 = arith.cmpi ne, %convert_element_type3A_203, %cond3A_204 : i32
      scf.if %cond3A_205 {
        %add3A_260 = arith.constant 3 : i32
        %add3A_261 = arith.addi %add3A_199, %add3A_260 : i32
        %add3A_262 = arith.addi %add3A, %add3A_261 : i32
        %dma_start3A_263 = arith.constant 1 : i32
        %dma_start3A_264 = arith.constant 0 : i32
        %dma_start3A_265 = arith.constant 0 : i32
        %dma_start3A_266 = tpu.memref_slice %arg6[%dma_start3A_263, %dma_start3A_264, %dma_start3A_265] : memref<4x2x128xi32, #tpu.memory_space<vmem>> -> memref<1x2x128xi32, #tpu.memory_space<vmem>>
        %dma_start3A_267 = tpu.memref_squeeze %dma_start3A_266 : memref<1x2x128xi32, #tpu.memory_space<vmem>> -> memref<2x128xi32, #tpu.memory_space<vmem>>
        %dma_start3A_268 = arith.constant 0 : i32
        %dma_start3A_269 = arith.constant 0 : i32
        %dma_start3A_270 = tpu.memref_slice %arg3[%add3A_262, %dma_start3A_268, %dma_start3A_269] : memref<2560x2x128xi32, #tpu.memory_space<hbm>> -> memref<1x2x128xi32, #tpu.memory_space<hbm>>
        %dma_start3A_271 = tpu.memref_squeeze %dma_start3A_270 : memref<1x2x128xi32, #tpu.memory_space<hbm>> -> memref<2x128xi32, #tpu.memory_space<hbm>>
        %dma_start3A_272 = arith.constant 0 : i32
        %dma_start3A_273 = arith.constant 0 : i32
        %dma_start3A_274 = tpu.memref_slice %arg6[%dma_start3A_263, %dma_start3A_272, %dma_start3A_273] : memref<4x2x128xi32, #tpu.memory_space<vmem>> -> memref<1x2x128xi32, #tpu.memory_space<vmem>>
        %dma_start3A_275 = tpu.memref_squeeze %dma_start3A_274 : memref<1x2x128xi32, #tpu.memory_space<vmem>> -> memref<2x128xi32, #tpu.memory_space<vmem>>
        %dma_start3A_276 = arith.constant 0 : i32
        %dma_start3A_277 = arith.constant 0 : i32
        %dma_start3A_278 = tpu.memref_slice %arg3[%add3A_262, %dma_start3A_276, %dma_start3A_277] : memref<2560x2x128xi32, #tpu.memory_space<hbm>> -> memref<1x2x128xi32, #tpu.memory_space<hbm>>
        %dma_start3A_279 = tpu.memref_squeeze %dma_start3A_278 : memref<1x2x128xi32, #tpu.memory_space<hbm>> -> memref<2x128xi32, #tpu.memory_space<hbm>>
        tpu.enqueue_dma source(%dma_start3A_279 : memref<2x128xi32, #tpu.memory_space<hbm>>) target(%dma_start3A_275 : memref<2x128xi32, #tpu.memory_space<vmem>>) target_semaphore(%arg10 : memref<!tpu.dma_semaphore, #tpu.memory_space<semaphore_mem>>)
      } else {
      }
      %add3A_206 = arith.constant 1 : i32
      %add3A_207 = arith.addi %add3A_199, %add3A_206 : i32
      %lt3A_208 = arith.cmpi slt, %add3A_207, %select_n3A_7 : i32
      %convert_element_type3A_209 = arith.extui %lt3A_208 : i1 to i32
      %cond3A_210 = arith.constant 0 : i32
      %cond3A_211 = arith.cmpi ne, %convert_element_type3A_209, %cond3A_210 : i32
      scf.if %cond3A_211 {
        %add3A_260 = arith.constant 1 : i32
        %add3A_261 = arith.addi %add3A_199, %add3A_260 : i32
        %add3A_262 = arith.addi %add3A, %add3A_261 : i32
        %dma_wait3A_263 = arith.constant 3 : i32
        %dma_wait3A_264 = arith.constant 0 : i32
        %dma_wait3A_265 = arith.constant 0 : i32
        %dma_wait3A_266 = tpu.memref_slice %arg6[%dma_wait3A_263, %dma_wait3A_264, %dma_wait3A_265] : memref<4x2x128xi32, #tpu.memory_space<vmem>> -> memref<1x2x128xi32, #tpu.memory_space<vmem>>
        %dma_wait3A_267 = tpu.memref_squeeze %dma_wait3A_266 : memref<1x2x128xi32, #tpu.memory_space<vmem>> -> memref<2x128xi32, #tpu.memory_space<vmem>>
        %dma_wait3A_268 = arith.constant 0 : i32
        %dma_wait3A_269 = arith.constant 0 : i32
        %dma_wait3A_270 = tpu.memref_slice %arg3[%add3A_262, %dma_wait3A_268, %dma_wait3A_269] : memref<2560x2x128xi32, #tpu.memory_space<hbm>> -> memref<1x2x128xi32, #tpu.memory_space<hbm>>
        %dma_wait3A_271 = tpu.memref_squeeze %dma_wait3A_270 : memref<1x2x128xi32, #tpu.memory_space<hbm>> -> memref<2x128xi32, #tpu.memory_space<hbm>>
        %dma_wait3A_272 = arith.constant 0 : i32
        %dma_wait3A_273 = arith.constant 0 : i32
        %dma_wait3A_274 = tpu.memref_slice %arg6[%dma_wait3A_263, %dma_wait3A_272, %dma_wait3A_273] : memref<4x2x128xi32, #tpu.memory_space<vmem>> -> memref<1x2x128xi32, #tpu.memory_space<vmem>>
        %dma_wait3A_275 = tpu.memref_squeeze %dma_wait3A_274 : memref<1x2x128xi32, #tpu.memory_space<vmem>> -> memref<2x128xi32, #tpu.memory_space<vmem>>
        %dma_wait3A_276 = arith.constant 0 : i32
        %dma_wait3A_277 = arith.constant 0 : i32
        %dma_wait3A_278 = tpu.memref_slice %arg3[%add3A_262, %dma_wait3A_276, %dma_wait3A_277] : memref<2560x2x128xi32, #tpu.memory_space<hbm>> -> memref<1x2x128xi32, #tpu.memory_space<hbm>>
        %dma_wait3A_279 = tpu.memref_squeeze %dma_wait3A_278 : memref<1x2x128xi32, #tpu.memory_space<hbm>> -> memref<2x128xi32, #tpu.memory_space<hbm>>
        tpu.wait_dma2 semaphore(%arg12 : memref<!tpu.dma_semaphore, #tpu.memory_space<semaphore_mem>>) src(%dma_wait3A_279 : memref<2x128xi32, #tpu.memory_space<hbm>>) dst(%dma_wait3A_275 : memref<2x128xi32, #tpu.memory_space<vmem>>)
        %dma_start3A_280 = arith.constant 3 : i32
        %dma_start3A_281 = arith.constant 0 : i32
        %dma_start3A_282 = arith.constant 1 : i32
        %dma_start3A_283 = arith.constant 0 : i32
        %dma_start3A_284 = arith.constant 0 : i32
        %dma_start3A_285 = tpu.memref_slice %arg7[%dma_start3A_282, %dma_start3A_283, %dma_start3A_284] : memref<2x128x128xf32, #tpu.memory_space<vmem>> -> memref<1x128x128xf32, #tpu.memory_space<vmem>>
        %dma_start3A_286 = tpu.memref_squeeze %dma_start3A_285 : memref<1x128x128xf32, #tpu.memory_space<vmem>> -> memref<128x128xf32, #tpu.memory_space<vmem>>
        %dma_start3A_287 = arith.constant 0 : i32
        %dma_start3A_288 = tpu.memref_slice %arg6[%dma_start3A_280, %dma_start3A_281, %dma_start3A_287] : memref<4x2x128xi32, #tpu.memory_space<vmem>> -> memref<1x1x128xi32, #tpu.memory_space<vmem>>
        %dma_start3A_289 = tpu.memref_squeeze %dma_start3A_288 : memref<1x1x128xi32, #tpu.memory_space<vmem>> -> memref<128xi32, #tpu.memory_space<vmem>>
        %dma_start3A_290 = arith.constant 0 : i32
        %dma_start3A_291 = arith.constant 0 : i32
        %dma_start3A_292 = tpu.memref_slice %arg2[%dma_start3A_290, %dma_start3A_291] : memref<10240x128xf32, #tpu.memory_space<hbm>> -> memref<10240x128xf32, #tpu.memory_space<hbm>>
        tpu.enqueue_indirect_dma source(%dma_start3A_292 : memref<10240x128xf32, #tpu.memory_space<hbm>>) target(%dma_start3A_286 : memref<128x128xf32, #tpu.memory_space<vmem>>) offsets(%dma_start3A_289 : memref<128xi32, #tpu.memory_space<vmem>>) semaphore(%arg14 : memref<!tpu.dma_semaphore, #tpu.memory_space<semaphore_mem>>)
      } else {
      }
      %dma_wait3A_212 = arith.constant 2 : i32
      %dma_wait3A_213 = arith.constant 0 : i32
      %dma_wait3A_214 = arith.constant 0 : i32
      %dma_wait3A_215 = arith.constant 0 : i32
      %dma_wait3A_216 = arith.constant 0 : i32
      %dma_wait3A_217 = tpu.memref_slice %arg7[%dma_wait3A_214, %dma_wait3A_215, %dma_wait3A_216] : memref<2x128x128xf32, #tpu.memory_space<vmem>> -> memref<1x128x128xf32, #tpu.memory_space<vmem>>
      %dma_wait3A_218 = tpu.memref_squeeze %dma_wait3A_217 : memref<1x128x128xf32, #tpu.memory_space<vmem>> -> memref<128x128xf32, #tpu.memory_space<vmem>>
      %dma_wait3A_219 = arith.constant 0 : i32
      %dma_wait3A_220 = tpu.memref_slice %arg6[%dma_wait3A_212, %dma_wait3A_213, %dma_wait3A_219] : memref<4x2x128xi32, #tpu.memory_space<vmem>> -> memref<1x1x128xi32, #tpu.memory_space<vmem>>
      %dma_wait3A_221 = tpu.memref_squeeze %dma_wait3A_220 : memref<1x1x128xi32, #tpu.memory_space<vmem>> -> memref<128xi32, #tpu.memory_space<vmem>>
      %dma_wait3A_222 = arith.constant 0 : i32
      %dma_wait3A_223 = arith.constant 0 : i32
      %dma_wait3A_224 = tpu.memref_slice %arg2[%dma_wait3A_222, %dma_wait3A_223] : memref<10240x128xf32, #tpu.memory_space<hbm>> -> memref<10240x128xf32, #tpu.memory_space<hbm>>
      tpu.wait_indirect_dma semaphore(%arg13 : memref<!tpu.dma_semaphore, #tpu.memory_space<semaphore_mem>>) src(%dma_wait3A_224 : memref<10240x128xf32, #tpu.memory_space<hbm>>) dst(%dma_wait3A_218 : memref<128x128xf32, #tpu.memory_space<vmem>>)
      %run_scoped3A_225 = arith.constant 0 : i32
      %run_scoped3A_226 = arith.constant 2 : i32
      %run_scoped3A_227 = arith.constant 1 : i32
      "tpu.region"() ({
        %run_scoped3A_260 = tpu.sem_alloc : memref<!tpu.dma_semaphore, #tpu.memory_space<semaphore_mem>>
        %dma_start3A_261 = arith.constant 0 : i32
        %dma_start3A_262 = arith.constant 0 : i32
        %dma_start3A_263 = tpu.memref_slice %arg7[%run_scoped3A_225, %dma_start3A_261, %dma_start3A_262] : memref<2x128x128xf32, #tpu.memory_space<vmem>> -> memref<1x128x128xf32, #tpu.memory_space<vmem>>
        %dma_start3A_264 = tpu.memref_squeeze %dma_start3A_263 : memref<1x128x128xf32, #tpu.memory_space<vmem>> -> memref<128x128xf32, #tpu.memory_space<vmem>>
        %dma_start3A_265 = arith.constant 0 : i32
        %dma_start3A_266 = tpu.memref_slice %arg6[%run_scoped3A_226, %run_scoped3A_227, %dma_start3A_265] : memref<4x2x128xi32, #tpu.memory_space<vmem>> -> memref<1x1x128xi32, #tpu.memory_space<vmem>>
        %dma_start3A_267 = tpu.memref_squeeze %dma_start3A_266 : memref<1x1x128xi32, #tpu.memory_space<vmem>> -> memref<128xi32, #tpu.memory_space<vmem>>
        %dma_start3A_268 = arith.constant 0 : i32
        %dma_start3A_269 = arith.constant 0 : i32
        %dma_start3A_270 = tpu.memref_slice %arg8[%dma_start3A_268, %dma_start3A_269] : memref<10240x128xf32, #tpu.memory_space<vmem_shared>> -> memref<10240x128xf32, #tpu.memory_space<vmem_shared>>
        tpu.enqueue_indirect_dma source(%dma_start3A_264 : memref<128x128xf32, #tpu.memory_space<vmem>>) target(%dma_start3A_270 : memref<10240x128xf32, #tpu.memory_space<vmem_shared>>) offsets(%dma_start3A_267 : memref<128xi32, #tpu.memory_space<vmem>>) semaphore(%run_scoped3A_260 : memref<!tpu.dma_semaphore, #tpu.memory_space<semaphore_mem>>) {add = true}
        %dma_wait3A_271 = arith.constant 0 : i32
        %dma_wait3A_272 = arith.constant 0 : i32
        %dma_wait3A_273 = tpu.memref_slice %arg7[%run_scoped3A_225, %dma_wait3A_271, %dma_wait3A_272] : memref<2x128x128xf32, #tpu.memory_space<vmem>> -> memref<1x128x128xf32, #tpu.memory_space<vmem>>
        %dma_wait3A_274 = tpu.memref_squeeze %dma_wait3A_273 : memref<1x128x128xf32, #tpu.memory_space<vmem>> -> memref<128x128xf32, #tpu.memory_space<vmem>>
        %dma_wait3A_275 = arith.constant 0 : i32
        %dma_wait3A_276 = tpu.memref_slice %arg6[%run_scoped3A_226, %run_scoped3A_227, %dma_wait3A_275] : memref<4x2x128xi32, #tpu.memory_space<vmem>> -> memref<1x1x128xi32, #tpu.memory_space<vmem>>
        %dma_wait3A_277 = tpu.memref_squeeze %dma_wait3A_276 : memref<1x1x128xi32, #tpu.memory_space<vmem>> -> memref<128xi32, #tpu.memory_space<vmem>>
        %dma_wait3A_278 = arith.constant 0 : i32
        %dma_wait3A_279 = arith.constant 0 : i32
        %dma_wait3A_280 = tpu.memref_slice %arg8[%dma_wait3A_278, %dma_wait3A_279] : memref<10240x128xf32, #tpu.memory_space<vmem_shared>> -> memref<10240x128xf32, #tpu.memory_space<vmem_shared>>
        tpu.wait_indirect_dma semaphore(%run_scoped3A_260 : memref<!tpu.dma_semaphore, #tpu.memory_space<semaphore_mem>>) src(%dma_wait3A_274 : memref<128x128xf32, #tpu.memory_space<vmem>>) dst(%dma_wait3A_280 : memref<10240x128xf32, #tpu.memory_space<vmem_shared>>)
        tpu.yield
      }) : () -> ()
      %mul3A_228 = arith.constant 4 : i32
      %mul3A_229 = arith.muli %while3A_134, %mul3A_228 : i32
      %add3A_230 = arith.constant 3 : i32
      %add3A_231 = arith.addi %mul3A_229, %add3A_230 : i32
      %add3A_232 = arith.constant 3 : i32
      %add3A_233 = arith.addi %add3A_231, %add3A_232 : i32
      %lt3A_234 = arith.cmpi slt, %add3A_233, %select_n3A_7 : i32
      %convert_element_type3A_235 = arith.extui %lt3A_234 : i1 to i32
      %cond3A_236 = arith.constant 0 : i32
      %cond3A_237 = arith.cmpi ne, %convert_element_type3A_235, %cond3A_236 : i32
      scf.if %cond3A_237 {
        %add3A_260 = arith.constant 3 : i32
        %add3A_261 = arith.addi %add3A_231, %add3A_260 : i32
        %add3A_262 = arith.addi %add3A, %add3A_261 : i32
        %dma_start3A_263 = arith.constant 2 : i32
        %dma_start3A_264 = arith.constant 0 : i32
        %dma_start3A_265 = arith.constant 0 : i32
        %dma_start3A_266 = tpu.memref_slice %arg6[%dma_start3A_263, %dma_start3A_264, %dma_start3A_265] : memref<4x2x128xi32, #tpu.memory_space<vmem>> -> memref<1x2x128xi32, #tpu.memory_space<vmem>>
        %dma_start3A_267 = tpu.memref_squeeze %dma_start3A_266 : memref<1x2x128xi32, #tpu.memory_space<vmem>> -> memref<2x128xi32, #tpu.memory_space<vmem>>
        %dma_start3A_268 = arith.constant 0 : i32
        %dma_start3A_269 = arith.constant 0 : i32
        %dma_start3A_270 = tpu.memref_slice %arg3[%add3A_262, %dma_start3A_268, %dma_start3A_269] : memref<2560x2x128xi32, #tpu.memory_space<hbm>> -> memref<1x2x128xi32, #tpu.memory_space<hbm>>
        %dma_start3A_271 = tpu.memref_squeeze %dma_start3A_270 : memref<1x2x128xi32, #tpu.memory_space<hbm>> -> memref<2x128xi32, #tpu.memory_space<hbm>>
        %dma_start3A_272 = arith.constant 0 : i32
        %dma_start3A_273 = arith.constant 0 : i32
        %dma_start3A_274 = tpu.memref_slice %arg6[%dma_start3A_263, %dma_start3A_272, %dma_start3A_273] : memref<4x2x128xi32, #tpu.memory_space<vmem>> -> memref<1x2x128xi32, #tpu.memory_space<vmem>>
        %dma_start3A_275 = tpu.memref_squeeze %dma_start3A_274 : memref<1x2x128xi32, #tpu.memory_space<vmem>> -> memref<2x128xi32, #tpu.memory_space<vmem>>
        %dma_start3A_276 = arith.constant 0 : i32
        %dma_start3A_277 = arith.constant 0 : i32
        %dma_start3A_278 = tpu.memref_slice %arg3[%add3A_262, %dma_start3A_276, %dma_start3A_277] : memref<2560x2x128xi32, #tpu.memory_space<hbm>> -> memref<1x2x128xi32, #tpu.memory_space<hbm>>
        %dma_start3A_279 = tpu.memref_squeeze %dma_start3A_278 : memref<1x2x128xi32, #tpu.memory_space<hbm>> -> memref<2x128xi32, #tpu.memory_space<hbm>>
        tpu.enqueue_dma source(%dma_start3A_279 : memref<2x128xi32, #tpu.memory_space<hbm>>) target(%dma_start3A_275 : memref<2x128xi32, #tpu.memory_space<vmem>>) target_semaphore(%arg11 : memref<!tpu.dma_semaphore, #tpu.memory_space<semaphore_mem>>)
      } else {
      }
      %add3A_238 = arith.constant 1 : i32
      %add3A_239 = arith.addi %add3A_231, %add3A_238 : i32
      %lt3A_240 = arith.cmpi slt, %add3A_239, %select_n3A_7 : i32
      %convert_element_type3A_241 = arith.extui %lt3A_240 : i1 to i32
      %cond3A_242 = arith.constant 0 : i32
      %cond3A_243 = arith.cmpi ne, %convert_element_type3A_241, %cond3A_242 : i32
      scf.if %cond3A_243 {
        %add3A_260 = arith.constant 1 : i32
        %add3A_261 = arith.addi %add3A_231, %add3A_260 : i32
        %add3A_262 = arith.addi %add3A, %add3A_261 : i32
        %dma_wait3A_263 = arith.constant 0 : i32
        %dma_wait3A_264 = arith.constant 0 : i32
        %dma_wait3A_265 = arith.constant 0 : i32
        %dma_wait3A_266 = tpu.memref_slice %arg6[%dma_wait3A_263, %dma_wait3A_264, %dma_wait3A_265] : memref<4x2x128xi32, #tpu.memory_space<vmem>> -> memref<1x2x128xi32, #tpu.memory_space<vmem>>
        %dma_wait3A_267 = tpu.memref_squeeze %dma_wait3A_266 : memref<1x2x128xi32, #tpu.memory_space<vmem>> -> memref<2x128xi32, #tpu.memory_space<vmem>>
        %dma_wait3A_268 = arith.constant 0 : i32
        %dma_wait3A_269 = arith.constant 0 : i32
        %dma_wait3A_270 = tpu.memref_slice %arg3[%add3A_262, %dma_wait3A_268, %dma_wait3A_269] : memref<2560x2x128xi32, #tpu.memory_space<hbm>> -> memref<1x2x128xi32, #tpu.memory_space<hbm>>
        %dma_wait3A_271 = tpu.memref_squeeze %dma_wait3A_270 : memref<1x2x128xi32, #tpu.memory_space<hbm>> -> memref<2x128xi32, #tpu.memory_space<hbm>>
        %dma_wait3A_272 = arith.constant 0 : i32
        %dma_wait3A_273 = arith.constant 0 : i32
        %dma_wait3A_274 = tpu.memref_slice %arg6[%dma_wait3A_263, %dma_wait3A_272, %dma_wait3A_273] : memref<4x2x128xi32, #tpu.memory_space<vmem>> -> memref<1x2x128xi32, #tpu.memory_space<vmem>>
        %dma_wait3A_275 = tpu.memref_squeeze %dma_wait3A_274 : memref<1x2x128xi32, #tpu.memory_space<vmem>> -> memref<2x128xi32, #tpu.memory_space<vmem>>
        %dma_wait3A_276 = arith.constant 0 : i32
        %dma_wait3A_277 = arith.constant 0 : i32
        %dma_wait3A_278 = tpu.memref_slice %arg3[%add3A_262, %dma_wait3A_276, %dma_wait3A_277] : memref<2560x2x128xi32, #tpu.memory_space<hbm>> -> memref<1x2x128xi32, #tpu.memory_space<hbm>>
        %dma_wait3A_279 = tpu.memref_squeeze %dma_wait3A_278 : memref<1x2x128xi32, #tpu.memory_space<hbm>> -> memref<2x128xi32, #tpu.memory_space<hbm>>
        tpu.wait_dma2 semaphore(%arg9 : memref<!tpu.dma_semaphore, #tpu.memory_space<semaphore_mem>>) src(%dma_wait3A_279 : memref<2x128xi32, #tpu.memory_space<hbm>>) dst(%dma_wait3A_275 : memref<2x128xi32, #tpu.memory_space<vmem>>)
        %dma_start3A_280 = arith.constant 0 : i32
        %dma_start3A_281 = arith.constant 0 : i32
        %dma_start3A_282 = arith.constant 0 : i32
        %dma_start3A_283 = arith.constant 0 : i32
        %dma_start3A_284 = arith.constant 0 : i32
        %dma_start3A_285 = tpu.memref_slice %arg7[%dma_start3A_282, %dma_start3A_283, %dma_start3A_284] : memref<2x128x128xf32, #tpu.memory_space<vmem>> -> memref<1x128x128xf32, #tpu.memory_space<vmem>>
        %dma_start3A_286 = tpu.memref_squeeze %dma_start3A_285 : memref<1x128x128xf32, #tpu.memory_space<vmem>> -> memref<128x128xf32, #tpu.memory_space<vmem>>
        %dma_start3A_287 = arith.constant 0 : i32
        %dma_start3A_288 = tpu.memref_slice %arg6[%dma_start3A_280, %dma_start3A_281, %dma_start3A_287] : memref<4x2x128xi32, #tpu.memory_space<vmem>> -> memref<1x1x128xi32, #tpu.memory_space<vmem>>
        %dma_start3A_289 = tpu.memref_squeeze %dma_start3A_288 : memref<1x1x128xi32, #tpu.memory_space<vmem>> -> memref<128xi32, #tpu.memory_space<vmem>>
        %dma_start3A_290 = arith.constant 0 : i32
        %dma_start3A_291 = arith.constant 0 : i32
        %dma_start3A_292 = tpu.memref_slice %arg2[%dma_start3A_290, %dma_start3A_291] : memref<10240x128xf32, #tpu.memory_space<hbm>> -> memref<10240x128xf32, #tpu.memory_space<hbm>>
        tpu.enqueue_indirect_dma source(%dma_start3A_292 : memref<10240x128xf32, #tpu.memory_space<hbm>>) target(%dma_start3A_286 : memref<128x128xf32, #tpu.memory_space<vmem>>) offsets(%dma_start3A_289 : memref<128xi32, #tpu.memory_space<vmem>>) semaphore(%arg13 : memref<!tpu.dma_semaphore, #tpu.memory_space<semaphore_mem>>)
      } else {
      }
      %dma_wait3A_244 = arith.constant 3 : i32
      %dma_wait3A_245 = arith.constant 0 : i32
      %dma_wait3A_246 = arith.constant 1 : i32
      %dma_wait3A_247 = arith.constant 0 : i32
      %dma_wait3A_248 = arith.constant 0 : i32
      %dma_wait3A_249 = tpu.memref_slice %arg7[%dma_wait3A_246, %dma_wait3A_247, %dma_wait3A_248] : memref<2x128x128xf32, #tpu.memory_space<vmem>> -> memref<1x128x128xf32, #tpu.memory_space<vmem>>
      %dma_wait3A_250 = tpu.memref_squeeze %dma_wait3A_249 : memref<1x128x128xf32, #tpu.memory_space<vmem>> -> memref<128x128xf32, #tpu.memory_space<vmem>>
      %dma_wait3A_251 = arith.constant 0 : i32
      %dma_wait3A_252 = tpu.memref_slice %arg6[%dma_wait3A_244, %dma_wait3A_245, %dma_wait3A_251] : memref<4x2x128xi32, #tpu.memory_space<vmem>> -> memref<1x1x128xi32, #tpu.memory_space<vmem>>
      %dma_wait3A_253 = tpu.memref_squeeze %dma_wait3A_252 : memref<1x1x128xi32, #tpu.memory_space<vmem>> -> memref<128xi32, #tpu.memory_space<vmem>>
      %dma_wait3A_254 = arith.constant 0 : i32
      %dma_wait3A_255 = arith.constant 0 : i32
      %dma_wait3A_256 = tpu.memref_slice %arg2[%dma_wait3A_254, %dma_wait3A_255] : memref<10240x128xf32, #tpu.memory_space<hbm>> -> memref<10240x128xf32, #tpu.memory_space<hbm>>
      tpu.wait_indirect_dma semaphore(%arg14 : memref<!tpu.dma_semaphore, #tpu.memory_space<semaphore_mem>>) src(%dma_wait3A_256 : memref<10240x128xf32, #tpu.memory_space<hbm>>) dst(%dma_wait3A_250 : memref<128x128xf32, #tpu.memory_space<vmem>>)
      %run_scoped3A_257 = arith.constant 1 : i32
      %run_scoped3A_258 = arith.constant 3 : i32
      %run_scoped3A_259 = arith.constant 1 : i32
      "tpu.region"() ({
        %run_scoped3A_260 = tpu.sem_alloc : memref<!tpu.dma_semaphore, #tpu.memory_space<semaphore_mem>>
        %dma_start3A_261 = arith.constant 0 : i32
        %dma_start3A_262 = arith.constant 0 : i32
        %dma_start3A_263 = tpu.memref_slice %arg7[%run_scoped3A_257, %dma_start3A_261, %dma_start3A_262] : memref<2x128x128xf32, #tpu.memory_space<vmem>> -> memref<1x128x128xf32, #tpu.memory_space<vmem>>
        %dma_start3A_264 = tpu.memref_squeeze %dma_start3A_263 : memref<1x128x128xf32, #tpu.memory_space<vmem>> -> memref<128x128xf32, #tpu.memory_space<vmem>>
        %dma_start3A_265 = arith.constant 0 : i32
        %dma_start3A_266 = tpu.memref_slice %arg6[%run_scoped3A_258, %run_scoped3A_259, %dma_start3A_265] : memref<4x2x128xi32, #tpu.memory_space<vmem>> -> memref<1x1x128xi32, #tpu.memory_space<vmem>>
        %dma_start3A_267 = tpu.memref_squeeze %dma_start3A_266 : memref<1x1x128xi32, #tpu.memory_space<vmem>> -> memref<128xi32, #tpu.memory_space<vmem>>
        %dma_start3A_268 = arith.constant 0 : i32
        %dma_start3A_269 = arith.constant 0 : i32
        %dma_start3A_270 = tpu.memref_slice %arg8[%dma_start3A_268, %dma_start3A_269] : memref<10240x128xf32, #tpu.memory_space<vmem_shared>> -> memref<10240x128xf32, #tpu.memory_space<vmem_shared>>
        tpu.enqueue_indirect_dma source(%dma_start3A_264 : memref<128x128xf32, #tpu.memory_space<vmem>>) target(%dma_start3A_270 : memref<10240x128xf32, #tpu.memory_space<vmem_shared>>) offsets(%dma_start3A_267 : memref<128xi32, #tpu.memory_space<vmem>>) semaphore(%run_scoped3A_260 : memref<!tpu.dma_semaphore, #tpu.memory_space<semaphore_mem>>) {add = true}
        %dma_wait3A_271 = arith.constant 0 : i32
        %dma_wait3A_272 = arith.constant 0 : i32
        %dma_wait3A_273 = tpu.memref_slice %arg7[%run_scoped3A_257, %dma_wait3A_271, %dma_wait3A_272] : memref<2x128x128xf32, #tpu.memory_space<vmem>> -> memref<1x128x128xf32, #tpu.memory_space<vmem>>
        %dma_wait3A_274 = tpu.memref_squeeze %dma_wait3A_273 : memref<1x128x128xf32, #tpu.memory_space<vmem>> -> memref<128x128xf32, #tpu.memory_space<vmem>>
        %dma_wait3A_275 = arith.constant 0 : i32
        %dma_wait3A_276 = tpu.memref_slice %arg6[%run_scoped3A_258, %run_scoped3A_259, %dma_wait3A_275] : memref<4x2x128xi32, #tpu.memory_space<vmem>> -> memref<1x1x128xi32, #tpu.memory_space<vmem>>
        %dma_wait3A_277 = tpu.memref_squeeze %dma_wait3A_276 : memref<1x1x128xi32, #tpu.memory_space<vmem>> -> memref<128xi32, #tpu.memory_space<vmem>>
        %dma_wait3A_278 = arith.constant 0 : i32
        %dma_wait3A_279 = arith.constant 0 : i32
        %dma_wait3A_280 = tpu.memref_slice %arg8[%dma_wait3A_278, %dma_wait3A_279] : memref<10240x128xf32, #tpu.memory_space<vmem_shared>> -> memref<10240x128xf32, #tpu.memory_space<vmem_shared>>
        tpu.wait_indirect_dma semaphore(%run_scoped3A_260 : memref<!tpu.dma_semaphore, #tpu.memory_space<semaphore_mem>>) src(%dma_wait3A_274 : memref<128x128xf32, #tpu.memory_space<vmem>>) dst(%dma_wait3A_280 : memref<10240x128xf32, #tpu.memory_space<vmem_shared>>)
        tpu.yield
      }) : () -> ()
    }
    %barrier3A_127 = arith.constant 0 : index
    tpu.barrier barrier_id(%barrier3A_127)
    %scan3A_128 = arith.constant 0 : i32
    %scan3A_129 = arith.constant 0 : i32
    %scan3A_130 = arith.constant 5 : i32
    %scan3A_131 = arith.addi %scan3A_129, %scan3A_130 : i32
    %scan3A_132 = arith.constant 1 : i32
    scf.for %scan3A_134 = %scan3A_129 to %scan3A_131 step %scan3A_132  : i32 {
      %mul3A_135 = arith.constant 640 : i32
      %mul3A_136 = arith.muli %arg1, %mul3A_135 : i32
      %mul3A_137 = arith.constant 128 : i32
      %mul3A_138 = arith.muli %scan3A_134, %mul3A_137 : i32
      %add3A_139 = arith.addi %mul3A_136, %mul3A_138 : i32
      %run_scoped3A_140 = arith.constant 0 : i32
      "tpu.region"() ({
        %run_scoped3A_145 = tpu.sem_alloc : memref<!tpu.dma_semaphore, #tpu.memory_space<semaphore_mem>>
        %dma_start3A_146 = arith.constant 0 : i32
        %dma_start3A_147 = arith.constant 0 : i32
        %dma_start3A_148 = tpu.memref_slice %arg7[%run_scoped3A_140, %dma_start3A_146, %dma_start3A_147] : memref<2x128x128xf32, #tpu.memory_space<vmem>> -> memref<1x128x128xf32, #tpu.memory_space<vmem>>
        %dma_start3A_149 = tpu.memref_squeeze %dma_start3A_148 : memref<1x128x128xf32, #tpu.memory_space<vmem>> -> memref<128x128xf32, #tpu.memory_space<vmem>>
        %dma_start3A_150 = arith.constant 0 : i32
        %dma_start3A_151 = tpu.memref_slice %arg8[%add3A_139, %dma_start3A_150] : memref<10240x128xf32, #tpu.memory_space<vmem_shared>> -> memref<128x128xf32, #tpu.memory_space<vmem_shared>>
        %dma_start3A_152 = arith.constant 0 : i32
        %dma_start3A_153 = arith.constant 0 : i32
        %dma_start3A_154 = tpu.memref_slice %arg7[%run_scoped3A_140, %dma_start3A_152, %dma_start3A_153] : memref<2x128x128xf32, #tpu.memory_space<vmem>> -> memref<1x128x128xf32, #tpu.memory_space<vmem>>
        %dma_start3A_155 = tpu.memref_squeeze %dma_start3A_154 : memref<1x128x128xf32, #tpu.memory_space<vmem>> -> memref<128x128xf32, #tpu.memory_space<vmem>>
        %dma_start3A_156 = arith.constant 0 : i32
        %dma_start3A_157 = tpu.memref_slice %arg8[%add3A_139, %dma_start3A_156] : memref<10240x128xf32, #tpu.memory_space<vmem_shared>> -> memref<128x128xf32, #tpu.memory_space<vmem_shared>>
        tpu.enqueue_dma source(%dma_start3A_157 : memref<128x128xf32, #tpu.memory_space<vmem_shared>>) target(%dma_start3A_155 : memref<128x128xf32, #tpu.memory_space<vmem>>) target_semaphore(%run_scoped3A_145 : memref<!tpu.dma_semaphore, #tpu.memory_space<semaphore_mem>>)
        %dma_wait3A_158 = arith.constant 0 : i32
        %dma_wait3A_159 = arith.constant 0 : i32
        %dma_wait3A_160 = tpu.memref_slice %arg7[%run_scoped3A_140, %dma_wait3A_158, %dma_wait3A_159] : memref<2x128x128xf32, #tpu.memory_space<vmem>> -> memref<1x128x128xf32, #tpu.memory_space<vmem>>
        %dma_wait3A_161 = tpu.memref_squeeze %dma_wait3A_160 : memref<1x128x128xf32, #tpu.memory_space<vmem>> -> memref<128x128xf32, #tpu.memory_space<vmem>>
        %dma_wait3A_162 = arith.constant 0 : i32
        %dma_wait3A_163 = tpu.memref_slice %arg8[%add3A_139, %dma_wait3A_162] : memref<10240x128xf32, #tpu.memory_space<vmem_shared>> -> memref<128x128xf32, #tpu.memory_space<vmem_shared>>
        %dma_wait3A_164 = arith.constant 0 : i32
        %dma_wait3A_165 = arith.constant 0 : i32
        %dma_wait3A_166 = tpu.memref_slice %arg7[%run_scoped3A_140, %dma_wait3A_164, %dma_wait3A_165] : memref<2x128x128xf32, #tpu.memory_space<vmem>> -> memref<1x128x128xf32, #tpu.memory_space<vmem>>
        %dma_wait3A_167 = tpu.memref_squeeze %dma_wait3A_166 : memref<1x128x128xf32, #tpu.memory_space<vmem>> -> memref<128x128xf32, #tpu.memory_space<vmem>>
        %dma_wait3A_168 = arith.constant 0 : i32
        %dma_wait3A_169 = tpu.memref_slice %arg8[%add3A_139, %dma_wait3A_168] : memref<10240x128xf32, #tpu.memory_space<vmem_shared>> -> memref<128x128xf32, #tpu.memory_space<vmem_shared>>
        tpu.wait_dma2 semaphore(%run_scoped3A_145 : memref<!tpu.dma_semaphore, #tpu.memory_space<semaphore_mem>>) src(%dma_wait3A_169 : memref<128x128xf32, #tpu.memory_space<vmem_shared>>) dst(%dma_wait3A_167 : memref<128x128xf32, #tpu.memory_space<vmem>>)
        tpu.yield
      }) : () -> ()
      %mul3A_141 = arith.constant 10240 : i32
      %mul3A_142 = arith.muli %arg0, %mul3A_141 : i32
      %add3A_143 = arith.addi %mul3A_142, %add3A_139 : i32
      %run_scoped3A_144 = arith.constant 0 : i32
      "tpu.region"() ({
        %run_scoped3A_145 = tpu.sem_alloc : memref<!tpu.dma_semaphore, #tpu.memory_space<semaphore_mem>>
        %dma_start3A_146 = arith.constant 0 : i32
        %dma_start3A_147 = arith.constant 0 : i32
        %dma_start3A_148 = tpu.memref_slice %arg7[%run_scoped3A_144, %dma_start3A_146, %dma_start3A_147] : memref<2x128x128xf32, #tpu.memory_space<vmem>> -> memref<1x128x128xf32, #tpu.memory_space<vmem>>
        %dma_start3A_149 = tpu.memref_squeeze %dma_start3A_148 : memref<1x128x128xf32, #tpu.memory_space<vmem>> -> memref<128x128xf32, #tpu.memory_space<vmem>>
        %dma_start3A_150 = arith.constant 0 : i32
        %dma_start3A_151 = tpu.memref_slice %arg5[%add3A_143, %dma_start3A_150] : memref<20480x128xf32, #tpu.memory_space<hbm>> -> memref<128x128xf32, #tpu.memory_space<hbm>>
        %dma_start3A_152 = arith.constant 0 : i32
        %dma_start3A_153 = tpu.memref_slice %arg5[%add3A_143, %dma_start3A_152] : memref<20480x128xf32, #tpu.memory_space<hbm>> -> memref<128x128xf32, #tpu.memory_space<hbm>>
        %dma_start3A_154 = arith.constant 0 : i32
        %dma_start3A_155 = arith.constant 0 : i32
        %dma_start3A_156 = tpu.memref_slice %arg7[%run_scoped3A_144, %dma_start3A_154, %dma_start3A_155] : memref<2x128x128xf32, #tpu.memory_space<vmem>> -> memref<1x128x128xf32, #tpu.memory_space<vmem>>
        %dma_start3A_157 = tpu.memref_squeeze %dma_start3A_156 : memref<1x128x128xf32, #tpu.memory_space<vmem>> -> memref<128x128xf32, #tpu.memory_space<vmem>>
        tpu.enqueue_dma source(%dma_start3A_157 : memref<128x128xf32, #tpu.memory_space<vmem>>) target(%dma_start3A_153 : memref<128x128xf32, #tpu.memory_space<hbm>>) target_semaphore(%run_scoped3A_145 : memref<!tpu.dma_semaphore, #tpu.memory_space<semaphore_mem>>)
        %dma_wait3A_158 = arith.constant 0 : i32
        %dma_wait3A_159 = arith.constant 0 : i32
        %dma_wait3A_160 = tpu.memref_slice %arg7[%run_scoped3A_144, %dma_wait3A_158, %dma_wait3A_159] : memref<2x128x128xf32, #tpu.memory_space<vmem>> -> memref<1x128x128xf32, #tpu.memory_space<vmem>>
        %dma_wait3A_161 = tpu.memref_squeeze %dma_wait3A_160 : memref<1x128x128xf32, #tpu.memory_space<vmem>> -> memref<128x128xf32, #tpu.memory_space<vmem>>
        %dma_wait3A_162 = arith.constant 0 : i32
        %dma_wait3A_163 = tpu.memref_slice %arg5[%add3A_143, %dma_wait3A_162] : memref<20480x128xf32, #tpu.memory_space<hbm>> -> memref<128x128xf32, #tpu.memory_space<hbm>>
        %dma_wait3A_164 = arith.constant 0 : i32
        %dma_wait3A_165 = tpu.memref_slice %arg5[%add3A_143, %dma_wait3A_164] : memref<20480x128xf32, #tpu.memory_space<hbm>> -> memref<128x128xf32, #tpu.memory_space<hbm>>
        %dma_wait3A_166 = arith.constant 0 : i32
        %dma_wait3A_167 = arith.constant 0 : i32
        %dma_wait3A_168 = tpu.memref_slice %arg7[%run_scoped3A_144, %dma_wait3A_166, %dma_wait3A_167] : memref<2x128x128xf32, #tpu.memory_space<vmem>> -> memref<1x128x128xf32, #tpu.memory_space<vmem>>
        %dma_wait3A_169 = tpu.memref_squeeze %dma_wait3A_168 : memref<1x128x128xf32, #tpu.memory_space<vmem>> -> memref<128x128xf32, #tpu.memory_space<vmem>>
        tpu.wait_dma2 semaphore(%run_scoped3A_145 : memref<!tpu.dma_semaphore, #tpu.memory_space<semaphore_mem>>) src(%dma_wait3A_169 : memref<128x128xf32, #tpu.memory_space<vmem>>) dst(%dma_wait3A_165 : memref<128x128xf32, #tpu.memory_space<hbm>>)
        tpu.yield
      }) : () -> ()
    }
    %scan3A_133 = arith.constant 5 : i32
    return
  }
}

#map = affine_map<(d0, d1) -> (0, 0)>
#map1 = affine_map<(d0, d1) -> (0, 0, 0)>
module attributes {stable_mosaic.version = 14 : i64} {
  func.func @_sc(%arg0: i32, %arg1: i32, %arg2: memref<10240x128xf32, #tpu.memory_space<hbm>>, %arg3: memref<2560x2x128xi32, #tpu.memory_space<hbm>>, %arg4: memref<128x128xf32, #tpu.memory_space<hbm>>, %arg5: memref<20480x128xf32, #tpu.memory_space<hbm>>, %arg6: memref<4x2x128xi32, #tpu.memory_space<vmem>>, %arg7: memref<2x128x128xf32, #tpu.memory_space<vmem>>, %arg8: memref<10240x128xf32, #tpu.memory_space<vmem_shared>>, %arg9: memref<!tpu.dma_semaphore, #tpu.memory_space<semaphore_mem>>, %arg10: memref<!tpu.dma_semaphore, #tpu.memory_space<semaphore_mem>>, %arg11: memref<!tpu.dma_semaphore, #tpu.memory_space<semaphore_mem>>, %arg12: memref<!tpu.dma_semaphore, #tpu.memory_space<semaphore_mem>>, %arg13: memref<!tpu.dma_semaphore, #tpu.memory_space<semaphore_mem>>, %arg14: memref<!tpu.dma_semaphore, #tpu.memory_space<semaphore_mem>>) attributes {dimension_semantics = [#tpu.dimension_semantics<core_parallel>, #tpu.dimension_semantics<subcore_parallel>], iteration_bounds = array<i64: 2, 16>, scalar_prefetch = 0 : i64, scratch_operands = 9 : i64, tpu.core_type = #tpu.core_type<sc_vector_subcore>, window_params = [{transform_indices = #map}, {transform_indices = #map1}, {transform_indices = #map}, {transform_indices = #map}]} {
    %mul3A = arith.constant 160 : i32
    %mul3A_0 = arith.muli %arg1, %mul3A : i32
    %eq3A = arith.constant 0 : i32
    %eq3A_1 = arith.cmpi eq, %arg0, %eq3A : i32
    %jit3A = arith.constant 0 : i32
    %jit3A_2 = arith.constant 108 : i32
    %select_n3A = arith.select %eq3A_1, %jit3A, %jit3A_2 : i32
    %add3A = arith.addi %mul3A_0, %select_n3A : i32
    %eq3A_3 = arith.constant 0 : i32
    %eq3A_4 = arith.cmpi eq, %arg0, %eq3A_3 : i32
    %jit3A_5 = arith.constant 108 : i32
    %jit3A_6 = arith.constant 52 : i32
    %select_n3A_7 = arith.select %eq3A_4, %jit3A_5, %jit3A_6 : i32
    %run_scoped3A = arith.constant 0 : i32
    "tpu.region"() ({
      %run_scoped3A_134 = tpu.sem_alloc : memref<!tpu.dma_semaphore, #tpu.memory_space<semaphore_mem>>
      %dma_start3A_135 = arith.constant 0 : i32
      %dma_start3A_136 = arith.constant 0 : i32
      %dma_start3A_137 = tpu.memref_slice %arg7[%run_scoped3A, %dma_start3A_135, %dma_start3A_136] : memref<2x128x128xf32, #tpu.memory_space<vmem>> -> memref<1x128x128xf32, #tpu.memory_space<vmem>>
      %dma_start3A_138 = tpu.memref_squeeze %dma_start3A_137 : memref<1x128x128xf32, #tpu.memory_space<vmem>> -> memref<128x128xf32, #tpu.memory_space<vmem>>
      %dma_start3A_139 = arith.constant 0 : i32
      %dma_start3A_140 = arith.constant 0 : i32
      %dma_start3A_141 = tpu.memref_slice %arg7[%run_scoped3A, %dma_start3A_139, %dma_start3A_140] : memref<2x128x128xf32, #tpu.memory_space<vmem>> -> memref<1x128x128xf32, #tpu.memory_space<vmem>>
      %dma_start3A_142 = tpu.memref_squeeze %dma_start3A_141 : memref<1x128x128xf32, #tpu.memory_space<vmem>> -> memref<128x128xf32, #tpu.memory_space<vmem>>
      tpu.enqueue_dma source(%arg4 : memref<128x128xf32, #tpu.memory_space<hbm>>) target(%dma_start3A_142 : memref<128x128xf32, #tpu.memory_space<vmem>>) target_semaphore(%run_scoped3A_134 : memref<!tpu.dma_semaphore, #tpu.memory_space<semaphore_mem>>)
      %dma_wait3A_143 = arith.constant 0 : i32
      %dma_wait3A_144 = arith.constant 0 : i32
      %dma_wait3A_145 = tpu.memref_slice %arg7[%run_scoped3A, %dma_wait3A_143, %dma_wait3A_144] : memref<2x128x128xf32, #tpu.memory_space<vmem>> -> memref<1x128x128xf32, #tpu.memory_space<vmem>>
      %dma_wait3A_146 = tpu.memref_squeeze %dma_wait3A_145 : memref<1x128x128xf32, #tpu.memory_space<vmem>> -> memref<128x128xf32, #tpu.memory_space<vmem>>
      %dma_wait3A_147 = arith.constant 0 : i32
      %dma_wait3A_148 = arith.constant 0 : i32
      %dma_wait3A_149 = tpu.memref_slice %arg7[%run_scoped3A, %dma_wait3A_147, %dma_wait3A_148] : memref<2x128x128xf32, #tpu.memory_space<vmem>> -> memref<1x128x128xf32, #tpu.memory_space<vmem>>
      %dma_wait3A_150 = tpu.memref_squeeze %dma_wait3A_149 : memref<1x128x128xf32, #tpu.memory_space<vmem>> -> memref<128x128xf32, #tpu.memory_space<vmem>>
      tpu.wait_dma2 semaphore(%run_scoped3A_134 : memref<!tpu.dma_semaphore, #tpu.memory_space<semaphore_mem>>) src(%arg4 : memref<128x128xf32, #tpu.memory_space<hbm>>) dst(%dma_wait3A_150 : memref<128x128xf32, #tpu.memory_space<vmem>>)
      tpu.yield
    }) : () -> ()
    %scan3A = arith.constant 0 : i32
    %scan3A_8 = arith.constant 0 : i32
    %scan3A_9 = arith.constant 5 : i32
    %scan3A_10 = arith.addi %scan3A_8, %scan3A_9 : i32
    %scan3A_11 = arith.constant 1 : i32
    scf.for %scan3A_134 = %scan3A_8 to %scan3A_10 step %scan3A_11  : i32 {
      %mul3A_135 = arith.constant 640 : i32
      %mul3A_136 = arith.muli %arg1, %mul3A_135 : i32
      %mul3A_137 = arith.constant 128 : i32
      %mul3A_138 = arith.muli %scan3A_134, %mul3A_137 : i32
      %add3A_139 = arith.addi %mul3A_136, %mul3A_138 : i32
      %run_scoped3A_140 = arith.constant 0 : i32
      "tpu.region"() ({
        %run_scoped3A_141 = tpu.sem_alloc : memref<!tpu.dma_semaphore, #tpu.memory_space<semaphore_mem>>
        %dma_start3A_142 = arith.constant 0 : i32
        %dma_start3A_143 = arith.constant 0 : i32
        %dma_start3A_144 = tpu.memref_slice %arg7[%run_scoped3A_140, %dma_start3A_142, %dma_start3A_143] : memref<2x128x128xf32, #tpu.memory_space<vmem>> -> memref<1x128x128xf32, #tpu.memory_space<vmem>>
        %dma_start3A_145 = tpu.memref_squeeze %dma_start3A_144 : memref<1x128x128xf32, #tpu.memory_space<vmem>> -> memref<128x128xf32, #tpu.memory_space<vmem>>
        %dma_start3A_146 = arith.constant 0 : i32
        %dma_start3A_147 = tpu.memref_slice %arg8[%add3A_139, %dma_start3A_146] : memref<10240x128xf32, #tpu.memory_space<vmem_shared>> -> memref<128x128xf32, #tpu.memory_space<vmem_shared>>
        %dma_start3A_148 = arith.constant 0 : i32
        %dma_start3A_149 = tpu.memref_slice %arg8[%add3A_139, %dma_start3A_148] : memref<10240x128xf32, #tpu.memory_space<vmem_shared>> -> memref<128x128xf32, #tpu.memory_space<vmem_shared>>
        %dma_start3A_150 = arith.constant 0 : i32
        %dma_start3A_151 = arith.constant 0 : i32
        %dma_start3A_152 = tpu.memref_slice %arg7[%run_scoped3A_140, %dma_start3A_150, %dma_start3A_151] : memref<2x128x128xf32, #tpu.memory_space<vmem>> -> memref<1x128x128xf32, #tpu.memory_space<vmem>>
        %dma_start3A_153 = tpu.memref_squeeze %dma_start3A_152 : memref<1x128x128xf32, #tpu.memory_space<vmem>> -> memref<128x128xf32, #tpu.memory_space<vmem>>
        tpu.enqueue_dma source(%dma_start3A_153 : memref<128x128xf32, #tpu.memory_space<vmem>>) target(%dma_start3A_149 : memref<128x128xf32, #tpu.memory_space<vmem_shared>>) target_semaphore(%run_scoped3A_141 : memref<!tpu.dma_semaphore, #tpu.memory_space<semaphore_mem>>)
        %dma_wait3A_154 = arith.constant 0 : i32
        %dma_wait3A_155 = arith.constant 0 : i32
        %dma_wait3A_156 = tpu.memref_slice %arg7[%run_scoped3A_140, %dma_wait3A_154, %dma_wait3A_155] : memref<2x128x128xf32, #tpu.memory_space<vmem>> -> memref<1x128x128xf32, #tpu.memory_space<vmem>>
        %dma_wait3A_157 = tpu.memref_squeeze %dma_wait3A_156 : memref<1x128x128xf32, #tpu.memory_space<vmem>> -> memref<128x128xf32, #tpu.memory_space<vmem>>
        %dma_wait3A_158 = arith.constant 0 : i32
        %dma_wait3A_159 = tpu.memref_slice %arg8[%add3A_139, %dma_wait3A_158] : memref<10240x128xf32, #tpu.memory_space<vmem_shared>> -> memref<128x128xf32, #tpu.memory_space<vmem_shared>>
        %dma_wait3A_160 = arith.constant 0 : i32
        %dma_wait3A_161 = tpu.memref_slice %arg8[%add3A_139, %dma_wait3A_160] : memref<10240x128xf32, #tpu.memory_space<vmem_shared>> -> memref<128x128xf32, #tpu.memory_space<vmem_shared>>
        %dma_wait3A_162 = arith.constant 0 : i32
        %dma_wait3A_163 = arith.constant 0 : i32
        %dma_wait3A_164 = tpu.memref_slice %arg7[%run_scoped3A_140, %dma_wait3A_162, %dma_wait3A_163] : memref<2x128x128xf32, #tpu.memory_space<vmem>> -> memref<1x128x128xf32, #tpu.memory_space<vmem>>
        %dma_wait3A_165 = tpu.memref_squeeze %dma_wait3A_164 : memref<1x128x128xf32, #tpu.memory_space<vmem>> -> memref<128x128xf32, #tpu.memory_space<vmem>>
        tpu.wait_dma2 semaphore(%run_scoped3A_141 : memref<!tpu.dma_semaphore, #tpu.memory_space<semaphore_mem>>) src(%dma_wait3A_165 : memref<128x128xf32, #tpu.memory_space<vmem>>) dst(%dma_wait3A_161 : memref<128x128xf32, #tpu.memory_space<vmem_shared>>)
        tpu.yield
      }) : () -> ()
    }
    %scan3A_12 = arith.constant 5 : i32
    %barrier3A = arith.constant 0 : index
    tpu.barrier barrier_id(%barrier3A)
    %add3A_13 = arith.constant 0 : i32
    %add3A_14 = arith.addi %add3A, %add3A_13 : i32
    %dma_start3A = arith.constant 0 : i32
    %dma_start3A_15 = arith.constant 0 : i32
    %dma_start3A_16 = arith.constant 0 : i32
    %dma_start3A_17 = tpu.memref_slice %arg6[%dma_start3A, %dma_start3A_15, %dma_start3A_16] : memref<4x2x128xi32, #tpu.memory_space<vmem>> -> memref<1x2x128xi32, #tpu.memory_space<vmem>>
    %dma_start3A_18 = tpu.memref_squeeze %dma_start3A_17 : memref<1x2x128xi32, #tpu.memory_space<vmem>> -> memref<2x128xi32, #tpu.memory_space<vmem>>
    %dma_start3A_19 = arith.constant 0 : i32
    %dma_start3A_20 = arith.constant 0 : i32
    %dma_start3A_21 = tpu.memref_slice %arg3[%add3A_14, %dma_start3A_19, %dma_start3A_20] : memref<2560x2x128xi32, #tpu.memory_space<hbm>> -> memref<1x2x128xi32, #tpu.memory_space<hbm>>
    %dma_start3A_22 = tpu.memref_squeeze %dma_start3A_21 : memref<1x2x128xi32, #tpu.memory_space<hbm>> -> memref<2x128xi32, #tpu.memory_space<hbm>>
    %dma_start3A_23 = arith.constant 0 : i32
    %dma_start3A_24 = arith.constant 0 : i32
    %dma_start3A_25 = tpu.memref_slice %arg6[%dma_start3A, %dma_start3A_23, %dma_start3A_24] : memref<4x2x128xi32, #tpu.memory_space<vmem>> -> memref<1x2x128xi32, #tpu.memory_space<vmem>>
    %dma_start3A_26 = tpu.memref_squeeze %dma_start3A_25 : memref<1x2x128xi32, #tpu.memory_space<vmem>> -> memref<2x128xi32, #tpu.memory_space<vmem>>
    %dma_start3A_27 = arith.constant 0 : i32
    %dma_start3A_28 = arith.constant 0 : i32
    %dma_start3A_29 = tpu.memref_slice %arg3[%add3A_14, %dma_start3A_27, %dma_start3A_28] : memref<2560x2x128xi32, #tpu.memory_space<hbm>> -> memref<1x2x128xi32, #tpu.memory_space<hbm>>
    %dma_start3A_30 = tpu.memref_squeeze %dma_start3A_29 : memref<1x2x128xi32, #tpu.memory_space<hbm>> -> memref<2x128xi32, #tpu.memory_space<hbm>>
    tpu.enqueue_dma source(%dma_start3A_30 : memref<2x128xi32, #tpu.memory_space<hbm>>) target(%dma_start3A_26 : memref<2x128xi32, #tpu.memory_space<vmem>>) target_semaphore(%arg9 : memref<!tpu.dma_semaphore, #tpu.memory_space<semaphore_mem>>)
    %add3A_31 = arith.constant 1 : i32
    %add3A_32 = arith.addi %add3A, %add3A_31 : i32
    %dma_start3A_33 = arith.constant 1 : i32
    %dma_start3A_34 = arith.constant 0 : i32
    %dma_start3A_35 = arith.constant 0 : i32
    %dma_start3A_36 = tpu.memref_slice %arg6[%dma_start3A_33, %dma_start3A_34, %dma_start3A_35] : memref<4x2x128xi32, #tpu.memory_space<vmem>> -> memref<1x2x128xi32, #tpu.memory_space<vmem>>
    %dma_start3A_37 = tpu.memref_squeeze %dma_start3A_36 : memref<1x2x128xi32, #tpu.memory_space<vmem>> -> memref<2x128xi32, #tpu.memory_space<vmem>>
    %dma_start3A_38 = arith.constant 0 : i32
    %dma_start3A_39 = arith.constant 0 : i32
    %dma_start3A_40 = tpu.memref_slice %arg3[%add3A_32, %dma_start3A_38, %dma_start3A_39] : memref<2560x2x128xi32, #tpu.memory_space<hbm>> -> memref<1x2x128xi32, #tpu.memory_space<hbm>>
    %dma_start3A_41 = tpu.memref_squeeze %dma_start3A_40 : memref<1x2x128xi32, #tpu.memory_space<hbm>> -> memref<2x128xi32, #tpu.memory_space<hbm>>
    %dma_start3A_42 = arith.constant 0 : i32
    %dma_start3A_43 = arith.constant 0 : i32
    %dma_start3A_44 = tpu.memref_slice %arg6[%dma_start3A_33, %dma_start3A_42, %dma_start3A_43] : memref<4x2x128xi32, #tpu.memory_space<vmem>> -> memref<1x2x128xi32, #tpu.memory_space<vmem>>
    %dma_start3A_45 = tpu.memref_squeeze %dma_start3A_44 : memref<1x2x128xi32, #tpu.memory_space<vmem>> -> memref<2x128xi32, #tpu.memory_space<vmem>>
    %dma_start3A_46 = arith.constant 0 : i32
    %dma_start3A_47 = arith.constant 0 : i32
    %dma_start3A_48 = tpu.memref_slice %arg3[%add3A_32, %dma_start3A_46, %dma_start3A_47] : memref<2560x2x128xi32, #tpu.memory_space<hbm>> -> memref<1x2x128xi32, #tpu.memory_space<hbm>>
    %dma_start3A_49 = tpu.memref_squeeze %dma_start3A_48 : memref<1x2x128xi32, #tpu.memory_space<hbm>> -> memref<2x128xi32, #tpu.memory_space<hbm>>
    tpu.enqueue_dma source(%dma_start3A_49 : memref<2x128xi32, #tpu.memory_space<hbm>>) target(%dma_start3A_45 : memref<2x128xi32, #tpu.memory_space<vmem>>) target_semaphore(%arg10 : memref<!tpu.dma_semaphore, #tpu.memory_space<semaphore_mem>>)
    %add3A_50 = arith.constant 2 : i32
    %add3A_51 = arith.addi %add3A, %add3A_50 : i32
    %dma_start3A_52 = arith.constant 2 : i32
    %dma_start3A_53 = arith.constant 0 : i32
    %dma_start3A_54 = arith.constant 0 : i32
    %dma_start3A_55 = tpu.memref_slice %arg6[%dma_start3A_52, %dma_start3A_53, %dma_start3A_54] : memref<4x2x128xi32, #tpu.memory_space<vmem>> -> memref<1x2x128xi32, #tpu.memory_space<vmem>>
    %dma_start3A_56 = tpu.memref_squeeze %dma_start3A_55 : memref<1x2x128xi32, #tpu.memory_space<vmem>> -> memref<2x128xi32, #tpu.memory_space<vmem>>
    %dma_start3A_57 = arith.constant 0 : i32
    %dma_start3A_58 = arith.constant 0 : i32
    %dma_start3A_59 = tpu.memref_slice %arg3[%add3A_51, %dma_start3A_57, %dma_start3A_58] : memref<2560x2x128xi32, #tpu.memory_space<hbm>> -> memref<1x2x128xi32, #tpu.memory_space<hbm>>
    %dma_start3A_60 = tpu.memref_squeeze %dma_start3A_59 : memref<1x2x128xi32, #tpu.memory_space<hbm>> -> memref<2x128xi32, #tpu.memory_space<hbm>>
    %dma_start3A_61 = arith.constant 0 : i32
    %dma_start3A_62 = arith.constant 0 : i32
    %dma_start3A_63 = tpu.memref_slice %arg6[%dma_start3A_52, %dma_start3A_61, %dma_start3A_62] : memref<4x2x128xi32, #tpu.memory_space<vmem>> -> memref<1x2x128xi32, #tpu.memory_space<vmem>>
    %dma_start3A_64 = tpu.memref_squeeze %dma_start3A_63 : memref<1x2x128xi32, #tpu.memory_space<vmem>> -> memref<2x128xi32, #tpu.memory_space<vmem>>
    %dma_start3A_65 = arith.constant 0 : i32
    %dma_start3A_66 = arith.constant 0 : i32
    %dma_start3A_67 = tpu.memref_slice %arg3[%add3A_51, %dma_start3A_65, %dma_start3A_66] : memref<2560x2x128xi32, #tpu.memory_space<hbm>> -> memref<1x2x128xi32, #tpu.memory_space<hbm>>
    %dma_start3A_68 = tpu.memref_squeeze %dma_start3A_67 : memref<1x2x128xi32, #tpu.memory_space<hbm>> -> memref<2x128xi32, #tpu.memory_space<hbm>>
    tpu.enqueue_dma source(%dma_start3A_68 : memref<2x128xi32, #tpu.memory_space<hbm>>) target(%dma_start3A_64 : memref<2x128xi32, #tpu.memory_space<vmem>>) target_semaphore(%arg11 : memref<!tpu.dma_semaphore, #tpu.memory_space<semaphore_mem>>)
    %add3A_69 = arith.constant 0 : i32
    %add3A_70 = arith.addi %add3A, %add3A_69 : i32
    %dma_wait3A = arith.constant 0 : i32
    %dma_wait3A_71 = arith.constant 0 : i32
    %dma_wait3A_72 = arith.constant 0 : i32
    %dma_wait3A_73 = tpu.memref_slice %arg6[%dma_wait3A, %dma_wait3A_71, %dma_wait3A_72] : memref<4x2x128xi32, #tpu.memory_space<vmem>> -> memref<1x2x128xi32, #tpu.memory_space<vmem>>
    %dma_wait3A_74 = tpu.memref_squeeze %dma_wait3A_73 : memref<1x2x128xi32, #tpu.memory_space<vmem>> -> memref<2x128xi32, #tpu.memory_space<vmem>>
    %dma_wait3A_75 = arith.constant 0 : i32
    %dma_wait3A_76 = arith.constant 0 : i32
    %dma_wait3A_77 = tpu.memref_slice %arg3[%add3A_70, %dma_wait3A_75, %dma_wait3A_76] : memref<2560x2x128xi32, #tpu.memory_space<hbm>> -> memref<1x2x128xi32, #tpu.memory_space<hbm>>
    %dma_wait3A_78 = tpu.memref_squeeze %dma_wait3A_77 : memref<1x2x128xi32, #tpu.memory_space<hbm>> -> memref<2x128xi32, #tpu.memory_space<hbm>>
    %dma_wait3A_79 = arith.constant 0 : i32
    %dma_wait3A_80 = arith.constant 0 : i32
    %dma_wait3A_81 = tpu.memref_slice %arg6[%dma_wait3A, %dma_wait3A_79, %dma_wait3A_80] : memref<4x2x128xi32, #tpu.memory_space<vmem>> -> memref<1x2x128xi32, #tpu.memory_space<vmem>>
    %dma_wait3A_82 = tpu.memref_squeeze %dma_wait3A_81 : memref<1x2x128xi32, #tpu.memory_space<vmem>> -> memref<2x128xi32, #tpu.memory_space<vmem>>
    %dma_wait3A_83 = arith.constant 0 : i32
    %dma_wait3A_84 = arith.constant 0 : i32
    %dma_wait3A_85 = tpu.memref_slice %arg3[%add3A_70, %dma_wait3A_83, %dma_wait3A_84] : memref<2560x2x128xi32, #tpu.memory_space<hbm>> -> memref<1x2x128xi32, #tpu.memory_space<hbm>>
    %dma_wait3A_86 = tpu.memref_squeeze %dma_wait3A_85 : memref<1x2x128xi32, #tpu.memory_space<hbm>> -> memref<2x128xi32, #tpu.memory_space<hbm>>
    tpu.wait_dma2 semaphore(%arg9 : memref<!tpu.dma_semaphore, #tpu.memory_space<semaphore_mem>>) src(%dma_wait3A_86 : memref<2x128xi32, #tpu.memory_space<hbm>>) dst(%dma_wait3A_82 : memref<2x128xi32, #tpu.memory_space<vmem>>)
    %dma_start3A_87 = arith.constant 0 : i32
    %dma_start3A_88 = arith.constant 0 : i32
    %dma_start3A_89 = arith.constant 0 : i32
    %dma_start3A_90 = arith.constant 0 : i32
    %dma_start3A_91 = arith.constant 0 : i32
    %dma_start3A_92 = tpu.memref_slice %arg7[%dma_start3A_89, %dma_start3A_90, %dma_start3A_91] : memref<2x128x128xf32, #tpu.memory_space<vmem>> -> memref<1x128x128xf32, #tpu.memory_space<vmem>>
    %dma_start3A_93 = tpu.memref_squeeze %dma_start3A_92 : memref<1x128x128xf32, #tpu.memory_space<vmem>> -> memref<128x128xf32, #tpu.memory_space<vmem>>
    %dma_start3A_94 = arith.constant 0 : i32
    %dma_start3A_95 = tpu.memref_slice %arg6[%dma_start3A_87, %dma_start3A_88, %dma_start3A_94] : memref<4x2x128xi32, #tpu.memory_space<vmem>> -> memref<1x1x128xi32, #tpu.memory_space<vmem>>
    %dma_start3A_96 = tpu.memref_squeeze %dma_start3A_95 : memref<1x1x128xi32, #tpu.memory_space<vmem>> -> memref<128xi32, #tpu.memory_space<vmem>>
    %dma_start3A_97 = arith.constant 0 : i32
    %dma_start3A_98 = arith.constant 0 : i32
    %dma_start3A_99 = tpu.memref_slice %arg2[%dma_start3A_97, %dma_start3A_98] : memref<10240x128xf32, #tpu.memory_space<hbm>> -> memref<10240x128xf32, #tpu.memory_space<hbm>>
    tpu.enqueue_indirect_dma source(%dma_start3A_99 : memref<10240x128xf32, #tpu.memory_space<hbm>>) target(%dma_start3A_93 : memref<128x128xf32, #tpu.memory_space<vmem>>) offsets(%dma_start3A_96 : memref<128xi32, #tpu.memory_space<vmem>>) semaphore(%arg13 : memref<!tpu.dma_semaphore, #tpu.memory_space<semaphore_mem>>)
    %jit3A_100 = arith.constant 4 : i32
    %div3A = arith.divsi %select_n3A_7, %jit3A_100 : i32
    %sign3A = arith.constant 0 : i32
    %sign3A_101 = arith.cmpi sgt, %select_n3A_7, %sign3A : i32
    %sign3A_102 = arith.extui %sign3A_101 : i1 to i32
    %sign3A_103 = arith.constant 0 : i32
    %sign3A_104 = arith.cmpi slt, %select_n3A_7, %sign3A_103 : i32
    %sign3A_105 = arith.extui %sign3A_104 : i1 to i32
    %sign3A_106 = arith.subi %sign3A_102, %sign3A_105 : i32
    %sign3A_107 = arith.constant 0 : i32
    %sign3A_108 = arith.cmpi sgt, %jit3A_100, %sign3A_107 : i32
    %sign3A_109 = arith.extui %sign3A_108 : i1 to i32
    %sign3A_110 = arith.constant 0 : i32
    %sign3A_111 = arith.cmpi slt, %jit3A_100, %sign3A_110 : i32
    %sign3A_112 = arith.extui %sign3A_111 : i1 to i32
    %sign3A_113 = arith.subi %sign3A_109, %sign3A_112 : i32
    %ne3A = arith.cmpi ne, %sign3A_106, %sign3A_113 : i32
    %rem3A = arith.remsi %select_n3A_7, %jit3A_100 : i32
    %ne3A_114 = arith.constant 0 : i32
    %ne3A_115 = arith.cmpi ne, %rem3A, %ne3A_114 : i32
    %and3A = arith.andi %ne3A, %ne3A_115 : i1
    %sub3A = arith.constant 1 : i32
    %sub3A_116 = arith.subi %div3A, %sub3A : i32
    %select_n3A_117 = arith.select %and3A, %sub3A_116, %div3A : i32
    %while3A = arith.constant 0 : i32
    %while3A_118 = arith.constant 0 : i32
    %while3A_119 = arith.subi %select_n3A_117, %while3A_118 : i32
    %while3A_120 = arith.addi %while3A_118, %while3A_119 : i32
    %while3A_121 = arith.constant 1 : i32
    %while3A_122 = arith.divsi %while3A_119, %while3A_121 : i32
    %while3A_123 = arith.muli %while3A_122, %while3A_121 : i32
    %while3A_124 = arith.addi %while3A_118, %while3A_123 : i32
    %while3A_125 = arith.constant 1 : i32
    scf.for %while3A_134 = %while3A_118 to %while3A_124 step %while3A_125  : i32 {
      %mul3A_135 = arith.constant 4 : i32
      %mul3A_136 = arith.muli %while3A_134, %mul3A_135 : i32
      %add3A_137 = arith.constant 0 : i32
      %add3A_138 = arith.addi %mul3A_136, %add3A_137 : i32
      %add3A_139 = arith.constant 3 : i32
      %add3A_140 = arith.addi %add3A_138, %add3A_139 : i32
      %lt3A = arith.cmpi slt, %add3A_140, %select_n3A_7 : i32
      %convert_element_type3A = arith.extui %lt3A : i1 to i32
      %cond3A = arith.constant 0 : i32
      %cond3A_141 = arith.cmpi ne, %convert_element_type3A, %cond3A : i32
      scf.if %cond3A_141 {
        %add3A_260 = arith.constant 3 : i32
        %add3A_261 = arith.addi %add3A_138, %add3A_260 : i32
        %add3A_262 = arith.addi %add3A, %add3A_261 : i32
        %dma_start3A_263 = arith.constant 3 : i32
        %dma_start3A_264 = arith.constant 0 : i32
        %dma_start3A_265 = arith.constant 0 : i32
        %dma_start3A_266 = tpu.memref_slice %arg6[%dma_start3A_263, %dma_start3A_264, %dma_start3A_265] : memref<4x2x128xi32, #tpu.memory_space<vmem>> -> memref<1x2x128xi32, #tpu.memory_space<vmem>>
        %dma_start3A_267 = tpu.memref_squeeze %dma_start3A_266 : memref<1x2x128xi32, #tpu.memory_space<vmem>> -> memref<2x128xi32, #tpu.memory_space<vmem>>
        %dma_start3A_268 = arith.constant 0 : i32
        %dma_start3A_269 = arith.constant 0 : i32
        %dma_start3A_270 = tpu.memref_slice %arg3[%add3A_262, %dma_start3A_268, %dma_start3A_269] : memref<2560x2x128xi32, #tpu.memory_space<hbm>> -> memref<1x2x128xi32, #tpu.memory_space<hbm>>
        %dma_start3A_271 = tpu.memref_squeeze %dma_start3A_270 : memref<1x2x128xi32, #tpu.memory_space<hbm>> -> memref<2x128xi32, #tpu.memory_space<hbm>>
        %dma_start3A_272 = arith.constant 0 : i32
        %dma_start3A_273 = arith.constant 0 : i32
        %dma_start3A_274 = tpu.memref_slice %arg6[%dma_start3A_263, %dma_start3A_272, %dma_start3A_273] : memref<4x2x128xi32, #tpu.memory_space<vmem>> -> memref<1x2x128xi32, #tpu.memory_space<vmem>>
        %dma_start3A_275 = tpu.memref_squeeze %dma_start3A_274 : memref<1x2x128xi32, #tpu.memory_space<vmem>> -> memref<2x128xi32, #tpu.memory_space<vmem>>
        %dma_start3A_276 = arith.constant 0 : i32
        %dma_start3A_277 = arith.constant 0 : i32
        %dma_start3A_278 = tpu.memref_slice %arg3[%add3A_262, %dma_start3A_276, %dma_start3A_277] : memref<2560x2x128xi32, #tpu.memory_space<hbm>> -> memref<1x2x128xi32, #tpu.memory_space<hbm>>
        %dma_start3A_279 = tpu.memref_squeeze %dma_start3A_278 : memref<1x2x128xi32, #tpu.memory_space<hbm>> -> memref<2x128xi32, #tpu.memory_space<hbm>>
        tpu.enqueue_dma source(%dma_start3A_279 : memref<2x128xi32, #tpu.memory_space<hbm>>) target(%dma_start3A_275 : memref<2x128xi32, #tpu.memory_space<vmem>>) target_semaphore(%arg12 : memref<!tpu.dma_semaphore, #tpu.memory_space<semaphore_mem>>)
      } else {
      }
      %add3A_142 = arith.constant 1 : i32
      %add3A_143 = arith.addi %add3A_138, %add3A_142 : i32
      %lt3A_144 = arith.cmpi slt, %add3A_143, %select_n3A_7 : i32
      %convert_element_type3A_145 = arith.extui %lt3A_144 : i1 to i32
      %cond3A_146 = arith.constant 0 : i32
      %cond3A_147 = arith.cmpi ne, %convert_element_type3A_145, %cond3A_146 : i32
      scf.if %cond3A_147 {
        %add3A_260 = arith.constant 1 : i32
        %add3A_261 = arith.addi %add3A_138, %add3A_260 : i32
        %add3A_262 = arith.addi %add3A, %add3A_261 : i32
        %dma_wait3A_263 = arith.constant 1 : i32
        %dma_wait3A_264 = arith.constant 0 : i32
        %dma_wait3A_265 = arith.constant 0 : i32
        %dma_wait3A_266 = tpu.memref_slice %arg6[%dma_wait3A_263, %dma_wait3A_264, %dma_wait3A_265] : memref<4x2x128xi32, #tpu.memory_space<vmem>> -> memref<1x2x128xi32, #tpu.memory_space<vmem>>
        %dma_wait3A_267 = tpu.memref_squeeze %dma_wait3A_266 : memref<1x2x128xi32, #tpu.memory_space<vmem>> -> memref<2x128xi32, #tpu.memory_space<vmem>>
        %dma_wait3A_268 = arith.constant 0 : i32
        %dma_wait3A_269 = arith.constant 0 : i32
        %dma_wait3A_270 = tpu.memref_slice %arg3[%add3A_262, %dma_wait3A_268, %dma_wait3A_269] : memref<2560x2x128xi32, #tpu.memory_space<hbm>> -> memref<1x2x128xi32, #tpu.memory_space<hbm>>
        %dma_wait3A_271 = tpu.memref_squeeze %dma_wait3A_270 : memref<1x2x128xi32, #tpu.memory_space<hbm>> -> memref<2x128xi32, #tpu.memory_space<hbm>>
        %dma_wait3A_272 = arith.constant 0 : i32
        %dma_wait3A_273 = arith.constant 0 : i32
        %dma_wait3A_274 = tpu.memref_slice %arg6[%dma_wait3A_263, %dma_wait3A_272, %dma_wait3A_273] : memref<4x2x128xi32, #tpu.memory_space<vmem>> -> memref<1x2x128xi32, #tpu.memory_space<vmem>>
        %dma_wait3A_275 = tpu.memref_squeeze %dma_wait3A_274 : memref<1x2x128xi32, #tpu.memory_space<vmem>> -> memref<2x128xi32, #tpu.memory_space<vmem>>
        %dma_wait3A_276 = arith.constant 0 : i32
        %dma_wait3A_277 = arith.constant 0 : i32
        %dma_wait3A_278 = tpu.memref_slice %arg3[%add3A_262, %dma_wait3A_276, %dma_wait3A_277] : memref<2560x2x128xi32, #tpu.memory_space<hbm>> -> memref<1x2x128xi32, #tpu.memory_space<hbm>>
        %dma_wait3A_279 = tpu.memref_squeeze %dma_wait3A_278 : memref<1x2x128xi32, #tpu.memory_space<hbm>> -> memref<2x128xi32, #tpu.memory_space<hbm>>
        tpu.wait_dma2 semaphore(%arg10 : memref<!tpu.dma_semaphore, #tpu.memory_space<semaphore_mem>>) src(%dma_wait3A_279 : memref<2x128xi32, #tpu.memory_space<hbm>>) dst(%dma_wait3A_275 : memref<2x128xi32, #tpu.memory_space<vmem>>)
        %dma_start3A_280 = arith.constant 1 : i32
        %dma_start3A_281 = arith.constant 0 : i32
        %dma_start3A_282 = arith.constant 1 : i32
        %dma_start3A_283 = arith.constant 0 : i32
        %dma_start3A_284 = arith.constant 0 : i32
        %dma_start3A_285 = tpu.memref_slice %arg7[%dma_start3A_282, %dma_start3A_283, %dma_start3A_284] : memref<2x128x128xf32, #tpu.memory_space<vmem>> -> memref<1x128x128xf32, #tpu.memory_space<vmem>>
        %dma_start3A_286 = tpu.memref_squeeze %dma_start3A_285 : memref<1x128x128xf32, #tpu.memory_space<vmem>> -> memref<128x128xf32, #tpu.memory_space<vmem>>
        %dma_start3A_287 = arith.constant 0 : i32
        %dma_start3A_288 = tpu.memref_slice %arg6[%dma_start3A_280, %dma_start3A_281, %dma_start3A_287] : memref<4x2x128xi32, #tpu.memory_space<vmem>> -> memref<1x1x128xi32, #tpu.memory_space<vmem>>
        %dma_start3A_289 = tpu.memref_squeeze %dma_start3A_288 : memref<1x1x128xi32, #tpu.memory_space<vmem>> -> memref<128xi32, #tpu.memory_space<vmem>>
        %dma_start3A_290 = arith.constant 0 : i32
        %dma_start3A_291 = arith.constant 0 : i32
        %dma_start3A_292 = tpu.memref_slice %arg2[%dma_start3A_290, %dma_start3A_291] : memref<10240x128xf32, #tpu.memory_space<hbm>> -> memref<10240x128xf32, #tpu.memory_space<hbm>>
        tpu.enqueue_indirect_dma source(%dma_start3A_292 : memref<10240x128xf32, #tpu.memory_space<hbm>>) target(%dma_start3A_286 : memref<128x128xf32, #tpu.memory_space<vmem>>) offsets(%dma_start3A_289 : memref<128xi32, #tpu.memory_space<vmem>>) semaphore(%arg14 : memref<!tpu.dma_semaphore, #tpu.memory_space<semaphore_mem>>)
      } else {
      }
      %dma_wait3A_148 = arith.constant 0 : i32
      %dma_wait3A_149 = arith.constant 0 : i32
      %dma_wait3A_150 = arith.constant 0 : i32
      %dma_wait3A_151 = arith.constant 0 : i32
      %dma_wait3A_152 = arith.constant 0 : i32
      %dma_wait3A_153 = tpu.memref_slice %arg7[%dma_wait3A_150, %dma_wait3A_151, %dma_wait3A_152] : memref<2x128x128xf32, #tpu.memory_space<vmem>> -> memref<1x128x128xf32, #tpu.memory_space<vmem>>
      %dma_wait3A_154 = tpu.memref_squeeze %dma_wait3A_153 : memref<1x128x128xf32, #tpu.memory_space<vmem>> -> memref<128x128xf32, #tpu.memory_space<vmem>>
      %dma_wait3A_155 = arith.constant 0 : i32
      %dma_wait3A_156 = tpu.memref_slice %arg6[%dma_wait3A_148, %dma_wait3A_149, %dma_wait3A_155] : memref<4x2x128xi32, #tpu.memory_space<vmem>> -> memref<1x1x128xi32, #tpu.memory_space<vmem>>
      %dma_wait3A_157 = tpu.memref_squeeze %dma_wait3A_156 : memref<1x1x128xi32, #tpu.memory_space<vmem>> -> memref<128xi32, #tpu.memory_space<vmem>>
      %dma_wait3A_158 = arith.constant 0 : i32
      %dma_wait3A_159 = arith.constant 0 : i32
      %dma_wait3A_160 = tpu.memref_slice %arg2[%dma_wait3A_158, %dma_wait3A_159] : memref<10240x128xf32, #tpu.memory_space<hbm>> -> memref<10240x128xf32, #tpu.memory_space<hbm>>
      tpu.wait_indirect_dma semaphore(%arg13 : memref<!tpu.dma_semaphore, #tpu.memory_space<semaphore_mem>>) src(%dma_wait3A_160 : memref<10240x128xf32, #tpu.memory_space<hbm>>) dst(%dma_wait3A_154 : memref<128x128xf32, #tpu.memory_space<vmem>>)
      %run_scoped3A_161 = arith.constant 0 : i32
      %run_scoped3A_162 = arith.constant 0 : i32
      %run_scoped3A_163 = arith.constant 1 : i32
      "tpu.region"() ({
        %run_scoped3A_260 = tpu.sem_alloc : memref<!tpu.dma_semaphore, #tpu.memory_space<semaphore_mem>>
        %dma_start3A_261 = arith.constant 0 : i32
        %dma_start3A_262 = arith.constant 0 : i32
        %dma_start3A_263 = tpu.memref_slice %arg7[%run_scoped3A_161, %dma_start3A_261, %dma_start3A_262] : memref<2x128x128xf32, #tpu.memory_space<vmem>> -> memref<1x128x128xf32, #tpu.memory_space<vmem>>
        %dma_start3A_264 = tpu.memref_squeeze %dma_start3A_263 : memref<1x128x128xf32, #tpu.memory_space<vmem>> -> memref<128x128xf32, #tpu.memory_space<vmem>>
        %dma_start3A_265 = arith.constant 0 : i32
        %dma_start3A_266 = tpu.memref_slice %arg6[%run_scoped3A_162, %run_scoped3A_163, %dma_start3A_265] : memref<4x2x128xi32, #tpu.memory_space<vmem>> -> memref<1x1x128xi32, #tpu.memory_space<vmem>>
        %dma_start3A_267 = tpu.memref_squeeze %dma_start3A_266 : memref<1x1x128xi32, #tpu.memory_space<vmem>> -> memref<128xi32, #tpu.memory_space<vmem>>
        %dma_start3A_268 = arith.constant 0 : i32
        %dma_start3A_269 = arith.constant 0 : i32
        %dma_start3A_270 = tpu.memref_slice %arg8[%dma_start3A_268, %dma_start3A_269] : memref<10240x128xf32, #tpu.memory_space<vmem_shared>> -> memref<10240x128xf32, #tpu.memory_space<vmem_shared>>
        tpu.enqueue_indirect_dma source(%dma_start3A_264 : memref<128x128xf32, #tpu.memory_space<vmem>>) target(%dma_start3A_270 : memref<10240x128xf32, #tpu.memory_space<vmem_shared>>) offsets(%dma_start3A_267 : memref<128xi32, #tpu.memory_space<vmem>>) semaphore(%run_scoped3A_260 : memref<!tpu.dma_semaphore, #tpu.memory_space<semaphore_mem>>) {add = true}
        %dma_wait3A_271 = arith.constant 0 : i32
        %dma_wait3A_272 = arith.constant 0 : i32
        %dma_wait3A_273 = tpu.memref_slice %arg7[%run_scoped3A_161, %dma_wait3A_271, %dma_wait3A_272] : memref<2x128x128xf32, #tpu.memory_space<vmem>> -> memref<1x128x128xf32, #tpu.memory_space<vmem>>
        %dma_wait3A_274 = tpu.memref_squeeze %dma_wait3A_273 : memref<1x128x128xf32, #tpu.memory_space<vmem>> -> memref<128x128xf32, #tpu.memory_space<vmem>>
        %dma_wait3A_275 = arith.constant 0 : i32
        %dma_wait3A_276 = tpu.memref_slice %arg6[%run_scoped3A_162, %run_scoped3A_163, %dma_wait3A_275] : memref<4x2x128xi32, #tpu.memory_space<vmem>> -> memref<1x1x128xi32, #tpu.memory_space<vmem>>
        %dma_wait3A_277 = tpu.memref_squeeze %dma_wait3A_276 : memref<1x1x128xi32, #tpu.memory_space<vmem>> -> memref<128xi32, #tpu.memory_space<vmem>>
        %dma_wait3A_278 = arith.constant 0 : i32
        %dma_wait3A_279 = arith.constant 0 : i32
        %dma_wait3A_280 = tpu.memref_slice %arg8[%dma_wait3A_278, %dma_wait3A_279] : memref<10240x128xf32, #tpu.memory_space<vmem_shared>> -> memref<10240x128xf32, #tpu.memory_space<vmem_shared>>
        tpu.wait_indirect_dma semaphore(%run_scoped3A_260 : memref<!tpu.dma_semaphore, #tpu.memory_space<semaphore_mem>>) src(%dma_wait3A_274 : memref<128x128xf32, #tpu.memory_space<vmem>>) dst(%dma_wait3A_280 : memref<10240x128xf32, #tpu.memory_space<vmem_shared>>)
        tpu.yield
      }) : () -> ()
      %mul3A_164 = arith.constant 4 : i32
      %mul3A_165 = arith.muli %while3A_134, %mul3A_164 : i32
      %add3A_166 = arith.constant 1 : i32
      %add3A_167 = arith.addi %mul3A_165, %add3A_166 : i32
      %add3A_168 = arith.constant 3 : i32
      %add3A_169 = arith.addi %add3A_167, %add3A_168 : i32
      %lt3A_170 = arith.cmpi slt, %add3A_169, %select_n3A_7 : i32
      %convert_element_type3A_171 = arith.extui %lt3A_170 : i1 to i32
      %cond3A_172 = arith.constant 0 : i32
      %cond3A_173 = arith.cmpi ne, %convert_element_type3A_171, %cond3A_172 : i32
      scf.if %cond3A_173 {
        %add3A_260 = arith.constant 3 : i32
        %add3A_261 = arith.addi %add3A_167, %add3A_260 : i32
        %add3A_262 = arith.addi %add3A, %add3A_261 : i32
        %dma_start3A_263 = arith.constant 0 : i32
        %dma_start3A_264 = arith.constant 0 : i32
        %dma_start3A_265 = arith.constant 0 : i32
        %dma_start3A_266 = tpu.memref_slice %arg6[%dma_start3A_263, %dma_start3A_264, %dma_start3A_265] : memref<4x2x128xi32, #tpu.memory_space<vmem>> -> memref<1x2x128xi32, #tpu.memory_space<vmem>>
        %dma_start3A_267 = tpu.memref_squeeze %dma_start3A_266 : memref<1x2x128xi32, #tpu.memory_space<vmem>> -> memref<2x128xi32, #tpu.memory_space<vmem>>
        %dma_start3A_268 = arith.constant 0 : i32
        %dma_start3A_269 = arith.constant 0 : i32
        %dma_start3A_270 = tpu.memref_slice %arg3[%add3A_262, %dma_start3A_268, %dma_start3A_269] : memref<2560x2x128xi32, #tpu.memory_space<hbm>> -> memref<1x2x128xi32, #tpu.memory_space<hbm>>
        %dma_start3A_271 = tpu.memref_squeeze %dma_start3A_270 : memref<1x2x128xi32, #tpu.memory_space<hbm>> -> memref<2x128xi32, #tpu.memory_space<hbm>>
        %dma_start3A_272 = arith.constant 0 : i32
        %dma_start3A_273 = arith.constant 0 : i32
        %dma_start3A_274 = tpu.memref_slice %arg6[%dma_start3A_263, %dma_start3A_272, %dma_start3A_273] : memref<4x2x128xi32, #tpu.memory_space<vmem>> -> memref<1x2x128xi32, #tpu.memory_space<vmem>>
        %dma_start3A_275 = tpu.memref_squeeze %dma_start3A_274 : memref<1x2x128xi32, #tpu.memory_space<vmem>> -> memref<2x128xi32, #tpu.memory_space<vmem>>
        %dma_start3A_276 = arith.constant 0 : i32
        %dma_start3A_277 = arith.constant 0 : i32
        %dma_start3A_278 = tpu.memref_slice %arg3[%add3A_262, %dma_start3A_276, %dma_start3A_277] : memref<2560x2x128xi32, #tpu.memory_space<hbm>> -> memref<1x2x128xi32, #tpu.memory_space<hbm>>
        %dma_start3A_279 = tpu.memref_squeeze %dma_start3A_278 : memref<1x2x128xi32, #tpu.memory_space<hbm>> -> memref<2x128xi32, #tpu.memory_space<hbm>>
        tpu.enqueue_dma source(%dma_start3A_279 : memref<2x128xi32, #tpu.memory_space<hbm>>) target(%dma_start3A_275 : memref<2x128xi32, #tpu.memory_space<vmem>>) target_semaphore(%arg9 : memref<!tpu.dma_semaphore, #tpu.memory_space<semaphore_mem>>)
      } else {
      }
      %add3A_174 = arith.constant 1 : i32
      %add3A_175 = arith.addi %add3A_167, %add3A_174 : i32
      %lt3A_176 = arith.cmpi slt, %add3A_175, %select_n3A_7 : i32
      %convert_element_type3A_177 = arith.extui %lt3A_176 : i1 to i32
      %cond3A_178 = arith.constant 0 : i32
      %cond3A_179 = arith.cmpi ne, %convert_element_type3A_177, %cond3A_178 : i32
      scf.if %cond3A_179 {
        %add3A_260 = arith.constant 1 : i32
        %add3A_261 = arith.addi %add3A_167, %add3A_260 : i32
        %add3A_262 = arith.addi %add3A, %add3A_261 : i32
        %dma_wait3A_263 = arith.constant 2 : i32
        %dma_wait3A_264 = arith.constant 0 : i32
        %dma_wait3A_265 = arith.constant 0 : i32
        %dma_wait3A_266 = tpu.memref_slice %arg6[%dma_wait3A_263, %dma_wait3A_264, %dma_wait3A_265] : memref<4x2x128xi32, #tpu.memory_space<vmem>> -> memref<1x2x128xi32, #tpu.memory_space<vmem>>
        %dma_wait3A_267 = tpu.memref_squeeze %dma_wait3A_266 : memref<1x2x128xi32, #tpu.memory_space<vmem>> -> memref<2x128xi32, #tpu.memory_space<vmem>>
        %dma_wait3A_268 = arith.constant 0 : i32
        %dma_wait3A_269 = arith.constant 0 : i32
        %dma_wait3A_270 = tpu.memref_slice %arg3[%add3A_262, %dma_wait3A_268, %dma_wait3A_269] : memref<2560x2x128xi32, #tpu.memory_space<hbm>> -> memref<1x2x128xi32, #tpu.memory_space<hbm>>
        %dma_wait3A_271 = tpu.memref_squeeze %dma_wait3A_270 : memref<1x2x128xi32, #tpu.memory_space<hbm>> -> memref<2x128xi32, #tpu.memory_space<hbm>>
        %dma_wait3A_272 = arith.constant 0 : i32
        %dma_wait3A_273 = arith.constant 0 : i32
        %dma_wait3A_274 = tpu.memref_slice %arg6[%dma_wait3A_263, %dma_wait3A_272, %dma_wait3A_273] : memref<4x2x128xi32, #tpu.memory_space<vmem>> -> memref<1x2x128xi32, #tpu.memory_space<vmem>>
        %dma_wait3A_275 = tpu.memref_squeeze %dma_wait3A_274 : memref<1x2x128xi32, #tpu.memory_space<vmem>> -> memref<2x128xi32, #tpu.memory_space<vmem>>
        %dma_wait3A_276 = arith.constant 0 : i32
        %dma_wait3A_277 = arith.constant 0 : i32
        %dma_wait3A_278 = tpu.memref_slice %arg3[%add3A_262, %dma_wait3A_276, %dma_wait3A_277] : memref<2560x2x128xi32, #tpu.memory_space<hbm>> -> memref<1x2x128xi32, #tpu.memory_space<hbm>>
        %dma_wait3A_279 = tpu.memref_squeeze %dma_wait3A_278 : memref<1x2x128xi32, #tpu.memory_space<hbm>> -> memref<2x128xi32, #tpu.memory_space<hbm>>
        tpu.wait_dma2 semaphore(%arg11 : memref<!tpu.dma_semaphore, #tpu.memory_space<semaphore_mem>>) src(%dma_wait3A_279 : memref<2x128xi32, #tpu.memory_space<hbm>>) dst(%dma_wait3A_275 : memref<2x128xi32, #tpu.memory_space<vmem>>)
        %dma_start3A_280 = arith.constant 2 : i32
        %dma_start3A_281 = arith.constant 0 : i32
        %dma_start3A_282 = arith.constant 0 : i32
        %dma_start3A_283 = arith.constant 0 : i32
        %dma_start3A_284 = arith.constant 0 : i32
        %dma_start3A_285 = tpu.memref_slice %arg7[%dma_start3A_282, %dma_start3A_283, %dma_start3A_284] : memref<2x128x128xf32, #tpu.memory_space<vmem>> -> memref<1x128x128xf32, #tpu.memory_space<vmem>>
        %dma_start3A_286 = tpu.memref_squeeze %dma_start3A_285 : memref<1x128x128xf32, #tpu.memory_space<vmem>> -> memref<128x128xf32, #tpu.memory_space<vmem>>
        %dma_start3A_287 = arith.constant 0 : i32
        %dma_start3A_288 = tpu.memref_slice %arg6[%dma_start3A_280, %dma_start3A_281, %dma_start3A_287] : memref<4x2x128xi32, #tpu.memory_space<vmem>> -> memref<1x1x128xi32, #tpu.memory_space<vmem>>
        %dma_start3A_289 = tpu.memref_squeeze %dma_start3A_288 : memref<1x1x128xi32, #tpu.memory_space<vmem>> -> memref<128xi32, #tpu.memory_space<vmem>>
        %dma_start3A_290 = arith.constant 0 : i32
        %dma_start3A_291 = arith.constant 0 : i32
        %dma_start3A_292 = tpu.memref_slice %arg2[%dma_start3A_290, %dma_start3A_291] : memref<10240x128xf32, #tpu.memory_space<hbm>> -> memref<10240x128xf32, #tpu.memory_space<hbm>>
        tpu.enqueue_indirect_dma source(%dma_start3A_292 : memref<10240x128xf32, #tpu.memory_space<hbm>>) target(%dma_start3A_286 : memref<128x128xf32, #tpu.memory_space<vmem>>) offsets(%dma_start3A_289 : memref<128xi32, #tpu.memory_space<vmem>>) semaphore(%arg13 : memref<!tpu.dma_semaphore, #tpu.memory_space<semaphore_mem>>)
      } else {
      }
      %dma_wait3A_180 = arith.constant 1 : i32
      %dma_wait3A_181 = arith.constant 0 : i32
      %dma_wait3A_182 = arith.constant 1 : i32
      %dma_wait3A_183 = arith.constant 0 : i32
      %dma_wait3A_184 = arith.constant 0 : i32
      %dma_wait3A_185 = tpu.memref_slice %arg7[%dma_wait3A_182, %dma_wait3A_183, %dma_wait3A_184] : memref<2x128x128xf32, #tpu.memory_space<vmem>> -> memref<1x128x128xf32, #tpu.memory_space<vmem>>
      %dma_wait3A_186 = tpu.memref_squeeze %dma_wait3A_185 : memref<1x128x128xf32, #tpu.memory_space<vmem>> -> memref<128x128xf32, #tpu.memory_space<vmem>>
      %dma_wait3A_187 = arith.constant 0 : i32
      %dma_wait3A_188 = tpu.memref_slice %arg6[%dma_wait3A_180, %dma_wait3A_181, %dma_wait3A_187] : memref<4x2x128xi32, #tpu.memory_space<vmem>> -> memref<1x1x128xi32, #tpu.memory_space<vmem>>
      %dma_wait3A_189 = tpu.memref_squeeze %dma_wait3A_188 : memref<1x1x128xi32, #tpu.memory_space<vmem>> -> memref<128xi32, #tpu.memory_space<vmem>>
      %dma_wait3A_190 = arith.constant 0 : i32
      %dma_wait3A_191 = arith.constant 0 : i32
      %dma_wait3A_192 = tpu.memref_slice %arg2[%dma_wait3A_190, %dma_wait3A_191] : memref<10240x128xf32, #tpu.memory_space<hbm>> -> memref<10240x128xf32, #tpu.memory_space<hbm>>
      tpu.wait_indirect_dma semaphore(%arg14 : memref<!tpu.dma_semaphore, #tpu.memory_space<semaphore_mem>>) src(%dma_wait3A_192 : memref<10240x128xf32, #tpu.memory_space<hbm>>) dst(%dma_wait3A_186 : memref<128x128xf32, #tpu.memory_space<vmem>>)
      %run_scoped3A_193 = arith.constant 1 : i32
      %run_scoped3A_194 = arith.constant 1 : i32
      %run_scoped3A_195 = arith.constant 1 : i32
      "tpu.region"() ({
        %run_scoped3A_260 = tpu.sem_alloc : memref<!tpu.dma_semaphore, #tpu.memory_space<semaphore_mem>>
        %dma_start3A_261 = arith.constant 0 : i32
        %dma_start3A_262 = arith.constant 0 : i32
        %dma_start3A_263 = tpu.memref_slice %arg7[%run_scoped3A_193, %dma_start3A_261, %dma_start3A_262] : memref<2x128x128xf32, #tpu.memory_space<vmem>> -> memref<1x128x128xf32, #tpu.memory_space<vmem>>
        %dma_start3A_264 = tpu.memref_squeeze %dma_start3A_263 : memref<1x128x128xf32, #tpu.memory_space<vmem>> -> memref<128x128xf32, #tpu.memory_space<vmem>>
        %dma_start3A_265 = arith.constant 0 : i32
        %dma_start3A_266 = tpu.memref_slice %arg6[%run_scoped3A_194, %run_scoped3A_195, %dma_start3A_265] : memref<4x2x128xi32, #tpu.memory_space<vmem>> -> memref<1x1x128xi32, #tpu.memory_space<vmem>>
        %dma_start3A_267 = tpu.memref_squeeze %dma_start3A_266 : memref<1x1x128xi32, #tpu.memory_space<vmem>> -> memref<128xi32, #tpu.memory_space<vmem>>
        %dma_start3A_268 = arith.constant 0 : i32
        %dma_start3A_269 = arith.constant 0 : i32
        %dma_start3A_270 = tpu.memref_slice %arg8[%dma_start3A_268, %dma_start3A_269] : memref<10240x128xf32, #tpu.memory_space<vmem_shared>> -> memref<10240x128xf32, #tpu.memory_space<vmem_shared>>
        tpu.enqueue_indirect_dma source(%dma_start3A_264 : memref<128x128xf32, #tpu.memory_space<vmem>>) target(%dma_start3A_270 : memref<10240x128xf32, #tpu.memory_space<vmem_shared>>) offsets(%dma_start3A_267 : memref<128xi32, #tpu.memory_space<vmem>>) semaphore(%run_scoped3A_260 : memref<!tpu.dma_semaphore, #tpu.memory_space<semaphore_mem>>) {add = true}
        %dma_wait3A_271 = arith.constant 0 : i32
        %dma_wait3A_272 = arith.constant 0 : i32
        %dma_wait3A_273 = tpu.memref_slice %arg7[%run_scoped3A_193, %dma_wait3A_271, %dma_wait3A_272] : memref<2x128x128xf32, #tpu.memory_space<vmem>> -> memref<1x128x128xf32, #tpu.memory_space<vmem>>
        %dma_wait3A_274 = tpu.memref_squeeze %dma_wait3A_273 : memref<1x128x128xf32, #tpu.memory_space<vmem>> -> memref<128x128xf32, #tpu.memory_space<vmem>>
        %dma_wait3A_275 = arith.constant 0 : i32
        %dma_wait3A_276 = tpu.memref_slice %arg6[%run_scoped3A_194, %run_scoped3A_195, %dma_wait3A_275] : memref<4x2x128xi32, #tpu.memory_space<vmem>> -> memref<1x1x128xi32, #tpu.memory_space<vmem>>
        %dma_wait3A_277 = tpu.memref_squeeze %dma_wait3A_276 : memref<1x1x128xi32, #tpu.memory_space<vmem>> -> memref<128xi32, #tpu.memory_space<vmem>>
        %dma_wait3A_278 = arith.constant 0 : i32
        %dma_wait3A_279 = arith.constant 0 : i32
        %dma_wait3A_280 = tpu.memref_slice %arg8[%dma_wait3A_278, %dma_wait3A_279] : memref<10240x128xf32, #tpu.memory_space<vmem_shared>> -> memref<10240x128xf32, #tpu.memory_space<vmem_shared>>
        tpu.wait_indirect_dma semaphore(%run_scoped3A_260 : memref<!tpu.dma_semaphore, #tpu.memory_space<semaphore_mem>>) src(%dma_wait3A_274 : memref<128x128xf32, #tpu.memory_space<vmem>>) dst(%dma_wait3A_280 : memref<10240x128xf32, #tpu.memory_space<vmem_shared>>)
        tpu.yield
      }) : () -> ()
      %mul3A_196 = arith.constant 4 : i32
      %mul3A_197 = arith.muli %while3A_134, %mul3A_196 : i32
      %add3A_198 = arith.constant 2 : i32
      %add3A_199 = arith.addi %mul3A_197, %add3A_198 : i32
      %add3A_200 = arith.constant 3 : i32
      %add3A_201 = arith.addi %add3A_199, %add3A_200 : i32
      %lt3A_202 = arith.cmpi slt, %add3A_201, %select_n3A_7 : i32
      %convert_element_type3A_203 = arith.extui %lt3A_202 : i1 to i32
      %cond3A_204 = arith.constant 0 : i32
      %cond3A_205 = arith.cmpi ne, %convert_element_type3A_203, %cond3A_204 : i32
      scf.if %cond3A_205 {
        %add3A_260 = arith.constant 3 : i32
        %add3A_261 = arith.addi %add3A_199, %add3A_260 : i32
        %add3A_262 = arith.addi %add3A, %add3A_261 : i32
        %dma_start3A_263 = arith.constant 1 : i32
        %dma_start3A_264 = arith.constant 0 : i32
        %dma_start3A_265 = arith.constant 0 : i32
        %dma_start3A_266 = tpu.memref_slice %arg6[%dma_start3A_263, %dma_start3A_264, %dma_start3A_265] : memref<4x2x128xi32, #tpu.memory_space<vmem>> -> memref<1x2x128xi32, #tpu.memory_space<vmem>>
        %dma_start3A_267 = tpu.memref_squeeze %dma_start3A_266 : memref<1x2x128xi32, #tpu.memory_space<vmem>> -> memref<2x128xi32, #tpu.memory_space<vmem>>
        %dma_start3A_268 = arith.constant 0 : i32
        %dma_start3A_269 = arith.constant 0 : i32
        %dma_start3A_270 = tpu.memref_slice %arg3[%add3A_262, %dma_start3A_268, %dma_start3A_269] : memref<2560x2x128xi32, #tpu.memory_space<hbm>> -> memref<1x2x128xi32, #tpu.memory_space<hbm>>
        %dma_start3A_271 = tpu.memref_squeeze %dma_start3A_270 : memref<1x2x128xi32, #tpu.memory_space<hbm>> -> memref<2x128xi32, #tpu.memory_space<hbm>>
        %dma_start3A_272 = arith.constant 0 : i32
        %dma_start3A_273 = arith.constant 0 : i32
        %dma_start3A_274 = tpu.memref_slice %arg6[%dma_start3A_263, %dma_start3A_272, %dma_start3A_273] : memref<4x2x128xi32, #tpu.memory_space<vmem>> -> memref<1x2x128xi32, #tpu.memory_space<vmem>>
        %dma_start3A_275 = tpu.memref_squeeze %dma_start3A_274 : memref<1x2x128xi32, #tpu.memory_space<vmem>> -> memref<2x128xi32, #tpu.memory_space<vmem>>
        %dma_start3A_276 = arith.constant 0 : i32
        %dma_start3A_277 = arith.constant 0 : i32
        %dma_start3A_278 = tpu.memref_slice %arg3[%add3A_262, %dma_start3A_276, %dma_start3A_277] : memref<2560x2x128xi32, #tpu.memory_space<hbm>> -> memref<1x2x128xi32, #tpu.memory_space<hbm>>
        %dma_start3A_279 = tpu.memref_squeeze %dma_start3A_278 : memref<1x2x128xi32, #tpu.memory_space<hbm>> -> memref<2x128xi32, #tpu.memory_space<hbm>>
        tpu.enqueue_dma source(%dma_start3A_279 : memref<2x128xi32, #tpu.memory_space<hbm>>) target(%dma_start3A_275 : memref<2x128xi32, #tpu.memory_space<vmem>>) target_semaphore(%arg10 : memref<!tpu.dma_semaphore, #tpu.memory_space<semaphore_mem>>)
      } else {
      }
      %add3A_206 = arith.constant 1 : i32
      %add3A_207 = arith.addi %add3A_199, %add3A_206 : i32
      %lt3A_208 = arith.cmpi slt, %add3A_207, %select_n3A_7 : i32
      %convert_element_type3A_209 = arith.extui %lt3A_208 : i1 to i32
      %cond3A_210 = arith.constant 0 : i32
      %cond3A_211 = arith.cmpi ne, %convert_element_type3A_209, %cond3A_210 : i32
      scf.if %cond3A_211 {
        %add3A_260 = arith.constant 1 : i32
        %add3A_261 = arith.addi %add3A_199, %add3A_260 : i32
        %add3A_262 = arith.addi %add3A, %add3A_261 : i32
        %dma_wait3A_263 = arith.constant 3 : i32
        %dma_wait3A_264 = arith.constant 0 : i32
        %dma_wait3A_265 = arith.constant 0 : i32
        %dma_wait3A_266 = tpu.memref_slice %arg6[%dma_wait3A_263, %dma_wait3A_264, %dma_wait3A_265] : memref<4x2x128xi32, #tpu.memory_space<vmem>> -> memref<1x2x128xi32, #tpu.memory_space<vmem>>
        %dma_wait3A_267 = tpu.memref_squeeze %dma_wait3A_266 : memref<1x2x128xi32, #tpu.memory_space<vmem>> -> memref<2x128xi32, #tpu.memory_space<vmem>>
        %dma_wait3A_268 = arith.constant 0 : i32
        %dma_wait3A_269 = arith.constant 0 : i32
        %dma_wait3A_270 = tpu.memref_slice %arg3[%add3A_262, %dma_wait3A_268, %dma_wait3A_269] : memref<2560x2x128xi32, #tpu.memory_space<hbm>> -> memref<1x2x128xi32, #tpu.memory_space<hbm>>
        %dma_wait3A_271 = tpu.memref_squeeze %dma_wait3A_270 : memref<1x2x128xi32, #tpu.memory_space<hbm>> -> memref<2x128xi32, #tpu.memory_space<hbm>>
        %dma_wait3A_272 = arith.constant 0 : i32
        %dma_wait3A_273 = arith.constant 0 : i32
        %dma_wait3A_274 = tpu.memref_slice %arg6[%dma_wait3A_263, %dma_wait3A_272, %dma_wait3A_273] : memref<4x2x128xi32, #tpu.memory_space<vmem>> -> memref<1x2x128xi32, #tpu.memory_space<vmem>>
        %dma_wait3A_275 = tpu.memref_squeeze %dma_wait3A_274 : memref<1x2x128xi32, #tpu.memory_space<vmem>> -> memref<2x128xi32, #tpu.memory_space<vmem>>
        %dma_wait3A_276 = arith.constant 0 : i32
        %dma_wait3A_277 = arith.constant 0 : i32
        %dma_wait3A_278 = tpu.memref_slice %arg3[%add3A_262, %dma_wait3A_276, %dma_wait3A_277] : memref<2560x2x128xi32, #tpu.memory_space<hbm>> -> memref<1x2x128xi32, #tpu.memory_space<hbm>>
        %dma_wait3A_279 = tpu.memref_squeeze %dma_wait3A_278 : memref<1x2x128xi32, #tpu.memory_space<hbm>> -> memref<2x128xi32, #tpu.memory_space<hbm>>
        tpu.wait_dma2 semaphore(%arg12 : memref<!tpu.dma_semaphore, #tpu.memory_space<semaphore_mem>>) src(%dma_wait3A_279 : memref<2x128xi32, #tpu.memory_space<hbm>>) dst(%dma_wait3A_275 : memref<2x128xi32, #tpu.memory_space<vmem>>)
        %dma_start3A_280 = arith.constant 3 : i32
        %dma_start3A_281 = arith.constant 0 : i32
        %dma_start3A_282 = arith.constant 1 : i32
        %dma_start3A_283 = arith.constant 0 : i32
        %dma_start3A_284 = arith.constant 0 : i32
        %dma_start3A_285 = tpu.memref_slice %arg7[%dma_start3A_282, %dma_start3A_283, %dma_start3A_284] : memref<2x128x128xf32, #tpu.memory_space<vmem>> -> memref<1x128x128xf32, #tpu.memory_space<vmem>>
        %dma_start3A_286 = tpu.memref_squeeze %dma_start3A_285 : memref<1x128x128xf32, #tpu.memory_space<vmem>> -> memref<128x128xf32, #tpu.memory_space<vmem>>
        %dma_start3A_287 = arith.constant 0 : i32
        %dma_start3A_288 = tpu.memref_slice %arg6[%dma_start3A_280, %dma_start3A_281, %dma_start3A_287] : memref<4x2x128xi32, #tpu.memory_space<vmem>> -> memref<1x1x128xi32, #tpu.memory_space<vmem>>
        %dma_start3A_289 = tpu.memref_squeeze %dma_start3A_288 : memref<1x1x128xi32, #tpu.memory_space<vmem>> -> memref<128xi32, #tpu.memory_space<vmem>>
        %dma_start3A_290 = arith.constant 0 : i32
        %dma_start3A_291 = arith.constant 0 : i32
        %dma_start3A_292 = tpu.memref_slice %arg2[%dma_start3A_290, %dma_start3A_291] : memref<10240x128xf32, #tpu.memory_space<hbm>> -> memref<10240x128xf32, #tpu.memory_space<hbm>>
        tpu.enqueue_indirect_dma source(%dma_start3A_292 : memref<10240x128xf32, #tpu.memory_space<hbm>>) target(%dma_start3A_286 : memref<128x128xf32, #tpu.memory_space<vmem>>) offsets(%dma_start3A_289 : memref<128xi32, #tpu.memory_space<vmem>>) semaphore(%arg14 : memref<!tpu.dma_semaphore, #tpu.memory_space<semaphore_mem>>)
      } else {
      }
      %dma_wait3A_212 = arith.constant 2 : i32
      %dma_wait3A_213 = arith.constant 0 : i32
      %dma_wait3A_214 = arith.constant 0 : i32
      %dma_wait3A_215 = arith.constant 0 : i32
      %dma_wait3A_216 = arith.constant 0 : i32
      %dma_wait3A_217 = tpu.memref_slice %arg7[%dma_wait3A_214, %dma_wait3A_215, %dma_wait3A_216] : memref<2x128x128xf32, #tpu.memory_space<vmem>> -> memref<1x128x128xf32, #tpu.memory_space<vmem>>
      %dma_wait3A_218 = tpu.memref_squeeze %dma_wait3A_217 : memref<1x128x128xf32, #tpu.memory_space<vmem>> -> memref<128x128xf32, #tpu.memory_space<vmem>>
      %dma_wait3A_219 = arith.constant 0 : i32
      %dma_wait3A_220 = tpu.memref_slice %arg6[%dma_wait3A_212, %dma_wait3A_213, %dma_wait3A_219] : memref<4x2x128xi32, #tpu.memory_space<vmem>> -> memref<1x1x128xi32, #tpu.memory_space<vmem>>
      %dma_wait3A_221 = tpu.memref_squeeze %dma_wait3A_220 : memref<1x1x128xi32, #tpu.memory_space<vmem>> -> memref<128xi32, #tpu.memory_space<vmem>>
      %dma_wait3A_222 = arith.constant 0 : i32
      %dma_wait3A_223 = arith.constant 0 : i32
      %dma_wait3A_224 = tpu.memref_slice %arg2[%dma_wait3A_222, %dma_wait3A_223] : memref<10240x128xf32, #tpu.memory_space<hbm>> -> memref<10240x128xf32, #tpu.memory_space<hbm>>
      tpu.wait_indirect_dma semaphore(%arg13 : memref<!tpu.dma_semaphore, #tpu.memory_space<semaphore_mem>>) src(%dma_wait3A_224 : memref<10240x128xf32, #tpu.memory_space<hbm>>) dst(%dma_wait3A_218 : memref<128x128xf32, #tpu.memory_space<vmem>>)
      %run_scoped3A_225 = arith.constant 0 : i32
      %run_scoped3A_226 = arith.constant 2 : i32
      %run_scoped3A_227 = arith.constant 1 : i32
      "tpu.region"() ({
        %run_scoped3A_260 = tpu.sem_alloc : memref<!tpu.dma_semaphore, #tpu.memory_space<semaphore_mem>>
        %dma_start3A_261 = arith.constant 0 : i32
        %dma_start3A_262 = arith.constant 0 : i32
        %dma_start3A_263 = tpu.memref_slice %arg7[%run_scoped3A_225, %dma_start3A_261, %dma_start3A_262] : memref<2x128x128xf32, #tpu.memory_space<vmem>> -> memref<1x128x128xf32, #tpu.memory_space<vmem>>
        %dma_start3A_264 = tpu.memref_squeeze %dma_start3A_263 : memref<1x128x128xf32, #tpu.memory_space<vmem>> -> memref<128x128xf32, #tpu.memory_space<vmem>>
        %dma_start3A_265 = arith.constant 0 : i32
        %dma_start3A_266 = tpu.memref_slice %arg6[%run_scoped3A_226, %run_scoped3A_227, %dma_start3A_265] : memref<4x2x128xi32, #tpu.memory_space<vmem>> -> memref<1x1x128xi32, #tpu.memory_space<vmem>>
        %dma_start3A_267 = tpu.memref_squeeze %dma_start3A_266 : memref<1x1x128xi32, #tpu.memory_space<vmem>> -> memref<128xi32, #tpu.memory_space<vmem>>
        %dma_start3A_268 = arith.constant 0 : i32
        %dma_start3A_269 = arith.constant 0 : i32
        %dma_start3A_270 = tpu.memref_slice %arg8[%dma_start3A_268, %dma_start3A_269] : memref<10240x128xf32, #tpu.memory_space<vmem_shared>> -> memref<10240x128xf32, #tpu.memory_space<vmem_shared>>
        tpu.enqueue_indirect_dma source(%dma_start3A_264 : memref<128x128xf32, #tpu.memory_space<vmem>>) target(%dma_start3A_270 : memref<10240x128xf32, #tpu.memory_space<vmem_shared>>) offsets(%dma_start3A_267 : memref<128xi32, #tpu.memory_space<vmem>>) semaphore(%run_scoped3A_260 : memref<!tpu.dma_semaphore, #tpu.memory_space<semaphore_mem>>) {add = true}
        %dma_wait3A_271 = arith.constant 0 : i32
        %dma_wait3A_272 = arith.constant 0 : i32
        %dma_wait3A_273 = tpu.memref_slice %arg7[%run_scoped3A_225, %dma_wait3A_271, %dma_wait3A_272] : memref<2x128x128xf32, #tpu.memory_space<vmem>> -> memref<1x128x128xf32, #tpu.memory_space<vmem>>
        %dma_wait3A_274 = tpu.memref_squeeze %dma_wait3A_273 : memref<1x128x128xf32, #tpu.memory_space<vmem>> -> memref<128x128xf32, #tpu.memory_space<vmem>>
        %dma_wait3A_275 = arith.constant 0 : i32
        %dma_wait3A_276 = tpu.memref_slice %arg6[%run_scoped3A_226, %run_scoped3A_227, %dma_wait3A_275] : memref<4x2x128xi32, #tpu.memory_space<vmem>> -> memref<1x1x128xi32, #tpu.memory_space<vmem>>
        %dma_wait3A_277 = tpu.memref_squeeze %dma_wait3A_276 : memref<1x1x128xi32, #tpu.memory_space<vmem>> -> memref<128xi32, #tpu.memory_space<vmem>>
        %dma_wait3A_278 = arith.constant 0 : i32
        %dma_wait3A_279 = arith.constant 0 : i32
        %dma_wait3A_280 = tpu.memref_slice %arg8[%dma_wait3A_278, %dma_wait3A_279] : memref<10240x128xf32, #tpu.memory_space<vmem_shared>> -> memref<10240x128xf32, #tpu.memory_space<vmem_shared>>
        tpu.wait_indirect_dma semaphore(%run_scoped3A_260 : memref<!tpu.dma_semaphore, #tpu.memory_space<semaphore_mem>>) src(%dma_wait3A_274 : memref<128x128xf32, #tpu.memory_space<vmem>>) dst(%dma_wait3A_280 : memref<10240x128xf32, #tpu.memory_space<vmem_shared>>)
        tpu.yield
      }) : () -> ()
      %mul3A_228 = arith.constant 4 : i32
      %mul3A_229 = arith.muli %while3A_134, %mul3A_228 : i32
      %add3A_230 = arith.constant 3 : i32
      %add3A_231 = arith.addi %mul3A_229, %add3A_230 : i32
      %add3A_232 = arith.constant 3 : i32
      %add3A_233 = arith.addi %add3A_231, %add3A_232 : i32
      %lt3A_234 = arith.cmpi slt, %add3A_233, %select_n3A_7 : i32
      %convert_element_type3A_235 = arith.extui %lt3A_234 : i1 to i32
      %cond3A_236 = arith.constant 0 : i32
      %cond3A_237 = arith.cmpi ne, %convert_element_type3A_235, %cond3A_236 : i32
      scf.if %cond3A_237 {
        %add3A_260 = arith.constant 3 : i32
        %add3A_261 = arith.addi %add3A_231, %add3A_260 : i32
        %add3A_262 = arith.addi %add3A, %add3A_261 : i32
        %dma_start3A_263 = arith.constant 2 : i32
        %dma_start3A_264 = arith.constant 0 : i32
        %dma_start3A_265 = arith.constant 0 : i32
        %dma_start3A_266 = tpu.memref_slice %arg6[%dma_start3A_263, %dma_start3A_264, %dma_start3A_265] : memref<4x2x128xi32, #tpu.memory_space<vmem>> -> memref<1x2x128xi32, #tpu.memory_space<vmem>>
        %dma_start3A_267 = tpu.memref_squeeze %dma_start3A_266 : memref<1x2x128xi32, #tpu.memory_space<vmem>> -> memref<2x128xi32, #tpu.memory_space<vmem>>
        %dma_start3A_268 = arith.constant 0 : i32
        %dma_start3A_269 = arith.constant 0 : i32
        %dma_start3A_270 = tpu.memref_slice %arg3[%add3A_262, %dma_start3A_268, %dma_start3A_269] : memref<2560x2x128xi32, #tpu.memory_space<hbm>> -> memref<1x2x128xi32, #tpu.memory_space<hbm>>
        %dma_start3A_271 = tpu.memref_squeeze %dma_start3A_270 : memref<1x2x128xi32, #tpu.memory_space<hbm>> -> memref<2x128xi32, #tpu.memory_space<hbm>>
        %dma_start3A_272 = arith.constant 0 : i32
        %dma_start3A_273 = arith.constant 0 : i32
        %dma_start3A_274 = tpu.memref_slice %arg6[%dma_start3A_263, %dma_start3A_272, %dma_start3A_273] : memref<4x2x128xi32, #tpu.memory_space<vmem>> -> memref<1x2x128xi32, #tpu.memory_space<vmem>>
        %dma_start3A_275 = tpu.memref_squeeze %dma_start3A_274 : memref<1x2x128xi32, #tpu.memory_space<vmem>> -> memref<2x128xi32, #tpu.memory_space<vmem>>
        %dma_start3A_276 = arith.constant 0 : i32
        %dma_start3A_277 = arith.constant 0 : i32
        %dma_start3A_278 = tpu.memref_slice %arg3[%add3A_262, %dma_start3A_276, %dma_start3A_277] : memref<2560x2x128xi32, #tpu.memory_space<hbm>> -> memref<1x2x128xi32, #tpu.memory_space<hbm>>
        %dma_start3A_279 = tpu.memref_squeeze %dma_start3A_278 : memref<1x2x128xi32, #tpu.memory_space<hbm>> -> memref<2x128xi32, #tpu.memory_space<hbm>>
        tpu.enqueue_dma source(%dma_start3A_279 : memref<2x128xi32, #tpu.memory_space<hbm>>) target(%dma_start3A_275 : memref<2x128xi32, #tpu.memory_space<vmem>>) target_semaphore(%arg11 : memref<!tpu.dma_semaphore, #tpu.memory_space<semaphore_mem>>)
      } else {
      }
      %add3A_238 = arith.constant 1 : i32
      %add3A_239 = arith.addi %add3A_231, %add3A_238 : i32
      %lt3A_240 = arith.cmpi slt, %add3A_239, %select_n3A_7 : i32
      %convert_element_type3A_241 = arith.extui %lt3A_240 : i1 to i32
      %cond3A_242 = arith.constant 0 : i32
      %cond3A_243 = arith.cmpi ne, %convert_element_type3A_241, %cond3A_242 : i32
      scf.if %cond3A_243 {
        %add3A_260 = arith.constant 1 : i32
        %add3A_261 = arith.addi %add3A_231, %add3A_260 : i32
        %add3A_262 = arith.addi %add3A, %add3A_261 : i32
        %dma_wait3A_263 = arith.constant 0 : i32
        %dma_wait3A_264 = arith.constant 0 : i32
        %dma_wait3A_265 = arith.constant 0 : i32
        %dma_wait3A_266 = tpu.memref_slice %arg6[%dma_wait3A_263, %dma_wait3A_264, %dma_wait3A_265] : memref<4x2x128xi32, #tpu.memory_space<vmem>> -> memref<1x2x128xi32, #tpu.memory_space<vmem>>
        %dma_wait3A_267 = tpu.memref_squeeze %dma_wait3A_266 : memref<1x2x128xi32, #tpu.memory_space<vmem>> -> memref<2x128xi32, #tpu.memory_space<vmem>>
        %dma_wait3A_268 = arith.constant 0 : i32
        %dma_wait3A_269 = arith.constant 0 : i32
        %dma_wait3A_270 = tpu.memref_slice %arg3[%add3A_262, %dma_wait3A_268, %dma_wait3A_269] : memref<2560x2x128xi32, #tpu.memory_space<hbm>> -> memref<1x2x128xi32, #tpu.memory_space<hbm>>
        %dma_wait3A_271 = tpu.memref_squeeze %dma_wait3A_270 : memref<1x2x128xi32, #tpu.memory_space<hbm>> -> memref<2x128xi32, #tpu.memory_space<hbm>>
        %dma_wait3A_272 = arith.constant 0 : i32
        %dma_wait3A_273 = arith.constant 0 : i32
        %dma_wait3A_274 = tpu.memref_slice %arg6[%dma_wait3A_263, %dma_wait3A_272, %dma_wait3A_273] : memref<4x2x128xi32, #tpu.memory_space<vmem>> -> memref<1x2x128xi32, #tpu.memory_space<vmem>>
        %dma_wait3A_275 = tpu.memref_squeeze %dma_wait3A_274 : memref<1x2x128xi32, #tpu.memory_space<vmem>> -> memref<2x128xi32, #tpu.memory_space<vmem>>
        %dma_wait3A_276 = arith.constant 0 : i32
        %dma_wait3A_277 = arith.constant 0 : i32
        %dma_wait3A_278 = tpu.memref_slice %arg3[%add3A_262, %dma_wait3A_276, %dma_wait3A_277] : memref<2560x2x128xi32, #tpu.memory_space<hbm>> -> memref<1x2x128xi32, #tpu.memory_space<hbm>>
        %dma_wait3A_279 = tpu.memref_squeeze %dma_wait3A_278 : memref<1x2x128xi32, #tpu.memory_space<hbm>> -> memref<2x128xi32, #tpu.memory_space<hbm>>
        tpu.wait_dma2 semaphore(%arg9 : memref<!tpu.dma_semaphore, #tpu.memory_space<semaphore_mem>>) src(%dma_wait3A_279 : memref<2x128xi32, #tpu.memory_space<hbm>>) dst(%dma_wait3A_275 : memref<2x128xi32, #tpu.memory_space<vmem>>)
        %dma_start3A_280 = arith.constant 0 : i32
        %dma_start3A_281 = arith.constant 0 : i32
        %dma_start3A_282 = arith.constant 0 : i32
        %dma_start3A_283 = arith.constant 0 : i32
        %dma_start3A_284 = arith.constant 0 : i32
        %dma_start3A_285 = tpu.memref_slice %arg7[%dma_start3A_282, %dma_start3A_283, %dma_start3A_284] : memref<2x128x128xf32, #tpu.memory_space<vmem>> -> memref<1x128x128xf32, #tpu.memory_space<vmem>>
        %dma_start3A_286 = tpu.memref_squeeze %dma_start3A_285 : memref<1x128x128xf32, #tpu.memory_space<vmem>> -> memref<128x128xf32, #tpu.memory_space<vmem>>
        %dma_start3A_287 = arith.constant 0 : i32
        %dma_start3A_288 = tpu.memref_slice %arg6[%dma_start3A_280, %dma_start3A_281, %dma_start3A_287] : memref<4x2x128xi32, #tpu.memory_space<vmem>> -> memref<1x1x128xi32, #tpu.memory_space<vmem>>
        %dma_start3A_289 = tpu.memref_squeeze %dma_start3A_288 : memref<1x1x128xi32, #tpu.memory_space<vmem>> -> memref<128xi32, #tpu.memory_space<vmem>>
        %dma_start3A_290 = arith.constant 0 : i32
        %dma_start3A_291 = arith.constant 0 : i32
        %dma_start3A_292 = tpu.memref_slice %arg2[%dma_start3A_290, %dma_start3A_291] : memref<10240x128xf32, #tpu.memory_space<hbm>> -> memref<10240x128xf32, #tpu.memory_space<hbm>>
        tpu.enqueue_indirect_dma source(%dma_start3A_292 : memref<10240x128xf32, #tpu.memory_space<hbm>>) target(%dma_start3A_286 : memref<128x128xf32, #tpu.memory_space<vmem>>) offsets(%dma_start3A_289 : memref<128xi32, #tpu.memory_space<vmem>>) semaphore(%arg13 : memref<!tpu.dma_semaphore, #tpu.memory_space<semaphore_mem>>)
      } else {
      }
      %dma_wait3A_244 = arith.constant 3 : i32
      %dma_wait3A_245 = arith.constant 0 : i32
      %dma_wait3A_246 = arith.constant 1 : i32
      %dma_wait3A_247 = arith.constant 0 : i32
      %dma_wait3A_248 = arith.constant 0 : i32
      %dma_wait3A_249 = tpu.memref_slice %arg7[%dma_wait3A_246, %dma_wait3A_247, %dma_wait3A_248] : memref<2x128x128xf32, #tpu.memory_space<vmem>> -> memref<1x128x128xf32, #tpu.memory_space<vmem>>
      %dma_wait3A_250 = tpu.memref_squeeze %dma_wait3A_249 : memref<1x128x128xf32, #tpu.memory_space<vmem>> -> memref<128x128xf32, #tpu.memory_space<vmem>>
      %dma_wait3A_251 = arith.constant 0 : i32
      %dma_wait3A_252 = tpu.memref_slice %arg6[%dma_wait3A_244, %dma_wait3A_245, %dma_wait3A_251] : memref<4x2x128xi32, #tpu.memory_space<vmem>> -> memref<1x1x128xi32, #tpu.memory_space<vmem>>
      %dma_wait3A_253 = tpu.memref_squeeze %dma_wait3A_252 : memref<1x1x128xi32, #tpu.memory_space<vmem>> -> memref<128xi32, #tpu.memory_space<vmem>>
      %dma_wait3A_254 = arith.constant 0 : i32
      %dma_wait3A_255 = arith.constant 0 : i32
      %dma_wait3A_256 = tpu.memref_slice %arg2[%dma_wait3A_254, %dma_wait3A_255] : memref<10240x128xf32, #tpu.memory_space<hbm>> -> memref<10240x128xf32, #tpu.memory_space<hbm>>
      tpu.wait_indirect_dma semaphore(%arg14 : memref<!tpu.dma_semaphore, #tpu.memory_space<semaphore_mem>>) src(%dma_wait3A_256 : memref<10240x128xf32, #tpu.memory_space<hbm>>) dst(%dma_wait3A_250 : memref<128x128xf32, #tpu.memory_space<vmem>>)
      %run_scoped3A_257 = arith.constant 1 : i32
      %run_scoped3A_258 = arith.constant 3 : i32
      %run_scoped3A_259 = arith.constant 1 : i32
      "tpu.region"() ({
        %run_scoped3A_260 = tpu.sem_alloc : memref<!tpu.dma_semaphore, #tpu.memory_space<semaphore_mem>>
        %dma_start3A_261 = arith.constant 0 : i32
        %dma_start3A_262 = arith.constant 0 : i32
        %dma_start3A_263 = tpu.memref_slice %arg7[%run_scoped3A_257, %dma_start3A_261, %dma_start3A_262] : memref<2x128x128xf32, #tpu.memory_space<vmem>> -> memref<1x128x128xf32, #tpu.memory_space<vmem>>
        %dma_start3A_264 = tpu.memref_squeeze %dma_start3A_263 : memref<1x128x128xf32, #tpu.memory_space<vmem>> -> memref<128x128xf32, #tpu.memory_space<vmem>>
        %dma_start3A_265 = arith.constant 0 : i32
        %dma_start3A_266 = tpu.memref_slice %arg6[%run_scoped3A_258, %run_scoped3A_259, %dma_start3A_265] : memref<4x2x128xi32, #tpu.memory_space<vmem>> -> memref<1x1x128xi32, #tpu.memory_space<vmem>>
        %dma_start3A_267 = tpu.memref_squeeze %dma_start3A_266 : memref<1x1x128xi32, #tpu.memory_space<vmem>> -> memref<128xi32, #tpu.memory_space<vmem>>
        %dma_start3A_268 = arith.constant 0 : i32
        %dma_start3A_269 = arith.constant 0 : i32
        %dma_start3A_270 = tpu.memref_slice %arg8[%dma_start3A_268, %dma_start3A_269] : memref<10240x128xf32, #tpu.memory_space<vmem_shared>> -> memref<10240x128xf32, #tpu.memory_space<vmem_shared>>
        tpu.enqueue_indirect_dma source(%dma_start3A_264 : memref<128x128xf32, #tpu.memory_space<vmem>>) target(%dma_start3A_270 : memref<10240x128xf32, #tpu.memory_space<vmem_shared>>) offsets(%dma_start3A_267 : memref<128xi32, #tpu.memory_space<vmem>>) semaphore(%run_scoped3A_260 : memref<!tpu.dma_semaphore, #tpu.memory_space<semaphore_mem>>) {add = true}
        %dma_wait3A_271 = arith.constant 0 : i32
        %dma_wait3A_272 = arith.constant 0 : i32
        %dma_wait3A_273 = tpu.memref_slice %arg7[%run_scoped3A_257, %dma_wait3A_271, %dma_wait3A_272] : memref<2x128x128xf32, #tpu.memory_space<vmem>> -> memref<1x128x128xf32, #tpu.memory_space<vmem>>
        %dma_wait3A_274 = tpu.memref_squeeze %dma_wait3A_273 : memref<1x128x128xf32, #tpu.memory_space<vmem>> -> memref<128x128xf32, #tpu.memory_space<vmem>>
        %dma_wait3A_275 = arith.constant 0 : i32
        %dma_wait3A_276 = tpu.memref_slice %arg6[%run_scoped3A_258, %run_scoped3A_259, %dma_wait3A_275] : memref<4x2x128xi32, #tpu.memory_space<vmem>> -> memref<1x1x128xi32, #tpu.memory_space<vmem>>
        %dma_wait3A_277 = tpu.memref_squeeze %dma_wait3A_276 : memref<1x1x128xi32, #tpu.memory_space<vmem>> -> memref<128xi32, #tpu.memory_space<vmem>>
        %dma_wait3A_278 = arith.constant 0 : i32
        %dma_wait3A_279 = arith.constant 0 : i32
        %dma_wait3A_280 = tpu.memref_slice %arg8[%dma_wait3A_278, %dma_wait3A_279] : memref<10240x128xf32, #tpu.memory_space<vmem_shared>> -> memref<10240x128xf32, #tpu.memory_space<vmem_shared>>
        tpu.wait_indirect_dma semaphore(%run_scoped3A_260 : memref<!tpu.dma_semaphore, #tpu.memory_space<semaphore_mem>>) src(%dma_wait3A_274 : memref<128x128xf32, #tpu.memory_space<vmem>>) dst(%dma_wait3A_280 : memref<10240x128xf32, #tpu.memory_space<vmem_shared>>)
        tpu.yield
      }) : () -> ()
    }
    %while3A_126 = arith.constant 1 : i32
    scf.for %while3A_134 = %while3A_124 to %while3A_120 step %while3A_126  : i32 {
      %mul3A_135 = arith.constant 4 : i32
      %mul3A_136 = arith.muli %while3A_134, %mul3A_135 : i32
      %add3A_137 = arith.constant 0 : i32
      %add3A_138 = arith.addi %mul3A_136, %add3A_137 : i32
      %add3A_139 = arith.constant 3 : i32
      %add3A_140 = arith.addi %add3A_138, %add3A_139 : i32
      %lt3A = arith.cmpi slt, %add3A_140, %select_n3A_7 : i32
      %convert_element_type3A = arith.extui %lt3A : i1 to i32
      %cond3A = arith.constant 0 : i32
      %cond3A_141 = arith.cmpi ne, %convert_element_type3A, %cond3A : i32
      scf.if %cond3A_141 {
        %add3A_260 = arith.constant 3 : i32
        %add3A_261 = arith.addi %add3A_138, %add3A_260 : i32
        %add3A_262 = arith.addi %add3A, %add3A_261 : i32
        %dma_start3A_263 = arith.constant 3 : i32
        %dma_start3A_264 = arith.constant 0 : i32
        %dma_start3A_265 = arith.constant 0 : i32
        %dma_start3A_266 = tpu.memref_slice %arg6[%dma_start3A_263, %dma_start3A_264, %dma_start3A_265] : memref<4x2x128xi32, #tpu.memory_space<vmem>> -> memref<1x2x128xi32, #tpu.memory_space<vmem>>
        %dma_start3A_267 = tpu.memref_squeeze %dma_start3A_266 : memref<1x2x128xi32, #tpu.memory_space<vmem>> -> memref<2x128xi32, #tpu.memory_space<vmem>>
        %dma_start3A_268 = arith.constant 0 : i32
        %dma_start3A_269 = arith.constant 0 : i32
        %dma_start3A_270 = tpu.memref_slice %arg3[%add3A_262, %dma_start3A_268, %dma_start3A_269] : memref<2560x2x128xi32, #tpu.memory_space<hbm>> -> memref<1x2x128xi32, #tpu.memory_space<hbm>>
        %dma_start3A_271 = tpu.memref_squeeze %dma_start3A_270 : memref<1x2x128xi32, #tpu.memory_space<hbm>> -> memref<2x128xi32, #tpu.memory_space<hbm>>
        %dma_start3A_272 = arith.constant 0 : i32
        %dma_start3A_273 = arith.constant 0 : i32
        %dma_start3A_274 = tpu.memref_slice %arg6[%dma_start3A_263, %dma_start3A_272, %dma_start3A_273] : memref<4x2x128xi32, #tpu.memory_space<vmem>> -> memref<1x2x128xi32, #tpu.memory_space<vmem>>
        %dma_start3A_275 = tpu.memref_squeeze %dma_start3A_274 : memref<1x2x128xi32, #tpu.memory_space<vmem>> -> memref<2x128xi32, #tpu.memory_space<vmem>>
        %dma_start3A_276 = arith.constant 0 : i32
        %dma_start3A_277 = arith.constant 0 : i32
        %dma_start3A_278 = tpu.memref_slice %arg3[%add3A_262, %dma_start3A_276, %dma_start3A_277] : memref<2560x2x128xi32, #tpu.memory_space<hbm>> -> memref<1x2x128xi32, #tpu.memory_space<hbm>>
        %dma_start3A_279 = tpu.memref_squeeze %dma_start3A_278 : memref<1x2x128xi32, #tpu.memory_space<hbm>> -> memref<2x128xi32, #tpu.memory_space<hbm>>
        tpu.enqueue_dma source(%dma_start3A_279 : memref<2x128xi32, #tpu.memory_space<hbm>>) target(%dma_start3A_275 : memref<2x128xi32, #tpu.memory_space<vmem>>) target_semaphore(%arg12 : memref<!tpu.dma_semaphore, #tpu.memory_space<semaphore_mem>>)
      } else {
      }
      %add3A_142 = arith.constant 1 : i32
      %add3A_143 = arith.addi %add3A_138, %add3A_142 : i32
      %lt3A_144 = arith.cmpi slt, %add3A_143, %select_n3A_7 : i32
      %convert_element_type3A_145 = arith.extui %lt3A_144 : i1 to i32
      %cond3A_146 = arith.constant 0 : i32
      %cond3A_147 = arith.cmpi ne, %convert_element_type3A_145, %cond3A_146 : i32
      scf.if %cond3A_147 {
        %add3A_260 = arith.constant 1 : i32
        %add3A_261 = arith.addi %add3A_138, %add3A_260 : i32
        %add3A_262 = arith.addi %add3A, %add3A_261 : i32
        %dma_wait3A_263 = arith.constant 1 : i32
        %dma_wait3A_264 = arith.constant 0 : i32
        %dma_wait3A_265 = arith.constant 0 : i32
        %dma_wait3A_266 = tpu.memref_slice %arg6[%dma_wait3A_263, %dma_wait3A_264, %dma_wait3A_265] : memref<4x2x128xi32, #tpu.memory_space<vmem>> -> memref<1x2x128xi32, #tpu.memory_space<vmem>>
        %dma_wait3A_267 = tpu.memref_squeeze %dma_wait3A_266 : memref<1x2x128xi32, #tpu.memory_space<vmem>> -> memref<2x128xi32, #tpu.memory_space<vmem>>
        %dma_wait3A_268 = arith.constant 0 : i32
        %dma_wait3A_269 = arith.constant 0 : i32
        %dma_wait3A_270 = tpu.memref_slice %arg3[%add3A_262, %dma_wait3A_268, %dma_wait3A_269] : memref<2560x2x128xi32, #tpu.memory_space<hbm>> -> memref<1x2x128xi32, #tpu.memory_space<hbm>>
        %dma_wait3A_271 = tpu.memref_squeeze %dma_wait3A_270 : memref<1x2x128xi32, #tpu.memory_space<hbm>> -> memref<2x128xi32, #tpu.memory_space<hbm>>
        %dma_wait3A_272 = arith.constant 0 : i32
        %dma_wait3A_273 = arith.constant 0 : i32
        %dma_wait3A_274 = tpu.memref_slice %arg6[%dma_wait3A_263, %dma_wait3A_272, %dma_wait3A_273] : memref<4x2x128xi32, #tpu.memory_space<vmem>> -> memref<1x2x128xi32, #tpu.memory_space<vmem>>
        %dma_wait3A_275 = tpu.memref_squeeze %dma_wait3A_274 : memref<1x2x128xi32, #tpu.memory_space<vmem>> -> memref<2x128xi32, #tpu.memory_space<vmem>>
        %dma_wait3A_276 = arith.constant 0 : i32
        %dma_wait3A_277 = arith.constant 0 : i32
        %dma_wait3A_278 = tpu.memref_slice %arg3[%add3A_262, %dma_wait3A_276, %dma_wait3A_277] : memref<2560x2x128xi32, #tpu.memory_space<hbm>> -> memref<1x2x128xi32, #tpu.memory_space<hbm>>
        %dma_wait3A_279 = tpu.memref_squeeze %dma_wait3A_278 : memref<1x2x128xi32, #tpu.memory_space<hbm>> -> memref<2x128xi32, #tpu.memory_space<hbm>>
        tpu.wait_dma2 semaphore(%arg10 : memref<!tpu.dma_semaphore, #tpu.memory_space<semaphore_mem>>) src(%dma_wait3A_279 : memref<2x128xi32, #tpu.memory_space<hbm>>) dst(%dma_wait3A_275 : memref<2x128xi32, #tpu.memory_space<vmem>>)
        %dma_start3A_280 = arith.constant 1 : i32
        %dma_start3A_281 = arith.constant 0 : i32
        %dma_start3A_282 = arith.constant 1 : i32
        %dma_start3A_283 = arith.constant 0 : i32
        %dma_start3A_284 = arith.constant 0 : i32
        %dma_start3A_285 = tpu.memref_slice %arg7[%dma_start3A_282, %dma_start3A_283, %dma_start3A_284] : memref<2x128x128xf32, #tpu.memory_space<vmem>> -> memref<1x128x128xf32, #tpu.memory_space<vmem>>
        %dma_start3A_286 = tpu.memref_squeeze %dma_start3A_285 : memref<1x128x128xf32, #tpu.memory_space<vmem>> -> memref<128x128xf32, #tpu.memory_space<vmem>>
        %dma_start3A_287 = arith.constant 0 : i32
        %dma_start3A_288 = tpu.memref_slice %arg6[%dma_start3A_280, %dma_start3A_281, %dma_start3A_287] : memref<4x2x128xi32, #tpu.memory_space<vmem>> -> memref<1x1x128xi32, #tpu.memory_space<vmem>>
        %dma_start3A_289 = tpu.memref_squeeze %dma_start3A_288 : memref<1x1x128xi32, #tpu.memory_space<vmem>> -> memref<128xi32, #tpu.memory_space<vmem>>
        %dma_start3A_290 = arith.constant 0 : i32
        %dma_start3A_291 = arith.constant 0 : i32
        %dma_start3A_292 = tpu.memref_slice %arg2[%dma_start3A_290, %dma_start3A_291] : memref<10240x128xf32, #tpu.memory_space<hbm>> -> memref<10240x128xf32, #tpu.memory_space<hbm>>
        tpu.enqueue_indirect_dma source(%dma_start3A_292 : memref<10240x128xf32, #tpu.memory_space<hbm>>) target(%dma_start3A_286 : memref<128x128xf32, #tpu.memory_space<vmem>>) offsets(%dma_start3A_289 : memref<128xi32, #tpu.memory_space<vmem>>) semaphore(%arg14 : memref<!tpu.dma_semaphore, #tpu.memory_space<semaphore_mem>>)
      } else {
      }
      %dma_wait3A_148 = arith.constant 0 : i32
      %dma_wait3A_149 = arith.constant 0 : i32
      %dma_wait3A_150 = arith.constant 0 : i32
      %dma_wait3A_151 = arith.constant 0 : i32
      %dma_wait3A_152 = arith.constant 0 : i32
      %dma_wait3A_153 = tpu.memref_slice %arg7[%dma_wait3A_150, %dma_wait3A_151, %dma_wait3A_152] : memref<2x128x128xf32, #tpu.memory_space<vmem>> -> memref<1x128x128xf32, #tpu.memory_space<vmem>>
      %dma_wait3A_154 = tpu.memref_squeeze %dma_wait3A_153 : memref<1x128x128xf32, #tpu.memory_space<vmem>> -> memref<128x128xf32, #tpu.memory_space<vmem>>
      %dma_wait3A_155 = arith.constant 0 : i32
      %dma_wait3A_156 = tpu.memref_slice %arg6[%dma_wait3A_148, %dma_wait3A_149, %dma_wait3A_155] : memref<4x2x128xi32, #tpu.memory_space<vmem>> -> memref<1x1x128xi32, #tpu.memory_space<vmem>>
      %dma_wait3A_157 = tpu.memref_squeeze %dma_wait3A_156 : memref<1x1x128xi32, #tpu.memory_space<vmem>> -> memref<128xi32, #tpu.memory_space<vmem>>
      %dma_wait3A_158 = arith.constant 0 : i32
      %dma_wait3A_159 = arith.constant 0 : i32
      %dma_wait3A_160 = tpu.memref_slice %arg2[%dma_wait3A_158, %dma_wait3A_159] : memref<10240x128xf32, #tpu.memory_space<hbm>> -> memref<10240x128xf32, #tpu.memory_space<hbm>>
      tpu.wait_indirect_dma semaphore(%arg13 : memref<!tpu.dma_semaphore, #tpu.memory_space<semaphore_mem>>) src(%dma_wait3A_160 : memref<10240x128xf32, #tpu.memory_space<hbm>>) dst(%dma_wait3A_154 : memref<128x128xf32, #tpu.memory_space<vmem>>)
      %run_scoped3A_161 = arith.constant 0 : i32
      %run_scoped3A_162 = arith.constant 0 : i32
      %run_scoped3A_163 = arith.constant 1 : i32
      "tpu.region"() ({
        %run_scoped3A_260 = tpu.sem_alloc : memref<!tpu.dma_semaphore, #tpu.memory_space<semaphore_mem>>
        %dma_start3A_261 = arith.constant 0 : i32
        %dma_start3A_262 = arith.constant 0 : i32
        %dma_start3A_263 = tpu.memref_slice %arg7[%run_scoped3A_161, %dma_start3A_261, %dma_start3A_262] : memref<2x128x128xf32, #tpu.memory_space<vmem>> -> memref<1x128x128xf32, #tpu.memory_space<vmem>>
        %dma_start3A_264 = tpu.memref_squeeze %dma_start3A_263 : memref<1x128x128xf32, #tpu.memory_space<vmem>> -> memref<128x128xf32, #tpu.memory_space<vmem>>
        %dma_start3A_265 = arith.constant 0 : i32
        %dma_start3A_266 = tpu.memref_slice %arg6[%run_scoped3A_162, %run_scoped3A_163, %dma_start3A_265] : memref<4x2x128xi32, #tpu.memory_space<vmem>> -> memref<1x1x128xi32, #tpu.memory_space<vmem>>
        %dma_start3A_267 = tpu.memref_squeeze %dma_start3A_266 : memref<1x1x128xi32, #tpu.memory_space<vmem>> -> memref<128xi32, #tpu.memory_space<vmem>>
        %dma_start3A_268 = arith.constant 0 : i32
        %dma_start3A_269 = arith.constant 0 : i32
        %dma_start3A_270 = tpu.memref_slice %arg8[%dma_start3A_268, %dma_start3A_269] : memref<10240x128xf32, #tpu.memory_space<vmem_shared>> -> memref<10240x128xf32, #tpu.memory_space<vmem_shared>>
        tpu.enqueue_indirect_dma source(%dma_start3A_264 : memref<128x128xf32, #tpu.memory_space<vmem>>) target(%dma_start3A_270 : memref<10240x128xf32, #tpu.memory_space<vmem_shared>>) offsets(%dma_start3A_267 : memref<128xi32, #tpu.memory_space<vmem>>) semaphore(%run_scoped3A_260 : memref<!tpu.dma_semaphore, #tpu.memory_space<semaphore_mem>>) {add = true}
        %dma_wait3A_271 = arith.constant 0 : i32
        %dma_wait3A_272 = arith.constant 0 : i32
        %dma_wait3A_273 = tpu.memref_slice %arg7[%run_scoped3A_161, %dma_wait3A_271, %dma_wait3A_272] : memref<2x128x128xf32, #tpu.memory_space<vmem>> -> memref<1x128x128xf32, #tpu.memory_space<vmem>>
        %dma_wait3A_274 = tpu.memref_squeeze %dma_wait3A_273 : memref<1x128x128xf32, #tpu.memory_space<vmem>> -> memref<128x128xf32, #tpu.memory_space<vmem>>
        %dma_wait3A_275 = arith.constant 0 : i32
        %dma_wait3A_276 = tpu.memref_slice %arg6[%run_scoped3A_162, %run_scoped3A_163, %dma_wait3A_275] : memref<4x2x128xi32, #tpu.memory_space<vmem>> -> memref<1x1x128xi32, #tpu.memory_space<vmem>>
        %dma_wait3A_277 = tpu.memref_squeeze %dma_wait3A_276 : memref<1x1x128xi32, #tpu.memory_space<vmem>> -> memref<128xi32, #tpu.memory_space<vmem>>
        %dma_wait3A_278 = arith.constant 0 : i32
        %dma_wait3A_279 = arith.constant 0 : i32
        %dma_wait3A_280 = tpu.memref_slice %arg8[%dma_wait3A_278, %dma_wait3A_279] : memref<10240x128xf32, #tpu.memory_space<vmem_shared>> -> memref<10240x128xf32, #tpu.memory_space<vmem_shared>>
        tpu.wait_indirect_dma semaphore(%run_scoped3A_260 : memref<!tpu.dma_semaphore, #tpu.memory_space<semaphore_mem>>) src(%dma_wait3A_274 : memref<128x128xf32, #tpu.memory_space<vmem>>) dst(%dma_wait3A_280 : memref<10240x128xf32, #tpu.memory_space<vmem_shared>>)
        tpu.yield
      }) : () -> ()
      %mul3A_164 = arith.constant 4 : i32
      %mul3A_165 = arith.muli %while3A_134, %mul3A_164 : i32
      %add3A_166 = arith.constant 1 : i32
      %add3A_167 = arith.addi %mul3A_165, %add3A_166 : i32
      %add3A_168 = arith.constant 3 : i32
      %add3A_169 = arith.addi %add3A_167, %add3A_168 : i32
      %lt3A_170 = arith.cmpi slt, %add3A_169, %select_n3A_7 : i32
      %convert_element_type3A_171 = arith.extui %lt3A_170 : i1 to i32
      %cond3A_172 = arith.constant 0 : i32
      %cond3A_173 = arith.cmpi ne, %convert_element_type3A_171, %cond3A_172 : i32
      scf.if %cond3A_173 {
        %add3A_260 = arith.constant 3 : i32
        %add3A_261 = arith.addi %add3A_167, %add3A_260 : i32
        %add3A_262 = arith.addi %add3A, %add3A_261 : i32
        %dma_start3A_263 = arith.constant 0 : i32
        %dma_start3A_264 = arith.constant 0 : i32
        %dma_start3A_265 = arith.constant 0 : i32
        %dma_start3A_266 = tpu.memref_slice %arg6[%dma_start3A_263, %dma_start3A_264, %dma_start3A_265] : memref<4x2x128xi32, #tpu.memory_space<vmem>> -> memref<1x2x128xi32, #tpu.memory_space<vmem>>
        %dma_start3A_267 = tpu.memref_squeeze %dma_start3A_266 : memref<1x2x128xi32, #tpu.memory_space<vmem>> -> memref<2x128xi32, #tpu.memory_space<vmem>>
        %dma_start3A_268 = arith.constant 0 : i32
        %dma_start3A_269 = arith.constant 0 : i32
        %dma_start3A_270 = tpu.memref_slice %arg3[%add3A_262, %dma_start3A_268, %dma_start3A_269] : memref<2560x2x128xi32, #tpu.memory_space<hbm>> -> memref<1x2x128xi32, #tpu.memory_space<hbm>>
        %dma_start3A_271 = tpu.memref_squeeze %dma_start3A_270 : memref<1x2x128xi32, #tpu.memory_space<hbm>> -> memref<2x128xi32, #tpu.memory_space<hbm>>
        %dma_start3A_272 = arith.constant 0 : i32
        %dma_start3A_273 = arith.constant 0 : i32
        %dma_start3A_274 = tpu.memref_slice %arg6[%dma_start3A_263, %dma_start3A_272, %dma_start3A_273] : memref<4x2x128xi32, #tpu.memory_space<vmem>> -> memref<1x2x128xi32, #tpu.memory_space<vmem>>
        %dma_start3A_275 = tpu.memref_squeeze %dma_start3A_274 : memref<1x2x128xi32, #tpu.memory_space<vmem>> -> memref<2x128xi32, #tpu.memory_space<vmem>>
        %dma_start3A_276 = arith.constant 0 : i32
        %dma_start3A_277 = arith.constant 0 : i32
        %dma_start3A_278 = tpu.memref_slice %arg3[%add3A_262, %dma_start3A_276, %dma_start3A_277] : memref<2560x2x128xi32, #tpu.memory_space<hbm>> -> memref<1x2x128xi32, #tpu.memory_space<hbm>>
        %dma_start3A_279 = tpu.memref_squeeze %dma_start3A_278 : memref<1x2x128xi32, #tpu.memory_space<hbm>> -> memref<2x128xi32, #tpu.memory_space<hbm>>
        tpu.enqueue_dma source(%dma_start3A_279 : memref<2x128xi32, #tpu.memory_space<hbm>>) target(%dma_start3A_275 : memref<2x128xi32, #tpu.memory_space<vmem>>) target_semaphore(%arg9 : memref<!tpu.dma_semaphore, #tpu.memory_space<semaphore_mem>>)
      } else {
      }
      %add3A_174 = arith.constant 1 : i32
      %add3A_175 = arith.addi %add3A_167, %add3A_174 : i32
      %lt3A_176 = arith.cmpi slt, %add3A_175, %select_n3A_7 : i32
      %convert_element_type3A_177 = arith.extui %lt3A_176 : i1 to i32
      %cond3A_178 = arith.constant 0 : i32
      %cond3A_179 = arith.cmpi ne, %convert_element_type3A_177, %cond3A_178 : i32
      scf.if %cond3A_179 {
        %add3A_260 = arith.constant 1 : i32
        %add3A_261 = arith.addi %add3A_167, %add3A_260 : i32
        %add3A_262 = arith.addi %add3A, %add3A_261 : i32
        %dma_wait3A_263 = arith.constant 2 : i32
        %dma_wait3A_264 = arith.constant 0 : i32
        %dma_wait3A_265 = arith.constant 0 : i32
        %dma_wait3A_266 = tpu.memref_slice %arg6[%dma_wait3A_263, %dma_wait3A_264, %dma_wait3A_265] : memref<4x2x128xi32, #tpu.memory_space<vmem>> -> memref<1x2x128xi32, #tpu.memory_space<vmem>>
        %dma_wait3A_267 = tpu.memref_squeeze %dma_wait3A_266 : memref<1x2x128xi32, #tpu.memory_space<vmem>> -> memref<2x128xi32, #tpu.memory_space<vmem>>
        %dma_wait3A_268 = arith.constant 0 : i32
        %dma_wait3A_269 = arith.constant 0 : i32
        %dma_wait3A_270 = tpu.memref_slice %arg3[%add3A_262, %dma_wait3A_268, %dma_wait3A_269] : memref<2560x2x128xi32, #tpu.memory_space<hbm>> -> memref<1x2x128xi32, #tpu.memory_space<hbm>>
        %dma_wait3A_271 = tpu.memref_squeeze %dma_wait3A_270 : memref<1x2x128xi32, #tpu.memory_space<hbm>> -> memref<2x128xi32, #tpu.memory_space<hbm>>
        %dma_wait3A_272 = arith.constant 0 : i32
        %dma_wait3A_273 = arith.constant 0 : i32
        %dma_wait3A_274 = tpu.memref_slice %arg6[%dma_wait3A_263, %dma_wait3A_272, %dma_wait3A_273] : memref<4x2x128xi32, #tpu.memory_space<vmem>> -> memref<1x2x128xi32, #tpu.memory_space<vmem>>
        %dma_wait3A_275 = tpu.memref_squeeze %dma_wait3A_274 : memref<1x2x128xi32, #tpu.memory_space<vmem>> -> memref<2x128xi32, #tpu.memory_space<vmem>>
        %dma_wait3A_276 = arith.constant 0 : i32
        %dma_wait3A_277 = arith.constant 0 : i32
        %dma_wait3A_278 = tpu.memref_slice %arg3[%add3A_262, %dma_wait3A_276, %dma_wait3A_277] : memref<2560x2x128xi32, #tpu.memory_space<hbm>> -> memref<1x2x128xi32, #tpu.memory_space<hbm>>
        %dma_wait3A_279 = tpu.memref_squeeze %dma_wait3A_278 : memref<1x2x128xi32, #tpu.memory_space<hbm>> -> memref<2x128xi32, #tpu.memory_space<hbm>>
        tpu.wait_dma2 semaphore(%arg11 : memref<!tpu.dma_semaphore, #tpu.memory_space<semaphore_mem>>) src(%dma_wait3A_279 : memref<2x128xi32, #tpu.memory_space<hbm>>) dst(%dma_wait3A_275 : memref<2x128xi32, #tpu.memory_space<vmem>>)
        %dma_start3A_280 = arith.constant 2 : i32
        %dma_start3A_281 = arith.constant 0 : i32
        %dma_start3A_282 = arith.constant 0 : i32
        %dma_start3A_283 = arith.constant 0 : i32
        %dma_start3A_284 = arith.constant 0 : i32
        %dma_start3A_285 = tpu.memref_slice %arg7[%dma_start3A_282, %dma_start3A_283, %dma_start3A_284] : memref<2x128x128xf32, #tpu.memory_space<vmem>> -> memref<1x128x128xf32, #tpu.memory_space<vmem>>
        %dma_start3A_286 = tpu.memref_squeeze %dma_start3A_285 : memref<1x128x128xf32, #tpu.memory_space<vmem>> -> memref<128x128xf32, #tpu.memory_space<vmem>>
        %dma_start3A_287 = arith.constant 0 : i32
        %dma_start3A_288 = tpu.memref_slice %arg6[%dma_start3A_280, %dma_start3A_281, %dma_start3A_287] : memref<4x2x128xi32, #tpu.memory_space<vmem>> -> memref<1x1x128xi32, #tpu.memory_space<vmem>>
        %dma_start3A_289 = tpu.memref_squeeze %dma_start3A_288 : memref<1x1x128xi32, #tpu.memory_space<vmem>> -> memref<128xi32, #tpu.memory_space<vmem>>
        %dma_start3A_290 = arith.constant 0 : i32
        %dma_start3A_291 = arith.constant 0 : i32
        %dma_start3A_292 = tpu.memref_slice %arg2[%dma_start3A_290, %dma_start3A_291] : memref<10240x128xf32, #tpu.memory_space<hbm>> -> memref<10240x128xf32, #tpu.memory_space<hbm>>
        tpu.enqueue_indirect_dma source(%dma_start3A_292 : memref<10240x128xf32, #tpu.memory_space<hbm>>) target(%dma_start3A_286 : memref<128x128xf32, #tpu.memory_space<vmem>>) offsets(%dma_start3A_289 : memref<128xi32, #tpu.memory_space<vmem>>) semaphore(%arg13 : memref<!tpu.dma_semaphore, #tpu.memory_space<semaphore_mem>>)
      } else {
      }
      %dma_wait3A_180 = arith.constant 1 : i32
      %dma_wait3A_181 = arith.constant 0 : i32
      %dma_wait3A_182 = arith.constant 1 : i32
      %dma_wait3A_183 = arith.constant 0 : i32
      %dma_wait3A_184 = arith.constant 0 : i32
      %dma_wait3A_185 = tpu.memref_slice %arg7[%dma_wait3A_182, %dma_wait3A_183, %dma_wait3A_184] : memref<2x128x128xf32, #tpu.memory_space<vmem>> -> memref<1x128x128xf32, #tpu.memory_space<vmem>>
      %dma_wait3A_186 = tpu.memref_squeeze %dma_wait3A_185 : memref<1x128x128xf32, #tpu.memory_space<vmem>> -> memref<128x128xf32, #tpu.memory_space<vmem>>
      %dma_wait3A_187 = arith.constant 0 : i32
      %dma_wait3A_188 = tpu.memref_slice %arg6[%dma_wait3A_180, %dma_wait3A_181, %dma_wait3A_187] : memref<4x2x128xi32, #tpu.memory_space<vmem>> -> memref<1x1x128xi32, #tpu.memory_space<vmem>>
      %dma_wait3A_189 = tpu.memref_squeeze %dma_wait3A_188 : memref<1x1x128xi32, #tpu.memory_space<vmem>> -> memref<128xi32, #tpu.memory_space<vmem>>
      %dma_wait3A_190 = arith.constant 0 : i32
      %dma_wait3A_191 = arith.constant 0 : i32
      %dma_wait3A_192 = tpu.memref_slice %arg2[%dma_wait3A_190, %dma_wait3A_191] : memref<10240x128xf32, #tpu.memory_space<hbm>> -> memref<10240x128xf32, #tpu.memory_space<hbm>>
      tpu.wait_indirect_dma semaphore(%arg14 : memref<!tpu.dma_semaphore, #tpu.memory_space<semaphore_mem>>) src(%dma_wait3A_192 : memref<10240x128xf32, #tpu.memory_space<hbm>>) dst(%dma_wait3A_186 : memref<128x128xf32, #tpu.memory_space<vmem>>)
      %run_scoped3A_193 = arith.constant 1 : i32
      %run_scoped3A_194 = arith.constant 1 : i32
      %run_scoped3A_195 = arith.constant 1 : i32
      "tpu.region"() ({
        %run_scoped3A_260 = tpu.sem_alloc : memref<!tpu.dma_semaphore, #tpu.memory_space<semaphore_mem>>
        %dma_start3A_261 = arith.constant 0 : i32
        %dma_start3A_262 = arith.constant 0 : i32
        %dma_start3A_263 = tpu.memref_slice %arg7[%run_scoped3A_193, %dma_start3A_261, %dma_start3A_262] : memref<2x128x128xf32, #tpu.memory_space<vmem>> -> memref<1x128x128xf32, #tpu.memory_space<vmem>>
        %dma_start3A_264 = tpu.memref_squeeze %dma_start3A_263 : memref<1x128x128xf32, #tpu.memory_space<vmem>> -> memref<128x128xf32, #tpu.memory_space<vmem>>
        %dma_start3A_265 = arith.constant 0 : i32
        %dma_start3A_266 = tpu.memref_slice %arg6[%run_scoped3A_194, %run_scoped3A_195, %dma_start3A_265] : memref<4x2x128xi32, #tpu.memory_space<vmem>> -> memref<1x1x128xi32, #tpu.memory_space<vmem>>
        %dma_start3A_267 = tpu.memref_squeeze %dma_start3A_266 : memref<1x1x128xi32, #tpu.memory_space<vmem>> -> memref<128xi32, #tpu.memory_space<vmem>>
        %dma_start3A_268 = arith.constant 0 : i32
        %dma_start3A_269 = arith.constant 0 : i32
        %dma_start3A_270 = tpu.memref_slice %arg8[%dma_start3A_268, %dma_start3A_269] : memref<10240x128xf32, #tpu.memory_space<vmem_shared>> -> memref<10240x128xf32, #tpu.memory_space<vmem_shared>>
        tpu.enqueue_indirect_dma source(%dma_start3A_264 : memref<128x128xf32, #tpu.memory_space<vmem>>) target(%dma_start3A_270 : memref<10240x128xf32, #tpu.memory_space<vmem_shared>>) offsets(%dma_start3A_267 : memref<128xi32, #tpu.memory_space<vmem>>) semaphore(%run_scoped3A_260 : memref<!tpu.dma_semaphore, #tpu.memory_space<semaphore_mem>>) {add = true}
        %dma_wait3A_271 = arith.constant 0 : i32
        %dma_wait3A_272 = arith.constant 0 : i32
        %dma_wait3A_273 = tpu.memref_slice %arg7[%run_scoped3A_193, %dma_wait3A_271, %dma_wait3A_272] : memref<2x128x128xf32, #tpu.memory_space<vmem>> -> memref<1x128x128xf32, #tpu.memory_space<vmem>>
        %dma_wait3A_274 = tpu.memref_squeeze %dma_wait3A_273 : memref<1x128x128xf32, #tpu.memory_space<vmem>> -> memref<128x128xf32, #tpu.memory_space<vmem>>
        %dma_wait3A_275 = arith.constant 0 : i32
        %dma_wait3A_276 = tpu.memref_slice %arg6[%run_scoped3A_194, %run_scoped3A_195, %dma_wait3A_275] : memref<4x2x128xi32, #tpu.memory_space<vmem>> -> memref<1x1x128xi32, #tpu.memory_space<vmem>>
        %dma_wait3A_277 = tpu.memref_squeeze %dma_wait3A_276 : memref<1x1x128xi32, #tpu.memory_space<vmem>> -> memref<128xi32, #tpu.memory_space<vmem>>
        %dma_wait3A_278 = arith.constant 0 : i32
        %dma_wait3A_279 = arith.constant 0 : i32
        %dma_wait3A_280 = tpu.memref_slice %arg8[%dma_wait3A_278, %dma_wait3A_279] : memref<10240x128xf32, #tpu.memory_space<vmem_shared>> -> memref<10240x128xf32, #tpu.memory_space<vmem_shared>>
        tpu.wait_indirect_dma semaphore(%run_scoped3A_260 : memref<!tpu.dma_semaphore, #tpu.memory_space<semaphore_mem>>) src(%dma_wait3A_274 : memref<128x128xf32, #tpu.memory_space<vmem>>) dst(%dma_wait3A_280 : memref<10240x128xf32, #tpu.memory_space<vmem_shared>>)
        tpu.yield
      }) : () -> ()
      %mul3A_196 = arith.constant 4 : i32
      %mul3A_197 = arith.muli %while3A_134, %mul3A_196 : i32
      %add3A_198 = arith.constant 2 : i32
      %add3A_199 = arith.addi %mul3A_197, %add3A_198 : i32
      %add3A_200 = arith.constant 3 : i32
      %add3A_201 = arith.addi %add3A_199, %add3A_200 : i32
      %lt3A_202 = arith.cmpi slt, %add3A_201, %select_n3A_7 : i32
      %convert_element_type3A_203 = arith.extui %lt3A_202 : i1 to i32
      %cond3A_204 = arith.constant 0 : i32
      %cond3A_205 = arith.cmpi ne, %convert_element_type3A_203, %cond3A_204 : i32
      scf.if %cond3A_205 {
        %add3A_260 = arith.constant 3 : i32
        %add3A_261 = arith.addi %add3A_199, %add3A_260 : i32
        %add3A_262 = arith.addi %add3A, %add3A_261 : i32
        %dma_start3A_263 = arith.constant 1 : i32
        %dma_start3A_264 = arith.constant 0 : i32
        %dma_start3A_265 = arith.constant 0 : i32
        %dma_start3A_266 = tpu.memref_slice %arg6[%dma_start3A_263, %dma_start3A_264, %dma_start3A_265] : memref<4x2x128xi32, #tpu.memory_space<vmem>> -> memref<1x2x128xi32, #tpu.memory_space<vmem>>
        %dma_start3A_267 = tpu.memref_squeeze %dma_start3A_266 : memref<1x2x128xi32, #tpu.memory_space<vmem>> -> memref<2x128xi32, #tpu.memory_space<vmem>>
        %dma_start3A_268 = arith.constant 0 : i32
        %dma_start3A_269 = arith.constant 0 : i32
        %dma_start3A_270 = tpu.memref_slice %arg3[%add3A_262, %dma_start3A_268, %dma_start3A_269] : memref<2560x2x128xi32, #tpu.memory_space<hbm>> -> memref<1x2x128xi32, #tpu.memory_space<hbm>>
        %dma_start3A_271 = tpu.memref_squeeze %dma_start3A_270 : memref<1x2x128xi32, #tpu.memory_space<hbm>> -> memref<2x128xi32, #tpu.memory_space<hbm>>
        %dma_start3A_272 = arith.constant 0 : i32
        %dma_start3A_273 = arith.constant 0 : i32
        %dma_start3A_274 = tpu.memref_slice %arg6[%dma_start3A_263, %dma_start3A_272, %dma_start3A_273] : memref<4x2x128xi32, #tpu.memory_space<vmem>> -> memref<1x2x128xi32, #tpu.memory_space<vmem>>
        %dma_start3A_275 = tpu.memref_squeeze %dma_start3A_274 : memref<1x2x128xi32, #tpu.memory_space<vmem>> -> memref<2x128xi32, #tpu.memory_space<vmem>>
        %dma_start3A_276 = arith.constant 0 : i32
        %dma_start3A_277 = arith.constant 0 : i32
        %dma_start3A_278 = tpu.memref_slice %arg3[%add3A_262, %dma_start3A_276, %dma_start3A_277] : memref<2560x2x128xi32, #tpu.memory_space<hbm>> -> memref<1x2x128xi32, #tpu.memory_space<hbm>>
        %dma_start3A_279 = tpu.memref_squeeze %dma_start3A_278 : memref<1x2x128xi32, #tpu.memory_space<hbm>> -> memref<2x128xi32, #tpu.memory_space<hbm>>
        tpu.enqueue_dma source(%dma_start3A_279 : memref<2x128xi32, #tpu.memory_space<hbm>>) target(%dma_start3A_275 : memref<2x128xi32, #tpu.memory_space<vmem>>) target_semaphore(%arg10 : memref<!tpu.dma_semaphore, #tpu.memory_space<semaphore_mem>>)
      } else {
      }
      %add3A_206 = arith.constant 1 : i32
      %add3A_207 = arith.addi %add3A_199, %add3A_206 : i32
      %lt3A_208 = arith.cmpi slt, %add3A_207, %select_n3A_7 : i32
      %convert_element_type3A_209 = arith.extui %lt3A_208 : i1 to i32
      %cond3A_210 = arith.constant 0 : i32
      %cond3A_211 = arith.cmpi ne, %convert_element_type3A_209, %cond3A_210 : i32
      scf.if %cond3A_211 {
        %add3A_260 = arith.constant 1 : i32
        %add3A_261 = arith.addi %add3A_199, %add3A_260 : i32
        %add3A_262 = arith.addi %add3A, %add3A_261 : i32
        %dma_wait3A_263 = arith.constant 3 : i32
        %dma_wait3A_264 = arith.constant 0 : i32
        %dma_wait3A_265 = arith.constant 0 : i32
        %dma_wait3A_266 = tpu.memref_slice %arg6[%dma_wait3A_263, %dma_wait3A_264, %dma_wait3A_265] : memref<4x2x128xi32, #tpu.memory_space<vmem>> -> memref<1x2x128xi32, #tpu.memory_space<vmem>>
        %dma_wait3A_267 = tpu.memref_squeeze %dma_wait3A_266 : memref<1x2x128xi32, #tpu.memory_space<vmem>> -> memref<2x128xi32, #tpu.memory_space<vmem>>
        %dma_wait3A_268 = arith.constant 0 : i32
        %dma_wait3A_269 = arith.constant 0 : i32
        %dma_wait3A_270 = tpu.memref_slice %arg3[%add3A_262, %dma_wait3A_268, %dma_wait3A_269] : memref<2560x2x128xi32, #tpu.memory_space<hbm>> -> memref<1x2x128xi32, #tpu.memory_space<hbm>>
        %dma_wait3A_271 = tpu.memref_squeeze %dma_wait3A_270 : memref<1x2x128xi32, #tpu.memory_space<hbm>> -> memref<2x128xi32, #tpu.memory_space<hbm>>
        %dma_wait3A_272 = arith.constant 0 : i32
        %dma_wait3A_273 = arith.constant 0 : i32
        %dma_wait3A_274 = tpu.memref_slice %arg6[%dma_wait3A_263, %dma_wait3A_272, %dma_wait3A_273] : memref<4x2x128xi32, #tpu.memory_space<vmem>> -> memref<1x2x128xi32, #tpu.memory_space<vmem>>
        %dma_wait3A_275 = tpu.memref_squeeze %dma_wait3A_274 : memref<1x2x128xi32, #tpu.memory_space<vmem>> -> memref<2x128xi32, #tpu.memory_space<vmem>>
        %dma_wait3A_276 = arith.constant 0 : i32
        %dma_wait3A_277 = arith.constant 0 : i32
        %dma_wait3A_278 = tpu.memref_slice %arg3[%add3A_262, %dma_wait3A_276, %dma_wait3A_277] : memref<2560x2x128xi32, #tpu.memory_space<hbm>> -> memref<1x2x128xi32, #tpu.memory_space<hbm>>
        %dma_wait3A_279 = tpu.memref_squeeze %dma_wait3A_278 : memref<1x2x128xi32, #tpu.memory_space<hbm>> -> memref<2x128xi32, #tpu.memory_space<hbm>>
        tpu.wait_dma2 semaphore(%arg12 : memref<!tpu.dma_semaphore, #tpu.memory_space<semaphore_mem>>) src(%dma_wait3A_279 : memref<2x128xi32, #tpu.memory_space<hbm>>) dst(%dma_wait3A_275 : memref<2x128xi32, #tpu.memory_space<vmem>>)
        %dma_start3A_280 = arith.constant 3 : i32
        %dma_start3A_281 = arith.constant 0 : i32
        %dma_start3A_282 = arith.constant 1 : i32
        %dma_start3A_283 = arith.constant 0 : i32
        %dma_start3A_284 = arith.constant 0 : i32
        %dma_start3A_285 = tpu.memref_slice %arg7[%dma_start3A_282, %dma_start3A_283, %dma_start3A_284] : memref<2x128x128xf32, #tpu.memory_space<vmem>> -> memref<1x128x128xf32, #tpu.memory_space<vmem>>
        %dma_start3A_286 = tpu.memref_squeeze %dma_start3A_285 : memref<1x128x128xf32, #tpu.memory_space<vmem>> -> memref<128x128xf32, #tpu.memory_space<vmem>>
        %dma_start3A_287 = arith.constant 0 : i32
        %dma_start3A_288 = tpu.memref_slice %arg6[%dma_start3A_280, %dma_start3A_281, %dma_start3A_287] : memref<4x2x128xi32, #tpu.memory_space<vmem>> -> memref<1x1x128xi32, #tpu.memory_space<vmem>>
        %dma_start3A_289 = tpu.memref_squeeze %dma_start3A_288 : memref<1x1x128xi32, #tpu.memory_space<vmem>> -> memref<128xi32, #tpu.memory_space<vmem>>
        %dma_start3A_290 = arith.constant 0 : i32
        %dma_start3A_291 = arith.constant 0 : i32
        %dma_start3A_292 = tpu.memref_slice %arg2[%dma_start3A_290, %dma_start3A_291] : memref<10240x128xf32, #tpu.memory_space<hbm>> -> memref<10240x128xf32, #tpu.memory_space<hbm>>
        tpu.enqueue_indirect_dma source(%dma_start3A_292 : memref<10240x128xf32, #tpu.memory_space<hbm>>) target(%dma_start3A_286 : memref<128x128xf32, #tpu.memory_space<vmem>>) offsets(%dma_start3A_289 : memref<128xi32, #tpu.memory_space<vmem>>) semaphore(%arg14 : memref<!tpu.dma_semaphore, #tpu.memory_space<semaphore_mem>>)
      } else {
      }
      %dma_wait3A_212 = arith.constant 2 : i32
      %dma_wait3A_213 = arith.constant 0 : i32
      %dma_wait3A_214 = arith.constant 0 : i32
      %dma_wait3A_215 = arith.constant 0 : i32
      %dma_wait3A_216 = arith.constant 0 : i32
      %dma_wait3A_217 = tpu.memref_slice %arg7[%dma_wait3A_214, %dma_wait3A_215, %dma_wait3A_216] : memref<2x128x128xf32, #tpu.memory_space<vmem>> -> memref<1x128x128xf32, #tpu.memory_space<vmem>>
      %dma_wait3A_218 = tpu.memref_squeeze %dma_wait3A_217 : memref<1x128x128xf32, #tpu.memory_space<vmem>> -> memref<128x128xf32, #tpu.memory_space<vmem>>
      %dma_wait3A_219 = arith.constant 0 : i32
      %dma_wait3A_220 = tpu.memref_slice %arg6[%dma_wait3A_212, %dma_wait3A_213, %dma_wait3A_219] : memref<4x2x128xi32, #tpu.memory_space<vmem>> -> memref<1x1x128xi32, #tpu.memory_space<vmem>>
      %dma_wait3A_221 = tpu.memref_squeeze %dma_wait3A_220 : memref<1x1x128xi32, #tpu.memory_space<vmem>> -> memref<128xi32, #tpu.memory_space<vmem>>
      %dma_wait3A_222 = arith.constant 0 : i32
      %dma_wait3A_223 = arith.constant 0 : i32
      %dma_wait3A_224 = tpu.memref_slice %arg2[%dma_wait3A_222, %dma_wait3A_223] : memref<10240x128xf32, #tpu.memory_space<hbm>> -> memref<10240x128xf32, #tpu.memory_space<hbm>>
      tpu.wait_indirect_dma semaphore(%arg13 : memref<!tpu.dma_semaphore, #tpu.memory_space<semaphore_mem>>) src(%dma_wait3A_224 : memref<10240x128xf32, #tpu.memory_space<hbm>>) dst(%dma_wait3A_218 : memref<128x128xf32, #tpu.memory_space<vmem>>)
      %run_scoped3A_225 = arith.constant 0 : i32
      %run_scoped3A_226 = arith.constant 2 : i32
      %run_scoped3A_227 = arith.constant 1 : i32
      "tpu.region"() ({
        %run_scoped3A_260 = tpu.sem_alloc : memref<!tpu.dma_semaphore, #tpu.memory_space<semaphore_mem>>
        %dma_start3A_261 = arith.constant 0 : i32
        %dma_start3A_262 = arith.constant 0 : i32
        %dma_start3A_263 = tpu.memref_slice %arg7[%run_scoped3A_225, %dma_start3A_261, %dma_start3A_262] : memref<2x128x128xf32, #tpu.memory_space<vmem>> -> memref<1x128x128xf32, #tpu.memory_space<vmem>>
        %dma_start3A_264 = tpu.memref_squeeze %dma_start3A_263 : memref<1x128x128xf32, #tpu.memory_space<vmem>> -> memref<128x128xf32, #tpu.memory_space<vmem>>
        %dma_start3A_265 = arith.constant 0 : i32
        %dma_start3A_266 = tpu.memref_slice %arg6[%run_scoped3A_226, %run_scoped3A_227, %dma_start3A_265] : memref<4x2x128xi32, #tpu.memory_space<vmem>> -> memref<1x1x128xi32, #tpu.memory_space<vmem>>
        %dma_start3A_267 = tpu.memref_squeeze %dma_start3A_266 : memref<1x1x128xi32, #tpu.memory_space<vmem>> -> memref<128xi32, #tpu.memory_space<vmem>>
        %dma_start3A_268 = arith.constant 0 : i32
        %dma_start3A_269 = arith.constant 0 : i32
        %dma_start3A_270 = tpu.memref_slice %arg8[%dma_start3A_268, %dma_start3A_269] : memref<10240x128xf32, #tpu.memory_space<vmem_shared>> -> memref<10240x128xf32, #tpu.memory_space<vmem_shared>>
        tpu.enqueue_indirect_dma source(%dma_start3A_264 : memref<128x128xf32, #tpu.memory_space<vmem>>) target(%dma_start3A_270 : memref<10240x128xf32, #tpu.memory_space<vmem_shared>>) offsets(%dma_start3A_267 : memref<128xi32, #tpu.memory_space<vmem>>) semaphore(%run_scoped3A_260 : memref<!tpu.dma_semaphore, #tpu.memory_space<semaphore_mem>>) {add = true}
        %dma_wait3A_271 = arith.constant 0 : i32
        %dma_wait3A_272 = arith.constant 0 : i32
        %dma_wait3A_273 = tpu.memref_slice %arg7[%run_scoped3A_225, %dma_wait3A_271, %dma_wait3A_272] : memref<2x128x128xf32, #tpu.memory_space<vmem>> -> memref<1x128x128xf32, #tpu.memory_space<vmem>>
        %dma_wait3A_274 = tpu.memref_squeeze %dma_wait3A_273 : memref<1x128x128xf32, #tpu.memory_space<vmem>> -> memref<128x128xf32, #tpu.memory_space<vmem>>
        %dma_wait3A_275 = arith.constant 0 : i32
        %dma_wait3A_276 = tpu.memref_slice %arg6[%run_scoped3A_226, %run_scoped3A_227, %dma_wait3A_275] : memref<4x2x128xi32, #tpu.memory_space<vmem>> -> memref<1x1x128xi32, #tpu.memory_space<vmem>>
        %dma_wait3A_277 = tpu.memref_squeeze %dma_wait3A_276 : memref<1x1x128xi32, #tpu.memory_space<vmem>> -> memref<128xi32, #tpu.memory_space<vmem>>
        %dma_wait3A_278 = arith.constant 0 : i32
        %dma_wait3A_279 = arith.constant 0 : i32
        %dma_wait3A_280 = tpu.memref_slice %arg8[%dma_wait3A_278, %dma_wait3A_279] : memref<10240x128xf32, #tpu.memory_space<vmem_shared>> -> memref<10240x128xf32, #tpu.memory_space<vmem_shared>>
        tpu.wait_indirect_dma semaphore(%run_scoped3A_260 : memref<!tpu.dma_semaphore, #tpu.memory_space<semaphore_mem>>) src(%dma_wait3A_274 : memref<128x128xf32, #tpu.memory_space<vmem>>) dst(%dma_wait3A_280 : memref<10240x128xf32, #tpu.memory_space<vmem_shared>>)
        tpu.yield
      }) : () -> ()
      %mul3A_228 = arith.constant 4 : i32
      %mul3A_229 = arith.muli %while3A_134, %mul3A_228 : i32
      %add3A_230 = arith.constant 3 : i32
      %add3A_231 = arith.addi %mul3A_229, %add3A_230 : i32
      %add3A_232 = arith.constant 3 : i32
      %add3A_233 = arith.addi %add3A_231, %add3A_232 : i32
      %lt3A_234 = arith.cmpi slt, %add3A_233, %select_n3A_7 : i32
      %convert_element_type3A_235 = arith.extui %lt3A_234 : i1 to i32
      %cond3A_236 = arith.constant 0 : i32
      %cond3A_237 = arith.cmpi ne, %convert_element_type3A_235, %cond3A_236 : i32
      scf.if %cond3A_237 {
        %add3A_260 = arith.constant 3 : i32
        %add3A_261 = arith.addi %add3A_231, %add3A_260 : i32
        %add3A_262 = arith.addi %add3A, %add3A_261 : i32
        %dma_start3A_263 = arith.constant 2 : i32
        %dma_start3A_264 = arith.constant 0 : i32
        %dma_start3A_265 = arith.constant 0 : i32
        %dma_start3A_266 = tpu.memref_slice %arg6[%dma_start3A_263, %dma_start3A_264, %dma_start3A_265] : memref<4x2x128xi32, #tpu.memory_space<vmem>> -> memref<1x2x128xi32, #tpu.memory_space<vmem>>
        %dma_start3A_267 = tpu.memref_squeeze %dma_start3A_266 : memref<1x2x128xi32, #tpu.memory_space<vmem>> -> memref<2x128xi32, #tpu.memory_space<vmem>>
        %dma_start3A_268 = arith.constant 0 : i32
        %dma_start3A_269 = arith.constant 0 : i32
        %dma_start3A_270 = tpu.memref_slice %arg3[%add3A_262, %dma_start3A_268, %dma_start3A_269] : memref<2560x2x128xi32, #tpu.memory_space<hbm>> -> memref<1x2x128xi32, #tpu.memory_space<hbm>>
        %dma_start3A_271 = tpu.memref_squeeze %dma_start3A_270 : memref<1x2x128xi32, #tpu.memory_space<hbm>> -> memref<2x128xi32, #tpu.memory_space<hbm>>
        %dma_start3A_272 = arith.constant 0 : i32
        %dma_start3A_273 = arith.constant 0 : i32
        %dma_start3A_274 = tpu.memref_slice %arg6[%dma_start3A_263, %dma_start3A_272, %dma_start3A_273] : memref<4x2x128xi32, #tpu.memory_space<vmem>> -> memref<1x2x128xi32, #tpu.memory_space<vmem>>
        %dma_start3A_275 = tpu.memref_squeeze %dma_start3A_274 : memref<1x2x128xi32, #tpu.memory_space<vmem>> -> memref<2x128xi32, #tpu.memory_space<vmem>>
        %dma_start3A_276 = arith.constant 0 : i32
        %dma_start3A_277 = arith.constant 0 : i32
        %dma_start3A_278 = tpu.memref_slice %arg3[%add3A_262, %dma_start3A_276, %dma_start3A_277] : memref<2560x2x128xi32, #tpu.memory_space<hbm>> -> memref<1x2x128xi32, #tpu.memory_space<hbm>>
        %dma_start3A_279 = tpu.memref_squeeze %dma_start3A_278 : memref<1x2x128xi32, #tpu.memory_space<hbm>> -> memref<2x128xi32, #tpu.memory_space<hbm>>
        tpu.enqueue_dma source(%dma_start3A_279 : memref<2x128xi32, #tpu.memory_space<hbm>>) target(%dma_start3A_275 : memref<2x128xi32, #tpu.memory_space<vmem>>) target_semaphore(%arg11 : memref<!tpu.dma_semaphore, #tpu.memory_space<semaphore_mem>>)
      } else {
      }
      %add3A_238 = arith.constant 1 : i32
      %add3A_239 = arith.addi %add3A_231, %add3A_238 : i32
      %lt3A_240 = arith.cmpi slt, %add3A_239, %select_n3A_7 : i32
      %convert_element_type3A_241 = arith.extui %lt3A_240 : i1 to i32
      %cond3A_242 = arith.constant 0 : i32
      %cond3A_243 = arith.cmpi ne, %convert_element_type3A_241, %cond3A_242 : i32
      scf.if %cond3A_243 {
        %add3A_260 = arith.constant 1 : i32
        %add3A_261 = arith.addi %add3A_231, %add3A_260 : i32
        %add3A_262 = arith.addi %add3A, %add3A_261 : i32
        %dma_wait3A_263 = arith.constant 0 : i32
        %dma_wait3A_264 = arith.constant 0 : i32
        %dma_wait3A_265 = arith.constant 0 : i32
        %dma_wait3A_266 = tpu.memref_slice %arg6[%dma_wait3A_263, %dma_wait3A_264, %dma_wait3A_265] : memref<4x2x128xi32, #tpu.memory_space<vmem>> -> memref<1x2x128xi32, #tpu.memory_space<vmem>>
        %dma_wait3A_267 = tpu.memref_squeeze %dma_wait3A_266 : memref<1x2x128xi32, #tpu.memory_space<vmem>> -> memref<2x128xi32, #tpu.memory_space<vmem>>
        %dma_wait3A_268 = arith.constant 0 : i32
        %dma_wait3A_269 = arith.constant 0 : i32
        %dma_wait3A_270 = tpu.memref_slice %arg3[%add3A_262, %dma_wait3A_268, %dma_wait3A_269] : memref<2560x2x128xi32, #tpu.memory_space<hbm>> -> memref<1x2x128xi32, #tpu.memory_space<hbm>>
        %dma_wait3A_271 = tpu.memref_squeeze %dma_wait3A_270 : memref<1x2x128xi32, #tpu.memory_space<hbm>> -> memref<2x128xi32, #tpu.memory_space<hbm>>
        %dma_wait3A_272 = arith.constant 0 : i32
        %dma_wait3A_273 = arith.constant 0 : i32
        %dma_wait3A_274 = tpu.memref_slice %arg6[%dma_wait3A_263, %dma_wait3A_272, %dma_wait3A_273] : memref<4x2x128xi32, #tpu.memory_space<vmem>> -> memref<1x2x128xi32, #tpu.memory_space<vmem>>
        %dma_wait3A_275 = tpu.memref_squeeze %dma_wait3A_274 : memref<1x2x128xi32, #tpu.memory_space<vmem>> -> memref<2x128xi32, #tpu.memory_space<vmem>>
        %dma_wait3A_276 = arith.constant 0 : i32
        %dma_wait3A_277 = arith.constant 0 : i32
        %dma_wait3A_278 = tpu.memref_slice %arg3[%add3A_262, %dma_wait3A_276, %dma_wait3A_277] : memref<2560x2x128xi32, #tpu.memory_space<hbm>> -> memref<1x2x128xi32, #tpu.memory_space<hbm>>
        %dma_wait3A_279 = tpu.memref_squeeze %dma_wait3A_278 : memref<1x2x128xi32, #tpu.memory_space<hbm>> -> memref<2x128xi32, #tpu.memory_space<hbm>>
        tpu.wait_dma2 semaphore(%arg9 : memref<!tpu.dma_semaphore, #tpu.memory_space<semaphore_mem>>) src(%dma_wait3A_279 : memref<2x128xi32, #tpu.memory_space<hbm>>) dst(%dma_wait3A_275 : memref<2x128xi32, #tpu.memory_space<vmem>>)
        %dma_start3A_280 = arith.constant 0 : i32
        %dma_start3A_281 = arith.constant 0 : i32
        %dma_start3A_282 = arith.constant 0 : i32
        %dma_start3A_283 = arith.constant 0 : i32
        %dma_start3A_284 = arith.constant 0 : i32
        %dma_start3A_285 = tpu.memref_slice %arg7[%dma_start3A_282, %dma_start3A_283, %dma_start3A_284] : memref<2x128x128xf32, #tpu.memory_space<vmem>> -> memref<1x128x128xf32, #tpu.memory_space<vmem>>
        %dma_start3A_286 = tpu.memref_squeeze %dma_start3A_285 : memref<1x128x128xf32, #tpu.memory_space<vmem>> -> memref<128x128xf32, #tpu.memory_space<vmem>>
        %dma_start3A_287 = arith.constant 0 : i32
        %dma_start3A_288 = tpu.memref_slice %arg6[%dma_start3A_280, %dma_start3A_281, %dma_start3A_287] : memref<4x2x128xi32, #tpu.memory_space<vmem>> -> memref<1x1x128xi32, #tpu.memory_space<vmem>>
        %dma_start3A_289 = tpu.memref_squeeze %dma_start3A_288 : memref<1x1x128xi32, #tpu.memory_space<vmem>> -> memref<128xi32, #tpu.memory_space<vmem>>
        %dma_start3A_290 = arith.constant 0 : i32
        %dma_start3A_291 = arith.constant 0 : i32
        %dma_start3A_292 = tpu.memref_slice %arg2[%dma_start3A_290, %dma_start3A_291] : memref<10240x128xf32, #tpu.memory_space<hbm>> -> memref<10240x128xf32, #tpu.memory_space<hbm>>
        tpu.enqueue_indirect_dma source(%dma_start3A_292 : memref<10240x128xf32, #tpu.memory_space<hbm>>) target(%dma_start3A_286 : memref<128x128xf32, #tpu.memory_space<vmem>>) offsets(%dma_start3A_289 : memref<128xi32, #tpu.memory_space<vmem>>) semaphore(%arg13 : memref<!tpu.dma_semaphore, #tpu.memory_space<semaphore_mem>>)
      } else {
      }
      %dma_wait3A_244 = arith.constant 3 : i32
      %dma_wait3A_245 = arith.constant 0 : i32
      %dma_wait3A_246 = arith.constant 1 : i32
      %dma_wait3A_247 = arith.constant 0 : i32
      %dma_wait3A_248 = arith.constant 0 : i32
      %dma_wait3A_249 = tpu.memref_slice %arg7[%dma_wait3A_246, %dma_wait3A_247, %dma_wait3A_248] : memref<2x128x128xf32, #tpu.memory_space<vmem>> -> memref<1x128x128xf32, #tpu.memory_space<vmem>>
      %dma_wait3A_250 = tpu.memref_squeeze %dma_wait3A_249 : memref<1x128x128xf32, #tpu.memory_space<vmem>> -> memref<128x128xf32, #tpu.memory_space<vmem>>
      %dma_wait3A_251 = arith.constant 0 : i32
      %dma_wait3A_252 = tpu.memref_slice %arg6[%dma_wait3A_244, %dma_wait3A_245, %dma_wait3A_251] : memref<4x2x128xi32, #tpu.memory_space<vmem>> -> memref<1x1x128xi32, #tpu.memory_space<vmem>>
      %dma_wait3A_253 = tpu.memref_squeeze %dma_wait3A_252 : memref<1x1x128xi32, #tpu.memory_space<vmem>> -> memref<128xi32, #tpu.memory_space<vmem>>
      %dma_wait3A_254 = arith.constant 0 : i32
      %dma_wait3A_255 = arith.constant 0 : i32
      %dma_wait3A_256 = tpu.memref_slice %arg2[%dma_wait3A_254, %dma_wait3A_255] : memref<10240x128xf32, #tpu.memory_space<hbm>> -> memref<10240x128xf32, #tpu.memory_space<hbm>>
      tpu.wait_indirect_dma semaphore(%arg14 : memref<!tpu.dma_semaphore, #tpu.memory_space<semaphore_mem>>) src(%dma_wait3A_256 : memref<10240x128xf32, #tpu.memory_space<hbm>>) dst(%dma_wait3A_250 : memref<128x128xf32, #tpu.memory_space<vmem>>)
      %run_scoped3A_257 = arith.constant 1 : i32
      %run_scoped3A_258 = arith.constant 3 : i32
      %run_scoped3A_259 = arith.constant 1 : i32
      "tpu.region"() ({
        %run_scoped3A_260 = tpu.sem_alloc : memref<!tpu.dma_semaphore, #tpu.memory_space<semaphore_mem>>
        %dma_start3A_261 = arith.constant 0 : i32
        %dma_start3A_262 = arith.constant 0 : i32
        %dma_start3A_263 = tpu.memref_slice %arg7[%run_scoped3A_257, %dma_start3A_261, %dma_start3A_262] : memref<2x128x128xf32, #tpu.memory_space<vmem>> -> memref<1x128x128xf32, #tpu.memory_space<vmem>>
        %dma_start3A_264 = tpu.memref_squeeze %dma_start3A_263 : memref<1x128x128xf32, #tpu.memory_space<vmem>> -> memref<128x128xf32, #tpu.memory_space<vmem>>
        %dma_start3A_265 = arith.constant 0 : i32
        %dma_start3A_266 = tpu.memref_slice %arg6[%run_scoped3A_258, %run_scoped3A_259, %dma_start3A_265] : memref<4x2x128xi32, #tpu.memory_space<vmem>> -> memref<1x1x128xi32, #tpu.memory_space<vmem>>
        %dma_start3A_267 = tpu.memref_squeeze %dma_start3A_266 : memref<1x1x128xi32, #tpu.memory_space<vmem>> -> memref<128xi32, #tpu.memory_space<vmem>>
        %dma_start3A_268 = arith.constant 0 : i32
        %dma_start3A_269 = arith.constant 0 : i32
        %dma_start3A_270 = tpu.memref_slice %arg8[%dma_start3A_268, %dma_start3A_269] : memref<10240x128xf32, #tpu.memory_space<vmem_shared>> -> memref<10240x128xf32, #tpu.memory_space<vmem_shared>>
        tpu.enqueue_indirect_dma source(%dma_start3A_264 : memref<128x128xf32, #tpu.memory_space<vmem>>) target(%dma_start3A_270 : memref<10240x128xf32, #tpu.memory_space<vmem_shared>>) offsets(%dma_start3A_267 : memref<128xi32, #tpu.memory_space<vmem>>) semaphore(%run_scoped3A_260 : memref<!tpu.dma_semaphore, #tpu.memory_space<semaphore_mem>>) {add = true}
        %dma_wait3A_271 = arith.constant 0 : i32
        %dma_wait3A_272 = arith.constant 0 : i32
        %dma_wait3A_273 = tpu.memref_slice %arg7[%run_scoped3A_257, %dma_wait3A_271, %dma_wait3A_272] : memref<2x128x128xf32, #tpu.memory_space<vmem>> -> memref<1x128x128xf32, #tpu.memory_space<vmem>>
        %dma_wait3A_274 = tpu.memref_squeeze %dma_wait3A_273 : memref<1x128x128xf32, #tpu.memory_space<vmem>> -> memref<128x128xf32, #tpu.memory_space<vmem>>
        %dma_wait3A_275 = arith.constant 0 : i32
        %dma_wait3A_276 = tpu.memref_slice %arg6[%run_scoped3A_258, %run_scoped3A_259, %dma_wait3A_275] : memref<4x2x128xi32, #tpu.memory_space<vmem>> -> memref<1x1x128xi32, #tpu.memory_space<vmem>>
        %dma_wait3A_277 = tpu.memref_squeeze %dma_wait3A_276 : memref<1x1x128xi32, #tpu.memory_space<vmem>> -> memref<128xi32, #tpu.memory_space<vmem>>
        %dma_wait3A_278 = arith.constant 0 : i32
        %dma_wait3A_279 = arith.constant 0 : i32
        %dma_wait3A_280 = tpu.memref_slice %arg8[%dma_wait3A_278, %dma_wait3A_279] : memref<10240x128xf32, #tpu.memory_space<vmem_shared>> -> memref<10240x128xf32, #tpu.memory_space<vmem_shared>>
        tpu.wait_indirect_dma semaphore(%run_scoped3A_260 : memref<!tpu.dma_semaphore, #tpu.memory_space<semaphore_mem>>) src(%dma_wait3A_274 : memref<128x128xf32, #tpu.memory_space<vmem>>) dst(%dma_wait3A_280 : memref<10240x128xf32, #tpu.memory_space<vmem_shared>>)
        tpu.yield
      }) : () -> ()
    }
    %barrier3A_127 = arith.constant 0 : index
    tpu.barrier barrier_id(%barrier3A_127)
    %scan3A_128 = arith.constant 0 : i32
    %scan3A_129 = arith.constant 0 : i32
    %scan3A_130 = arith.constant 5 : i32
    %scan3A_131 = arith.addi %scan3A_129, %scan3A_130 : i32
    %scan3A_132 = arith.constant 1 : i32
    scf.for %scan3A_134 = %scan3A_129 to %scan3A_131 step %scan3A_132  : i32 {
      %mul3A_135 = arith.constant 640 : i32
      %mul3A_136 = arith.muli %arg1, %mul3A_135 : i32
      %mul3A_137 = arith.constant 128 : i32
      %mul3A_138 = arith.muli %scan3A_134, %mul3A_137 : i32
      %add3A_139 = arith.addi %mul3A_136, %mul3A_138 : i32
      %run_scoped3A_140 = arith.constant 0 : i32
      "tpu.region"() ({
        %run_scoped3A_145 = tpu.sem_alloc : memref<!tpu.dma_semaphore, #tpu.memory_space<semaphore_mem>>
        %dma_start3A_146 = arith.constant 0 : i32
        %dma_start3A_147 = arith.constant 0 : i32
        %dma_start3A_148 = tpu.memref_slice %arg7[%run_scoped3A_140, %dma_start3A_146, %dma_start3A_147] : memref<2x128x128xf32, #tpu.memory_space<vmem>> -> memref<1x128x128xf32, #tpu.memory_space<vmem>>
        %dma_start3A_149 = tpu.memref_squeeze %dma_start3A_148 : memref<1x128x128xf32, #tpu.memory_space<vmem>> -> memref<128x128xf32, #tpu.memory_space<vmem>>
        %dma_start3A_150 = arith.constant 0 : i32
        %dma_start3A_151 = tpu.memref_slice %arg8[%add3A_139, %dma_start3A_150] : memref<10240x128xf32, #tpu.memory_space<vmem_shared>> -> memref<128x128xf32, #tpu.memory_space<vmem_shared>>
        %dma_start3A_152 = arith.constant 0 : i32
        %dma_start3A_153 = arith.constant 0 : i32
        %dma_start3A_154 = tpu.memref_slice %arg7[%run_scoped3A_140, %dma_start3A_152, %dma_start3A_153] : memref<2x128x128xf32, #tpu.memory_space<vmem>> -> memref<1x128x128xf32, #tpu.memory_space<vmem>>
        %dma_start3A_155 = tpu.memref_squeeze %dma_start3A_154 : memref<1x128x128xf32, #tpu.memory_space<vmem>> -> memref<128x128xf32, #tpu.memory_space<vmem>>
        %dma_start3A_156 = arith.constant 0 : i32
        %dma_start3A_157 = tpu.memref_slice %arg8[%add3A_139, %dma_start3A_156] : memref<10240x128xf32, #tpu.memory_space<vmem_shared>> -> memref<128x128xf32, #tpu.memory_space<vmem_shared>>
        tpu.enqueue_dma source(%dma_start3A_157 : memref<128x128xf32, #tpu.memory_space<vmem_shared>>) target(%dma_start3A_155 : memref<128x128xf32, #tpu.memory_space<vmem>>) target_semaphore(%run_scoped3A_145 : memref<!tpu.dma_semaphore, #tpu.memory_space<semaphore_mem>>)
        %dma_wait3A_158 = arith.constant 0 : i32
        %dma_wait3A_159 = arith.constant 0 : i32
        %dma_wait3A_160 = tpu.memref_slice %arg7[%run_scoped3A_140, %dma_wait3A_158, %dma_wait3A_159] : memref<2x128x128xf32, #tpu.memory_space<vmem>> -> memref<1x128x128xf32, #tpu.memory_space<vmem>>
        %dma_wait3A_161 = tpu.memref_squeeze %dma_wait3A_160 : memref<1x128x128xf32, #tpu.memory_space<vmem>> -> memref<128x128xf32, #tpu.memory_space<vmem>>
        %dma_wait3A_162 = arith.constant 0 : i32
        %dma_wait3A_163 = tpu.memref_slice %arg8[%add3A_139, %dma_wait3A_162] : memref<10240x128xf32, #tpu.memory_space<vmem_shared>> -> memref<128x128xf32, #tpu.memory_space<vmem_shared>>
        %dma_wait3A_164 = arith.constant 0 : i32
        %dma_wait3A_165 = arith.constant 0 : i32
        %dma_wait3A_166 = tpu.memref_slice %arg7[%run_scoped3A_140, %dma_wait3A_164, %dma_wait3A_165] : memref<2x128x128xf32, #tpu.memory_space<vmem>> -> memref<1x128x128xf32, #tpu.memory_space<vmem>>
        %dma_wait3A_167 = tpu.memref_squeeze %dma_wait3A_166 : memref<1x128x128xf32, #tpu.memory_space<vmem>> -> memref<128x128xf32, #tpu.memory_space<vmem>>
        %dma_wait3A_168 = arith.constant 0 : i32
        %dma_wait3A_169 = tpu.memref_slice %arg8[%add3A_139, %dma_wait3A_168] : memref<10240x128xf32, #tpu.memory_space<vmem_shared>> -> memref<128x128xf32, #tpu.memory_space<vmem_shared>>
        tpu.wait_dma2 semaphore(%run_scoped3A_145 : memref<!tpu.dma_semaphore, #tpu.memory_space<semaphore_mem>>) src(%dma_wait3A_169 : memref<128x128xf32, #tpu.memory_space<vmem_shared>>) dst(%dma_wait3A_167 : memref<128x128xf32, #tpu.memory_space<vmem>>)
        tpu.yield
      }) : () -> ()
      %mul3A_141 = arith.constant 10240 : i32
      %mul3A_142 = arith.muli %arg0, %mul3A_141 : i32
      %add3A_143 = arith.addi %mul3A_142, %add3A_139 : i32
      %run_scoped3A_144 = arith.constant 0 : i32
      "tpu.region"() ({
        %run_scoped3A_145 = tpu.sem_alloc : memref<!tpu.dma_semaphore, #tpu.memory_space<semaphore_mem>>
        %dma_start3A_146 = arith.constant 0 : i32
        %dma_start3A_147 = arith.constant 0 : i32
        %dma_start3A_148 = tpu.memref_slice %arg7[%run_scoped3A_144, %dma_start3A_146, %dma_start3A_147] : memref<2x128x128xf32, #tpu.memory_space<vmem>> -> memref<1x128x128xf32, #tpu.memory_space<vmem>>
        %dma_start3A_149 = tpu.memref_squeeze %dma_start3A_148 : memref<1x128x128xf32, #tpu.memory_space<vmem>> -> memref<128x128xf32, #tpu.memory_space<vmem>>
        %dma_start3A_150 = arith.constant 0 : i32
        %dma_start3A_151 = tpu.memref_slice %arg5[%add3A_143, %dma_start3A_150] : memref<20480x128xf32, #tpu.memory_space<hbm>> -> memref<128x128xf32, #tpu.memory_space<hbm>>
        %dma_start3A_152 = arith.constant 0 : i32
        %dma_start3A_153 = tpu.memref_slice %arg5[%add3A_143, %dma_start3A_152] : memref<20480x128xf32, #tpu.memory_space<hbm>> -> memref<128x128xf32, #tpu.memory_space<hbm>>
        %dma_start3A_154 = arith.constant 0 : i32
        %dma_start3A_155 = arith.constant 0 : i32
        %dma_start3A_156 = tpu.memref_slice %arg7[%run_scoped3A_144, %dma_start3A_154, %dma_start3A_155] : memref<2x128x128xf32, #tpu.memory_space<vmem>> -> memref<1x128x128xf32, #tpu.memory_space<vmem>>
        %dma_start3A_157 = tpu.memref_squeeze %dma_start3A_156 : memref<1x128x128xf32, #tpu.memory_space<vmem>> -> memref<128x128xf32, #tpu.memory_space<vmem>>
        tpu.enqueue_dma source(%dma_start3A_157 : memref<128x128xf32, #tpu.memory_space<vmem>>) target(%dma_start3A_153 : memref<128x128xf32, #tpu.memory_space<hbm>>) target_semaphore(%run_scoped3A_145 : memref<!tpu.dma_semaphore, #tpu.memory_space<semaphore_mem>>)
        %dma_wait3A_158 = arith.constant 0 : i32
        %dma_wait3A_159 = arith.constant 0 : i32
        %dma_wait3A_160 = tpu.memref_slice %arg7[%run_scoped3A_144, %dma_wait3A_158, %dma_wait3A_159] : memref<2x128x128xf32, #tpu.memory_space<vmem>> -> memref<1x128x128xf32, #tpu.memory_space<vmem>>
        %dma_wait3A_161 = tpu.memref_squeeze %dma_wait3A_160 : memref<1x128x128xf32, #tpu.memory_space<vmem>> -> memref<128x128xf32, #tpu.memory_space<vmem>>
        %dma_wait3A_162 = arith.constant 0 : i32
        %dma_wait3A_163 = tpu.memref_slice %arg5[%add3A_143, %dma_wait3A_162] : memref<20480x128xf32, #tpu.memory_space<hbm>> -> memref<128x128xf32, #tpu.memory_space<hbm>>
        %dma_wait3A_164 = arith.constant 0 : i32
        %dma_wait3A_165 = tpu.memref_slice %arg5[%add3A_143, %dma_wait3A_164] : memref<20480x128xf32, #tpu.memory_space<hbm>> -> memref<128x128xf32, #tpu.memory_space<hbm>>
        %dma_wait3A_166 = arith.constant 0 : i32
        %dma_wait3A_167 = arith.constant 0 : i32
        %dma_wait3A_168 = tpu.memref_slice %arg7[%run_scoped3A_144, %dma_wait3A_166, %dma_wait3A_167] : memref<2x128x128xf32, #tpu.memory_space<vmem>> -> memref<1x128x128xf32, #tpu.memory_space<vmem>>
        %dma_wait3A_169 = tpu.memref_squeeze %dma_wait3A_168 : memref<1x128x128xf32, #tpu.memory_space<vmem>> -> memref<128x128xf32, #tpu.memory_space<vmem>>
        tpu.wait_dma2 semaphore(%run_scoped3A_145 : memref<!tpu.dma_semaphore, #tpu.memory_space<semaphore_mem>>) src(%dma_wait3A_169 : memref<128x128xf32, #tpu.memory_space<vmem>>) dst(%dma_wait3A_165 : memref<128x128xf32, #tpu.memory_space<hbm>>)
        tpu.yield
      }) : () -> ()
    }
    %scan3A_133 = arith.constant 5 : i32
    return
  }
}

module attributes {stable_mosaic.version = 14 : i64} {
  func.func @_mlp_body(%arg0: i32, %arg1: memref<1024x128xf32, #tpu.memory_space<vmem>>, %arg2: memref<1024x128xf32, #tpu.memory_space<vmem>>, %arg3: memref<1024x128xf32, #tpu.memory_space<vmem>>, %arg4: memref<128x128xf32, #tpu.memory_space<vmem>>, %arg5: memref<1x128xf32, #tpu.memory_space<vmem>>, %arg6: memref<128x128xf32, #tpu.memory_space<vmem>>, %arg7: memref<1x128xf32, #tpu.memory_space<vmem>>, %arg8: memref<1024x128xf32, #tpu.memory_space<vmem>>, %arg9: memref<8x128xf32, #tpu.memory_space<vmem>>) attributes {dimension_semantics = [#tpu.dimension_semantics<arbitrary>], iteration_bounds = array<i64: 10>, scalar_prefetch = 0 : i64, scratch_operands = 0 : i64, tpu.core_type = #tpu.core_type<tc>, window_params = [{transform_indices = @transform_0, window_bounds = array<i64: 1024, 128>}, {transform_indices = @transform_1, window_bounds = array<i64: 1024, 128>}, {transform_indices = @transform_2, window_bounds = array<i64: 1024, 128>}, {pipeline_mode = #tpu.pipeline_mode<synchronous>, transform_indices = @transform_3, window_bounds = array<i64: 128, 128>}, {pipeline_mode = #tpu.pipeline_mode<synchronous>, transform_indices = @transform_4, window_bounds = array<i64: 1, 128>}, {pipeline_mode = #tpu.pipeline_mode<synchronous>, transform_indices = @transform_5, window_bounds = array<i64: 128, 128>}, {pipeline_mode = #tpu.pipeline_mode<synchronous>, transform_indices = @transform_6, window_bounds = array<i64: 1, 128>}, {transform_indices = @transform_7, window_bounds = array<i64: 1024, 128>}, {pipeline_mode = #tpu.pipeline_mode<synchronous>, transform_indices = @transform_8, window_bounds = array<i64: 8, 128>}]} {
    %get3A = arith.constant 0 : index
    %get3A_0 = arith.constant 0 : index
    %get3A_1 = vector.load %arg1[%get3A, %get3A_0] : memref<1024x128xf32, #tpu.memory_space<vmem>>, vector<1024x128xf32>
    %get3A_2 = arith.constant 0 : index
    %get3A_3 = arith.constant 0 : index
    %get3A_4 = vector.load %arg2[%get3A_2, %get3A_3] : memref<1024x128xf32, #tpu.memory_space<vmem>>, vector<1024x128xf32>
    %add3A = arith.addf %get3A_1, %get3A_4 : vector<1024x128xf32>
    %get3A_5 = arith.constant 0 : index
    %get3A_6 = arith.constant 0 : index
    %get3A_7 = vector.load %arg3[%get3A_5, %get3A_6] : memref<1024x128xf32, #tpu.memory_space<vmem>>, vector<1024x128xf32>
    %add3A_8 = arith.addf %add3A, %get3A_7 : vector<1024x128xf32>
    %get3A_9 = arith.constant 0 : index
    %get3A_10 = arith.constant 0 : index
    %get3A_11 = vector.load %arg4[%get3A_9, %get3A_10] : memref<128x128xf32, #tpu.memory_space<vmem>>, vector<128x128xf32>
    %dot_general3A = arith.constant dense<0.000000e+00> : vector<1024x128xf32>
    %dot_general3A_12 = tpu.matmul %add3A_8, %get3A_11, %dot_general3A {dimension_numbers = #tpu.dot_dimension_numbers<[1], [0], [0], [1], [0, 0, 1, 1], [], []>, transpose_lhs_hint = false} : vector<1024x128xf32>, vector<128x128xf32>, vector<1024x128xf32> -> vector<1024x128xf32>
    %get3A_13 = arith.constant 0 : index
    %get3A_14 = arith.constant 0 : index
    %get3A_15 = vector.load %arg5[%get3A_13, %get3A_14] : memref<1x128xf32, #tpu.memory_space<vmem>>, vector<1x128xf32>
    %add3A_16 = vector.broadcast %get3A_15 : vector<1x128xf32> to vector<1024x128xf32>
    %add3A_17 = arith.addf %dot_general3A_12, %add3A_16 : vector<1024x128xf32>
    %max3A = arith.constant 0.000000e+00 : f32
    %max3A_18 = vector.broadcast %max3A : f32 to vector<1024x128xf32>
    %max3A_19 = arith.maximumf %add3A_17, %max3A_18 : vector<1024x128xf32>
    %get3A_20 = arith.constant 0 : index
    %get3A_21 = arith.constant 0 : index
    %get3A_22 = vector.load %arg6[%get3A_20, %get3A_21] : memref<128x128xf32, #tpu.memory_space<vmem>>, vector<128x128xf32>
    %dot_general3A_23 = arith.constant dense<0.000000e+00> : vector<1024x128xf32>
    %dot_general3A_24 = tpu.matmul %max3A_19, %get3A_22, %dot_general3A_23 {dimension_numbers = #tpu.dot_dimension_numbers<[1], [0], [0], [1], [0, 0, 1, 1], [], []>, transpose_lhs_hint = false} : vector<1024x128xf32>, vector<128x128xf32>, vector<1024x128xf32> -> vector<1024x128xf32>
    %get3A_25 = arith.constant 0 : index
    %get3A_26 = arith.constant 0 : index
    %get3A_27 = vector.load %arg7[%get3A_25, %get3A_26] : memref<1x128xf32, #tpu.memory_space<vmem>>, vector<1x128xf32>
    %add3A_28 = vector.broadcast %get3A_27 : vector<1x128xf32> to vector<1024x128xf32>
    %add3A_29 = arith.addf %dot_general3A_24, %add3A_28 : vector<1024x128xf32>
    %mul3A = arith.constant 1024 : i32
    %mul3A_30 = arith.muli %arg0, %mul3A : i32
    %iota3A = tpu.iota {dimensions = array<i32: 0>} : vector<1024x128xi32>
    %add3A_31 = vector.broadcast %mul3A_30 : i32 to vector<1024x128xi32>
    %add3A_32 = arith.addi %add3A_31, %iota3A : vector<1024x128xi32>
    %lt3A = arith.constant 10000 : i32
    %lt3A_33 = vector.broadcast %lt3A : i32 to vector<1024x128xi32>
    %lt3A_34 = arith.cmpi slt, %add3A_32, %lt3A_33 : vector<1024x128xi32>
    %max3A_35 = arith.constant 0.000000e+00 : f32
    %max3A_36 = vector.broadcast %max3A_35 : f32 to vector<1024x128xf32>
    %max3A_37 = arith.maximumf %add3A_29, %max3A_36 : vector<1024x128xf32>
    %jit3A = arith.constant 0.000000e+00 : f32
    %broadcast_in_dim3A = vector.broadcast %jit3A : f32 to vector<1024x128xf32>
    %select_n3A = arith.select %lt3A_34, %max3A_37, %broadcast_in_dim3A : vector<1024x128xi1>, vector<1024x128xf32>
    %swap3A = arith.constant 0 : index
    %swap3A_38 = arith.constant 0 : index
    %swap3A_39 = vector.load %arg8[%swap3A, %swap3A_38] : memref<1024x128xf32, #tpu.memory_space<vmem>>, vector<1024x128xf32>
    tpu.vector_store %arg8[%swap3A, %swap3A_38], %select_n3A {strides = array<i32>} : memref<1024x128xf32, #tpu.memory_space<vmem>>, vector<1024x128xf32>,
    %reduce_sum3A = arith.constant dense<0.000000e+00> : vector<128xf32>
    %reduce_sum3A_40 = vector.multi_reduction <add>, %select_n3A, %reduce_sum3A [0] : vector<1024x128xf32> to vector<128xf32>
    %broadcast_in_dim3A_41 = vector.shape_cast %reduce_sum3A_40 : vector<128xf32> to vector<1x128xf32>
    %mul3A_42 = arith.mulf %select_n3A, %select_n3A : vector<1024x128xf32>
    %reduce_sum3A_43 = arith.constant dense<0.000000e+00> : vector<128xf32>
    %reduce_sum3A_44 = vector.multi_reduction <add>, %mul3A_42, %reduce_sum3A_43 [0] : vector<1024x128xf32> to vector<128xf32>
    %broadcast_in_dim3A_45 = vector.shape_cast %reduce_sum3A_44 : vector<128xf32> to vector<1x128xf32>
    %broadcast_in_dim3A_46 = arith.constant 0.000000e+00 : f32
    %broadcast_in_dim3A_47 = vector.broadcast %broadcast_in_dim3A_46 : f32 to vector<6x128xf32>
    %concatenate3A = tpu.concatenate %broadcast_in_dim3A_41, %broadcast_in_dim3A_45, %broadcast_in_dim3A_47 in 0 : vector<1x128xf32>, vector<1x128xf32>, vector<6x128xf32> -> vector<8x128xf32>
    %eq3A = arith.constant 0 : i32
    %eq3A_48 = arith.cmpi eq, %arg0, %eq3A : i32
    %convert_element_type3A = arith.extui %eq3A_48 : i1 to i32
    %cond3A = arith.constant 0 : i32
    %cond3A_49 = arith.cmpi ne, %convert_element_type3A, %cond3A : i32
    scf.if %cond3A_49 {
      %swap3A_54 = arith.constant 0 : index
      %swap3A_55 = arith.constant 0 : index
      %swap3A_56 = vector.load %arg9[%swap3A_54, %swap3A_55] : memref<8x128xf32, #tpu.memory_space<vmem>>, vector<8x128xf32>
      tpu.vector_store %arg9[%swap3A_54, %swap3A_55], %concatenate3A {strides = array<i32>} : memref<8x128xf32, #tpu.memory_space<vmem>>, vector<8x128xf32>,
    } else {
    }
    %gt3A = arith.constant 0 : i32
    %gt3A_50 = arith.cmpi sgt, %arg0, %gt3A : i32
    %convert_element_type3A_51 = arith.extui %gt3A_50 : i1 to i32
    %cond3A_52 = arith.constant 0 : i32
    %cond3A_53 = arith.cmpi ne, %convert_element_type3A_51, %cond3A_52 : i32
    scf.if %cond3A_53 {
      %get3A_54 = arith.constant 0 : index
      %get3A_55 = arith.constant 0 : index
      %get3A_56 = vector.load %arg9[%get3A_54, %get3A_55] : memref<8x128xf32, #tpu.memory_space<vmem>>, vector<8x128xf32>
      %add3A_57 = arith.addf %get3A_56, %concatenate3A : vector<8x128xf32>
      %swap3A_58 = arith.constant 0 : index
      %swap3A_59 = arith.constant 0 : index
      %swap3A_60 = vector.load %arg9[%swap3A_58, %swap3A_59] : memref<8x128xf32, #tpu.memory_space<vmem>>, vector<8x128xf32>
      tpu.vector_store %arg9[%swap3A_58, %swap3A_59], %add3A_57 {strides = array<i32>} : memref<8x128xf32, #tpu.memory_space<vmem>>, vector<8x128xf32>,
    } else {
    }
    return
  }
  func.func @transform_0(%arg0: i32) -> (i32, i32) {
    %c0_i32 = arith.constant 0 : i32
    %c0_i32_0 = arith.constant 0 : i32
    return %arg0, %c0_i32 : i32, i32
  }
  func.func @transform_1(%arg0: i32) -> (i32, i32) {
    %c0_i32 = arith.constant 0 : i32
    %c0_i32_0 = arith.constant 0 : i32
    return %arg0, %c0_i32 : i32, i32
  }
  func.func @transform_2(%arg0: i32) -> (i32, i32) {
    %add3A = arith.constant 10 : i32
    %add3A_0 = arith.addi %arg0, %add3A : i32
    %c0_i32 = arith.constant 0 : i32
    %c0_i32_1 = arith.constant 0 : i32
    return %add3A_0, %c0_i32 : i32, i32
  }
  func.func @transform_3(%arg0: i32) -> (i32, i32) {
    %c0_i32 = arith.constant 0 : i32
    %c0_i32_0 = arith.constant 0 : i32
    %c0_i32_1 = arith.constant 0 : i32
    return %c0_i32, %c0_i32_0 : i32, i32
  }
  func.func @transform_4(%arg0: i32) -> (i32, i32) {
    %c0_i32 = arith.constant 0 : i32
    %c0_i32_0 = arith.constant 0 : i32
    %c0_i32_1 = arith.constant 0 : i32
    return %c0_i32, %c0_i32_0 : i32, i32
  }
  func.func @transform_5(%arg0: i32) -> (i32, i32) {
    %c0_i32 = arith.constant 0 : i32
    %c0_i32_0 = arith.constant 0 : i32
    %c0_i32_1 = arith.constant 0 : i32
    return %c0_i32, %c0_i32_0 : i32, i32
  }
  func.func @transform_6(%arg0: i32) -> (i32, i32) {
    %c0_i32 = arith.constant 0 : i32
    %c0_i32_0 = arith.constant 0 : i32
    %c0_i32_1 = arith.constant 0 : i32
    return %c0_i32, %c0_i32_0 : i32, i32
  }
  func.func @transform_7(%arg0: i32) -> (i32, i32) {
    %c0_i32 = arith.constant 0 : i32
    %c0_i32_0 = arith.constant 0 : i32
    return %arg0, %c0_i32 : i32, i32
  }
  func.func @transform_8(%arg0: i32) -> (i32, i32) {
    %c0_i32 = arith.constant 0 : i32
    %c0_i32_0 = arith.constant 0 : i32
    %c0_i32_1 = arith.constant 0 : i32
    return %c0_i32, %c0_i32_0 : i32, i32
  }
}

module attributes {stable_mosaic.version = 14 : i64} {
  func.func @_norm_body(%arg0: i32, %arg1: memref<1024x128xf32, #tpu.memory_space<vmem>>, %arg2: memref<8x128xf32, #tpu.memory_space<vmem>>, %arg3: memref<1x128xf32, #tpu.memory_space<vmem>>, %arg4: memref<1x128xf32, #tpu.memory_space<vmem>>, %arg5: memref<1024x128xf32, #tpu.memory_space<vmem>>) attributes {dimension_semantics = [#tpu.dimension_semantics<arbitrary>], iteration_bounds = array<i64: 10>, scalar_prefetch = 0 : i64, scratch_operands = 0 : i64, tpu.core_type = #tpu.core_type<tc>, window_params = [{transform_indices = @transform_0, window_bounds = array<i64: 1024, 128>}, {pipeline_mode = #tpu.pipeline_mode<synchronous>, transform_indices = @transform_1, window_bounds = array<i64: 8, 128>}, {pipeline_mode = #tpu.pipeline_mode<synchronous>, transform_indices = @transform_2, window_bounds = array<i64: 1, 128>}, {pipeline_mode = #tpu.pipeline_mode<synchronous>, transform_indices = @transform_3, window_bounds = array<i64: 1, 128>}, {transform_indices = @transform_4, window_bounds = array<i64: 1024, 128>}]} {
    %get3A = arith.constant 0 : index
    %get3A_0 = arith.constant 0 : index
    %get3A_1 = vector.load %arg2[%get3A, %get3A_0] : memref<8x128xf32, #tpu.memory_space<vmem>>, vector<1x128xf32>
    %mul3A = arith.constant 9.99999974E-5 : f32
    %mul3A_2 = vector.broadcast %mul3A : f32 to vector<1x128xf32>
    %mul3A_3 = arith.mulf %get3A_1, %mul3A_2 : vector<1x128xf32>
    %get3A_4 = arith.constant 1 : index
    %get3A_5 = arith.constant 0 : index
    %get3A_6 = vector.load %arg2[%get3A_4, %get3A_5] : memref<8x128xf32, #tpu.memory_space<vmem>>, vector<1x128xf32>
    %mul3A_7 = arith.constant 9.99999974E-5 : f32
    %mul3A_8 = vector.broadcast %mul3A_7 : f32 to vector<1x128xf32>
    %mul3A_9 = arith.mulf %get3A_6, %mul3A_8 : vector<1x128xf32>
    %mul3A_10 = arith.mulf %mul3A_3, %mul3A_3 : vector<1x128xf32>
    %sub3A = arith.subf %mul3A_9, %mul3A_10 : vector<1x128xf32>
    %get3A_11 = arith.constant 0 : index
    %get3A_12 = arith.constant 0 : index
    %get3A_13 = vector.load %arg3[%get3A_11, %get3A_12] : memref<1x128xf32, #tpu.memory_space<vmem>>, vector<1x128xf32>
    %add3A = arith.constant 9.99999974E-6 : f32
    %add3A_14 = vector.broadcast %add3A : f32 to vector<1x128xf32>
    %add3A_15 = arith.addf %sub3A, %add3A_14 : vector<1x128xf32>
    %rsqrt3A = math.rsqrt %add3A_15 : vector<1x128xf32>
    %mul3A_16 = arith.mulf %get3A_13, %rsqrt3A : vector<1x128xf32>
    %get3A_17 = arith.constant 0 : index
    %get3A_18 = arith.constant 0 : index
    %get3A_19 = vector.load %arg4[%get3A_17, %get3A_18] : memref<1x128xf32, #tpu.memory_space<vmem>>, vector<1x128xf32>
    %mul3A_20 = arith.mulf %mul3A_3, %mul3A_16 : vector<1x128xf32>
    %sub3A_21 = arith.subf %get3A_19, %mul3A_20 : vector<1x128xf32>
    %mul3A_22 = arith.constant 1024 : i32
    %mul3A_23 = arith.muli %arg0, %mul3A_22 : i32
    %iota3A = tpu.iota {dimensions = array<i32: 0>} : vector<1024x128xi32>
    %add3A_24 = vector.broadcast %mul3A_23 : i32 to vector<1024x128xi32>
    %add3A_25 = arith.addi %add3A_24, %iota3A : vector<1024x128xi32>
    %lt3A = arith.constant 10000 : i32
    %lt3A_26 = vector.broadcast %lt3A : i32 to vector<1024x128xi32>
    %lt3A_27 = arith.cmpi slt, %add3A_25, %lt3A_26 : vector<1024x128xi32>
    %get3A_28 = arith.constant 0 : index
    %get3A_29 = arith.constant 0 : index
    %get3A_30 = vector.load %arg1[%get3A_28, %get3A_29] : memref<1024x128xf32, #tpu.memory_space<vmem>>, vector<1024x128xf32>
    %mul3A_31 = vector.broadcast %mul3A_16 : vector<1x128xf32> to vector<1024x128xf32>
    %mul3A_32 = arith.mulf %get3A_30, %mul3A_31 : vector<1024x128xf32>
    %add3A_33 = vector.broadcast %sub3A_21 : vector<1x128xf32> to vector<1024x128xf32>
    %add3A_34 = arith.addf %mul3A_32, %add3A_33 : vector<1024x128xf32>
    %jit3A = arith.constant 0.000000e+00 : f32
    %broadcast_in_dim3A = vector.broadcast %jit3A : f32 to vector<1024x128xf32>
    %select_n3A = arith.select %lt3A_27, %add3A_34, %broadcast_in_dim3A : vector<1024x128xi1>, vector<1024x128xf32>
    %swap3A = arith.constant 0 : index
    %swap3A_35 = arith.constant 0 : index
    %swap3A_36 = vector.load %arg5[%swap3A, %swap3A_35] : memref<1024x128xf32, #tpu.memory_space<vmem>>, vector<1024x128xf32>
    tpu.vector_store %arg5[%swap3A, %swap3A_35], %select_n3A {strides = array<i32>} : memref<1024x128xf32, #tpu.memory_space<vmem>>, vector<1024x128xf32>,
    return
  }
  func.func @transform_0(%arg0: i32) -> (i32, i32) {
    %c0_i32 = arith.constant 0 : i32
    %c0_i32_0 = arith.constant 0 : i32
    return %arg0, %c0_i32 : i32, i32
  }
  func.func @transform_1(%arg0: i32) -> (i32, i32) {
    %c0_i32 = arith.constant 0 : i32
    %c0_i32_0 = arith.constant 0 : i32
    %c0_i32_1 = arith.constant 0 : i32
    return %c0_i32, %c0_i32_0 : i32, i32
  }
  func.func @transform_2(%arg0: i32) -> (i32, i32) {
    %c0_i32 = arith.constant 0 : i32
    %c0_i32_0 = arith.constant 0 : i32
    %c0_i32_1 = arith.constant 0 : i32
    return %c0_i32, %c0_i32_0 : i32, i32
  }
  func.func @transform_3(%arg0: i32) -> (i32, i32) {
    %c0_i32 = arith.constant 0 : i32
    %c0_i32_0 = arith.constant 0 : i32
    %c0_i32_1 = arith.constant 0 : i32
    return %c0_i32, %c0_i32_0 : i32, i32
  }
  func.func @transform_4(%arg0: i32) -> (i32, i32) {
    %c0_i32 = arith.constant 0 : i32
    %c0_i32_0 = arith.constant 0 : i32
    return %arg0, %c0_i32 : i32, i32
  }
}

module attributes {stable_mosaic.version = 14 : i64} {
  func.func @_pool_body(%arg0: i32, %arg1: memref<1024x128xf32, #tpu.memory_space<vmem>>, %arg2: memref<8x128xf32, #tpu.memory_space<vmem>>, %arg3: memref<1x128xf32, #tpu.memory_space<vmem>>, %arg4: memref<1x128xf32, #tpu.memory_space<vmem>>, %arg5: memref<1x1x1024xi32, #tpu.memory_space<vmem>>, %arg6: memref<64x128xf32, #tpu.memory_space<vmem>>) attributes {dimension_semantics = [#tpu.dimension_semantics<arbitrary>], iteration_bounds = array<i64: 10>, scalar_prefetch = 0 : i64, scratch_operands = 0 : i64, tpu.core_type = #tpu.core_type<tc>, window_params = [{transform_indices = @transform_0, window_bounds = array<i64: 1024, 128>}, {pipeline_mode = #tpu.pipeline_mode<synchronous>, transform_indices = @transform_1, window_bounds = array<i64: 8, 128>}, {pipeline_mode = #tpu.pipeline_mode<synchronous>, transform_indices = @transform_2, window_bounds = array<i64: 1, 128>}, {pipeline_mode = #tpu.pipeline_mode<synchronous>, transform_indices = @transform_3, window_bounds = array<i64: 1, 128>}, {transform_indices = @transform_4, window_bounds = array<i64: 1, 1, 1024>}, {pipeline_mode = #tpu.pipeline_mode<synchronous>, transform_indices = @transform_5, window_bounds = array<i64: 64, 128>}]} {
    %get3A = arith.constant 0 : index
    %get3A_0 = arith.constant 0 : index
    %get3A_1 = vector.load %arg2[%get3A, %get3A_0] : memref<8x128xf32, #tpu.memory_space<vmem>>, vector<1x128xf32>
    %mul3A = arith.constant 9.99999974E-5 : f32
    %mul3A_2 = vector.broadcast %mul3A : f32 to vector<1x128xf32>
    %mul3A_3 = arith.mulf %get3A_1, %mul3A_2 : vector<1x128xf32>
    %get3A_4 = arith.constant 1 : index
    %get3A_5 = arith.constant 0 : index
    %get3A_6 = vector.load %arg2[%get3A_4, %get3A_5] : memref<8x128xf32, #tpu.memory_space<vmem>>, vector<1x128xf32>
    %mul3A_7 = arith.constant 9.99999974E-5 : f32
    %mul3A_8 = vector.broadcast %mul3A_7 : f32 to vector<1x128xf32>
    %mul3A_9 = arith.mulf %get3A_6, %mul3A_8 : vector<1x128xf32>
    %mul3A_10 = arith.mulf %mul3A_3, %mul3A_3 : vector<1x128xf32>
    %sub3A = arith.subf %mul3A_9, %mul3A_10 : vector<1x128xf32>
    %get3A_11 = arith.constant 0 : index
    %get3A_12 = arith.constant 0 : index
    %get3A_13 = vector.load %arg3[%get3A_11, %get3A_12] : memref<1x128xf32, #tpu.memory_space<vmem>>, vector<1x128xf32>
    %add3A = arith.constant 9.99999974E-6 : f32
    %add3A_14 = vector.broadcast %add3A : f32 to vector<1x128xf32>
    %add3A_15 = arith.addf %sub3A, %add3A_14 : vector<1x128xf32>
    %rsqrt3A = math.rsqrt %add3A_15 : vector<1x128xf32>
    %mul3A_16 = arith.mulf %get3A_13, %rsqrt3A : vector<1x128xf32>
    %get3A_17 = arith.constant 0 : index
    %get3A_18 = arith.constant 0 : index
    %get3A_19 = vector.load %arg4[%get3A_17, %get3A_18] : memref<1x128xf32, #tpu.memory_space<vmem>>, vector<1x128xf32>
    %mul3A_20 = arith.mulf %mul3A_3, %mul3A_16 : vector<1x128xf32>
    %sub3A_21 = arith.subf %get3A_19, %mul3A_20 : vector<1x128xf32>
    %mul3A_22 = arith.constant 1024 : i32
    %mul3A_23 = arith.muli %arg0, %mul3A_22 : i32
    %iota3A = tpu.iota {dimensions = array<i32: 0>} : vector<1024x128xi32>
    %add3A_24 = vector.broadcast %mul3A_23 : i32 to vector<1024x128xi32>
    %add3A_25 = arith.addi %add3A_24, %iota3A : vector<1024x128xi32>
    %lt3A = arith.constant 10000 : i32
    %lt3A_26 = vector.broadcast %lt3A : i32 to vector<1024x128xi32>
    %lt3A_27 = arith.cmpi slt, %add3A_25, %lt3A_26 : vector<1024x128xi32>
    %get3A_28 = arith.constant 0 : index
    %get3A_29 = arith.constant 0 : index
    %get3A_30 = vector.load %arg1[%get3A_28, %get3A_29] : memref<1024x128xf32, #tpu.memory_space<vmem>>, vector<1024x128xf32>
    %mul3A_31 = vector.broadcast %mul3A_16 : vector<1x128xf32> to vector<1024x128xf32>
    %mul3A_32 = arith.mulf %get3A_30, %mul3A_31 : vector<1024x128xf32>
    %add3A_33 = vector.broadcast %sub3A_21 : vector<1x128xf32> to vector<1024x128xf32>
    %add3A_34 = arith.addf %mul3A_32, %add3A_33 : vector<1024x128xf32>
    %jit3A = arith.constant 0.000000e+00 : f32
    %broadcast_in_dim3A = vector.broadcast %jit3A : f32 to vector<1024x128xf32>
    %select_n3A = arith.select %lt3A_27, %add3A_34, %broadcast_in_dim3A : vector<1024x128xi1>, vector<1024x128xf32>
    %get3A_35 = arith.constant 0 : index
    %get3A_36 = arith.constant 0 : index
    %get3A_37 = arith.constant 0 : index
    %get3A_38 = vector.load %arg5[%get3A_35, %get3A_36, %get3A_37] : memref<1x1x1024xi32, #tpu.memory_space<vmem>>, vector<1x1x1024xi32>
    %get3A_39 = vector.shape_cast %get3A_38 : vector<1x1x1024xi32> to vector<1024xi32>
    %iota3A_40 = tpu.iota {dimensions = array<i32: 0>} : vector<64x1024xi32>
    %broadcast_in_dim3A_41 = vector.shape_cast %get3A_39 : vector<1024xi32> to vector<1x1024xi32>
    %eq3A = vector.broadcast %broadcast_in_dim3A_41 : vector<1x1024xi32> to vector<64x1024xi32>
    %eq3A_42 = arith.cmpi eq, %iota3A_40, %eq3A : vector<64x1024xi32>
    %convert_element_type3A = arith.extui %eq3A_42 : vector<64x1024xi1> to vector<64x1024xi32>
    %convert_element_type3A_43 = arith.sitofp %convert_element_type3A : vector<64x1024xi32> to vector<64x1024xf32>
    %dot_general3A = arith.constant dense<0.000000e+00> : vector<64x128xf32>
    %dot_general3A_44 = tpu.matmul %convert_element_type3A_43, %select_n3A, %dot_general3A {dimension_numbers = #tpu.dot_dimension_numbers<[1], [0], [0], [1], [0, 0, 1, 1], [], []>, precision = #tpu.contract_precision<fp32>, transpose_lhs_hint = false} : vector<64x1024xf32>, vector<1024x128xf32>, vector<64x128xf32> -> vector<64x128xf32>
    %eq3A_45 = arith.constant 0 : i32
    %eq3A_46 = arith.cmpi eq, %arg0, %eq3A_45 : i32
    %convert_element_type3A_47 = arith.extui %eq3A_46 : i1 to i32
    %cond3A = arith.constant 0 : i32
    %cond3A_48 = arith.cmpi ne, %convert_element_type3A_47, %cond3A : i32
    scf.if %cond3A_48 {
      %swap3A = arith.constant 0 : index
      %swap3A_53 = arith.constant 0 : index
      %swap3A_54 = vector.load %arg6[%swap3A, %swap3A_53] : memref<64x128xf32, #tpu.memory_space<vmem>>, vector<64x128xf32>
      tpu.vector_store %arg6[%swap3A, %swap3A_53], %dot_general3A_44 {strides = array<i32>} : memref<64x128xf32, #tpu.memory_space<vmem>>, vector<64x128xf32>,
    } else {
    }
    %gt3A = arith.constant 0 : i32
    %gt3A_49 = arith.cmpi sgt, %arg0, %gt3A : i32
    %convert_element_type3A_50 = arith.extui %gt3A_49 : i1 to i32
    %cond3A_51 = arith.constant 0 : i32
    %cond3A_52 = arith.cmpi ne, %convert_element_type3A_50, %cond3A_51 : i32
    scf.if %cond3A_52 {
      %get3A_53 = arith.constant 0 : index
      %get3A_54 = arith.constant 0 : index
      %get3A_55 = vector.load %arg6[%get3A_53, %get3A_54] : memref<64x128xf32, #tpu.memory_space<vmem>>, vector<64x128xf32>
      %add3A_56 = arith.addf %get3A_55, %dot_general3A_44 : vector<64x128xf32>
      %swap3A = arith.constant 0 : index
      %swap3A_57 = arith.constant 0 : index
      %swap3A_58 = vector.load %arg6[%swap3A, %swap3A_57] : memref<64x128xf32, #tpu.memory_space<vmem>>, vector<64x128xf32>
      tpu.vector_store %arg6[%swap3A, %swap3A_57], %add3A_56 {strides = array<i32>} : memref<64x128xf32, #tpu.memory_space<vmem>>, vector<64x128xf32>,
    } else {
    }
    return
  }
  func.func @transform_0(%arg0: i32) -> (i32, i32) {
    %c0_i32 = arith.constant 0 : i32
    %c0_i32_0 = arith.constant 0 : i32
    return %arg0, %c0_i32 : i32, i32
  }
  func.func @transform_1(%arg0: i32) -> (i32, i32) {
    %c0_i32 = arith.constant 0 : i32
    %c0_i32_0 = arith.constant 0 : i32
    %c0_i32_1 = arith.constant 0 : i32
    return %c0_i32, %c0_i32_0 : i32, i32
  }
  func.func @transform_2(%arg0: i32) -> (i32, i32) {
    %c0_i32 = arith.constant 0 : i32
    %c0_i32_0 = arith.constant 0 : i32
    %c0_i32_1 = arith.constant 0 : i32
    return %c0_i32, %c0_i32_0 : i32, i32
  }
  func.func @transform_3(%arg0: i32) -> (i32, i32) {
    %c0_i32 = arith.constant 0 : i32
    %c0_i32_0 = arith.constant 0 : i32
    %c0_i32_1 = arith.constant 0 : i32
    return %c0_i32, %c0_i32_0 : i32, i32
  }
  func.func @transform_4(%arg0: i32) -> (i32, i32, i32) {
    %c0_i32 = arith.constant 0 : i32
    %c0_i32_0 = arith.constant 0 : i32
    %c0_i32_1 = arith.constant 0 : i32
    return %arg0, %c0_i32, %c0_i32_0 : i32, i32, i32
  }
  func.func @transform_5(%arg0: i32) -> (i32, i32) {
    %c0_i32 = arith.constant 0 : i32
    %c0_i32_0 = arith.constant 0 : i32
    %c0_i32_1 = arith.constant 0 : i32
    return %c0_i32, %c0_i32_0 : i32, i32
  }
}

</mosaic_0001>

<sc_bundles>
// kernel: kernel.11.cloned.1.call-start
scs
__scs_entry_jumppad:
0x0: {  	(pc) =	sbr.rel $0x88, $3  }
0x1: {  	(tag) =	ssettag $0x0;
	lr =	simm.s32 $0x1  }
0x2: {  	[smem:$0x3F8C] =	sst lr;
	_ =	strace $0xD0000000  }
0x3: {  	_ = 	snop  }
0x4: {  	_ = 	snop  }
0x5: {  	_ = 	snop  }
0x6: {  	_ = 	snop  }
0x7: {  	_ = 	snop  }
__scs_overlays_trampoline_lowered:
0x8: {  	[smem:$0x3F9B] =	sst s0  }
0x9: {  	[smem:$0x3F9C] =	sst s1  }
0xa: {  	[smem:$0x3F9D] =	sst s2  }
0xb: {  	[smem:$0x3F9E] =	sst s3  }
0xc: {  	[smem:$0x3F9F] =	sst s4  }
0xd: {  	[smem:$0x3FA0] =	sst s5  }
0xe: {  	[smem:$0x3FA1] =	sst s6  }
0xf: {  	[smem:$0x3FA2] =	sst s7  }
0x10: {  	[smem:$0x3FA3] =	sst s8  }
0x11: {  	[smem:$0x3FA4] =	sst s9;
	s0 =	simm.s32 @!p0 $0x0  }
0x12: {  	s1 =	sld [smem:$0x3F8A];
	s0 =	simm.s32 @p0 $0x1  }
0x13: {  	[smem:$0x3FA5] =	sst s0;
	s0 =	simm.s32 @!p1 $0x0  }
0x14: {  	s2 =	sld [smem:$0x3F89];
	s0 =	simm.s32 @p1 $0x1  }
0x15: {  	[smem:$0x3FA6] =	sst s0;
	s0 =	simm.s32 @!p2 $0x0  }
0x16: {  	s3 =	sld [smem:$0x3FDB];
	s0 =	simm.s32 @p2 $0x1  }
0x17: {  	s4 =	simm.s32 $0x1BF5;
	[smem:$0x3FA8] =	sst s0  }
0x18: {  	s0 =	sld [smem:$0x3F8B];
	_ =	swait.ge [sflag:s4], $0x0  }
0x19: {  	s7 =	sld [smem:$0x3F8C]  }
0x1a: {  	s8 =	sadd.s32 $0xFFFFE003, lr  }
0x1b: {  	s9 =	sadd.s32 $0xFFFFFEF7, lr;
	s5 =	simm.s32 $0xFFFFFFFF;
	p2 =	slt.u32 s8, $0xFFFFF086  }
0x1c: {  	p1 =	slt.u32 s9, $0xF7A;
	s5 =	simm.s32 @!p2 $0x0  }
0x1d: {  	s5 =	simm.s32 @p1 $0x1;
	p0 =	seq.s32 s7, s2  }
0x1e: {  	s7 =	smul.u32 @!p0 $0xF7A, s2;
	p2 =	seq.s32 @!p0 s5, $0x0  }
0x1f: {  	s9 =	smul.u32 $0xF7A, s1;
	s8 =	simm.s32 @!p0 $0x1BF5;
	p2 =	por !p2, p0  }
0x20: {  	[sflag:s8] =	ssyncset.s32 @!p0 $0xFFFFF086;
	s6 =	sadd.s32 @!p0 s3, s7;
	s7 =	simm.s32 @!p0 $0x108  }
0x21: {  	s3 =	sadd.s32 s3, s9;
	s6 =	sadd.s32 @!p0 $0x88, s6;
	s7 =	simm.s32 @p2 $0x1082  }
0x22: {  	[simem:s7], [sflag:s8] =	dma.local @!p0 [hbm:s6], $0xF7A  }
0x23: {  	s9 =	sor.u32 $0xD0000000, s2;
	s6 =	simm.s32 $0x108;
	_ =	swait.ge @!p0 [sflag:s8], $0x0  }
0x24: {  	s3 =	sadd.s32 $0x88, s3;
	s6 =	simm.s32 @!p1 $0x1082;
	[sflag:s4] =	ssyncset.s32 $0xFFFFF086  }
0x25: {  	[simem:s6], [sflag:s4] =	dma.local [hbm:s3], $0xF7A  }
0x26: {  	[smem:$0x3F8C] =	sst s1;
	(tag) =	ssettag s2;
	_ =	strace s9  }
0x27: {  	s1 =	sld [smem:$0x3F9C]  }
0x28: {  	s2 =	sld [smem:$0x3F9D]  }
0x29: {  	s4 =	sld [smem:$0x3F9F]  }
0x2a: {  	p0 =	seq.s32 s5, $0x0;
	s5 =	sld [smem:$0x3FA0]  }
0x2b: {  	s6 =	sld [smem:$0x3FA1]  }
0x2c: {  	s7 =	sld [smem:$0x3FA2]  }
0x2d: {  	s3 =	simm.s32 $0x108;
	s8 =	sld [smem:$0x3FA3]  }
0x2e: {  	s3 =	simm.s32 @!p0 $0x1082;
	s9 =	sld [smem:$0x3FA4]  }
0x2f: {  	lr =	sadd.s32 s0, s3;
	s0 =	sld [smem:$0x3F9B]  }
0x30: {  	s3 =	sld [smem:$0x3F9E]  }
0x31: {  	[smem:$0x3FA7] =	sst s10  }
0x32: {  	s10 =	sld [smem:$0x3FA5];
	_ =	sdelay $0x3  }
0x33: {  	p0 =	seq.s32 s10, $0x1;
	s10 =	sld [smem:$0x3FA7];
	_ =	sdelay $0x3  }
0x34: {  	[smem:$0x3FA7] =	sst s10  }
0x35: {  	s10 =	sld [smem:$0x3FA6];
	_ =	sdelay $0x3  }
0x36: {  	p1 =	seq.s32 s10, $0x1;
	s10 =	sld [smem:$0x3FA7];
	_ =	sdelay $0x3  }
0x37: {  	[smem:$0x3FA7] =	sst s10  }
0x38: {  	s10 =	sld [smem:$0x3FA8]  }
0x39: {  	_ = 	snop;
	(pc) =	sbr.ind lr, $3  }
0x3a: {  	_ = 	snop  }
0x3b: {  	_ = 	snop  }
0x3c: {  	p2 =	seq.s32 s10, $0x1;
	s10 =	sld [smem:$0x3FA7]  }
0x3d: {  	_ =	shalt  }
0x3e: {  	_ =	shalt  }
0x3f: {  	_ =	shalt  }
0x40: {  	_ =	shalt  }
0x41: {  	_ =	shalt  }
0x42: {  	_ =	shalt  }
0x43: {  	_ =	shalt  }
0x44: {  	_ =	shalt  }
0x45: {  	_ =	shalt  }
0x46: {  	_ =	shalt  }
0x47: {  	_ =	shalt  }
0x48: {  	_ =	shalt  }
0x49: {  	_ =	shalt  }
0x4a: {  	_ =	shalt  }
0x4b: {  	_ =	shalt  }
0x4c: {  	_ =	shalt  }
0x4d: {  	_ =	shalt  }
0x4e: {  	_ =	shalt  }
0x4f: {  	_ =	shalt  }
0x50: {  	_ =	shalt  }
0x51: {  	_ =	shalt  }
0x52: {  	_ =	shalt  }
0x53: {  	_ =	shalt  }
0x54: {  	_ =	shalt  }
0x55: {  	_ =	shalt  }
0x56: {  	_ =	shalt  }
0x57: {  	_ =	shalt  }
0x58: {  	_ =	shalt  }
0x59: {  	_ =	shalt  }
0x5a: {  	_ =	shalt  }
0x5b: {  	_ =	shalt  }
0x5c: {  	_ =	shalt  }
0x5d: {  	_ =	shalt  }
0x5e: {  	_ =	shalt  }
0x5f: {  	_ =	shalt  }
0x60: {  	_ =	shalt  }
0x61: {  	_ =	shalt  }
0x62: {  	_ =	shalt  }
0x63: {  	_ =	shalt  }
0x64: {  	_ =	shalt  }
0x65: {  	_ =	shalt  }
0x66: {  	_ =	shalt  }
0x67: {  	_ =	shalt  }
0x68: {  	_ =	shalt  }
0x69: {  	_ =	shalt  }
0x6a: {  	_ =	shalt  }
0x6b: {  	_ =	shalt  }
0x6c: {  	_ =	shalt  }
0x6d: {  	_ =	shalt  }
0x6e: {  	_ =	shalt  }
0x6f: {  	_ =	shalt  }
0x70: {  	_ =	shalt  }
0x71: {  	_ =	shalt  }
0x72: {  	_ =	shalt  }
0x73: {  	_ =	shalt  }
0x74: {  	_ =	shalt  }
0x75: {  	_ =	shalt  }
0x76: {  	_ =	shalt  }
0x77: {  	_ =	shalt  }
0x78: {  	_ =	shalt  }
0x79: {  	_ =	shalt  }
0x7a: {  	_ =	shalt  }
0x7b: {  	_ =	shalt  }
0x7c: {  	_ =	shalt  }
0x7d: {  	_ =	shalt  }
0x7e: {  	_ =	shalt  }
0x7f: {  	_ =	shalt  }
0x80: {  	_ =	shalt  }
0x81: {  	_ =	shalt  }
0x82: {  	_ =	shalt  }
0x83: {  	_ =	shalt  }
0x84: {  	_ =	shalt  }
0x85: {  	_ =	shalt  }
0x86: {  	_ =	shalt  }
0x87: {  	_ =	shalt  }
.Lfunc_end0:
.L_simem_size_0:
called_computation_lowered:
.L_overlay_start_0:
0x88: {  	s2 =	sld [smem:$0x3FD9]  }
0x89: {  	s3 =	sld [smem:$0x3FFE];
	_ =	sdelay $0x1  }
0x8a: {  	s1 =	srdreg.scid  }
0x8b: {  	s0 =	sand.u32 $0x1, s1  }
0x8c: {  	s16 =	sshll.u32 s0, $0xA;
	s2 =	sadd.s32 s3, s2  }
0x8d: {  	s2 =	sadd.s32 s2, s16  }
0x8e: {  	[smem:$0x3FB3] =	sst s2  }
0x8f: {  	_ = 	snop  }
0x90: {  	(tm) =	ssettm $0x1  }
0x91: {  	s17 =	sld [smem:$0x3FFB];
	_ =	sdelay $0x3  }
0x92: {  	_ =	strace s17  }
0x93: {  	s2 =	sld [smem:$0x3FFC];
	_ =	sdelay $0x3  }
0x94: {  	_ =	strace s2  }
0x95: {  	s2 =	sld [smem:$0x3FFD];
	_ =	sdelay $0x3  }
0x96: {  	_ =	strace s2  }
0x97: {  	_ =	strace $0x8FFFFFFF  }
0x98: {  	s18 =	sld [smem:$0x3FDB];
	_ =	sdelay $0x1  }
0x99: {  	s19 =	simm.s32 $_scs_section_size  }
0x9a: {  	s4 =	simm.s32 $_size__tile_overlayer_lowered;
	s5 =	simm.s32 $_tile_overlayer_lowered  }
0x9b: {  	s22 =	simm.s32 $0x1BFF;
	s21 =	sshll.u32 s5, $0x1;
	s2 =	sadd.s32 s19, s18  }
0x9c: {  	s6 =	simm.s32 $0x0;
	s20 =	sshll.u32 s4, $0x1;
	s4 =	sadd.s32 s21, s2  }
0x9d: {  	[timem:s6], [sflag:s22] =	dma.local [hbm:s4], s20  }
0x9e: {  	_ =	swait.ge [sflag:s22], s20  }
0x9f: {  	s3 =	ssub.s32 $0x0, s20;
	[sflag:s22] =	ssyncset.done $0x0  }
0xa0: {  	[sflag:s22] =	ssyncadd.s32 s3;
	_ =	sdelay $0x1  }
0xa1: {  	s23 =	simm.s32 $0x1B8B  }
0xa2: {  	_ =	swait.ge [sflag:s23], $0x1  }
0xa3: {  	[sflag:s23] =	ssyncset.done $0x0  }
0xa4: {  	s25 =	simm.s32 $0x1B8E;
	s24 =	sld [smem:$0x3FFE];
	[sflag:s23] =	ssyncadd.s32 $0xFFFFFFFF  }
0xa5: {  	s26 =	simm.s32 $execute0_lowered;
	[smem:$0x3FD2] =	sst s25  }
0xa6: {  	s4 =	sshll.u32 s26, $0x1;
	_ =	strace $0x80000046;
	[dreg:$0x1] =	wrdreg $0xFFFFFFFF  }
0xa7: {  	s28 =	simm.s32 $_size_execute0_lowered;
	s2 =	sadd.s32 s2, s4;
	[dreg:$0x0] =	wrdreg $0x0  }
0xa8: {  	s4 =	sshll.u32 s28, $0x1;
	[dreg:$0x2] =	wrdreg s2  }
0xa9: {  	[dreg:$0x3] =	wrdreg s4  }
0xaa: {  	[dreg:$0x4] =	wrdreg $0xC0  }
0xab: {  	_ =	task [dreg:s6], $0x5FFFF  }
0xac: {  	[dreg:$0x1] =	wrdreg $0xFFFFFFFF  }
0xad: {  	[dreg:$0x0] =	wrdreg $0x60  }
0xae: {  	[dreg:$0x2] =	wrdreg s24  }
0xaf: {  	[dreg:$0x3] =	wrdreg $0x84000  }
0xb0: {  	[dreg:$0x4] =	wrdreg $0x9  }
0xb1: {  	_ =	task.clear_ibuf [dreg:s6], $0x5FFFF;
	_ =	strace $0x90000046  }
0xb2: {  	s29 =	simm.s32 $0x9;
	_ =	strace $0x80000048  }
0xb3: {  	_ =	swait.ge [sflag:s29], $0x1  }
0xb4: {  	[sflag:s29] =	ssyncadd.s32 $0xFFFFFFFF  }
0xb5: {  	_ =	strace $0x90000048  }
0xb6: {  	_ =	sfence  }
0xb7: {  	s30 =	sld [smem:$0x0];
	_ =	sdelay $0x2  }
0xb8: {  	s31 =	sshll.u32 s1, $0xD;
	s1 =	sshrl.u32 s1, $0x2  }
0xb9: {  	s3 =	sand.u32 $0x4000, s31;
	s1 =	sadd.s32 s1, s30  }
0xba: {  	s0 =	sor.u32 s3, s0;
	s1 =	sshll.u32 s1, $0x11  }
0xbb: {  	s0 =	sor.u32 s1, s0  }
0xbc: {  	s0 =	sadd.s32 $0x8F2B, s0  }
0xbd: {  	[sflag:s0] =	ssyncadd.remote.s32 $0x1  }
0xbe: {  	_ =	sfence.sel $0xFFFF  }
0xbf: {  	[dreg:$0x0] =	wrdreg $0xFFFFFFFF;
	(pc) =	sbr.abs _section_cstart, $3  }
0xc0: {  	[dreg:$0x1] =	wrdreg $0xFFFFFFFF  }
0xc1: {  	_ =	task.clear_ibuf [dreg:s6], $0x2FFFF;
	_ =	strace $0x9FFFFFFF  }
0xc2: {  	(tm) =	ssettm $0x7FFFFFFF  }
0xc3: {  	_ =	shalt  }
tec
execute0_lowered:
.L_overlay_start_1:
0x0: {  	(tag) =	ssettag $0x1  }
0x1: {  	s0 =	rddreg [dreg:$0x0]  }
0x2: {  	s1 =	rddreg [dreg:$0x1];
	s2 =	simm.s32 $0x0  }
0x3: {  	s3 =	srdreg.scid;
	s10 =	stileid.u32;
	s31 =	simm.s32 $0x400  }
0x4: {  	[smem:$0x7FF] =	sst s2;
	s4 =	sadd.s32 $0x18A00, s0;
	s5 =	sadd.s32 $0x40A00, s0  }
0x5: {  	s3 =	sand.u32 $0x1, s3;
	s7 =	smul.u32 $0xA0, s10;
	s8 =	sadd.s32 $0x41200, s0  }
0x6: {  	s13 =	smul.u32 $0x50000, s10;
	_ =	strace $0x80000047;
	s6 =	ssub.s32 $0x2, s3  }
0x7: {  	[dreg:$0x8] =	wrdreg s5;
	s12 =	ssub.s32 $0x0, s3;
	s9 =	sshrl.u32 s6, $0x1  }
0x8: {  	p0 =	seq.s32 s3, $0x0;
	s9 =	ssub.s32 s6, s9;
	s6 =	simm.s32 $0x6C  }
0x9: {  	s5 =	sand.u32 $0x6C, s12;
	s6 =	simm.s32 @!p0 $0x34;
	s21 =	smax.u32 s9, $0x1  }
0xa: {  	s5 =	sadd.s32 s7, s5;
	s15 =	sadd.s32 $0xFFFFFFFF, s6;
	[dreg:$0xd] =	wrdreg s21  }
0xb: {  	s5 =	sshll.u32 s5, $0x5;
	s18 =	sshrl.u32 s6, $0x2;
	[dreg:$0x3] =	wrdreg s15  }
0xc: {  	s0 =	sadd.s32 s5, s0;
	s17 =	sadd.s32 $0xFFFFFFFE, s6;
	[dreg:$0xc] =	wrdreg s18  }
0xd: {  	s3 =	smul.u32 $0x2800, s3;
	s5 =	sadd.s32 $0x4A00, s0;
	[dreg:$0x4] =	wrdreg s17  }
0xe: {  	s7 =	sshrl.u32 s13, $0x2;
	s14 =	sadd.s32 $0x4A20, s0;
	[dreg:$0x9] =	wrdreg s5  }
0xf: {  	s16 =	sadd.s32 $0x4A40, s0;
	s5 =	smul.u32 $0x280, s10;
	[dreg:$0xa] =	wrdreg s14  }
0x10: {  	s19 =	sadd.s32 s7, s1;
	s9 =	simm.s32 $0x6;
	[dreg:$0xb] =	wrdreg s16  }
0x11: {  	s20 =	sadd.s32 s3, s5;
	s23 =	sadd.s32 $0x80, s5;
	s29 =	sadd.s32 $0x100, s5  }
0x12: {  	s13 =	sadd.s32 $0x180, s5;
	s5 =	sadd.s32 $0x200, s5;
	s22 =	sshll.u32 s20, $0x4  }
0x13: {  	s25 =	sshll.u32 s23, $0x7;
	s10 =	sadd.s32 s3, s23;
	s23 =	simm.s32 $0x280  }
0x14: {  	s7 =	sshll.u32 s29, $0x7;
	s24 =	sadd.s32 s8, s22;
	[dreg:$0x6] =	wrdreg s23  }
0x15: {  	s15 =	sshll.u32 s13, $0x7;
	s26 =	sadd.s32 s25, s1;
	[dreg:$0xe] =	wrdreg s24  }
0x16: {  	s20 =	sshll.u32 s5, $0x7;
	s11 =	sadd.s32 s7, s1;
	[dreg:$0xf] =	wrdreg s26  }
0x17: {  	s28 =	sshll.u32 s10, $0x4;
	s16 =	sadd.s32 s15, s1;
	[dreg:$0x11] =	wrdreg s11  }
0x18: {  	s10 =	sadd.s32 s3, s29;
	s21 =	sadd.s32 s20, s1;
	[dreg:$0x13] =	wrdreg s16  }
0x19: {  	s22 =	simm.s32 $0x180;
	s25 =	simm.s32 $0x380;
	[dreg:$0x15] =	wrdreg s21  }
0x1a: {  	s15 =	sadd.s32 $0x4AA0, s0;
	s29 =	sadd.s32 $0xC000, s19;
	[dreg:$0x5] =	wrdreg s22  }
0x1b: {  	s30 =	sadd.s32 s8, s28;
	s12 =	sshll.u32 s10, $0x4;
	[dreg:$0x7] =	wrdreg s25  }
0x1c: {  	s10 =	sadd.s32 s3, s13;
	s3 =	sadd.s32 s3, s5;
	[dreg:$0x1a] =	wrdreg s29  }
0x1d: {  	s24 =	sadd.s32 $0x4A60, s0;
	s26 =	sadd.s32 $0x4000, s19;
	[dreg:$0x10] =	wrdreg s30  }
0x1e: {  	s28 =	sadd.s32 $0x8000, s19;
	s5 =	simm.s32 $0x80;
	[dreg:$0x17] =	wrdreg s24  }
0x1f: {  	s11 =	simm.s32 $0x0;
	s14 =	sadd.s32 s8, s12;
	[dreg:$0x18] =	wrdreg s26  }
0x20: {  	s17 =	sshll.u32 s10, $0x4;
	s3 =	sshll.u32 s3, $0x4;
	[dreg:$0x19] =	wrdreg s28  }
0x21: {  	s12 =	sadd.s32 $0x4AC0, s0;
	s30 =	sadd.s32 $0x10000, s19;
	[dreg:$0x12] =	wrdreg s14  }
0x22: {  	s10 =	simm.s32 $0x4400;
	s18 =	sadd.s32 s8, s17;
	[dreg:$0x1b] =	wrdreg s30  }
0x23: {  	s3 =	sadd.s32 s8, s3;
	s17 =	sadd.s32 $0x4A80, s0;
	[dreg:$0x14] =	wrdreg s18  }
0x24: {  	s0 =	simm.s32 $0x7;
	s8 =	simm.s32 $0x5;
	[dreg:$0x16] =	wrdreg s3  }
.LBB2_1:
0x25: {  	s3 =	rddreg [dreg:$0x8]  }
0x26: {  	[tilespmem:s31], [sflag:$0x7] =	stream.linear.gather [hbm4b:s3+s2], $0x4000, $0x38;
	[tilespmem:$0x1C400] =	vst v63  }
0x27: {  	_ =	swait.ge [sflag:s0], $0x4000  }
0x28: {  	[sflag:s0] =	ssyncset.done $0x0  }
0x29: {  	[sflag:s0] =	ssyncadd.s32 $0xFFFFC000  }
0x2a: {  	[spmem:s19] =	stream.linear.scatter [tilespmem:s31], [sflag:$0x7], $0x4000, $0x38;
	[tilespmem:$0x1C400] =	vst v63  }
0x2b: {  	_ =	swait.ge [sflag:s0], $0x4000  }
0x2c: {  	[sflag:s0] =	ssyncset.done $0x0  }
0x2d: {  	s20 =	rddreg [dreg:$0x18];
	[sflag:s0] =	ssyncadd.s32 $0xFFFFC000  }
0x2e: {  	[spmem:s20] =	stream.linear.scatter [tilespmem:s31], [sflag:$0x7], $0x4000, $0x38;
	[tilespmem:$0x1C400] =	vst v63  }
0x2f: {  	_ =	swait.ge [sflag:s0], $0x4000  }
0x30: {  	[sflag:s0] =	ssyncset.done $0x0  }
0x31: {  	s21 =	rddreg [dreg:$0x19];
	[sflag:s0] =	ssyncadd.s32 $0xFFFFC000  }
0x32: {  	[spmem:s21] =	stream.linear.scatter [tilespmem:s31], [sflag:$0x7], $0x4000, $0x38;
	[tilespmem:$0x1C400] =	vst v63  }
0x33: {  	_ =	swait.ge [sflag:s0], $0x4000  }
0x34: {  	[sflag:s0] =	ssyncset.done $0x0  }
0x35: {  	s22 =	rddreg [dreg:$0x1a];
	[sflag:s0] =	ssyncadd.s32 $0xFFFFC000  }
0x36: {  	[spmem:s22] =	stream.linear.scatter [tilespmem:s31], [sflag:$0x7], $0x4000, $0x38;
	[tilespmem:$0x1C400] =	vst v63  }
0x37: {  	_ =	swait.ge [sflag:s0], $0x4000  }
0x38: {  	[sflag:s0] =	ssyncset.done $0x0  }
0x39: {  	s23 =	rddreg [dreg:$0x1b];
	[sflag:s0] =	ssyncadd.s32 $0xFFFFC000  }
0x3a: {  	[spmem:s23] =	stream.linear.scatter [tilespmem:s31], [sflag:$0x7], $0x4000, $0x38;
	[tilespmem:$0x1C400] =	vst v63  }
0x3b: {  	_ =	swait.ge [sflag:s0], $0x4000  }
0x3c: {  	[sflag:s0] =	ssyncset.done $0x0  }
0x3d: {  	[sflag:s0] =	ssyncadd.s32 $0xFFFFC000  }
0x3e: {  	[bflag:$0x0] =	sbarrier.arrive $0xFFFF  }
0x3f: {  	s24 =	rddreg [dreg:$0x9]  }
0x40: {  	[tilespmem:s2], [sflag:$0x1] =	stream.linear.gather [hbm4b:s24+s2], $0x100, $0x38;
	[tilespmem:$0x1C400] =	vst v63  }
0x41: {  	s7 =	simm.s32 $0x100;
	s25 =	rddreg [dreg:$0xa]  }
0x42: {  	[tilespmem:s7], [sflag:$0x2] =	stream.linear.gather [hbm4b:s25+s2], $0x100, $0x38;
	[tilespmem:$0x1C400] =	vst v63  }
0x43: {  	s28 =	simm.s32 $0x200;
	s29 =	simm.s32 $0x1;
	s26 =	rddreg [dreg:$0xb]  }
0x44: {  	[tilespmem:s28], [sflag:$0x3] =	stream.linear.gather [hbm4b:s26+s2], $0x100, $0x38;
	[tilespmem:$0x1C400] =	vst v63  }
0x45: {  	_ =	swait.ge [sflag:s29], $0x100  }
0x46: {  	s30 =	rddreg [dreg:$0xc]  }
0x47: {  	s16 =	sadd.s32 $0xFFFFFFFF, s30  }
0x48: {  	p2 =	sne.s32 s16, $0x0  }
.Ltmp0:
0x49: {  	_ = 	snop;
	(pc) =	sbr.rel @!p2 .LBB2_2-.Ltmp0, $4  }
0x4a: {  	s14 =	simm.s32 $0x5  }
0x4b: {  	s13 =	simm.s32 $0x6;
	p0 =	sle.u32 s6, $0x3;
	[sflag:s29] =	ssyncset.done $0x0  }
0x4c: {  	p1 =	por $0x0, $0x0;
	s26 =	rddreg [dreg:$0x3];
	[sflag:s29] =	ssyncadd.s32 $0xFFFFFF00  }
0x4d: {  	[tilespmem:s31], [sflag:$0x5] =	stream.indirect.gather [hbm4b:s4+s5], $0x80, s2, s5, $0xb8;
	[tilespmem:$0x1C400] =	vst v63  }
0x4e: {  	s13 =	simm.s32 @!p0 $0x0  }
0x4f: {  	s14 =	simm.s32 @!p0 $0x300;
	s3 =	rddreg [dreg:$0x17];
	p1 =	sle.u32 s26, $0x0  }
0x50: {  	[tilespmem:s14], [sflag:$0x4] =	stream.linear.gather @!p0 [hbm4b:s3+s13], $0x100, $0x38;
	[tilespmem:$0x1C400] =	vst v63  }
0x51: {  	s13 =	simm.s32 @!p1 $0x2  }
0x52: {  	_ =	swait.ge @!p1 [sflag:s13], $0x100  }
0x53: {  	s18 =	simm.s32 @!p1 $0x4400;
	[sflag:s13] =	ssyncset.done @!p1 $0x0  }
0x54: {  	s20 =	simm.s32 @!p1 $0x100;
	[sflag:s13] =	ssyncadd.s32 @!p1 $0xFFFFFF00;
	s13 =	simm.s32 @!p1 $0x80  }
0x55: {  	[tilespmem:s18], [sflag:$0x6] =	stream.indirect.gather @!p1 [hbm4b:s4+s13], $0x80, s20, s13, $0xb8;
	[tilespmem:$0x1C400] =	vst v63  }
0x56: {  	_ =	swait.ge [sflag:s8], $0x4000  }
0x57: {  	[sflag:s8] =	ssyncset.done $0x0  }
0x58: {  	[sflag:s8] =	ssyncadd.s32 $0xFFFFC000  }
0x59: {  	[spmem:s1] =	stream.indirect.scatter.add.f32 [tilespmem:s31], [sflag:$0x7], $0x80, s5, s5, $0xb8;
	[tilespmem:$0x1C400] =	vst v63  }
0x5a: {  	_ =	swait.ge [sflag:s0], $0x4000  }
0x5b: {  	p1 =	sle.u32 s6, $0x4;
	[sflag:s0] =	ssyncset.done $0x0;
	s26 =	rddreg [dreg:$0x4]  }
0x5c: {  	s18 =	simm.s32 @!p1 $0x0;
	[sflag:s0] =	ssyncadd.s32 $0xFFFFC000;
	p2 =	sle.u32 s26, $0x0  }
0x5d: {  	[tilespmem:s18], [sflag:$0x1] =	stream.linear.gather @!p1 [hbm4b:s17+s18], $0x100, $0x38;
	[tilespmem:$0x1C400] =	vst v63  }
0x5e: {  	s13 =	simm.s32 @!p2 $0x3  }
0x5f: {  	_ =	swait.ge @!p2 [sflag:s13], $0x100  }
0x60: {  	s20 =	simm.s32 @!p2 $0x400;
	[sflag:s13] =	ssyncset.done @!p2 $0x0  }
0x61: {  	s21 =	simm.s32 @!p2 $0x200;
	[sflag:s13] =	ssyncadd.s32 @!p2 $0xFFFFFF00;
	s13 =	simm.s32 @!p2 $0x80  }
0x62: {  	[tilespmem:s20], [sflag:$0x5] =	stream.indirect.gather @!p2 [hbm4b:s4+s13], $0x80, s21, s13, $0xb8;
	[tilespmem:$0x1C400] =	vst v63  }
0x63: {  	_ =	swait.ge [sflag:s9], $0x4000  }
0x64: {  	[sflag:s9] =	ssyncset.done $0x0  }
0x65: {  	s28 =	rddreg [dreg:$0x5];
	[sflag:s9] =	ssyncadd.s32 $0xFFFFC000  }
0x66: {  	[spmem:s1] =	stream.indirect.scatter.add.f32 [tilespmem:s10], [sflag:$0x7], $0x80, s28, s5, $0xb8;
	[tilespmem:$0x1C400] =	vst v63  }
0x67: {  	_ =	swait.ge [sflag:s0], $0x4000  }
0x68: {  	p2 =	sle.u32 s6, $0x5;
	s13 =	simm.s32 @!p0 $0x4;
	[sflag:s0] =	ssyncset.done $0x0  }
0x69: {  	s20 =	simm.s32 @!p2 $0x0;
	s21 =	simm.s32 @!p2 $0x100;
	[sflag:s0] =	ssyncadd.s32 $0xFFFFC000  }
0x6a: {  	[tilespmem:s21], [sflag:$0x2] =	stream.linear.gather @!p2 [hbm4b:s15+s20], $0x100, $0x38;
	[tilespmem:$0x1C400] =	vst v63  }
0x6b: {  	_ =	swait.ge @!p0 [sflag:s13], $0x100  }
0x6c: {  	[sflag:s13] =	ssyncset.done @!p0 $0x0  }
0x6d: {  	s20 =	simm.s32 @!p0 $0x4400;
	[sflag:s13] =	ssyncadd.s32 @!p0 $0xFFFFFF00;
	s13 =	simm.s32 @!p0 $0x80  }
0x6e: {  	[tilespmem:s20], [sflag:$0x6] =	stream.indirect.gather @!p0 [hbm4b:s4+s13], $0x80, s14, s13, $0xb8;
	[tilespmem:$0x1C400] =	vst v63  }
0x6f: {  	_ =	swait.ge [sflag:s8], $0x4000  }
0x70: {  	[sflag:s8] =	ssyncset.done $0x0  }
0x71: {  	s29 =	rddreg [dreg:$0x6];
	[sflag:s8] =	ssyncadd.s32 $0xFFFFC000  }
0x72: {  	[spmem:s1] =	stream.indirect.scatter.add.f32 [tilespmem:s31], [sflag:$0x7], $0x80, s29, s5, $0xb8;
	[tilespmem:$0x1C400] =	vst v63  }
0x73: {  	s25 =	sadd.s32 $0x80, s12;
	_ =	swait.ge [sflag:s0], $0x4000  }
0x74: {  	p0 =	sle.u32 s6, $0x6;
	s13 =	simm.s32 @!p1 $0x1;
	[sflag:s0] =	ssyncset.done $0x0  }
0x75: {  	s14 =	simm.s32 @!p0 $0x0;
	s20 =	simm.s32 @!p0 $0x200;
	[sflag:s0] =	ssyncadd.s32 $0xFFFFC000  }
0x76: {  	[tilespmem:s20], [sflag:$0x3] =	stream.linear.gather @!p0 [hbm4b:s12+s14], $0x100, $0x38;
	[tilespmem:$0x1C400] =	vst v63  }
0x77: {  	s23 =	sadd.s32 $0x80, s17;
	s24 =	sadd.s32 $0x80, s15;
	_ =	swait.ge @!p1 [sflag:s13], $0x100  }
0x78: {  	s22 =	sadd.s32 $0x80, s3;
	s14 =	simm.s32 @!p1 $0x400;
	[sflag:s13] =	ssyncset.done @!p1 $0x0  }
0x79: {  	s20 =	sadd.s32 $0xFFFFFFFF, s16;
	[sflag:s13] =	ssyncadd.s32 @!p1 $0xFFFFFF00;
	s13 =	simm.s32 @!p1 $0x80  }
0x7a: {  	[tilespmem:s14], [sflag:$0x5] =	stream.indirect.gather @!p1 [hbm4b:s4+s13], $0x80, s18, s13, $0xb8;
	[tilespmem:$0x1C400] =	vst v63  }
0x7b: {  	s16 =	simm.s32 $0x4;
	p2 =	sne.s32 s20, $0x0;
	_ =	swait.ge [sflag:s9], $0x4000  }
.Ltmp1:
0x7c: {  	p0 =	sle.u32 s6, $0x7;
	[sflag:s9] =	ssyncset.done $0x0;
	(pc) =	sbr.rel @!p2 .LBB2_4-.Ltmp1, $4  }
0x7d: {  	s14 =	simm.s32 $0x9;
	s30 =	rddreg [dreg:$0x7];
	[sflag:s9] =	ssyncadd.s32 $0xFFFFC000  }
0x7e: {  	[spmem:s1] =	stream.indirect.scatter.add.f32 [tilespmem:s10], [sflag:$0x7], $0x80, s30, s5, $0xb8;
	[tilespmem:$0x1C400] =	vst v63  }
0x7f: {  	s13 =	simm.s32 $0xA;
	p1 =	por $0x1, $0x1;
	_ =	swait.ge [sflag:s0], $0x4000  }
0x80: {  	s18 =	simm.s32 $0x4;
	s26 =	rddreg [dreg:$0x3];
	[sflag:s0] =	ssyncset.done $0x0  }
.LBB2_5:
0x81: {  	s28 =	simm.s32 @!p0 $0x0  }
0x82: {  	s21 =	simm.s32 @!p0 $0x300;
	[sflag:s0] =	ssyncadd.s32 $0xFFFFC000;
	p3 =	sge.u32 s16, s26  }
0x83: {  	[tilespmem:s21], [sflag:$0x4] =	stream.linear.gather @!p0 [hbm4b:s22+s28], $0x100, $0x38;
	[tilespmem:$0x1C400] =	vst v63  }
0x84: {  	s26 =	simm.s32 @!p3 $0x2  }
0x85: {  	_ =	swait.ge @!p3 [sflag:s26], $0x100  }
0x86: {  	s28 =	simm.s32 @!p3 $0x4400;
	[sflag:s26] =	ssyncset.done @!p3 $0x0  }
0x87: {  	s29 =	simm.s32 @!p3 $0x100;
	[sflag:s26] =	ssyncadd.s32 @!p3 $0xFFFFFF00;
	s26 =	simm.s32 @!p3 $0x80  }
0x88: {  	[tilespmem:s28], [sflag:$0x6] =	stream.indirect.gather @!p3 [hbm4b:s4+s26], $0x80, s29, s26, $0xb8;
	[tilespmem:$0x1C400] =	vst v63  }
0x89: {  	_ =	swait.ge [sflag:s8], $0x4000  }
0x8a: {  	[sflag:s8] =	ssyncset.done $0x0  }
0x8b: {  	[sflag:s8] =	ssyncadd.s32 $0xFFFFC000  }
0x8c: {  	[spmem:s1] =	stream.indirect.scatter.add.f32 [tilespmem:s31], [sflag:$0x7], $0x80, s5, s5, $0xb8;
	[tilespmem:$0x1C400] =	vst v63  }
0x8d: {  	s16 =	sadd.s32 $0x4, s16;
	_ =	swait.ge [sflag:s0], $0x4000  }
0x8e: {  	p3 =	sge.u32 s16, s6;
	[sflag:s0] =	ssyncset.done $0x0;
	s3 =	rddreg [dreg:$0x4]  }
0x8f: {  	s26 =	simm.s32 @!p3 $0x0;
	[sflag:s0] =	ssyncadd.s32 $0xFFFFC000;
	p4 =	sge.u32 s18, s3  }
0x90: {  	[tilespmem:s26], [sflag:$0x1] =	stream.linear.gather @!p3 [hbm4b:s23+s26], $0x100, $0x38;
	[tilespmem:$0x1C400] =	vst v63  }
0x91: {  	s29 =	simm.s32 @!p4 $0x3  }
0x92: {  	_ =	swait.ge @!p4 [sflag:s29], $0x100  }
0x93: {  	s3 =	simm.s32 @!p4 $0x400;
	[sflag:s29] =	ssyncset.done @!p4 $0x0  }
0x94: {  	s7 =	simm.s32 @!p4 $0x200;
	[sflag:s29] =	ssyncadd.s32 @!p4 $0xFFFFFF00;
	s29 =	simm.s32 @!p4 $0x80  }
0x95: {  	[tilespmem:s3], [sflag:$0x5] =	stream.indirect.gather @!p4 [hbm4b:s4+s29], $0x80, s7, s29, $0xb8;
	[tilespmem:$0x1C400] =	vst v63  }
0x96: {  	_ =	swait.ge [sflag:s9], $0x4000  }
0x97: {  	[sflag:s9] =	ssyncset.done $0x0  }
0x98: {  	s7 =	rddreg [dreg:$0x5];
	[sflag:s9] =	ssyncadd.s32 $0xFFFFC000  }
0x99: {  	[spmem:s1] =	stream.indirect.scatter.add.f32 [tilespmem:s10], [sflag:$0x7], $0x80, s7, s5, $0xb8;
	[tilespmem:$0x1C400] =	vst v63  }
0x9a: {  	_ =	swait.ge [sflag:s0], $0x4000  }
0x9b: {  	p4 =	sge.u32 s14, s6;
	s3 =	simm.s32 @!p0 $0x4;
	[sflag:s0] =	ssyncset.done $0x0  }
0x9c: {  	s14 =	simm.s32 @!p4 $0x100;
	s7 =	simm.s32 @!p4 $0x0;
	[sflag:s0] =	ssyncadd.s32 $0xFFFFC000  }
0x9d: {  	[tilespmem:s14], [sflag:$0x2] =	stream.linear.gather @!p4 [hbm4b:s24+s7], $0x100, $0x38;
	[tilespmem:$0x1C400] =	vst v63  }
0x9e: {  	_ =	swait.ge @!p0 [sflag:s3], $0x100  }
0x9f: {  	[sflag:s3] =	ssyncset.done @!p0 $0x0  }
0xa0: {  	s7 =	simm.s32 @!p0 $0x4400;
	[sflag:s3] =	ssyncadd.s32 @!p0 $0xFFFFFF00;
	s3 =	simm.s32 @!p0 $0x80  }
0xa1: {  	[tilespmem:s7], [sflag:$0x6] =	stream.indirect.gather @!p0 [hbm4b:s4+s3], $0x80, s21, s3, $0xb8;
	[tilespmem:$0x1C400] =	vst v63  }
0xa2: {  	_ =	swait.ge [sflag:s8], $0x4000  }
0xa3: {  	[sflag:s8] =	ssyncset.done $0x0  }
0xa4: {  	s20 =	sadd.s32 $0xFFFFFFFF, s20;
	s21 =	rddreg [dreg:$0x6];
	[sflag:s8] =	ssyncadd.s32 $0xFFFFC000  }
0xa5: {  	[spmem:s1] =	stream.indirect.scatter.add.f32 [tilespmem:s31], [sflag:$0x7], $0x80, s21, s5, $0xb8;
	[tilespmem:$0x1C400] =	vst v63  }
0xa6: {  	p2 =	sne.s32 s20, $0x0;
	_ =	swait.ge [sflag:s0], $0x4000  }
0xa7: {  	p0 =	sge.u32 s13, s6;
	s3 =	simm.s32 @!p3 $0x1;
	[sflag:s0] =	ssyncset.done $0x0  }
0xa8: {  	s7 =	simm.s32 @!p0 $0x0;
	s13 =	simm.s32 @!p0 $0x200;
	[sflag:s0] =	ssyncadd.s32 $0xFFFFC000  }
0xa9: {  	[tilespmem:s13], [sflag:$0x3] =	stream.linear.gather @!p0 [hbm4b:s25+s7], $0x100, $0x38;
	[tilespmem:$0x1C400] =	vst v63  }
0xaa: {  	s30 =	sadd.s32 $0x5, s16;
	s22 =	sadd.s32 $0x80, s22;
	_ =	swait.ge @!p3 [sflag:s3], $0x100  }
0xab: {  	s28 =	sadd.s32 $0x6, s16;
	s18 =	smov.u32 s16;
	[sflag:s3] =	ssyncset.done @!p3 $0x0  }
0xac: {  	s7 =	simm.s32 @!p3 $0x400;
	[sflag:s3] =	ssyncadd.s32 @!p3 $0xFFFFFF00;
	s3 =	simm.s32 @!p3 $0x80  }
0xad: {  	[tilespmem:s7], [sflag:$0x5] =	stream.indirect.gather @!p3 [hbm4b:s4+s3], $0x80, s26, s3, $0xb8;
	[tilespmem:$0x1C400] =	vst v63  }
0xae: {  	s23 =	sadd.s32 $0x80, s23;
	s14 =	smov.u32 s30;
	_ =	swait.ge [sflag:s9], $0x4000  }
.Ltmp2:
0xaf: {  	s24 =	sadd.s32 $0x80, s24;
	[sflag:s9] =	ssyncset.done $0x0;
	(pc) =	sbr.rel @p2 .LBB2_5-.Ltmp2, $4  }
0xb0: {  	s30 =	sadd.s32 $0x3, s16;
	s29 =	rddreg [dreg:$0x7];
	[sflag:s9] =	ssyncadd.s32 $0xFFFFC000  }
0xb1: {  	[spmem:s1] =	stream.indirect.scatter.add.f32 [tilespmem:s10], [sflag:$0x7], $0x80, s29, s5, $0xb8;
	[tilespmem:$0x1C400] =	vst v63  }
0xb2: {  	s13 =	smov.u32 s28;
	s25 =	sadd.s32 $0x80, s25;
	_ =	swait.ge [sflag:s0], $0x4000  }
0xb3: {  	p0 =	sge.u32 s30, s6;
	s26 =	rddreg [dreg:$0x3];
	[sflag:s0] =	ssyncset.done $0x0  }
.LBB2_6:
0xb4: {  	s3 =	simm.s32 @!p0 $0x0  }
0xb5: {  	s7 =	simm.s32 @!p0 $0x300;
	[sflag:s0] =	ssyncadd.s32 @p1 $0xFFFFC000;
	p1 =	sge.u32 s16, s26  }
0xb6: {  	[tilespmem:s7], [sflag:$0x4] =	stream.linear.gather @!p0 [hbm4b:s22+s3], $0x100, $0x38;
	[tilespmem:$0x1C400] =	vst v63  }
0xb7: {  	s3 =	simm.s32 @!p1 $0x2  }
0xb8: {  	_ =	swait.ge @!p1 [sflag:s3], $0x100  }
0xb9: {  	s20 =	simm.s32 @!p1 $0x4400;
	[sflag:s3] =	ssyncset.done @!p1 $0x0  }
0xba: {  	s21 =	simm.s32 @!p1 $0x100;
	[sflag:s3] =	ssyncadd.s32 @!p1 $0xFFFFFF00;
	s3 =	simm.s32 @!p1 $0x80  }
0xbb: {  	[tilespmem:s20], [sflag:$0x6] =	stream.indirect.gather @!p1 [hbm4b:s4+s3], $0x80, s21, s3, $0xb8;
	[tilespmem:$0x1C400] =	vst v63  }
0xbc: {  	_ =	swait.ge [sflag:s8], $0x4000  }
0xbd: {  	[sflag:s8] =	ssyncset.done $0x0  }
0xbe: {  	[sflag:s8] =	ssyncadd.s32 $0xFFFFC000  }
0xbf: {  	[spmem:s1] =	stream.indirect.scatter.add.f32 [tilespmem:s31], [sflag:$0x7], $0x80, s5, s5, $0xb8;
	[tilespmem:$0x1C400] =	vst v63  }
0xc0: {  	s28 =	sadd.s32 $0x4, s16;
	_ =	swait.ge [sflag:s0], $0x4000  }
0xc1: {  	p1 =	sge.u32 s28, s6;
	[sflag:s0] =	ssyncset.done $0x0;
	s29 =	rddreg [dreg:$0x4]  }
0xc2: {  	s16 =	simm.s32 @!p1 $0x0;
	[sflag:s0] =	ssyncadd.s32 $0xFFFFC000;
	p2 =	sge.u32 s18, s29  }
0xc3: {  	[tilespmem:s16], [sflag:$0x1] =	stream.linear.gather @!p1 [hbm4b:s23+s16], $0x100, $0x38;
	[tilespmem:$0x1C400] =	vst v63  }
0xc4: {  	s3 =	simm.s32 @!p2 $0x3  }
0xc5: {  	_ =	swait.ge @!p2 [sflag:s3], $0x100  }
0xc6: {  	s18 =	simm.s32 @!p2 $0x400;
	[sflag:s3] =	ssyncset.done @!p2 $0x0  }
0xc7: {  	s20 =	simm.s32 @!p2 $0x200;
	[sflag:s3] =	ssyncadd.s32 @!p2 $0xFFFFFF00;
	s3 =	simm.s32 @!p2 $0x80  }
0xc8: {  	[tilespmem:s18], [sflag:$0x5] =	stream.indirect.gather @!p2 [hbm4b:s4+s3], $0x80, s20, s3, $0xb8;
	[tilespmem:$0x1C400] =	vst v63  }
0xc9: {  	_ =	swait.ge [sflag:s9], $0x4000  }
0xca: {  	[sflag:s9] =	ssyncset.done $0x0  }
0xcb: {  	s30 =	rddreg [dreg:$0x5];
	[sflag:s9] =	ssyncadd.s32 $0xFFFFC000  }
0xcc: {  	[spmem:s1] =	stream.indirect.scatter.add.f32 [tilespmem:s10], [sflag:$0x7], $0x80, s30, s5, $0xb8;
	[tilespmem:$0x1C400] =	vst v63  }
0xcd: {  	_ =	swait.ge [sflag:s0], $0x4000  }
0xce: {  	p2 =	sge.u32 s14, s6;
	[sflag:s0] =	ssyncset.done $0x0  }
0xcf: {  	s3 =	simm.s32 @!p2 $0x0;
	s14 =	simm.s32 @!p2 $0x100;
	[sflag:s0] =	ssyncadd.s32 $0xFFFFC000  }
0xd0: {  	[tilespmem:s14], [sflag:$0x2] =	stream.linear.gather @!p2 [hbm4b:s24+s3], $0x100, $0x38;
	[tilespmem:$0x1C400] =	vst v63  }
0xd1: {  	s3 =	simm.s32 @!p0 $0x4  }
0xd2: {  	_ =	swait.ge @!p0 [sflag:s3], $0x100  }
0xd3: {  	[sflag:s3] =	ssyncset.done @!p0 $0x0  }
0xd4: {  	s14 =	simm.s32 @!p0 $0x4400;
	[sflag:s3] =	ssyncadd.s32 @!p0 $0xFFFFFF00;
	s3 =	simm.s32 @!p0 $0x80  }
0xd5: {  	[tilespmem:s14], [sflag:$0x6] =	stream.indirect.gather @!p0 [hbm4b:s4+s3], $0x80, s7, s3, $0xb8;
	[tilespmem:$0x1C400] =	vst v63  }
0xd6: {  	_ =	swait.ge [sflag:s8], $0x4000  }
0xd7: {  	[sflag:s8] =	ssyncset.done $0x0  }
0xd8: {  	s14 =	rddreg [dreg:$0x6];
	[sflag:s8] =	ssyncadd.s32 $0xFFFFC000  }
0xd9: {  	[spmem:s1] =	stream.indirect.scatter.add.f32 [tilespmem:s31], [sflag:$0x7], $0x80, s14, s5, $0xb8;
	[tilespmem:$0x1C400] =	vst v63  }
0xda: {  	_ =	swait.ge [sflag:s0], $0x4000  }
0xdb: {  	p0 =	sge.u32 s13, s6;
	[sflag:s0] =	ssyncset.done $0x0  }
0xdc: {  	s3 =	simm.s32 @!p0 $0x0;
	s7 =	simm.s32 @!p0 $0x200;
	[sflag:s0] =	ssyncadd.s32 $0xFFFFC000  }
0xdd: {  	[tilespmem:s7], [sflag:$0x3] =	stream.linear.gather @!p0 [hbm4b:s25+s3], $0x100, $0x38;
	[tilespmem:$0x1C400] =	vst v63  }
0xde: {  	s3 =	simm.s32 @!p1 $0x1  }
0xdf: {  	_ =	swait.ge @!p1 [sflag:s3], $0x100  }
0xe0: {  	[sflag:s3] =	ssyncset.done @!p1 $0x0  }
0xe1: {  	s7 =	simm.s32 @!p1 $0x400;
	[sflag:s3] =	ssyncadd.s32 @!p1 $0xFFFFFF00;
	s3 =	simm.s32 @!p1 $0x80  }
0xe2: {  	[tilespmem:s7], [sflag:$0x5] =	stream.indirect.gather @!p1 [hbm4b:s4+s3], $0x80, s16, s3, $0xb8;
	[tilespmem:$0x1C400] =	vst v63  }
0xe3: {  	_ =	swait.ge [sflag:s9], $0x4000  }
0xe4: {  	[sflag:s9] =	ssyncset.done $0x0  }
0xe5: {  	s18 =	rddreg [dreg:$0x7];
	[sflag:s9] =	ssyncadd.s32 $0xFFFFC000  }
0xe6: {  	[spmem:s1] =	stream.indirect.scatter.add.f32 [tilespmem:s10], [sflag:$0x7], $0x80, s18, s5, $0xb8;
	[tilespmem:$0x1C400] =	vst v63  }
0xe7: {  	_ =	swait.ge [sflag:s0], $0x4000  }
0xe8: {  	[sflag:s0] =	ssyncset.done $0x0  }
0xe9: {  	[sflag:s0] =	ssyncadd.s32 $0xFFFFC000  }
0xea: {  	[bflag:$0x0] =	sbarrier.arrive $0xFFFF  }
0xeb: {  	[tilespmem:s31], [sflag:$0x7] =	stream.linear.gather [spmem:s19], $0x4000, $0x38;
	[tilespmem:$0x1C400] =	vst v63  }
0xec: {  	_ =	swait.ge [sflag:s0], $0x4000  }
0xed: {  	[sflag:s0] =	ssyncset.done $0x0  }
0xee: {  	s20 =	rddreg [dreg:$0xe];
	[sflag:s0] =	ssyncadd.s32 $0xFFFFC000  }
0xef: {  	[hbm4b:s20+s2] =	stream.linear.scatter [tilespmem:s31], [sflag:$0x7], $0x4000, $0x38;
	[tilespmem:$0x1C400] =	vst v63  }
0xf0: {  	_ =	swait.ge [sflag:s0], $0x4000  }
0xf1: {  	[sflag:s0] =	ssyncset.done $0x0  }
0xf2: {  	s21 =	rddreg [dreg:$0xf];
	[sflag:s0] =	ssyncadd.s32 $0xFFFFC000  }
0xf3: {  	[tilespmem:s31], [sflag:$0x7] =	stream.linear.gather [spmem:s21], $0x4000, $0x38;
	[tilespmem:$0x1C400] =	vst v63  }
0xf4: {  	_ =	swait.ge [sflag:s0], $0x4000  }
0xf5: {  	[sflag:s0] =	ssyncset.done $0x0  }
0xf6: {  	s22 =	rddreg [dreg:$0x10];
	[sflag:s0] =	ssyncadd.s32 $0xFFFFC000  }
0xf7: {  	[hbm4b:s22+s2] =	stream.linear.scatter [tilespmem:s31], [sflag:$0x7], $0x4000, $0x38;
	[tilespmem:$0x1C400] =	vst v63  }
0xf8: {  	_ =	swait.ge [sflag:s0], $0x4000  }
0xf9: {  	[sflag:s0] =	ssyncset.done $0x0  }
0xfa: {  	s23 =	rddreg [dreg:$0x11];
	[sflag:s0] =	ssyncadd.s32 $0xFFFFC000  }
0xfb: {  	[tilespmem:s31], [sflag:$0x7] =	stream.linear.gather [spmem:s23], $0x4000, $0x38;
	[tilespmem:$0x1C400] =	vst v63  }
0xfc: {  	_ =	swait.ge [sflag:s0], $0x4000  }
0xfd: {  	[sflag:s0] =	ssyncset.done $0x0  }
0xfe: {  	s24 =	rddreg [dreg:$0x12];
	[sflag:s0] =	ssyncadd.s32 $0xFFFFC000  }
0xff: {  	[hbm4b:s24+s2] =	stream.linear.scatter [tilespmem:s31], [sflag:$0x7], $0x4000, $0x38;
	[tilespmem:$0x1C400] =	vst v63  }
0x100: {  	_ =	swait.ge [sflag:s0], $0x4000  }
0x101: {  	[sflag:s0] =	ssyncset.done $0x0  }
0x102: {  	s25 =	rddreg [dreg:$0x13];
	[sflag:s0] =	ssyncadd.s32 $0xFFFFC000  }
0x103: {  	[tilespmem:s31], [sflag:$0x7] =	stream.linear.gather [spmem:s25], $0x4000, $0x38;
	[tilespmem:$0x1C400] =	vst v63  }
0x104: {  	_ =	swait.ge [sflag:s0], $0x4000  }
0x105: {  	[sflag:s0] =	ssyncset.done $0x0  }
0x106: {  	s26 =	rddreg [dreg:$0x14];
	[sflag:s0] =	ssyncadd.s32 $0xFFFFC000  }
0x107: {  	[hbm4b:s26+s2] =	stream.linear.scatter [tilespmem:s31], [sflag:$0x7], $0x4000, $0x38;
	[tilespmem:$0x1C400] =	vst v63  }
0x108: {  	_ =	swait.ge [sflag:s0], $0x4000  }
0x109: {  	[sflag:s0] =	ssyncset.done $0x0  }
0x10a: {  	s28 =	rddreg [dreg:$0x15];
	[sflag:s0] =	ssyncadd.s32 $0xFFFFC000  }
0x10b: {  	[tilespmem:s31], [sflag:$0x7] =	stream.linear.gather [spmem:s28], $0x4000, $0x38;
	[tilespmem:$0x1C400] =	vst v63  }
0x10c: {  	_ =	swait.ge [sflag:s0], $0x4000  }
0x10d: {  	[sflag:s0] =	ssyncset.done $0x0  }
0x10e: {  	s29 =	rddreg [dreg:$0x16];
	[sflag:s0] =	ssyncadd.s32 $0xFFFFC000  }
0x10f: {  	[hbm4b:s29+s2] =	stream.linear.scatter [tilespmem:s31], [sflag:$0x7], $0x4000, $0x38;
	[tilespmem:$0x1C400] =	vst v63  }
0x110: {  	_ =	swait.ge [sflag:s0], $0x4000  }
0x111: {  	s11 =	sadd.s32 $0x1, s11;
	s30 =	rddreg [dreg:$0xd]  }
0x112: {  	p0 =	sne.s32 s11, s30  }
.Ltmp3:
0x113: {  	_ = 	snop;
	(pc) =	sbr.rel @p0 .LBB2_1-.Ltmp3, $4  }
.Ltmp4:
0x114: {  	_ = 	snop;
	(pc) =	sbr.rel @!p0 .LBB2_7-.Ltmp4, $4  }
0x115: {  	_ = 	snop  }
0x116: {  	[sflag:s0] =	ssyncset.done $0x0  }
0x117: {  	[sflag:s0] =	ssyncadd.s32 $0xFFFFC000  }
0x118: {  	_ = 	snop  }
.LBB2_2:
.Ltmp5:
0x119: {  	(pc) =	sbr.rel .LBB2_6-.Ltmp5, $3  }
0x11a: {  	_ =	sdelay $0x1  }
0x11b: {  	s22 =	rddreg [dreg:$0x17];
	s16 =	simm.s32 $0x0;
	s23 =	smov.u32 s17  }
0x11c: {  	s18 =	simm.s32 $0x0;
	s24 =	smov.u32 s15;
	s25 =	smov.u32 s12  }
.LBB2_4:
.Ltmp6:
0x11d: {  	(pc) =	sbr.rel .LBB2_6-.Ltmp6, $2  }
0x11e: {  	_ =	sdelay $0x2  }
0x11f: {  	s18 =	simm.s32 $0x4  }
.LBB2_7:
0x120: {  	_ =	sfence.sel $0x180000  }
0x121: {  	[bflag:$0x0] =	sbarrier.arrive $0xFFFF  }
0x122: {  	_ =	strace $0x90000047  }
0x123: {  	s0 =	stileid.u32;
	[bflag:$0x2] =	sbarrier.arrive $0xFFFF  }
0x124: {  	p0 =	sne.s32 s0, $0x0;
	s0 =	rddreg [dreg:$0x2]  }
0x125: {  	s0 =	sadd.s32 @!p0 $0x100000, s0  }
0x126: {  	[sflag:s0] =	ssyncadd.tile.s32 @!p0 $0x1;
	_ =	shalt  }
.Lfunc_end2:
_tile_overlayer_lowered:
.L_overlay_start_2:
0x127: {  	(tag) =	ssettag $0x2  }
0x128: {  	s0 =	rddreg [dreg:$0x0];
	s2 =	stileid.u32  }
0x129: {  	s1 =	rddreg [dreg:$0x1];
	p0 =	sne.s32 s2, $0x0  }
0x12a: {  	s3 =	rddreg [dreg:$0x2];
	[bflag:$0x3] =	sbarrier.arrive $0xFFFF;
	s2 =	simm.s32 @!p0 $0x1C07  }
0x12b: {  	[timem:s3], [sflag:s2] =	dma.local @!p0 [hbm:s0], s1  }
0x12c: {  	s0 =	simm.s32 @!p0 $0x7  }
0x12d: {  	_ =	swait.ge @!p0 [sflag:s0], s1  }
0x12e: {  	s1 =	ssub.s32 @!p0 $0x0, s1;
	[sflag:s0] =	ssyncset.done @!p0 $0x0  }
0x12f: {  	[sflag:s0] =	ssyncadd.s32 @!p0 s1  }
0x130: {  	[bflag:$0x3] =	sbarrier.arrive $0xFFFF  }
0x131: {  	_ =	shalt  }

// kernel: kernel.14.cloned.1.call-start
scs
__scs_entry_jumppad:
0x0: {  	(pc) =	sbr.rel $0x88, $3  }
0x1: {  	(tag) =	ssettag $0x0;
	lr =	simm.s32 $0x1  }
0x2: {  	[smem:$0x3F8C] =	sst lr;
	_ =	strace $0xD0000000  }
0x3: {  	_ = 	snop  }
0x4: {  	_ = 	snop  }
0x5: {  	_ = 	snop  }
0x6: {  	_ = 	snop  }
0x7: {  	_ = 	snop  }
__scs_overlays_trampoline_lowered:
0x8: {  	[smem:$0x3F9B] =	sst s0  }
0x9: {  	[smem:$0x3F9C] =	sst s1  }
0xa: {  	[smem:$0x3F9D] =	sst s2  }
0xb: {  	[smem:$0x3F9E] =	sst s3  }
0xc: {  	[smem:$0x3F9F] =	sst s4  }
0xd: {  	[smem:$0x3FA0] =	sst s5  }
0xe: {  	[smem:$0x3FA1] =	sst s6  }
0xf: {  	[smem:$0x3FA2] =	sst s7  }
0x10: {  	[smem:$0x3FA3] =	sst s8  }
0x11: {  	[smem:$0x3FA4] =	sst s9;
	s0 =	simm.s32 @!p0 $0x0  }
0x12: {  	s1 =	sld [smem:$0x3F8A];
	s0 =	simm.s32 @p0 $0x1  }
0x13: {  	[smem:$0x3FA5] =	sst s0;
	s0 =	simm.s32 @!p1 $0x0  }
0x14: {  	s2 =	sld [smem:$0x3F89];
	s0 =	simm.s32 @p1 $0x1  }
0x15: {  	[smem:$0x3FA6] =	sst s0;
	s0 =	simm.s32 @!p2 $0x0  }
0x16: {  	s3 =	sld [smem:$0x3FDB];
	s0 =	simm.s32 @p2 $0x1  }
0x17: {  	s4 =	simm.s32 $0x1BF5;
	[smem:$0x3FA8] =	sst s0  }
0x18: {  	s0 =	sld [smem:$0x3F8B];
	_ =	swait.ge [sflag:s4], $0x0  }
0x19: {  	s7 =	sld [smem:$0x3F8C]  }
0x1a: {  	s8 =	sadd.s32 $0xFFFFE003, lr  }
0x1b: {  	s9 =	sadd.s32 $0xFFFFFEF7, lr;
	s5 =	simm.s32 $0xFFFFFFFF;
	p2 =	slt.u32 s8, $0xFFFFF086  }
0x1c: {  	p1 =	slt.u32 s9, $0xF7A;
	s5 =	simm.s32 @!p2 $0x0  }
0x1d: {  	s5 =	simm.s32 @p1 $0x1;
	p0 =	seq.s32 s7, s2  }
0x1e: {  	s7 =	smul.u32 @!p0 $0xF7A, s2;
	p2 =	seq.s32 @!p0 s5, $0x0  }
0x1f: {  	s9 =	smul.u32 $0xF7A, s1;
	s8 =	simm.s32 @!p0 $0x1BF5;
	p2 =	por !p2, p0  }
0x20: {  	[sflag:s8] =	ssyncset.s32 @!p0 $0xFFFFF086;
	s6 =	sadd.s32 @!p0 s3, s7;
	s7 =	simm.s32 @!p0 $0x108  }
0x21: {  	s3 =	sadd.s32 s3, s9;
	s6 =	sadd.s32 @!p0 $0x88, s6;
	s7 =	simm.s32 @p2 $0x1082  }
0x22: {  	[simem:s7], [sflag:s8] =	dma.local @!p0 [hbm:s6], $0xF7A  }
0x23: {  	s9 =	sor.u32 $0xD0000000, s2;
	s6 =	simm.s32 $0x108;
	_ =	swait.ge @!p0 [sflag:s8], $0x0  }
0x24: {  	s3 =	sadd.s32 $0x88, s3;
	s6 =	simm.s32 @!p1 $0x1082;
	[sflag:s4] =	ssyncset.s32 $0xFFFFF086  }
0x25: {  	[simem:s6], [sflag:s4] =	dma.local [hbm:s3], $0xF7A  }
0x26: {  	[smem:$0x3F8C] =	sst s1;
	(tag) =	ssettag s2;
	_ =	strace s9  }
0x27: {  	s1 =	sld [smem:$0x3F9C]  }
0x28: {  	s2 =	sld [smem:$0x3F9D]  }
0x29: {  	s4 =	sld [smem:$0x3F9F]  }
0x2a: {  	p0 =	seq.s32 s5, $0x0;
	s5 =	sld [smem:$0x3FA0]  }
0x2b: {  	s6 =	sld [smem:$0x3FA1]  }
0x2c: {  	s7 =	sld [smem:$0x3FA2]  }
0x2d: {  	s3 =	simm.s32 $0x108;
	s8 =	sld [smem:$0x3FA3]  }
0x2e: {  	s3 =	simm.s32 @!p0 $0x1082;
	s9 =	sld [smem:$0x3FA4]  }
0x2f: {  	lr =	sadd.s32 s0, s3;
	s0 =	sld [smem:$0x3F9B]  }
0x30: {  	s3 =	sld [smem:$0x3F9E]  }
0x31: {  	[smem:$0x3FA7] =	sst s10  }
0x32: {  	s10 =	sld [smem:$0x3FA5];
	_ =	sdelay $0x3  }
0x33: {  	p0 =	seq.s32 s10, $0x1;
	s10 =	sld [smem:$0x3FA7];
	_ =	sdelay $0x3  }
0x34: {  	[smem:$0x3FA7] =	sst s10  }
0x35: {  	s10 =	sld [smem:$0x3FA6];
	_ =	sdelay $0x3  }
0x36: {  	p1 =	seq.s32 s10, $0x1;
	s10 =	sld [smem:$0x3FA7];
	_ =	sdelay $0x3  }
0x37: {  	[smem:$0x3FA7] =	sst s10  }
0x38: {  	s10 =	sld [smem:$0x3FA8]  }
0x39: {  	_ = 	snop;
	(pc) =	sbr.ind lr, $3  }
0x3a: {  	_ = 	snop  }
0x3b: {  	_ = 	snop  }
0x3c: {  	p2 =	seq.s32 s10, $0x1;
	s10 =	sld [smem:$0x3FA7]  }
0x3d: {  	_ =	shalt  }
0x3e: {  	_ =	shalt  }
0x3f: {  	_ =	shalt  }
0x40: {  	_ =	shalt  }
0x41: {  	_ =	shalt  }
0x42: {  	_ =	shalt  }
0x43: {  	_ =	shalt  }
0x44: {  	_ =	shalt  }
0x45: {  	_ =	shalt  }
0x46: {  	_ =	shalt  }
0x47: {  	_ =	shalt  }
0x48: {  	_ =	shalt  }
0x49: {  	_ =	shalt  }
0x4a: {  	_ =	shalt  }
0x4b: {  	_ =	shalt  }
0x4c: {  	_ =	shalt  }
0x4d: {  	_ =	shalt  }
0x4e: {  	_ =	shalt  }
0x4f: {  	_ =	shalt  }
0x50: {  	_ =	shalt  }
0x51: {  	_ =	shalt  }
0x52: {  	_ =	shalt  }
0x53: {  	_ =	shalt  }
0x54: {  	_ =	shalt  }
0x55: {  	_ =	shalt  }
0x56: {  	_ =	shalt  }
0x57: {  	_ =	shalt  }
0x58: {  	_ =	shalt  }
0x59: {  	_ =	shalt  }
0x5a: {  	_ =	shalt  }
0x5b: {  	_ =	shalt  }
0x5c: {  	_ =	shalt  }
0x5d: {  	_ =	shalt  }
0x5e: {  	_ =	shalt  }
0x5f: {  	_ =	shalt  }
0x60: {  	_ =	shalt  }
0x61: {  	_ =	shalt  }
0x62: {  	_ =	shalt  }
0x63: {  	_ =	shalt  }
0x64: {  	_ =	shalt  }
0x65: {  	_ =	shalt  }
0x66: {  	_ =	shalt  }
0x67: {  	_ =	shalt  }
0x68: {  	_ =	shalt  }
0x69: {  	_ =	shalt  }
0x6a: {  	_ =	shalt  }
0x6b: {  	_ =	shalt  }
0x6c: {  	_ =	shalt  }
0x6d: {  	_ =	shalt  }
0x6e: {  	_ =	shalt  }
0x6f: {  	_ =	shalt  }
0x70: {  	_ =	shalt  }
0x71: {  	_ =	shalt  }
0x72: {  	_ =	shalt  }
0x73: {  	_ =	shalt  }
0x74: {  	_ =	shalt  }
0x75: {  	_ =	shalt  }
0x76: {  	_ =	shalt  }
0x77: {  	_ =	shalt  }
0x78: {  	_ =	shalt  }
0x79: {  	_ =	shalt  }
0x7a: {  	_ =	shalt  }
0x7b: {  	_ =	shalt  }
0x7c: {  	_ =	shalt  }
0x7d: {  	_ =	shalt  }
0x7e: {  	_ =	shalt  }
0x7f: {  	_ =	shalt  }
0x80: {  	_ =	shalt  }
0x81: {  	_ =	shalt  }
0x82: {  	_ =	shalt  }
0x83: {  	_ =	shalt  }
0x84: {  	_ =	shalt  }
0x85: {  	_ =	shalt  }
0x86: {  	_ =	shalt  }
0x87: {  	_ =	shalt  }
.Lfunc_end0:
.L_simem_size_0:
called_computation.1_lowered:
.L_overlay_start_0:
0x88: {  	s2 =	sld [smem:$0x3FD9]  }
0x89: {  	s3 =	sld [smem:$0x3FFE];
	_ =	sdelay $0x1  }
0x8a: {  	s1 =	srdreg.scid  }
0x8b: {  	s0 =	sand.u32 $0x1, s1  }
0x8c: {  	s16 =	sshll.u32 s0, $0xA;
	s2 =	sadd.s32 s3, s2  }
0x8d: {  	s2 =	sadd.s32 s2, s16  }
0x8e: {  	[smem:$0x3FB3] =	sst s2  }
0x8f: {  	_ = 	snop  }
0x90: {  	(tm) =	ssettm $0x1  }
0x91: {  	s17 =	sld [smem:$0x3FFB];
	_ =	sdelay $0x3  }
0x92: {  	_ =	strace s17  }
0x93: {  	s2 =	sld [smem:$0x3FFC];
	_ =	sdelay $0x3  }
0x94: {  	_ =	strace s2  }
0x95: {  	s2 =	sld [smem:$0x3FFD];
	_ =	sdelay $0x3  }
0x96: {  	_ =	strace s2  }
0x97: {  	_ =	strace $0x8FFFFFFF  }
0x98: {  	s18 =	sld [smem:$0x3FDB];
	_ =	sdelay $0x1  }
0x99: {  	s19 =	simm.s32 $_scs_section_size  }
0x9a: {  	s4 =	simm.s32 $_size__tile_overlayer_lowered;
	s5 =	simm.s32 $_tile_overlayer_lowered  }
0x9b: {  	s22 =	simm.s32 $0x1BFF;
	s21 =	sshll.u32 s5, $0x1;
	s2 =	sadd.s32 s19, s18  }
0x9c: {  	s6 =	simm.s32 $0x0;
	s20 =	sshll.u32 s4, $0x1;
	s4 =	sadd.s32 s21, s2  }
0x9d: {  	[timem:s6], [sflag:s22] =	dma.local [hbm:s4], s20  }
0x9e: {  	_ =	swait.ge [sflag:s22], s20  }
0x9f: {  	s3 =	ssub.s32 $0x0, s20;
	[sflag:s22] =	ssyncset.done $0x0  }
0xa0: {  	[sflag:s22] =	ssyncadd.s32 s3;
	_ =	sdelay $0x1  }
0xa1: {  	s23 =	simm.s32 $0x1B8B  }
0xa2: {  	_ =	swait.ge [sflag:s23], $0x1  }
0xa3: {  	[sflag:s23] =	ssyncset.done $0x0  }
0xa4: {  	s25 =	simm.s32 $0x1B8E;
	s24 =	sld [smem:$0x3FFE];
	[sflag:s23] =	ssyncadd.s32 $0xFFFFFFFF  }
0xa5: {  	s26 =	simm.s32 $execute0_lowered;
	[smem:$0x3FD2] =	sst s25  }
0xa6: {  	s4 =	sshll.u32 s26, $0x1;
	_ =	strace $0x80000049;
	[dreg:$0x1] =	wrdreg $0xFFFFFFFF  }
0xa7: {  	s28 =	simm.s32 $_size_execute0_lowered;
	s2 =	sadd.s32 s2, s4;
	[dreg:$0x0] =	wrdreg $0x0  }
0xa8: {  	s4 =	sshll.u32 s28, $0x1;
	[dreg:$0x2] =	wrdreg s2  }
0xa9: {  	[dreg:$0x3] =	wrdreg s4  }
0xaa: {  	[dreg:$0x4] =	wrdreg $0xC0  }
0xab: {  	_ =	task [dreg:s6], $0x5FFFF  }
0xac: {  	[dreg:$0x1] =	wrdreg $0xFFFFFFFF  }
0xad: {  	[dreg:$0x0] =	wrdreg $0x60  }
0xae: {  	[dreg:$0x2] =	wrdreg s24  }
0xaf: {  	[dreg:$0x3] =	wrdreg $0x84000  }
0xb0: {  	[dreg:$0x4] =	wrdreg $0x9  }
0xb1: {  	_ =	task.clear_ibuf [dreg:s6], $0x5FFFF;
	_ =	strace $0x90000049  }
0xb2: {  	s29 =	simm.s32 $0x9;
	_ =	strace $0x8000004B  }
0xb3: {  	_ =	swait.ge [sflag:s29], $0x1  }
0xb4: {  	[sflag:s29] =	ssyncadd.s32 $0xFFFFFFFF  }
0xb5: {  	_ =	strace $0x9000004B  }
0xb6: {  	_ =	sfence  }
0xb7: {  	s30 =	sld [smem:$0x0];
	_ =	sdelay $0x2  }
0xb8: {  	s31 =	sshll.u32 s1, $0xD;
	s1 =	sshrl.u32 s1, $0x2  }
0xb9: {  	s3 =	sand.u32 $0x4000, s31;
	s1 =	sadd.s32 s1, s30  }
0xba: {  	s0 =	sor.u32 s3, s0;
	s1 =	sshll.u32 s1, $0x11  }
0xbb: {  	s0 =	sor.u32 s1, s0  }
0xbc: {  	s0 =	sadd.s32 $0x8F2B, s0  }
0xbd: {  	[sflag:s0] =	ssyncadd.remote.s32 $0x1  }
0xbe: {  	_ =	sfence.sel $0xFFFF  }
0xbf: {  	[dreg:$0x0] =	wrdreg $0xFFFFFFFF;
	(pc) =	sbr.abs _section_cstart, $3  }
0xc0: {  	[dreg:$0x1] =	wrdreg $0xFFFFFFFF  }
0xc1: {  	_ =	task.clear_ibuf [dreg:s6], $0x2FFFF;
	_ =	strace $0x9FFFFFFF  }
0xc2: {  	(tm) =	ssettm $0x7FFFFFFF  }
0xc3: {  	_ =	shalt  }
tec
execute0_lowered:
.L_overlay_start_1:
0x0: {  	(tag) =	ssettag $0x1  }
0x1: {  	s0 =	rddreg [dreg:$0x0]  }
0x2: {  	s1 =	rddreg [dreg:$0x1];
	s2 =	simm.s32 $0x0  }
0x3: {  	s3 =	srdreg.scid;
	s10 =	stileid.u32;
	s31 =	simm.s32 $0x400  }
0x4: {  	[smem:$0x7FF] =	sst s2;
	s4 =	sadd.s32 $0x18A00, s0;
	s5 =	sadd.s32 $0x40A00, s0  }
0x5: {  	s3 =	sand.u32 $0x1, s3;
	s7 =	smul.u32 $0xA0, s10;
	s8 =	sadd.s32 $0x41200, s0  }
0x6: {  	s13 =	smul.u32 $0x50000, s10;
	_ =	strace $0x8000004A;
	s6 =	ssub.s32 $0x2, s3  }
0x7: {  	[dreg:$0x8] =	wrdreg s5;
	s12 =	ssub.s32 $0x0, s3;
	s9 =	sshrl.u32 s6, $0x1  }
0x8: {  	p0 =	seq.s32 s3, $0x0;
	s9 =	ssub.s32 s6, s9;
	s6 =	simm.s32 $0x6C  }
0x9: {  	s5 =	sand.u32 $0x6C, s12;
	s6 =	simm.s32 @!p0 $0x34;
	s21 =	smax.u32 s9, $0x1  }
0xa: {  	s5 =	sadd.s32 s7, s5;
	s15 =	sadd.s32 $0xFFFFFFFF, s6;
	[dreg:$0xd] =	wrdreg s21  }
0xb: {  	s5 =	sshll.u32 s5, $0x5;
	s18 =	sshrl.u32 s6, $0x2;
	[dreg:$0x3] =	wrdreg s15  }
0xc: {  	s0 =	sadd.s32 s5, s0;
	s17 =	sadd.s32 $0xFFFFFFFE, s6;
	[dreg:$0xc] =	wrdreg s18  }
0xd: {  	s3 =	smul.u32 $0x2800, s3;
	s5 =	sadd.s32 $0x4A00, s0;
	[dreg:$0x4] =	wrdreg s17  }
0xe: {  	s7 =	sshrl.u32 s13, $0x2;
	s14 =	sadd.s32 $0x4A20, s0;
	[dreg:$0x9] =	wrdreg s5  }
0xf: {  	s16 =	sadd.s32 $0x4A40, s0;
	s5 =	smul.u32 $0x280, s10;
	[dreg:$0xa] =	wrdreg s14  }
0x10: {  	s19 =	sadd.s32 s7, s1;
	s9 =	simm.s32 $0x6;
	[dreg:$0xb] =	wrdreg s16  }
0x11: {  	s20 =	sadd.s32 s3, s5;
	s23 =	sadd.s32 $0x80, s5;
	s29 =	sadd.s32 $0x100, s5  }
0x12: {  	s13 =	sadd.s32 $0x180, s5;
	s5 =	sadd.s32 $0x200, s5;
	s22 =	sshll.u32 s20, $0x4  }
0x13: {  	s25 =	sshll.u32 s23, $0x7;
	s10 =	sadd.s32 s3, s23;
	s23 =	simm.s32 $0x280  }
0x14: {  	s7 =	sshll.u32 s29, $0x7;
	s24 =	sadd.s32 s8, s22;
	[dreg:$0x6] =	wrdreg s23  }
0x15: {  	s15 =	sshll.u32 s13, $0x7;
	s26 =	sadd.s32 s25, s1;
	[dreg:$0xe] =	wrdreg s24  }
0x16: {  	s20 =	sshll.u32 s5, $0x7;
	s11 =	sadd.s32 s7, s1;
	[dreg:$0xf] =	wrdreg s26  }
0x17: {  	s28 =	sshll.u32 s10, $0x4;
	s16 =	sadd.s32 s15, s1;
	[dreg:$0x11] =	wrdreg s11  }
0x18: {  	s10 =	sadd.s32 s3, s29;
	s21 =	sadd.s32 s20, s1;
	[dreg:$0x13] =	wrdreg s16  }
0x19: {  	s22 =	simm.s32 $0x180;
	s25 =	simm.s32 $0x380;
	[dreg:$0x15] =	wrdreg s21  }
0x1a: {  	s15 =	sadd.s32 $0x4AA0, s0;
	s29 =	sadd.s32 $0xC000, s19;
	[dreg:$0x5] =	wrdreg s22  }
0x1b: {  	s30 =	sadd.s32 s8, s28;
	s12 =	sshll.u32 s10, $0x4;
	[dreg:$0x7] =	wrdreg s25  }
0x1c: {  	s10 =	sadd.s32 s3, s13;
	s3 =	sadd.s32 s3, s5;
	[dreg:$0x1a] =	wrdreg s29  }
0x1d: {  	s24 =	sadd.s32 $0x4A60, s0;
	s26 =	sadd.s32 $0x4000, s19;
	[dreg:$0x10] =	wrdreg s30  }
0x1e: {  	s28 =	sadd.s32 $0x8000, s19;
	s5 =	simm.s32 $0x80;
	[dreg:$0x17] =	wrdreg s24  }
0x1f: {  	s11 =	simm.s32 $0x0;
	s14 =	sadd.s32 s8, s12;
	[dreg:$0x18] =	wrdreg s26  }
0x20: {  	s17 =	sshll.u32 s10, $0x4;
	s3 =	sshll.u32 s3, $0x4;
	[dreg:$0x19] =	wrdreg s28  }
0x21: {  	s12 =	sadd.s32 $0x4AC0, s0;
	s30 =	sadd.s32 $0x10000, s19;
	[dreg:$0x12] =	wrdreg s14  }
0x22: {  	s10 =	simm.s32 $0x4400;
	s18 =	sadd.s32 s8, s17;
	[dreg:$0x1b] =	wrdreg s30  }
0x23: {  	s3 =	sadd.s32 s8, s3;
	s17 =	sadd.s32 $0x4A80, s0;
	[dreg:$0x14] =	wrdreg s18  }
0x24: {  	s0 =	simm.s32 $0x7;
	s8 =	simm.s32 $0x5;
	[dreg:$0x16] =	wrdreg s3  }
.LBB2_1:
0x25: {  	s3 =	rddreg [dreg:$0x8]  }
0x26: {  	[tilespmem:s31], [sflag:$0x7] =	stream.linear.gather [hbm4b:s3+s2], $0x4000, $0x38;
	[tilespmem:$0x1C400] =	vst v63  }
0x27: {  	_ =	swait.ge [sflag:s0], $0x4000  }
0x28: {  	[sflag:s0] =	ssyncset.done $0x0  }
0x29: {  	[sflag:s0] =	ssyncadd.s32 $0xFFFFC000  }
0x2a: {  	[spmem:s19] =	stream.linear.scatter [tilespmem:s31], [sflag:$0x7], $0x4000, $0x38;
	[tilespmem:$0x1C400] =	vst v63  }
0x2b: {  	_ =	swait.ge [sflag:s0], $0x4000  }
0x2c: {  	[sflag:s0] =	ssyncset.done $0x0  }
0x2d: {  	s20 =	rddreg [dreg:$0x18];
	[sflag:s0] =	ssyncadd.s32 $0xFFFFC000  }
0x2e: {  	[spmem:s20] =	stream.linear.scatter [tilespmem:s31], [sflag:$0x7], $0x4000, $0x38;
	[tilespmem:$0x1C400] =	vst v63  }
0x2f: {  	_ =	swait.ge [sflag:s0], $0x4000  }
0x30: {  	[sflag:s0] =	ssyncset.done $0x0  }
0x31: {  	s21 =	rddreg [dreg:$0x19];
	[sflag:s0] =	ssyncadd.s32 $0xFFFFC000  }
0x32: {  	[spmem:s21] =	stream.linear.scatter [tilespmem:s31], [sflag:$0x7], $0x4000, $0x38;
	[tilespmem:$0x1C400] =	vst v63  }
0x33: {  	_ =	swait.ge [sflag:s0], $0x4000  }
0x34: {  	[sflag:s0] =	ssyncset.done $0x0  }
0x35: {  	s22 =	rddreg [dreg:$0x1a];
	[sflag:s0] =	ssyncadd.s32 $0xFFFFC000  }
0x36: {  	[spmem:s22] =	stream.linear.scatter [tilespmem:s31], [sflag:$0x7], $0x4000, $0x38;
	[tilespmem:$0x1C400] =	vst v63  }
0x37: {  	_ =	swait.ge [sflag:s0], $0x4000  }
0x38: {  	[sflag:s0] =	ssyncset.done $0x0  }
0x39: {  	s23 =	rddreg [dreg:$0x1b];
	[sflag:s0] =	ssyncadd.s32 $0xFFFFC000  }
0x3a: {  	[spmem:s23] =	stream.linear.scatter [tilespmem:s31], [sflag:$0x7], $0x4000, $0x38;
	[tilespmem:$0x1C400] =	vst v63  }
0x3b: {  	_ =	swait.ge [sflag:s0], $0x4000  }
0x3c: {  	[sflag:s0] =	ssyncset.done $0x0  }
0x3d: {  	[sflag:s0] =	ssyncadd.s32 $0xFFFFC000  }
0x3e: {  	[bflag:$0x0] =	sbarrier.arrive $0xFFFF  }
0x3f: {  	s24 =	rddreg [dreg:$0x9]  }
0x40: {  	[tilespmem:s2], [sflag:$0x1] =	stream.linear.gather [hbm4b:s24+s2], $0x100, $0x38;
	[tilespmem:$0x1C400] =	vst v63  }
0x41: {  	s7 =	simm.s32 $0x100;
	s25 =	rddreg [dreg:$0xa]  }
0x42: {  	[tilespmem:s7], [sflag:$0x2] =	stream.linear.gather [hbm4b:s25+s2], $0x100, $0x38;
	[tilespmem:$0x1C400] =	vst v63  }
0x43: {  	s28 =	simm.s32 $0x200;
	s29 =	simm.s32 $0x1;
	s26 =	rddreg [dreg:$0xb]  }
0x44: {  	[tilespmem:s28], [sflag:$0x3] =	stream.linear.gather [hbm4b:s26+s2], $0x100, $0x38;
	[tilespmem:$0x1C400] =	vst v63  }
0x45: {  	_ =	swait.ge [sflag:s29], $0x100  }
0x46: {  	s30 =	rddreg [dreg:$0xc]  }
0x47: {  	s16 =	sadd.s32 $0xFFFFFFFF, s30  }
0x48: {  	p2 =	sne.s32 s16, $0x0  }
.Ltmp0:
0x49: {  	_ = 	snop;
	(pc) =	sbr.rel @!p2 .LBB2_2-.Ltmp0, $4  }
0x4a: {  	s14 =	simm.s32 $0x5  }
0x4b: {  	s13 =	simm.s32 $0x6;
	p0 =	sle.u32 s6, $0x3;
	[sflag:s29] =	ssyncset.done $0x0  }
0x4c: {  	p1 =	por $0x0, $0x0;
	s26 =	rddreg [dreg:$0x3];
	[sflag:s29] =	ssyncadd.s32 $0xFFFFFF00  }
0x4d: {  	[tilespmem:s31], [sflag:$0x5] =	stream.indirect.gather [hbm4b:s4+s5], $0x80, s2, s5, $0xb8;
	[tilespmem:$0x1C400] =	vst v63  }
0x4e: {  	s13 =	simm.s32 @!p0 $0x0  }
0x4f: {  	s14 =	simm.s32 @!p0 $0x300;
	s3 =	rddreg [dreg:$0x17];
	p1 =	sle.u32 s26, $0x0  }
0x50: {  	[tilespmem:s14], [sflag:$0x4] =	stream.linear.gather @!p0 [hbm4b:s3+s13], $0x100, $0x38;
	[tilespmem:$0x1C400] =	vst v63  }
0x51: {  	s13 =	simm.s32 @!p1 $0x2  }
0x52: {  	_ =	swait.ge @!p1 [sflag:s13], $0x100  }
0x53: {  	s18 =	simm.s32 @!p1 $0x4400;
	[sflag:s13] =	ssyncset.done @!p1 $0x0  }
0x54: {  	s20 =	simm.s32 @!p1 $0x100;
	[sflag:s13] =	ssyncadd.s32 @!p1 $0xFFFFFF00;
	s13 =	simm.s32 @!p1 $0x80  }
0x55: {  	[tilespmem:s18], [sflag:$0x6] =	stream.indirect.gather @!p1 [hbm4b:s4+s13], $0x80, s20, s13, $0xb8;
	[tilespmem:$0x1C400] =	vst v63  }
0x56: {  	_ =	swait.ge [sflag:s8], $0x4000  }
0x57: {  	[sflag:s8] =	ssyncset.done $0x0  }
0x58: {  	[sflag:s8] =	ssyncadd.s32 $0xFFFFC000  }
0x59: {  	[spmem:s1] =	stream.indirect.scatter.add.f32 [tilespmem:s31], [sflag:$0x7], $0x80, s5, s5, $0xb8;
	[tilespmem:$0x1C400] =	vst v63  }
0x5a: {  	_ =	swait.ge [sflag:s0], $0x4000  }
0x5b: {  	p1 =	sle.u32 s6, $0x4;
	[sflag:s0] =	ssyncset.done $0x0;
	s26 =	rddreg [dreg:$0x4]  }
0x5c: {  	s18 =	simm.s32 @!p1 $0x0;
	[sflag:s0] =	ssyncadd.s32 $0xFFFFC000;
	p2 =	sle.u32 s26, $0x0  }
0x5d: {  	[tilespmem:s18], [sflag:$0x1] =	stream.linear.gather @!p1 [hbm4b:s17+s18], $0x100, $0x38;
	[tilespmem:$0x1C400] =	vst v63  }
0x5e: {  	s13 =	simm.s32 @!p2 $0x3  }
0x5f: {  	_ =	swait.ge @!p2 [sflag:s13], $0x100  }
0x60: {  	s20 =	simm.s32 @!p2 $0x400;
	[sflag:s13] =	ssyncset.done @!p2 $0x0  }
0x61: {  	s21 =	simm.s32 @!p2 $0x200;
	[sflag:s13] =	ssyncadd.s32 @!p2 $0xFFFFFF00;
	s13 =	simm.s32 @!p2 $0x80  }
0x62: {  	[tilespmem:s20], [sflag:$0x5] =	stream.indirect.gather @!p2 [hbm4b:s4+s13], $0x80, s21, s13, $0xb8;
	[tilespmem:$0x1C400] =	vst v63  }
0x63: {  	_ =	swait.ge [sflag:s9], $0x4000  }
0x64: {  	[sflag:s9] =	ssyncset.done $0x0  }
0x65: {  	s28 =	rddreg [dreg:$0x5];
	[sflag:s9] =	ssyncadd.s32 $0xFFFFC000  }
0x66: {  	[spmem:s1] =	stream.indirect.scatter.add.f32 [tilespmem:s10], [sflag:$0x7], $0x80, s28, s5, $0xb8;
	[tilespmem:$0x1C400] =	vst v63  }
0x67: {  	_ =	swait.ge [sflag:s0], $0x4000  }
0x68: {  	p2 =	sle.u32 s6, $0x5;
	s13 =	simm.s32 @!p0 $0x4;
	[sflag:s0] =	ssyncset.done $0x0  }
0x69: {  	s20 =	simm.s32 @!p2 $0x0;
	s21 =	simm.s32 @!p2 $0x100;
	[sflag:s0] =	ssyncadd.s32 $0xFFFFC000  }
0x6a: {  	[tilespmem:s21], [sflag:$0x2] =	stream.linear.gather @!p2 [hbm4b:s15+s20], $0x100, $0x38;
	[tilespmem:$0x1C400] =	vst v63  }
0x6b: {  	_ =	swait.ge @!p0 [sflag:s13], $0x100  }
0x6c: {  	[sflag:s13] =	ssyncset.done @!p0 $0x0  }
0x6d: {  	s20 =	simm.s32 @!p0 $0x4400;
	[sflag:s13] =	ssyncadd.s32 @!p0 $0xFFFFFF00;
	s13 =	simm.s32 @!p0 $0x80  }
0x6e: {  	[tilespmem:s20], [sflag:$0x6] =	stream.indirect.gather @!p0 [hbm4b:s4+s13], $0x80, s14, s13, $0xb8;
	[tilespmem:$0x1C400] =	vst v63  }
0x6f: {  	_ =	swait.ge [sflag:s8], $0x4000  }
0x70: {  	[sflag:s8] =	ssyncset.done $0x0  }
0x71: {  	s29 =	rddreg [dreg:$0x6];
	[sflag:s8] =	ssyncadd.s32 $0xFFFFC000  }
0x72: {  	[spmem:s1] =	stream.indirect.scatter.add.f32 [tilespmem:s31], [sflag:$0x7], $0x80, s29, s5, $0xb8;
	[tilespmem:$0x1C400] =	vst v63  }
0x73: {  	s25 =	sadd.s32 $0x80, s12;
	_ =	swait.ge [sflag:s0], $0x4000  }
0x74: {  	p0 =	sle.u32 s6, $0x6;
	s13 =	simm.s32 @!p1 $0x1;
	[sflag:s0] =	ssyncset.done $0x0  }
0x75: {  	s14 =	simm.s32 @!p0 $0x0;
	s20 =	simm.s32 @!p0 $0x200;
	[sflag:s0] =	ssyncadd.s32 $0xFFFFC000  }
0x76: {  	[tilespmem:s20], [sflag:$0x3] =	stream.linear.gather @!p0 [hbm4b:s12+s14], $0x100, $0x38;
	[tilespmem:$0x1C400] =	vst v63  }
0x77: {  	s23 =	sadd.s32 $0x80, s17;
	s24 =	sadd.s32 $0x80, s15;
	_ =	swait.ge @!p1 [sflag:s13], $0x100  }
0x78: {  	s22 =	sadd.s32 $0x80, s3;
	s14 =	simm.s32 @!p1 $0x400;
	[sflag:s13] =	ssyncset.done @!p1 $0x0  }
0x79: {  	s20 =	sadd.s32 $0xFFFFFFFF, s16;
	[sflag:s13] =	ssyncadd.s32 @!p1 $0xFFFFFF00;
	s13 =	simm.s32 @!p1 $0x80  }
0x7a: {  	[tilespmem:s14], [sflag:$0x5] =	stream.indirect.gather @!p1 [hbm4b:s4+s13], $0x80, s18, s13, $0xb8;
	[tilespmem:$0x1C400] =	vst v63  }
0x7b: {  	s16 =	simm.s32 $0x4;
	p2 =	sne.s32 s20, $0x0;
	_ =	swait.ge [sflag:s9], $0x4000  }
.Ltmp1:
0x7c: {  	p0 =	sle.u32 s6, $0x7;
	[sflag:s9] =	ssyncset.done $0x0;
	(pc) =	sbr.rel @!p2 .LBB2_4-.Ltmp1, $4  }
0x7d: {  	s14 =	simm.s32 $0x9;
	s30 =	rddreg [dreg:$0x7];
	[sflag:s9] =	ssyncadd.s32 $0xFFFFC000  }
0x7e: {  	[spmem:s1] =	stream.indirect.scatter.add.f32 [tilespmem:s10], [sflag:$0x7], $0x80, s30, s5, $0xb8;
	[tilespmem:$0x1C400] =	vst v63  }
0x7f: {  	s13 =	simm.s32 $0xA;
	p1 =	por $0x1, $0x1;
	_ =	swait.ge [sflag:s0], $0x4000  }
0x80: {  	s18 =	simm.s32 $0x4;
	s26 =	rddreg [dreg:$0x3];
	[sflag:s0] =	ssyncset.done $0x0  }
.LBB2_5:
0x81: {  	s28 =	simm.s32 @!p0 $0x0  }
0x82: {  	s21 =	simm.s32 @!p0 $0x300;
	[sflag:s0] =	ssyncadd.s32 $0xFFFFC000;
	p3 =	sge.u32 s16, s26  }
0x83: {  	[tilespmem:s21], [sflag:$0x4] =	stream.linear.gather @!p0 [hbm4b:s22+s28], $0x100, $0x38;
	[tilespmem:$0x1C400] =	vst v63  }
0x84: {  	s26 =	simm.s32 @!p3 $0x2  }
0x85: {  	_ =	swait.ge @!p3 [sflag:s26], $0x100  }
0x86: {  	s28 =	simm.s32 @!p3 $0x4400;
	[sflag:s26] =	ssyncset.done @!p3 $0x0  }
0x87: {  	s29 =	simm.s32 @!p3 $0x100;
	[sflag:s26] =	ssyncadd.s32 @!p3 $0xFFFFFF00;
	s26 =	simm.s32 @!p3 $0x80  }
0x88: {  	[tilespmem:s28], [sflag:$0x6] =	stream.indirect.gather @!p3 [hbm4b:s4+s26], $0x80, s29, s26, $0xb8;
	[tilespmem:$0x1C400] =	vst v63  }
0x89: {  	_ =	swait.ge [sflag:s8], $0x4000  }
0x8a: {  	[sflag:s8] =	ssyncset.done $0x0  }
0x8b: {  	[sflag:s8] =	ssyncadd.s32 $0xFFFFC000  }
0x8c: {  	[spmem:s1] =	stream.indirect.scatter.add.f32 [tilespmem:s31], [sflag:$0x7], $0x80, s5, s5, $0xb8;
	[tilespmem:$0x1C400] =	vst v63  }
0x8d: {  	s16 =	sadd.s32 $0x4, s16;
	_ =	swait.ge [sflag:s0], $0x4000  }
0x8e: {  	p3 =	sge.u32 s16, s6;
	[sflag:s0] =	ssyncset.done $0x0;
	s3 =	rddreg [dreg:$0x4]  }
0x8f: {  	s26 =	simm.s32 @!p3 $0x0;
	[sflag:s0] =	ssyncadd.s32 $0xFFFFC000;
	p4 =	sge.u32 s18, s3  }
0x90: {  	[tilespmem:s26], [sflag:$0x1] =	stream.linear.gather @!p3 [hbm4b:s23+s26], $0x100, $0x38;
	[tilespmem:$0x1C400] =	vst v63  }
0x91: {  	s29 =	simm.s32 @!p4 $0x3  }
0x92: {  	_ =	swait.ge @!p4 [sflag:s29], $0x100  }
0x93: {  	s3 =	simm.s32 @!p4 $0x400;
	[sflag:s29] =	ssyncset.done @!p4 $0x0  }
0x94: {  	s7 =	simm.s32 @!p4 $0x200;
	[sflag:s29] =	ssyncadd.s32 @!p4 $0xFFFFFF00;
	s29 =	simm.s32 @!p4 $0x80  }
0x95: {  	[tilespmem:s3], [sflag:$0x5] =	stream.indirect.gather @!p4 [hbm4b:s4+s29], $0x80, s7, s29, $0xb8;
	[tilespmem:$0x1C400] =	vst v63  }
0x96: {  	_ =	swait.ge [sflag:s9], $0x4000  }
0x97: {  	[sflag:s9] =	ssyncset.done $0x0  }
0x98: {  	s7 =	rddreg [dreg:$0x5];
	[sflag:s9] =	ssyncadd.s32 $0xFFFFC000  }
0x99: {  	[spmem:s1] =	stream.indirect.scatter.add.f32 [tilespmem:s10], [sflag:$0x7], $0x80, s7, s5, $0xb8;
	[tilespmem:$0x1C400] =	vst v63  }
0x9a: {  	_ =	swait.ge [sflag:s0], $0x4000  }
0x9b: {  	p4 =	sge.u32 s14, s6;
	s3 =	simm.s32 @!p0 $0x4;
	[sflag:s0] =	ssyncset.done $0x0  }
0x9c: {  	s14 =	simm.s32 @!p4 $0x100;
	s7 =	simm.s32 @!p4 $0x0;
	[sflag:s0] =	ssyncadd.s32 $0xFFFFC000  }
0x9d: {  	[tilespmem:s14], [sflag:$0x2] =	stream.linear.gather @!p4 [hbm4b:s24+s7], $0x100, $0x38;
	[tilespmem:$0x1C400] =	vst v63  }
0x9e: {  	_ =	swait.ge @!p0 [sflag:s3], $0x100  }
0x9f: {  	[sflag:s3] =	ssyncset.done @!p0 $0x0  }
0xa0: {  	s7 =	simm.s32 @!p0 $0x4400;
	[sflag:s3] =	ssyncadd.s32 @!p0 $0xFFFFFF00;
	s3 =	simm.s32 @!p0 $0x80  }
0xa1: {  	[tilespmem:s7], [sflag:$0x6] =	stream.indirect.gather @!p0 [hbm4b:s4+s3], $0x80, s21, s3, $0xb8;
	[tilespmem:$0x1C400] =	vst v63  }
0xa2: {  	_ =	swait.ge [sflag:s8], $0x4000  }
0xa3: {  	[sflag:s8] =	ssyncset.done $0x0  }
0xa4: {  	s20 =	sadd.s32 $0xFFFFFFFF, s20;
	s21 =	rddreg [dreg:$0x6];
	[sflag:s8] =	ssyncadd.s32 $0xFFFFC000  }
0xa5: {  	[spmem:s1] =	stream.indirect.scatter.add.f32 [tilespmem:s31], [sflag:$0x7], $0x80, s21, s5, $0xb8;
	[tilespmem:$0x1C400] =	vst v63  }
0xa6: {  	p2 =	sne.s32 s20, $0x0;
	_ =	swait.ge [sflag:s0], $0x4000  }
0xa7: {  	p0 =	sge.u32 s13, s6;
	s3 =	simm.s32 @!p3 $0x1;
	[sflag:s0] =	ssyncset.done $0x0  }
0xa8: {  	s7 =	simm.s32 @!p0 $0x0;
	s13 =	simm.s32 @!p0 $0x200;
	[sflag:s0] =	ssyncadd.s32 $0xFFFFC000  }
0xa9: {  	[tilespmem:s13], [sflag:$0x3] =	stream.linear.gather @!p0 [hbm4b:s25+s7], $0x100, $0x38;
	[tilespmem:$0x1C400] =	vst v63  }
0xaa: {  	s30 =	sadd.s32 $0x5, s16;
	s22 =	sadd.s32 $0x80, s22;
	_ =	swait.ge @!p3 [sflag:s3], $0x100  }
0xab: {  	s28 =	sadd.s32 $0x6, s16;
	s18 =	smov.u32 s16;
	[sflag:s3] =	ssyncset.done @!p3 $0x0  }
0xac: {  	s7 =	simm.s32 @!p3 $0x400;
	[sflag:s3] =	ssyncadd.s32 @!p3 $0xFFFFFF00;
	s3 =	simm.s32 @!p3 $0x80  }
0xad: {  	[tilespmem:s7], [sflag:$0x5] =	stream.indirect.gather @!p3 [hbm4b:s4+s3], $0x80, s26, s3, $0xb8;
	[tilespmem:$0x1C400] =	vst v63  }
0xae: {  	s23 =	sadd.s32 $0x80, s23;
	s14 =	smov.u32 s30;
	_ =	swait.ge [sflag:s9], $0x4000  }
.Ltmp2:
0xaf: {  	s24 =	sadd.s32 $0x80, s24;
	[sflag:s9] =	ssyncset.done $0x0;
	(pc) =	sbr.rel @p2 .LBB2_5-.Ltmp2, $4  }
0xb0: {  	s30 =	sadd.s32 $0x3, s16;
	s29 =	rddreg [dreg:$0x7];
	[sflag:s9] =	ssyncadd.s32 $0xFFFFC000  }
0xb1: {  	[spmem:s1] =	stream.indirect.scatter.add.f32 [tilespmem:s10], [sflag:$0x7], $0x80, s29, s5, $0xb8;
	[tilespmem:$0x1C400] =	vst v63  }
0xb2: {  	s13 =	smov.u32 s28;
	s25 =	sadd.s32 $0x80, s25;
	_ =	swait.ge [sflag:s0], $0x4000  }
0xb3: {  	p0 =	sge.u32 s30, s6;
	s26 =	rddreg [dreg:$0x3];
	[sflag:s0] =	ssyncset.done $0x0  }
.LBB2_6:
0xb4: {  	s3 =	simm.s32 @!p0 $0x0  }
0xb5: {  	s7 =	simm.s32 @!p0 $0x300;
	[sflag:s0] =	ssyncadd.s32 @p1 $0xFFFFC000;
	p1 =	sge.u32 s16, s26  }
0xb6: {  	[tilespmem:s7], [sflag:$0x4] =	stream.linear.gather @!p0 [hbm4b:s22+s3], $0x100, $0x38;
	[tilespmem:$0x1C400] =	vst v63  }
0xb7: {  	s3 =	simm.s32 @!p1 $0x2  }
0xb8: {  	_ =	swait.ge @!p1 [sflag:s3], $0x100  }
0xb9: {  	s20 =	simm.s32 @!p1 $0x4400;
	[sflag:s3] =	ssyncset.done @!p1 $0x0  }
0xba: {  	s21 =	simm.s32 @!p1 $0x100;
	[sflag:s3] =	ssyncadd.s32 @!p1 $0xFFFFFF00;
	s3 =	simm.s32 @!p1 $0x80  }
0xbb: {  	[tilespmem:s20], [sflag:$0x6] =	stream.indirect.gather @!p1 [hbm4b:s4+s3], $0x80, s21, s3, $0xb8;
	[tilespmem:$0x1C400] =	vst v63  }
0xbc: {  	_ =	swait.ge [sflag:s8], $0x4000  }
0xbd: {  	[sflag:s8] =	ssyncset.done $0x0  }
0xbe: {  	[sflag:s8] =	ssyncadd.s32 $0xFFFFC000  }
0xbf: {  	[spmem:s1] =	stream.indirect.scatter.add.f32 [tilespmem:s31], [sflag:$0x7], $0x80, s5, s5, $0xb8;
	[tilespmem:$0x1C400] =	vst v63  }
0xc0: {  	s28 =	sadd.s32 $0x4, s16;
	_ =	swait.ge [sflag:s0], $0x4000  }
0xc1: {  	p1 =	sge.u32 s28, s6;
	[sflag:s0] =	ssyncset.done $0x0;
	s29 =	rddreg [dreg:$0x4]  }
0xc2: {  	s16 =	simm.s32 @!p1 $0x0;
	[sflag:s0] =	ssyncadd.s32 $0xFFFFC000;
	p2 =	sge.u32 s18, s29  }
0xc3: {  	[tilespmem:s16], [sflag:$0x1] =	stream.linear.gather @!p1 [hbm4b:s23+s16], $0x100, $0x38;
	[tilespmem:$0x1C400] =	vst v63  }
0xc4: {  	s3 =	simm.s32 @!p2 $0x3  }
0xc5: {  	_ =	swait.ge @!p2 [sflag:s3], $0x100  }
0xc6: {  	s18 =	simm.s32 @!p2 $0x400;
	[sflag:s3] =	ssyncset.done @!p2 $0x0  }
0xc7: {  	s20 =	simm.s32 @!p2 $0x200;
	[sflag:s3] =	ssyncadd.s32 @!p2 $0xFFFFFF00;
	s3 =	simm.s32 @!p2 $0x80  }
0xc8: {  	[tilespmem:s18], [sflag:$0x5] =	stream.indirect.gather @!p2 [hbm4b:s4+s3], $0x80, s20, s3, $0xb8;
	[tilespmem:$0x1C400] =	vst v63  }
0xc9: {  	_ =	swait.ge [sflag:s9], $0x4000  }
0xca: {  	[sflag:s9] =	ssyncset.done $0x0  }
0xcb: {  	s30 =	rddreg [dreg:$0x5];
	[sflag:s9] =	ssyncadd.s32 $0xFFFFC000  }
0xcc: {  	[spmem:s1] =	stream.indirect.scatter.add.f32 [tilespmem:s10], [sflag:$0x7], $0x80, s30, s5, $0xb8;
	[tilespmem:$0x1C400] =	vst v63  }
0xcd: {  	_ =	swait.ge [sflag:s0], $0x4000  }
0xce: {  	p2 =	sge.u32 s14, s6;
	[sflag:s0] =	ssyncset.done $0x0  }
0xcf: {  	s3 =	simm.s32 @!p2 $0x0;
	s14 =	simm.s32 @!p2 $0x100;
	[sflag:s0] =	ssyncadd.s32 $0xFFFFC000  }
0xd0: {  	[tilespmem:s14], [sflag:$0x2] =	stream.linear.gather @!p2 [hbm4b:s24+s3], $0x100, $0x38;
	[tilespmem:$0x1C400] =	vst v63  }
0xd1: {  	s3 =	simm.s32 @!p0 $0x4  }
0xd2: {  	_ =	swait.ge @!p0 [sflag:s3], $0x100  }
0xd3: {  	[sflag:s3] =	ssyncset.done @!p0 $0x0  }
0xd4: {  	s14 =	simm.s32 @!p0 $0x4400;
	[sflag:s3] =	ssyncadd.s32 @!p0 $0xFFFFFF00;
	s3 =	simm.s32 @!p0 $0x80  }
0xd5: {  	[tilespmem:s14], [sflag:$0x6] =	stream.indirect.gather @!p0 [hbm4b:s4+s3], $0x80, s7, s3, $0xb8;
	[tilespmem:$0x1C400] =	vst v63  }
0xd6: {  	_ =	swait.ge [sflag:s8], $0x4000  }
0xd7: {  	[sflag:s8] =	ssyncset.done $0x0  }
0xd8: {  	s14 =	rddreg [dreg:$0x6];
	[sflag:s8] =	ssyncadd.s32 $0xFFFFC000  }
0xd9: {  	[spmem:s1] =	stream.indirect.scatter.add.f32 [tilespmem:s31], [sflag:$0x7], $0x80, s14, s5, $0xb8;
	[tilespmem:$0x1C400] =	vst v63  }
0xda: {  	_ =	swait.ge [sflag:s0], $0x4000  }
0xdb: {  	p0 =	sge.u32 s13, s6;
	[sflag:s0] =	ssyncset.done $0x0  }
0xdc: {  	s3 =	simm.s32 @!p0 $0x0;
	s7 =	simm.s32 @!p0 $0x200;
	[sflag:s0] =	ssyncadd.s32 $0xFFFFC000  }
0xdd: {  	[tilespmem:s7], [sflag:$0x3] =	stream.linear.gather @!p0 [hbm4b:s25+s3], $0x100, $0x38;
	[tilespmem:$0x1C400] =	vst v63  }
0xde: {  	s3 =	simm.s32 @!p1 $0x1  }
0xdf: {  	_ =	swait.ge @!p1 [sflag:s3], $0x100  }
0xe0: {  	[sflag:s3] =	ssyncset.done @!p1 $0x0  }
0xe1: {  	s7 =	simm.s32 @!p1 $0x400;
	[sflag:s3] =	ssyncadd.s32 @!p1 $0xFFFFFF00;
	s3 =	simm.s32 @!p1 $0x80  }
0xe2: {  	[tilespmem:s7], [sflag:$0x5] =	stream.indirect.gather @!p1 [hbm4b:s4+s3], $0x80, s16, s3, $0xb8;
	[tilespmem:$0x1C400] =	vst v63  }
0xe3: {  	_ =	swait.ge [sflag:s9], $0x4000  }
0xe4: {  	[sflag:s9] =	ssyncset.done $0x0  }
0xe5: {  	s18 =	rddreg [dreg:$0x7];
	[sflag:s9] =	ssyncadd.s32 $0xFFFFC000  }
0xe6: {  	[spmem:s1] =	stream.indirect.scatter.add.f32 [tilespmem:s10], [sflag:$0x7], $0x80, s18, s5, $0xb8;
	[tilespmem:$0x1C400] =	vst v63  }
0xe7: {  	_ =	swait.ge [sflag:s0], $0x4000  }
0xe8: {  	[sflag:s0] =	ssyncset.done $0x0  }
0xe9: {  	[sflag:s0] =	ssyncadd.s32 $0xFFFFC000  }
0xea: {  	[bflag:$0x0] =	sbarrier.arrive $0xFFFF  }
0xeb: {  	[tilespmem:s31], [sflag:$0x7] =	stream.linear.gather [spmem:s19], $0x4000, $0x38;
	[tilespmem:$0x1C400] =	vst v63  }
0xec: {  	_ =	swait.ge [sflag:s0], $0x4000  }
0xed: {  	[sflag:s0] =	ssyncset.done $0x0  }
0xee: {  	s20 =	rddreg [dreg:$0xe];
	[sflag:s0] =	ssyncadd.s32 $0xFFFFC000  }
0xef: {  	[hbm4b:s20+s2] =	stream.linear.scatter [tilespmem:s31], [sflag:$0x7], $0x4000, $0x38;
	[tilespmem:$0x1C400] =	vst v63  }
0xf0: {  	_ =	swait.ge [sflag:s0], $0x4000  }
0xf1: {  	[sflag:s0] =	ssyncset.done $0x0  }
0xf2: {  	s21 =	rddreg [dreg:$0xf];
	[sflag:s0] =	ssyncadd.s32 $0xFFFFC000  }
0xf3: {  	[tilespmem:s31], [sflag:$0x7] =	stream.linear.gather [spmem:s21], $0x4000, $0x38;
	[tilespmem:$0x1C400] =	vst v63  }
0xf4: {  	_ =	swait.ge [sflag:s0], $0x4000  }
0xf5: {  	[sflag:s0] =	ssyncset.done $0x0  }
0xf6: {  	s22 =	rddreg [dreg:$0x10];
	[sflag:s0] =	ssyncadd.s32 $0xFFFFC000  }
0xf7: {  	[hbm4b:s22+s2] =	stream.linear.scatter [tilespmem:s31], [sflag:$0x7], $0x4000, $0x38;
	[tilespmem:$0x1C400] =	vst v63  }
0xf8: {  	_ =	swait.ge [sflag:s0], $0x4000  }
0xf9: {  	[sflag:s0] =	ssyncset.done $0x0  }
0xfa: {  	s23 =	rddreg [dreg:$0x11];
	[sflag:s0] =	ssyncadd.s32 $0xFFFFC000  }
0xfb: {  	[tilespmem:s31], [sflag:$0x7] =	stream.linear.gather [spmem:s23], $0x4000, $0x38;
	[tilespmem:$0x1C400] =	vst v63  }
0xfc: {  	_ =	swait.ge [sflag:s0], $0x4000  }
0xfd: {  	[sflag:s0] =	ssyncset.done $0x0  }
0xfe: {  	s24 =	rddreg [dreg:$0x12];
	[sflag:s0] =	ssyncadd.s32 $0xFFFFC000  }
0xff: {  	[hbm4b:s24+s2] =	stream.linear.scatter [tilespmem:s31], [sflag:$0x7], $0x4000, $0x38;
	[tilespmem:$0x1C400] =	vst v63  }
0x100: {  	_ =	swait.ge [sflag:s0], $0x4000  }
0x101: {  	[sflag:s0] =	ssyncset.done $0x0  }
0x102: {  	s25 =	rddreg [dreg:$0x13];
	[sflag:s0] =	ssyncadd.s32 $0xFFFFC000  }
0x103: {  	[tilespmem:s31], [sflag:$0x7] =	stream.linear.gather [spmem:s25], $0x4000, $0x38;
	[tilespmem:$0x1C400] =	vst v63  }
0x104: {  	_ =	swait.ge [sflag:s0], $0x4000  }
0x105: {  	[sflag:s0] =	ssyncset.done $0x0  }
0x106: {  	s26 =	rddreg [dreg:$0x14];
	[sflag:s0] =	ssyncadd.s32 $0xFFFFC000  }
0x107: {  	[hbm4b:s26+s2] =	stream.linear.scatter [tilespmem:s31], [sflag:$0x7], $0x4000, $0x38;
	[tilespmem:$0x1C400] =	vst v63  }
0x108: {  	_ =	swait.ge [sflag:s0], $0x4000  }
0x109: {  	[sflag:s0] =	ssyncset.done $0x0  }
0x10a: {  	s28 =	rddreg [dreg:$0x15];
	[sflag:s0] =	ssyncadd.s32 $0xFFFFC000  }
0x10b: {  	[tilespmem:s31], [sflag:$0x7] =	stream.linear.gather [spmem:s28], $0x4000, $0x38;
	[tilespmem:$0x1C400] =	vst v63  }
0x10c: {  	_ =	swait.ge [sflag:s0], $0x4000  }
0x10d: {  	[sflag:s0] =	ssyncset.done $0x0  }
0x10e: {  	s29 =	rddreg [dreg:$0x16];
	[sflag:s0] =	ssyncadd.s32 $0xFFFFC000  }
0x10f: {  	[hbm4b:s29+s2] =	stream.linear.scatter [tilespmem:s31], [sflag:$0x7], $0x4000, $0x38;
	[tilespmem:$0x1C400] =	vst v63  }
0x110: {  	_ =	swait.ge [sflag:s0], $0x4000  }
0x111: {  	s11 =	sadd.s32 $0x1, s11;
	s30 =	rddreg [dreg:$0xd]  }
0x112: {  	p0 =	sne.s32 s11, s30  }
.Ltmp3:
0x113: {  	_ = 	snop;
	(pc) =	sbr.rel @p0 .LBB2_1-.Ltmp3, $4  }
.Ltmp4:
0x114: {  	_ = 	snop;
	(pc) =	sbr.rel @!p0 .LBB2_7-.Ltmp4, $4  }
0x115: {  	_ = 	snop  }
0x116: {  	[sflag:s0] =	ssyncset.done $0x0  }
0x117: {  	[sflag:s0] =	ssyncadd.s32 $0xFFFFC000  }
0x118: {  	_ = 	snop  }
.LBB2_2:
.Ltmp5:
0x119: {  	(pc) =	sbr.rel .LBB2_6-.Ltmp5, $3  }
0x11a: {  	_ =	sdelay $0x1  }
0x11b: {  	s22 =	rddreg [dreg:$0x17];
	s16 =	simm.s32 $0x0;
	s23 =	smov.u32 s17  }
0x11c: {  	s18 =	simm.s32 $0x0;
	s24 =	smov.u32 s15;
	s25 =	smov.u32 s12  }
.LBB2_4:
.Ltmp6:
0x11d: {  	(pc) =	sbr.rel .LBB2_6-.Ltmp6, $2  }
0x11e: {  	_ =	sdelay $0x2  }
0x11f: {  	s18 =	simm.s32 $0x4  }
.LBB2_7:
0x120: {  	_ =	sfence.sel $0x180000  }
0x121: {  	[bflag:$0x0] =	sbarrier.arrive $0xFFFF  }
0x122: {  	_ =	strace $0x9000004A  }
0x123: {  	s0 =	stileid.u32;
	[bflag:$0x2] =	sbarrier.arrive $0xFFFF  }
0x124: {  	p0 =	sne.s32 s0, $0x0;
	s0 =	rddreg [dreg:$0x2]  }
0x125: {  	s0 =	sadd.s32 @!p0 $0x100000, s0  }
0x126: {  	[sflag:s0] =	ssyncadd.tile.s32 @!p0 $0x1;
	_ =	shalt  }
.Lfunc_end2:
_tile_overlayer_lowered:
.L_overlay_start_2:
0x127: {  	(tag) =	ssettag $0x2  }
0x128: {  	s0 =	rddreg [dreg:$0x0];
	s2 =	stileid.u32  }
0x129: {  	s1 =	rddreg [dreg:$0x1];
	p0 =	sne.s32 s2, $0x0  }
0x12a: {  	s3 =	rddreg [dreg:$0x2];
	[bflag:$0x3] =	sbarrier.arrive $0xFFFF;
	s2 =	simm.s32 @!p0 $0x1C07  }
0x12b: {  	[timem:s3], [sflag:s2] =	dma.local @!p0 [hbm:s0], s1  }
0x12c: {  	s0 =	simm.s32 @!p0 $0x7  }
0x12d: {  	_ =	swait.ge @!p0 [sflag:s0], s1  }
0x12e: {  	s1 =	ssub.s32 @!p0 $0x0, s1;
	[sflag:s0] =	ssyncset.done @!p0 $0x0  }
0x12f: {  	[sflag:s0] =	ssyncadd.s32 @!p0 s1  }
0x130: {  	[bflag:$0x3] =	sbarrier.arrive $0xFFFF  }
0x131: {  	_ =	shalt  }

// kernel: kernel.17.cloned.1.call-start
scs
__scs_entry_jumppad:
0x0: {  	(pc) =	sbr.rel $0x88, $3  }
0x1: {  	(tag) =	ssettag $0x0;
	lr =	simm.s32 $0x1  }
0x2: {  	[smem:$0x3F8C] =	sst lr;
	_ =	strace $0xD0000000  }
0x3: {  	_ = 	snop  }
0x4: {  	_ = 	snop  }
0x5: {  	_ = 	snop  }
0x6: {  	_ = 	snop  }
0x7: {  	_ = 	snop  }
__scs_overlays_trampoline_lowered:
0x8: {  	[smem:$0x3F9B] =	sst s0  }
0x9: {  	[smem:$0x3F9C] =	sst s1  }
0xa: {  	[smem:$0x3F9D] =	sst s2  }
0xb: {  	[smem:$0x3F9E] =	sst s3  }
0xc: {  	[smem:$0x3F9F] =	sst s4  }
0xd: {  	[smem:$0x3FA0] =	sst s5  }
0xe: {  	[smem:$0x3FA1] =	sst s6  }
0xf: {  	[smem:$0x3FA2] =	sst s7  }
0x10: {  	[smem:$0x3FA3] =	sst s8  }
0x11: {  	[smem:$0x3FA4] =	sst s9;
	s0 =	simm.s32 @!p0 $0x0  }
0x12: {  	s1 =	sld [smem:$0x3F8A];
	s0 =	simm.s32 @p0 $0x1  }
0x13: {  	[smem:$0x3FA5] =	sst s0;
	s0 =	simm.s32 @!p1 $0x0  }
0x14: {  	s2 =	sld [smem:$0x3F89];
	s0 =	simm.s32 @p1 $0x1  }
0x15: {  	[smem:$0x3FA6] =	sst s0;
	s0 =	simm.s32 @!p2 $0x0  }
0x16: {  	s3 =	sld [smem:$0x3FDB];
	s0 =	simm.s32 @p2 $0x1  }
0x17: {  	s4 =	simm.s32 $0x1BF5;
	[smem:$0x3FA8] =	sst s0  }
0x18: {  	s0 =	sld [smem:$0x3F8B];
	_ =	swait.ge [sflag:s4], $0x0  }
0x19: {  	s7 =	sld [smem:$0x3F8C]  }
0x1a: {  	s8 =	sadd.s32 $0xFFFFE003, lr  }
0x1b: {  	s9 =	sadd.s32 $0xFFFFFEF7, lr;
	s5 =	simm.s32 $0xFFFFFFFF;
	p2 =	slt.u32 s8, $0xFFFFF086  }
0x1c: {  	p1 =	slt.u32 s9, $0xF7A;
	s5 =	simm.s32 @!p2 $0x0  }
0x1d: {  	s5 =	simm.s32 @p1 $0x1;
	p0 =	seq.s32 s7, s2  }
0x1e: {  	s7 =	smul.u32 @!p0 $0xF7A, s2;
	p2 =	seq.s32 @!p0 s5, $0x0  }
0x1f: {  	s9 =	smul.u32 $0xF7A, s1;
	s8 =	simm.s32 @!p0 $0x1BF5;
	p2 =	por !p2, p0  }
0x20: {  	[sflag:s8] =	ssyncset.s32 @!p0 $0xFFFFF086;
	s6 =	sadd.s32 @!p0 s3, s7;
	s7 =	simm.s32 @!p0 $0x108  }
0x21: {  	s3 =	sadd.s32 s3, s9;
	s6 =	sadd.s32 @!p0 $0x88, s6;
	s7 =	simm.s32 @p2 $0x1082  }
0x22: {  	[simem:s7], [sflag:s8] =	dma.local @!p0 [hbm:s6], $0xF7A  }
0x23: {  	s9 =	sor.u32 $0xD0000000, s2;
	s6 =	simm.s32 $0x108;
	_ =	swait.ge @!p0 [sflag:s8], $0x0  }
0x24: {  	s3 =	sadd.s32 $0x88, s3;
	s6 =	simm.s32 @!p1 $0x1082;
	[sflag:s4] =	ssyncset.s32 $0xFFFFF086  }
0x25: {  	[simem:s6], [sflag:s4] =	dma.local [hbm:s3], $0xF7A  }
0x26: {  	[smem:$0x3F8C] =	sst s1;
	(tag) =	ssettag s2;
	_ =	strace s9  }
0x27: {  	s1 =	sld [smem:$0x3F9C]  }
0x28: {  	s2 =	sld [smem:$0x3F9D]  }
0x29: {  	s4 =	sld [smem:$0x3F9F]  }
0x2a: {  	p0 =	seq.s32 s5, $0x0;
	s5 =	sld [smem:$0x3FA0]  }
0x2b: {  	s6 =	sld [smem:$0x3FA1]  }
0x2c: {  	s7 =	sld [smem:$0x3FA2]  }
0x2d: {  	s3 =	simm.s32 $0x108;
	s8 =	sld [smem:$0x3FA3]  }
0x2e: {  	s3 =	simm.s32 @!p0 $0x1082;
	s9 =	sld [smem:$0x3FA4]  }
0x2f: {  	lr =	sadd.s32 s0, s3;
	s0 =	sld [smem:$0x3F9B]  }
0x30: {  	s3 =	sld [smem:$0x3F9E]  }
0x31: {  	[smem:$0x3FA7] =	sst s10  }
0x32: {  	s10 =	sld [smem:$0x3FA5];
	_ =	sdelay $0x3  }
0x33: {  	p0 =	seq.s32 s10, $0x1;
	s10 =	sld [smem:$0x3FA7];
	_ =	sdelay $0x3  }
0x34: {  	[smem:$0x3FA7] =	sst s10  }
0x35: {  	s10 =	sld [smem:$0x3FA6];
	_ =	sdelay $0x3  }
0x36: {  	p1 =	seq.s32 s10, $0x1;
	s10 =	sld [smem:$0x3FA7];
	_ =	sdelay $0x3  }
0x37: {  	[smem:$0x3FA7] =	sst s10  }
0x38: {  	s10 =	sld [smem:$0x3FA8]  }
0x39: {  	_ = 	snop;
	(pc) =	sbr.ind lr, $3  }
0x3a: {  	_ = 	snop  }
0x3b: {  	_ = 	snop  }
0x3c: {  	p2 =	seq.s32 s10, $0x1;
	s10 =	sld [smem:$0x3FA7]  }
0x3d: {  	_ =	shalt  }
0x3e: {  	_ =	shalt  }
0x3f: {  	_ =	shalt  }
0x40: {  	_ =	shalt  }
0x41: {  	_ =	shalt  }
0x42: {  	_ =	shalt  }
0x43: {  	_ =	shalt  }
0x44: {  	_ =	shalt  }
0x45: {  	_ =	shalt  }
0x46: {  	_ =	shalt  }
0x47: {  	_ =	shalt  }
0x48: {  	_ =	shalt  }
0x49: {  	_ =	shalt  }
0x4a: {  	_ =	shalt  }
0x4b: {  	_ =	shalt  }
0x4c: {  	_ =	shalt  }
0x4d: {  	_ =	shalt  }
0x4e: {  	_ =	shalt  }
0x4f: {  	_ =	shalt  }
0x50: {  	_ =	shalt  }
0x51: {  	_ =	shalt  }
0x52: {  	_ =	shalt  }
0x53: {  	_ =	shalt  }
0x54: {  	_ =	shalt  }
0x55: {  	_ =	shalt  }
0x56: {  	_ =	shalt  }
0x57: {  	_ =	shalt  }
0x58: {  	_ =	shalt  }
0x59: {  	_ =	shalt  }
0x5a: {  	_ =	shalt  }
0x5b: {  	_ =	shalt  }
0x5c: {  	_ =	shalt  }
0x5d: {  	_ =	shalt  }
0x5e: {  	_ =	shalt  }
0x5f: {  	_ =	shalt  }
0x60: {  	_ =	shalt  }
0x61: {  	_ =	shalt  }
0x62: {  	_ =	shalt  }
0x63: {  	_ =	shalt  }
0x64: {  	_ =	shalt  }
0x65: {  	_ =	shalt  }
0x66: {  	_ =	shalt  }
0x67: {  	_ =	shalt  }
0x68: {  	_ =	shalt  }
0x69: {  	_ =	shalt  }
0x6a: {  	_ =	shalt  }
0x6b: {  	_ =	shalt  }
0x6c: {  	_ =	shalt  }
0x6d: {  	_ =	shalt  }
0x6e: {  	_ =	shalt  }
0x6f: {  	_ =	shalt  }
0x70: {  	_ =	shalt  }
0x71: {  	_ =	shalt  }
0x72: {  	_ =	shalt  }
0x73: {  	_ =	shalt  }
0x74: {  	_ =	shalt  }
0x75: {  	_ =	shalt  }
0x76: {  	_ =	shalt  }
0x77: {  	_ =	shalt  }
0x78: {  	_ =	shalt  }
0x79: {  	_ =	shalt  }
0x7a: {  	_ =	shalt  }
0x7b: {  	_ =	shalt  }
0x7c: {  	_ =	shalt  }
0x7d: {  	_ =	shalt  }
0x7e: {  	_ =	shalt  }
0x7f: {  	_ =	shalt  }
0x80: {  	_ =	shalt  }
0x81: {  	_ =	shalt  }
0x82: {  	_ =	shalt  }
0x83: {  	_ =	shalt  }
0x84: {  	_ =	shalt  }
0x85: {  	_ =	shalt  }
0x86: {  	_ =	shalt  }
0x87: {  	_ =	shalt  }
.Lfunc_end0:
.L_simem_size_0:
called_computation.2_lowered:
.L_overlay_start_0:
0x88: {  	s2 =	sld [smem:$0x3FD9]  }
0x89: {  	s3 =	sld [smem:$0x3FFE];
	_ =	sdelay $0x1  }
0x8a: {  	s1 =	srdreg.scid  }
0x8b: {  	s0 =	sand.u32 $0x1, s1  }
0x8c: {  	s16 =	sshll.u32 s0, $0xA;
	s2 =	sadd.s32 s3, s2  }
0x8d: {  	s2 =	sadd.s32 s2, s16  }
0x8e: {  	[smem:$0x3FB3] =	sst s2  }
0x8f: {  	_ = 	snop  }
0x90: {  	(tm) =	ssettm $0x1  }
0x91: {  	s17 =	sld [smem:$0x3FFB];
	_ =	sdelay $0x3  }
0x92: {  	_ =	strace s17  }
0x93: {  	s2 =	sld [smem:$0x3FFC];
	_ =	sdelay $0x3  }
0x94: {  	_ =	strace s2  }
0x95: {  	s2 =	sld [smem:$0x3FFD];
	_ =	sdelay $0x3  }
0x96: {  	_ =	strace s2  }
0x97: {  	_ =	strace $0x8FFFFFFF  }
0x98: {  	s18 =	sld [smem:$0x3FDB];
	_ =	sdelay $0x1  }
0x99: {  	s19 =	simm.s32 $_scs_section_size  }
0x9a: {  	s4 =	simm.s32 $_size__tile_overlayer_lowered;
	s5 =	simm.s32 $_tile_overlayer_lowered  }
0x9b: {  	s22 =	simm.s32 $0x1BFF;
	s21 =	sshll.u32 s5, $0x1;
	s2 =	sadd.s32 s19, s18  }
0x9c: {  	s6 =	simm.s32 $0x0;
	s20 =	sshll.u32 s4, $0x1;
	s4 =	sadd.s32 s21, s2  }
0x9d: {  	[timem:s6], [sflag:s22] =	dma.local [hbm:s4], s20  }
0x9e: {  	_ =	swait.ge [sflag:s22], s20  }
0x9f: {  	s3 =	ssub.s32 $0x0, s20;
	[sflag:s22] =	ssyncset.done $0x0  }
0xa0: {  	[sflag:s22] =	ssyncadd.s32 s3;
	_ =	sdelay $0x1  }
0xa1: {  	s23 =	simm.s32 $0x1B8B  }
0xa2: {  	_ =	swait.ge [sflag:s23], $0x1  }
0xa3: {  	[sflag:s23] =	ssyncset.done $0x0  }
0xa4: {  	s25 =	simm.s32 $0x1B8E;
	s24 =	sld [smem:$0x3FFE];
	[sflag:s23] =	ssyncadd.s32 $0xFFFFFFFF  }
0xa5: {  	s26 =	simm.s32 $execute0_lowered;
	[smem:$0x3FD2] =	sst s25  }
0xa6: {  	s4 =	sshll.u32 s26, $0x1;
	_ =	strace $0x8000004C;
	[dreg:$0x1] =	wrdreg $0xFFFFFFFF  }
0xa7: {  	s28 =	simm.s32 $_size_execute0_lowered;
	s2 =	sadd.s32 s2, s4;
	[dreg:$0x0] =	wrdreg $0x0  }
0xa8: {  	s4 =	sshll.u32 s28, $0x1;
	[dreg:$0x2] =	wrdreg s2  }
0xa9: {  	[dreg:$0x3] =	wrdreg s4  }
0xaa: {  	[dreg:$0x4] =	wrdreg $0xC0  }
0xab: {  	_ =	task [dreg:s6], $0x5FFFF  }
0xac: {  	[dreg:$0x1] =	wrdreg $0xFFFFFFFF  }
0xad: {  	[dreg:$0x0] =	wrdreg $0x60  }
0xae: {  	[dreg:$0x2] =	wrdreg s24  }
0xaf: {  	[dreg:$0x3] =	wrdreg $0x84000  }
0xb0: {  	[dreg:$0x4] =	wrdreg $0x9  }
0xb1: {  	_ =	task.clear_ibuf [dreg:s6], $0x5FFFF;
	_ =	strace $0x9000004C  }
0xb2: {  	s29 =	simm.s32 $0x9;
	_ =	strace $0x8000004E  }
0xb3: {  	_ =	swait.ge [sflag:s29], $0x1  }
0xb4: {  	[sflag:s29] =	ssyncadd.s32 $0xFFFFFFFF  }
0xb5: {  	_ =	strace $0x9000004E  }
0xb6: {  	_ =	sfence  }
0xb7: {  	s30 =	sld [smem:$0x0];
	_ =	sdelay $0x2  }
0xb8: {  	s31 =	sshll.u32 s1, $0xD;
	s1 =	sshrl.u32 s1, $0x2  }
0xb9: {  	s3 =	sand.u32 $0x4000, s31;
	s1 =	sadd.s32 s1, s30  }
0xba: {  	s0 =	sor.u32 s3, s0;
	s1 =	sshll.u32 s1, $0x11  }
0xbb: {  	s0 =	sor.u32 s1, s0  }
0xbc: {  	s0 =	sadd.s32 $0x8F2B, s0  }
0xbd: {  	[sflag:s0] =	ssyncadd.remote.s32 $0x1  }
0xbe: {  	_ =	sfence.sel $0xFFFF  }
0xbf: {  	[dreg:$0x0] =	wrdreg $0xFFFFFFFF;
	(pc) =	sbr.abs _section_cstart, $3  }
0xc0: {  	[dreg:$0x1] =	wrdreg $0xFFFFFFFF  }
0xc1: {  	_ =	task.clear_ibuf [dreg:s6], $0x2FFFF;
	_ =	strace $0x9FFFFFFF  }
0xc2: {  	(tm) =	ssettm $0x7FFFFFFF  }
0xc3: {  	_ =	shalt  }
tec
execute0_lowered:
.L_overlay_start_1:
0x0: {  	(tag) =	ssettag $0x1  }
0x1: {  	s0 =	rddreg [dreg:$0x0]  }
0x2: {  	s1 =	rddreg [dreg:$0x1];
	s2 =	simm.s32 $0x0  }
0x3: {  	s3 =	srdreg.scid;
	s10 =	stileid.u32;
	s31 =	simm.s32 $0x400  }
0x4: {  	[smem:$0x7FF] =	sst s2;
	s4 =	sadd.s32 $0x18A00, s0;
	s5 =	sadd.s32 $0x40A00, s0  }
0x5: {  	s3 =	sand.u32 $0x1, s3;
	s7 =	smul.u32 $0xA0, s10;
	s8 =	sadd.s32 $0x41200, s0  }
0x6: {  	s13 =	smul.u32 $0x50000, s10;
	_ =	strace $0x8000004D;
	s6 =	ssub.s32 $0x2, s3  }
0x7: {  	[dreg:$0x8] =	wrdreg s5;
	s12 =	ssub.s32 $0x0, s3;
	s9 =	sshrl.u32 s6, $0x1  }
0x8: {  	p0 =	seq.s32 s3, $0x0;
	s9 =	ssub.s32 s6, s9;
	s6 =	simm.s32 $0x6C  }
0x9: {  	s5 =	sand.u32 $0x6C, s12;
	s6 =	simm.s32 @!p0 $0x34;
	s21 =	smax.u32 s9, $0x1  }
0xa: {  	s5 =	sadd.s32 s7, s5;
	s15 =	sadd.s32 $0xFFFFFFFF, s6;
	[dreg:$0xd] =	wrdreg s21  }
0xb: {  	s5 =	sshll.u32 s5, $0x5;
	s18 =	sshrl.u32 s6, $0x2;
	[dreg:$0x3] =	wrdreg s15  }
0xc: {  	s0 =	sadd.s32 s5, s0;
	s17 =	sadd.s32 $0xFFFFFFFE, s6;
	[dreg:$0xc] =	wrdreg s18  }
0xd: {  	s3 =	smul.u32 $0x2800, s3;
	s5 =	sadd.s32 $0x4A00, s0;
	[dreg:$0x4] =	wrdreg s17  }
0xe: {  	s7 =	sshrl.u32 s13, $0x2;
	s14 =	sadd.s32 $0x4A20, s0;
	[dreg:$0x9] =	wrdreg s5  }
0xf: {  	s16 =	sadd.s32 $0x4A40, s0;
	s5 =	smul.u32 $0x280, s10;
	[dreg:$0xa] =	wrdreg s14  }
0x10: {  	s19 =	sadd.s32 s7, s1;
	s9 =	simm.s32 $0x6;
	[dreg:$0xb] =	wrdreg s16  }
0x11: {  	s20 =	sadd.s32 s3, s5;
	s23 =	sadd.s32 $0x80, s5;
	s29 =	sadd.s32 $0x100, s5  }
0x12: {  	s13 =	sadd.s32 $0x180, s5;
	s5 =	sadd.s32 $0x200, s5;
	s22 =	sshll.u32 s20, $0x4  }
0x13: {  	s25 =	sshll.u32 s23, $0x7;
	s10 =	sadd.s32 s3, s23;
	s23 =	simm.s32 $0x280  }
0x14: {  	s7 =	sshll.u32 s29, $0x7;
	s24 =	sadd.s32 s8, s22;
	[dreg:$0x6] =	wrdreg s23  }
0x15: {  	s15 =	sshll.u32 s13, $0x7;
	s26 =	sadd.s32 s25, s1;
	[dreg:$0xe] =	wrdreg s24  }
0x16: {  	s20 =	sshll.u32 s5, $0x7;
	s11 =	sadd.s32 s7, s1;
	[dreg:$0xf] =	wrdreg s26  }
0x17: {  	s28 =	sshll.u32 s10, $0x4;
	s16 =	sadd.s32 s15, s1;
	[dreg:$0x11] =	wrdreg s11  }
0x18: {  	s10 =	sadd.s32 s3, s29;
	s21 =	sadd.s32 s20, s1;
	[dreg:$0x13] =	wrdreg s16  }
0x19: {  	s22 =	simm.s32 $0x180;
	s25 =	simm.s32 $0x380;
	[dreg:$0x15] =	wrdreg s21  }
0x1a: {  	s15 =	sadd.s32 $0x4AA0, s0;
	s29 =	sadd.s32 $0xC000, s19;
	[dreg:$0x5] =	wrdreg s22  }
0x1b: {  	s30 =	sadd.s32 s8, s28;
	s12 =	sshll.u32 s10, $0x4;
	[dreg:$0x7] =	wrdreg s25  }
0x1c: {  	s10 =	sadd.s32 s3, s13;
	s3 =	sadd.s32 s3, s5;
	[dreg:$0x1a] =	wrdreg s29  }
0x1d: {  	s24 =	sadd.s32 $0x4A60, s0;
	s26 =	sadd.s32 $0x4000, s19;
	[dreg:$0x10] =	wrdreg s30  }
0x1e: {  	s28 =	sadd.s32 $0x8000, s19;
	s5 =	simm.s32 $0x80;
	[dreg:$0x17] =	wrdreg s24  }
0x1f: {  	s11 =	simm.s32 $0x0;
	s14 =	sadd.s32 s8, s12;
	[dreg:$0x18] =	wrdreg s26  }
0x20: {  	s17 =	sshll.u32 s10, $0x4;
	s3 =	sshll.u32 s3, $0x4;
	[dreg:$0x19] =	wrdreg s28  }
0x21: {  	s12 =	sadd.s32 $0x4AC0, s0;
	s30 =	sadd.s32 $0x10000, s19;
	[dreg:$0x12] =	wrdreg s14  }
0x22: {  	s10 =	simm.s32 $0x4400;
	s18 =	sadd.s32 s8, s17;
	[dreg:$0x1b] =	wrdreg s30  }
0x23: {  	s3 =	sadd.s32 s8, s3;
	s17 =	sadd.s32 $0x4A80, s0;
	[dreg:$0x14] =	wrdreg s18  }
0x24: {  	s0 =	simm.s32 $0x7;
	s8 =	simm.s32 $0x5;
	[dreg:$0x16] =	wrdreg s3  }
.LBB2_1:
0x25: {  	s3 =	rddreg [dreg:$0x8]  }
0x26: {  	[tilespmem:s31], [sflag:$0x7] =	stream.linear.gather [hbm4b:s3+s2], $0x4000, $0x38;
	[tilespmem:$0x1C400] =	vst v63  }
0x27: {  	_ =	swait.ge [sflag:s0], $0x4000  }
0x28: {  	[sflag:s0] =	ssyncset.done $0x0  }
0x29: {  	[sflag:s0] =	ssyncadd.s32 $0xFFFFC000  }
0x2a: {  	[spmem:s19] =	stream.linear.scatter [tilespmem:s31], [sflag:$0x7], $0x4000, $0x38;
	[tilespmem:$0x1C400] =	vst v63  }
0x2b: {  	_ =	swait.ge [sflag:s0], $0x4000  }
0x2c: {  	[sflag:s0] =	ssyncset.done $0x0  }
0x2d: {  	s20 =	rddreg [dreg:$0x18];
	[sflag:s0] =	ssyncadd.s32 $0xFFFFC000  }
0x2e: {  	[spmem:s20] =	stream.linear.scatter [tilespmem:s31], [sflag:$0x7], $0x4000, $0x38;
	[tilespmem:$0x1C400] =	vst v63  }
0x2f: {  	_ =	swait.ge [sflag:s0], $0x4000  }
0x30: {  	[sflag:s0] =	ssyncset.done $0x0  }
0x31: {  	s21 =	rddreg [dreg:$0x19];
	[sflag:s0] =	ssyncadd.s32 $0xFFFFC000  }
0x32: {  	[spmem:s21] =	stream.linear.scatter [tilespmem:s31], [sflag:$0x7], $0x4000, $0x38;
	[tilespmem:$0x1C400] =	vst v63  }
0x33: {  	_ =	swait.ge [sflag:s0], $0x4000  }
0x34: {  	[sflag:s0] =	ssyncset.done $0x0  }
0x35: {  	s22 =	rddreg [dreg:$0x1a];
	[sflag:s0] =	ssyncadd.s32 $0xFFFFC000  }
0x36: {  	[spmem:s22] =	stream.linear.scatter [tilespmem:s31], [sflag:$0x7], $0x4000, $0x38;
	[tilespmem:$0x1C400] =	vst v63  }
0x37: {  	_ =	swait.ge [sflag:s0], $0x4000  }
0x38: {  	[sflag:s0] =	ssyncset.done $0x0  }
0x39: {  	s23 =	rddreg [dreg:$0x1b];
	[sflag:s0] =	ssyncadd.s32 $0xFFFFC000  }
0x3a: {  	[spmem:s23] =	stream.linear.scatter [tilespmem:s31], [sflag:$0x7], $0x4000, $0x38;
	[tilespmem:$0x1C400] =	vst v63  }
0x3b: {  	_ =	swait.ge [sflag:s0], $0x4000  }
0x3c: {  	[sflag:s0] =	ssyncset.done $0x0  }
0x3d: {  	[sflag:s0] =	ssyncadd.s32 $0xFFFFC000  }
0x3e: {  	[bflag:$0x0] =	sbarrier.arrive $0xFFFF  }
0x3f: {  	s24 =	rddreg [dreg:$0x9]  }
0x40: {  	[tilespmem:s2], [sflag:$0x1] =	stream.linear.gather [hbm4b:s24+s2], $0x100, $0x38;
	[tilespmem:$0x1C400] =	vst v63  }
0x41: {  	s7 =	simm.s32 $0x100;
	s25 =	rddreg [dreg:$0xa]  }
0x42: {  	[tilespmem:s7], [sflag:$0x2] =	stream.linear.gather [hbm4b:s25+s2], $0x100, $0x38;
	[tilespmem:$0x1C400] =	vst v63  }
0x43: {  	s28 =	simm.s32 $0x200;
	s29 =	simm.s32 $0x1;
	s26 =	rddreg [dreg:$0xb]  }
0x44: {  	[tilespmem:s28], [sflag:$0x3] =	stream.linear.gather [hbm4b:s26+s2], $0x100, $0x38;
	[tilespmem:$0x1C400] =	vst v63  }
0x45: {  	_ =	swait.ge [sflag:s29], $0x100  }
0x46: {  	s30 =	rddreg [dreg:$0xc]  }
0x47: {  	s16 =	sadd.s32 $0xFFFFFFFF, s30  }
0x48: {  	p2 =	sne.s32 s16, $0x0  }
.Ltmp0:
0x49: {  	_ = 	snop;
	(pc) =	sbr.rel @!p2 .LBB2_2-.Ltmp0, $4  }
0x4a: {  	s14 =	simm.s32 $0x5  }
0x4b: {  	s13 =	simm.s32 $0x6;
	p0 =	sle.u32 s6, $0x3;
	[sflag:s29] =	ssyncset.done $0x0  }
0x4c: {  	p1 =	por $0x0, $0x0;
	s26 =	rddreg [dreg:$0x3];
	[sflag:s29] =	ssyncadd.s32 $0xFFFFFF00  }
0x4d: {  	[tilespmem:s31], [sflag:$0x5] =	stream.indirect.gather [hbm4b:s4+s5], $0x80, s2, s5, $0xb8;
	[tilespmem:$0x1C400] =	vst v63  }
0x4e: {  	s13 =	simm.s32 @!p0 $0x0  }
0x4f: {  	s14 =	simm.s32 @!p0 $0x300;
	s3 =	rddreg [dreg:$0x17];
	p1 =	sle.u32 s26, $0x0  }
0x50: {  	[tilespmem:s14], [sflag:$0x4] =	stream.linear.gather @!p0 [hbm4b:s3+s13], $0x100, $0x38;
	[tilespmem:$0x1C400] =	vst v63  }
0x51: {  	s13 =	simm.s32 @!p1 $0x2  }
0x52: {  	_ =	swait.ge @!p1 [sflag:s13], $0x100  }
0x53: {  	s18 =	simm.s32 @!p1 $0x4400;
	[sflag:s13] =	ssyncset.done @!p1 $0x0  }
0x54: {  	s20 =	simm.s32 @!p1 $0x100;
	[sflag:s13] =	ssyncadd.s32 @!p1 $0xFFFFFF00;
	s13 =	simm.s32 @!p1 $0x80  }
0x55: {  	[tilespmem:s18], [sflag:$0x6] =	stream.indirect.gather @!p1 [hbm4b:s4+s13], $0x80, s20, s13, $0xb8;
	[tilespmem:$0x1C400] =	vst v63  }
0x56: {  	_ =	swait.ge [sflag:s8], $0x4000  }
0x57: {  	[sflag:s8] =	ssyncset.done $0x0  }
0x58: {  	[sflag:s8] =	ssyncadd.s32 $0xFFFFC000  }
0x59: {  	[spmem:s1] =	stream.indirect.scatter.add.f32 [tilespmem:s31], [sflag:$0x7], $0x80, s5, s5, $0xb8;
	[tilespmem:$0x1C400] =	vst v63  }
0x5a: {  	_ =	swait.ge [sflag:s0], $0x4000  }
0x5b: {  	p1 =	sle.u32 s6, $0x4;
	[sflag:s0] =	ssyncset.done $0x0;
	s26 =	rddreg [dreg:$0x4]  }
0x5c: {  	s18 =	simm.s32 @!p1 $0x0;
	[sflag:s0] =	ssyncadd.s32 $0xFFFFC000;
	p2 =	sle.u32 s26, $0x0  }
0x5d: {  	[tilespmem:s18], [sflag:$0x1] =	stream.linear.gather @!p1 [hbm4b:s17+s18], $0x100, $0x38;
	[tilespmem:$0x1C400] =	vst v63  }
0x5e: {  	s13 =	simm.s32 @!p2 $0x3  }
0x5f: {  	_ =	swait.ge @!p2 [sflag:s13], $0x100  }
0x60: {  	s20 =	simm.s32 @!p2 $0x400;
	[sflag:s13] =	ssyncset.done @!p2 $0x0  }
0x61: {  	s21 =	simm.s32 @!p2 $0x200;
	[sflag:s13] =	ssyncadd.s32 @!p2 $0xFFFFFF00;
	s13 =	simm.s32 @!p2 $0x80  }
0x62: {  	[tilespmem:s20], [sflag:$0x5] =	stream.indirect.gather @!p2 [hbm4b:s4+s13], $0x80, s21, s13, $0xb8;
	[tilespmem:$0x1C400] =	vst v63  }
0x63: {  	_ =	swait.ge [sflag:s9], $0x4000  }
0x64: {  	[sflag:s9] =	ssyncset.done $0x0  }
0x65: {  	s28 =	rddreg [dreg:$0x5];
	[sflag:s9] =	ssyncadd.s32 $0xFFFFC000  }
0x66: {  	[spmem:s1] =	stream.indirect.scatter.add.f32 [tilespmem:s10], [sflag:$0x7], $0x80, s28, s5, $0xb8;
	[tilespmem:$0x1C400] =	vst v63  }
0x67: {  	_ =	swait.ge [sflag:s0], $0x4000  }
0x68: {  	p2 =	sle.u32 s6, $0x5;
	s13 =	simm.s32 @!p0 $0x4;
	[sflag:s0] =	ssyncset.done $0x0  }
0x69: {  	s20 =	simm.s32 @!p2 $0x0;
	s21 =	simm.s32 @!p2 $0x100;
	[sflag:s0] =	ssyncadd.s32 $0xFFFFC000  }
0x6a: {  	[tilespmem:s21], [sflag:$0x2] =	stream.linear.gather @!p2 [hbm4b:s15+s20], $0x100, $0x38;
	[tilespmem:$0x1C400] =	vst v63  }
0x6b: {  	_ =	swait.ge @!p0 [sflag:s13], $0x100  }
0x6c: {  	[sflag:s13] =	ssyncset.done @!p0 $0x0  }
0x6d: {  	s20 =	simm.s32 @!p0 $0x4400;
	[sflag:s13] =	ssyncadd.s32 @!p0 $0xFFFFFF00;
	s13 =	simm.s32 @!p0 $0x80  }
0x6e: {  	[tilespmem:s20], [sflag:$0x6] =	stream.indirect.gather @!p0 [hbm4b:s4+s13], $0x80, s14, s13, $0xb8;
	[tilespmem:$0x1C400] =	vst v63  }
0x6f: {  	_ =	swait.ge [sflag:s8], $0x4000  }
0x70: {  	[sflag:s8] =	ssyncset.done $0x0  }
0x71: {  	s29 =	rddreg [dreg:$0x6];
	[sflag:s8] =	ssyncadd.s32 $0xFFFFC000  }
0x72: {  	[spmem:s1] =	stream.indirect.scatter.add.f32 [tilespmem:s31], [sflag:$0x7], $0x80, s29, s5, $0xb8;
	[tilespmem:$0x1C400] =	vst v63  }
0x73: {  	s25 =	sadd.s32 $0x80, s12;
	_ =	swait.ge [sflag:s0], $0x4000  }
0x74: {  	p0 =	sle.u32 s6, $0x6;
	s13 =	simm.s32 @!p1 $0x1;
	[sflag:s0] =	ssyncset.done $0x0  }
0x75: {  	s14 =	simm.s32 @!p0 $0x0;
	s20 =	simm.s32 @!p0 $0x200;
	[sflag:s0] =	ssyncadd.s32 $0xFFFFC000  }
0x76: {  	[tilespmem:s20], [sflag:$0x3] =	stream.linear.gather @!p0 [hbm4b:s12+s14], $0x100, $0x38;
	[tilespmem:$0x1C400] =	vst v63  }
0x77: {  	s23 =	sadd.s32 $0x80, s17;
	s24 =	sadd.s32 $0x80, s15;
	_ =	swait.ge @!p1 [sflag:s13], $0x100  }
0x78: {  	s22 =	sadd.s32 $0x80, s3;
	s14 =	simm.s32 @!p1 $0x400;
	[sflag:s13] =	ssyncset.done @!p1 $0x0  }
0x79: {  	s20 =	sadd.s32 $0xFFFFFFFF, s16;
	[sflag:s13] =	ssyncadd.s32 @!p1 $0xFFFFFF00;
	s13 =	simm.s32 @!p1 $0x80  }
0x7a: {  	[tilespmem:s14], [sflag:$0x5] =	stream.indirect.gather @!p1 [hbm4b:s4+s13], $0x80, s18, s13, $0xb8;
	[tilespmem:$0x1C400] =	vst v63  }
0x7b: {  	s16 =	simm.s32 $0x4;
	p2 =	sne.s32 s20, $0x0;
	_ =	swait.ge [sflag:s9], $0x4000  }
.Ltmp1:
0x7c: {  	p0 =	sle.u32 s6, $0x7;
	[sflag:s9] =	ssyncset.done $0x0;
	(pc) =	sbr.rel @!p2 .LBB2_4-.Ltmp1, $4  }
0x7d: {  	s14 =	simm.s32 $0x9;
	s30 =	rddreg [dreg:$0x7];
	[sflag:s9] =	ssyncadd.s32 $0xFFFFC000  }
0x7e: {  	[spmem:s1] =	stream.indirect.scatter.add.f32 [tilespmem:s10], [sflag:$0x7], $0x80, s30, s5, $0xb8;
	[tilespmem:$0x1C400] =	vst v63  }
0x7f: {  	s13 =	simm.s32 $0xA;
	p1 =	por $0x1, $0x1;
	_ =	swait.ge [sflag:s0], $0x4000  }
0x80: {  	s18 =	simm.s32 $0x4;
	s26 =	rddreg [dreg:$0x3];
	[sflag:s0] =	ssyncset.done $0x0  }
.LBB2_5:
0x81: {  	s28 =	simm.s32 @!p0 $0x0  }
0x82: {  	s21 =	simm.s32 @!p0 $0x300;
	[sflag:s0] =	ssyncadd.s32 $0xFFFFC000;
	p3 =	sge.u32 s16, s26  }
0x83: {  	[tilespmem:s21], [sflag:$0x4] =	stream.linear.gather @!p0 [hbm4b:s22+s28], $0x100, $0x38;
	[tilespmem:$0x1C400] =	vst v63  }
0x84: {  	s26 =	simm.s32 @!p3 $0x2  }
0x85: {  	_ =	swait.ge @!p3 [sflag:s26], $0x100  }
0x86: {  	s28 =	simm.s32 @!p3 $0x4400;
	[sflag:s26] =	ssyncset.done @!p3 $0x0  }
0x87: {  	s29 =	simm.s32 @!p3 $0x100;
	[sflag:s26] =	ssyncadd.s32 @!p3 $0xFFFFFF00;
	s26 =	simm.s32 @!p3 $0x80  }
0x88: {  	[tilespmem:s28], [sflag:$0x6] =	stream.indirect.gather @!p3 [hbm4b:s4+s26], $0x80, s29, s26, $0xb8;
	[tilespmem:$0x1C400] =	vst v63  }
0x89: {  	_ =	swait.ge [sflag:s8], $0x4000  }
0x8a: {  	[sflag:s8] =	ssyncset.done $0x0  }
0x8b: {  	[sflag:s8] =	ssyncadd.s32 $0xFFFFC000  }
0x8c: {  	[spmem:s1] =	stream.indirect.scatter.add.f32 [tilespmem:s31], [sflag:$0x7], $0x80, s5, s5, $0xb8;
	[tilespmem:$0x1C400] =	vst v63  }
0x8d: {  	s16 =	sadd.s32 $0x4, s16;
	_ =	swait.ge [sflag:s0], $0x4000  }
0x8e: {  	p3 =	sge.u32 s16, s6;
	[sflag:s0] =	ssyncset.done $0x0;
	s3 =	rddreg [dreg:$0x4]  }
0x8f: {  	s26 =	simm.s32 @!p3 $0x0;
	[sflag:s0] =	ssyncadd.s32 $0xFFFFC000;
	p4 =	sge.u32 s18, s3  }
0x90: {  	[tilespmem:s26], [sflag:$0x1] =	stream.linear.gather @!p3 [hbm4b:s23+s26], $0x100, $0x38;
	[tilespmem:$0x1C400] =	vst v63  }
0x91: {  	s29 =	simm.s32 @!p4 $0x3  }
0x92: {  	_ =	swait.ge @!p4 [sflag:s29], $0x100  }
0x93: {  	s3 =	simm.s32 @!p4 $0x400;
	[sflag:s29] =	ssyncset.done @!p4 $0x0  }
0x94: {  	s7 =	simm.s32 @!p4 $0x200;
	[sflag:s29] =	ssyncadd.s32 @!p4 $0xFFFFFF00;
	s29 =	simm.s32 @!p4 $0x80  }
0x95: {  	[tilespmem:s3], [sflag:$0x5] =	stream.indirect.gather @!p4 [hbm4b:s4+s29], $0x80, s7, s29, $0xb8;
	[tilespmem:$0x1C400] =	vst v63  }
0x96: {  	_ =	swait.ge [sflag:s9], $0x4000  }
0x97: {  	[sflag:s9] =	ssyncset.done $0x0  }
0x98: {  	s7 =	rddreg [dreg:$0x5];
	[sflag:s9] =	ssyncadd.s32 $0xFFFFC000  }
0x99: {  	[spmem:s1] =	stream.indirect.scatter.add.f32 [tilespmem:s10], [sflag:$0x7], $0x80, s7, s5, $0xb8;
	[tilespmem:$0x1C400] =	vst v63  }
0x9a: {  	_ =	swait.ge [sflag:s0], $0x4000  }
0x9b: {  	p4 =	sge.u32 s14, s6;
	s3 =	simm.s32 @!p0 $0x4;
	[sflag:s0] =	ssyncset.done $0x0  }
0x9c: {  	s14 =	simm.s32 @!p4 $0x100;
	s7 =	simm.s32 @!p4 $0x0;
	[sflag:s0] =	ssyncadd.s32 $0xFFFFC000  }
0x9d: {  	[tilespmem:s14], [sflag:$0x2] =	stream.linear.gather @!p4 [hbm4b:s24+s7], $0x100, $0x38;
	[tilespmem:$0x1C400] =	vst v63  }
0x9e: {  	_ =	swait.ge @!p0 [sflag:s3], $0x100  }
0x9f: {  	[sflag:s3] =	ssyncset.done @!p0 $0x0  }
0xa0: {  	s7 =	simm.s32 @!p0 $0x4400;
	[sflag:s3] =	ssyncadd.s32 @!p0 $0xFFFFFF00;
	s3 =	simm.s32 @!p0 $0x80  }
0xa1: {  	[tilespmem:s7], [sflag:$0x6] =	stream.indirect.gather @!p0 [hbm4b:s4+s3], $0x80, s21, s3, $0xb8;
	[tilespmem:$0x1C400] =	vst v63  }
0xa2: {  	_ =	swait.ge [sflag:s8], $0x4000  }
0xa3: {  	[sflag:s8] =	ssyncset.done $0x0  }
0xa4: {  	s20 =	sadd.s32 $0xFFFFFFFF, s20;
	s21 =	rddreg [dreg:$0x6];
	[sflag:s8] =	ssyncadd.s32 $0xFFFFC000  }
0xa5: {  	[spmem:s1] =	stream.indirect.scatter.add.f32 [tilespmem:s31], [sflag:$0x7], $0x80, s21, s5, $0xb8;
	[tilespmem:$0x1C400] =	vst v63  }
0xa6: {  	p2 =	sne.s32 s20, $0x0;
	_ =	swait.ge [sflag:s0], $0x4000  }
0xa7: {  	p0 =	sge.u32 s13, s6;
	s3 =	simm.s32 @!p3 $0x1;
	[sflag:s0] =	ssyncset.done $0x0  }
0xa8: {  	s7 =	simm.s32 @!p0 $0x0;
	s13 =	simm.s32 @!p0 $0x200;
	[sflag:s0] =	ssyncadd.s32 $0xFFFFC000  }
0xa9: {  	[tilespmem:s13], [sflag:$0x3] =	stream.linear.gather @!p0 [hbm4b:s25+s7], $0x100, $0x38;
	[tilespmem:$0x1C400] =	vst v63  }
0xaa: {  	s30 =	sadd.s32 $0x5, s16;
	s22 =	sadd.s32 $0x80, s22;
	_ =	swait.ge @!p3 [sflag:s3], $0x100  }
0xab: {  	s28 =	sadd.s32 $0x6, s16;
	s18 =	smov.u32 s16;
	[sflag:s3] =	ssyncset.done @!p3 $0x0  }
0xac: {  	s7 =	simm.s32 @!p3 $0x400;
	[sflag:s3] =	ssyncadd.s32 @!p3 $0xFFFFFF00;
	s3 =	simm.s32 @!p3 $0x80  }
0xad: {  	[tilespmem:s7], [sflag:$0x5] =	stream.indirect.gather @!p3 [hbm4b:s4+s3], $0x80, s26, s3, $0xb8;
	[tilespmem:$0x1C400] =	vst v63  }
0xae: {  	s23 =	sadd.s32 $0x80, s23;
	s14 =	smov.u32 s30;
	_ =	swait.ge [sflag:s9], $0x4000  }
.Ltmp2:
0xaf: {  	s24 =	sadd.s32 $0x80, s24;
	[sflag:s9] =	ssyncset.done $0x0;
	(pc) =	sbr.rel @p2 .LBB2_5-.Ltmp2, $4  }
0xb0: {  	s30 =	sadd.s32 $0x3, s16;
	s29 =	rddreg [dreg:$0x7];
	[sflag:s9] =	ssyncadd.s32 $0xFFFFC000  }
0xb1: {  	[spmem:s1] =	stream.indirect.scatter.add.f32 [tilespmem:s10], [sflag:$0x7], $0x80, s29, s5, $0xb8;
	[tilespmem:$0x1C400] =	vst v63  }
0xb2: {  	s13 =	smov.u32 s28;
	s25 =	sadd.s32 $0x80, s25;
	_ =	swait.ge [sflag:s0], $0x4000  }
0xb3: {  	p0 =	sge.u32 s30, s6;
	s26 =	rddreg [dreg:$0x3];
	[sflag:s0] =	ssyncset.done $0x0  }
.LBB2_6:
0xb4: {  	s3 =	simm.s32 @!p0 $0x0  }
0xb5: {  	s7 =	simm.s32 @!p0 $0x300;
	[sflag:s0] =	ssyncadd.s32 @p1 $0xFFFFC000;
	p1 =	sge.u32 s16, s26  }
0xb6: {  	[tilespmem:s7], [sflag:$0x4] =	stream.linear.gather @!p0 [hbm4b:s22+s3], $0x100, $0x38;
	[tilespmem:$0x1C400] =	vst v63  }
0xb7: {  	s3 =	simm.s32 @!p1 $0x2  }
0xb8: {  	_ =	swait.ge @!p1 [sflag:s3], $0x100  }
0xb9: {  	s20 =	simm.s32 @!p1 $0x4400;
	[sflag:s3] =	ssyncset.done @!p1 $0x0  }
0xba: {  	s21 =	simm.s32 @!p1 $0x100;
	[sflag:s3] =	ssyncadd.s32 @!p1 $0xFFFFFF00;
	s3 =	simm.s32 @!p1 $0x80  }
0xbb: {  	[tilespmem:s20], [sflag:$0x6] =	stream.indirect.gather @!p1 [hbm4b:s4+s3], $0x80, s21, s3, $0xb8;
	[tilespmem:$0x1C400] =	vst v63  }
0xbc: {  	_ =	swait.ge [sflag:s8], $0x4000  }
0xbd: {  	[sflag:s8] =	ssyncset.done $0x0  }
0xbe: {  	[sflag:s8] =	ssyncadd.s32 $0xFFFFC000  }
0xbf: {  	[spmem:s1] =	stream.indirect.scatter.add.f32 [tilespmem:s31], [sflag:$0x7], $0x80, s5, s5, $0xb8;
	[tilespmem:$0x1C400] =	vst v63  }
0xc0: {  	s28 =	sadd.s32 $0x4, s16;
	_ =	swait.ge [sflag:s0], $0x4000  }
0xc1: {  	p1 =	sge.u32 s28, s6;
	[sflag:s0] =	ssyncset.done $0x0;
	s29 =	rddreg [dreg:$0x4]  }
0xc2: {  	s16 =	simm.s32 @!p1 $0x0;
	[sflag:s0] =	ssyncadd.s32 $0xFFFFC000;
	p2 =	sge.u32 s18, s29  }
0xc3: {  	[tilespmem:s16], [sflag:$0x1] =	stream.linear.gather @!p1 [hbm4b:s23+s16], $0x100, $0x38;
	[tilespmem:$0x1C400] =	vst v63  }
0xc4: {  	s3 =	simm.s32 @!p2 $0x3  }
0xc5: {  	_ =	swait.ge @!p2 [sflag:s3], $0x100  }
0xc6: {  	s18 =	simm.s32 @!p2 $0x400;
	[sflag:s3] =	ssyncset.done @!p2 $0x0  }
0xc7: {  	s20 =	simm.s32 @!p2 $0x200;
	[sflag:s3] =	ssyncadd.s32 @!p2 $0xFFFFFF00;
	s3 =	simm.s32 @!p2 $0x80  }
0xc8: {  	[tilespmem:s18], [sflag:$0x5] =	stream.indirect.gather @!p2 [hbm4b:s4+s3], $0x80, s20, s3, $0xb8;
	[tilespmem:$0x1C400] =	vst v63  }
0xc9: {  	_ =	swait.ge [sflag:s9], $0x4000  }
0xca: {  	[sflag:s9] =	ssyncset.done $0x0  }
0xcb: {  	s30 =	rddreg [dreg:$0x5];
	[sflag:s9] =	ssyncadd.s32 $0xFFFFC000  }
0xcc: {  	[spmem:s1] =	stream.indirect.scatter.add.f32 [tilespmem:s10], [sflag:$0x7], $0x80, s30, s5, $0xb8;
	[tilespmem:$0x1C400] =	vst v63  }
0xcd: {  	_ =	swait.ge [sflag:s0], $0x4000  }
0xce: {  	p2 =	sge.u32 s14, s6;
	[sflag:s0] =	ssyncset.done $0x0  }
0xcf: {  	s3 =	simm.s32 @!p2 $0x0;
	s14 =	simm.s32 @!p2 $0x100;
	[sflag:s0] =	ssyncadd.s32 $0xFFFFC000  }
0xd0: {  	[tilespmem:s14], [sflag:$0x2] =	stream.linear.gather @!p2 [hbm4b:s24+s3], $0x100, $0x38;
	[tilespmem:$0x1C400] =	vst v63  }
0xd1: {  	s3 =	simm.s32 @!p0 $0x4  }
0xd2: {  	_ =	swait.ge @!p0 [sflag:s3], $0x100  }
0xd3: {  	[sflag:s3] =	ssyncset.done @!p0 $0x0  }
0xd4: {  	s14 =	simm.s32 @!p0 $0x4400;
	[sflag:s3] =	ssyncadd.s32 @!p0 $0xFFFFFF00;
	s3 =	simm.s32 @!p0 $0x80  }
0xd5: {  	[tilespmem:s14], [sflag:$0x6] =	stream.indirect.gather @!p0 [hbm4b:s4+s3], $0x80, s7, s3, $0xb8;
	[tilespmem:$0x1C400] =	vst v63  }
0xd6: {  	_ =	swait.ge [sflag:s8], $0x4000  }
0xd7: {  	[sflag:s8] =	ssyncset.done $0x0  }
0xd8: {  	s14 =	rddreg [dreg:$0x6];
	[sflag:s8] =	ssyncadd.s32 $0xFFFFC000  }
0xd9: {  	[spmem:s1] =	stream.indirect.scatter.add.f32 [tilespmem:s31], [sflag:$0x7], $0x80, s14, s5, $0xb8;
	[tilespmem:$0x1C400] =	vst v63  }
0xda: {  	_ =	swait.ge [sflag:s0], $0x4000  }
0xdb: {  	p0 =	sge.u32 s13, s6;
	[sflag:s0] =	ssyncset.done $0x0  }
0xdc: {  	s3 =	simm.s32 @!p0 $0x0;
	s7 =	simm.s32 @!p0 $0x200;
	[sflag:s0] =	ssyncadd.s32 $0xFFFFC000  }
0xdd: {  	[tilespmem:s7], [sflag:$0x3] =	stream.linear.gather @!p0 [hbm4b:s25+s3], $0x100, $0x38;
	[tilespmem:$0x1C400] =	vst v63  }
0xde: {  	s3 =	simm.s32 @!p1 $0x1  }
0xdf: {  	_ =	swait.ge @!p1 [sflag:s3], $0x100  }
0xe0: {  	[sflag:s3] =	ssyncset.done @!p1 $0x0  }
0xe1: {  	s7 =	simm.s32 @!p1 $0x400;
	[sflag:s3] =	ssyncadd.s32 @!p1 $0xFFFFFF00;
	s3 =	simm.s32 @!p1 $0x80  }
0xe2: {  	[tilespmem:s7], [sflag:$0x5] =	stream.indirect.gather @!p1 [hbm4b:s4+s3], $0x80, s16, s3, $0xb8;
	[tilespmem:$0x1C400] =	vst v63  }
0xe3: {  	_ =	swait.ge [sflag:s9], $0x4000  }
0xe4: {  	[sflag:s9] =	ssyncset.done $0x0  }
0xe5: {  	s18 =	rddreg [dreg:$0x7];
	[sflag:s9] =	ssyncadd.s32 $0xFFFFC000  }
0xe6: {  	[spmem:s1] =	stream.indirect.scatter.add.f32 [tilespmem:s10], [sflag:$0x7], $0x80, s18, s5, $0xb8;
	[tilespmem:$0x1C400] =	vst v63  }
0xe7: {  	_ =	swait.ge [sflag:s0], $0x4000  }
0xe8: {  	[sflag:s0] =	ssyncset.done $0x0  }
0xe9: {  	[sflag:s0] =	ssyncadd.s32 $0xFFFFC000  }
0xea: {  	[bflag:$0x0] =	sbarrier.arrive $0xFFFF  }
0xeb: {  	[tilespmem:s31], [sflag:$0x7] =	stream.linear.gather [spmem:s19], $0x4000, $0x38;
	[tilespmem:$0x1C400] =	vst v63  }
0xec: {  	_ =	swait.ge [sflag:s0], $0x4000  }
0xed: {  	[sflag:s0] =	ssyncset.done $0x0  }
0xee: {  	s20 =	rddreg [dreg:$0xe];
	[sflag:s0] =	ssyncadd.s32 $0xFFFFC000  }
0xef: {  	[hbm4b:s20+s2] =	stream.linear.scatter [tilespmem:s31], [sflag:$0x7], $0x4000, $0x38;
	[tilespmem:$0x1C400] =	vst v63  }
0xf0: {  	_ =	swait.ge [sflag:s0], $0x4000  }
0xf1: {  	[sflag:s0] =	ssyncset.done $0x0  }
0xf2: {  	s21 =	rddreg [dreg:$0xf];
	[sflag:s0] =	ssyncadd.s32 $0xFFFFC000  }
0xf3: {  	[tilespmem:s31], [sflag:$0x7] =	stream.linear.gather [spmem:s21], $0x4000, $0x38;
	[tilespmem:$0x1C400] =	vst v63  }
0xf4: {  	_ =	swait.ge [sflag:s0], $0x4000  }
0xf5: {  	[sflag:s0] =	ssyncset.done $0x0  }
0xf6: {  	s22 =	rddreg [dreg:$0x10];
	[sflag:s0] =	ssyncadd.s32 $0xFFFFC000  }
0xf7: {  	[hbm4b:s22+s2] =	stream.linear.scatter [tilespmem:s31], [sflag:$0x7], $0x4000, $0x38;
	[tilespmem:$0x1C400] =	vst v63  }
0xf8: {  	_ =	swait.ge [sflag:s0], $0x4000  }
0xf9: {  	[sflag:s0] =	ssyncset.done $0x0  }
0xfa: {  	s23 =	rddreg [dreg:$0x11];
	[sflag:s0] =	ssyncadd.s32 $0xFFFFC000  }
0xfb: {  	[tilespmem:s31], [sflag:$0x7] =	stream.linear.gather [spmem:s23], $0x4000, $0x38;
	[tilespmem:$0x1C400] =	vst v63  }
0xfc: {  	_ =	swait.ge [sflag:s0], $0x4000  }
0xfd: {  	[sflag:s0] =	ssyncset.done $0x0  }
0xfe: {  	s24 =	rddreg [dreg:$0x12];
	[sflag:s0] =	ssyncadd.s32 $0xFFFFC000  }
0xff: {  	[hbm4b:s24+s2] =	stream.linear.scatter [tilespmem:s31], [sflag:$0x7], $0x4000, $0x38;
	[tilespmem:$0x1C400] =	vst v63  }
0x100: {  	_ =	swait.ge [sflag:s0], $0x4000  }
0x101: {  	[sflag:s0] =	ssyncset.done $0x0  }
0x102: {  	s25 =	rddreg [dreg:$0x13];
	[sflag:s0] =	ssyncadd.s32 $0xFFFFC000  }
0x103: {  	[tilespmem:s31], [sflag:$0x7] =	stream.linear.gather [spmem:s25], $0x4000, $0x38;
	[tilespmem:$0x1C400] =	vst v63  }
0x104: {  	_ =	swait.ge [sflag:s0], $0x4000  }
0x105: {  	[sflag:s0] =	ssyncset.done $0x0  }
0x106: {  	s26 =	rddreg [dreg:$0x14];
	[sflag:s0] =	ssyncadd.s32 $0xFFFFC000  }
0x107: {  	[hbm4b:s26+s2] =	stream.linear.scatter [tilespmem:s31], [sflag:$0x7], $0x4000, $0x38;
	[tilespmem:$0x1C400] =	vst v63  }
0x108: {  	_ =	swait.ge [sflag:s0], $0x4000  }
0x109: {  	[sflag:s0] =	ssyncset.done $0x0  }
0x10a: {  	s28 =	rddreg [dreg:$0x15];
	[sflag:s0] =	ssyncadd.s32 $0xFFFFC000  }
0x10b: {  	[tilespmem:s31], [sflag:$0x7] =	stream.linear.gather [spmem:s28], $0x4000, $0x38;
	[tilespmem:$0x1C400] =	vst v63  }
0x10c: {  	_ =	swait.ge [sflag:s0], $0x4000  }
0x10d: {  	[sflag:s0] =	ssyncset.done $0x0  }
0x10e: {  	s29 =	rddreg [dreg:$0x16];
	[sflag:s0] =	ssyncadd.s32 $0xFFFFC000  }
0x10f: {  	[hbm4b:s29+s2] =	stream.linear.scatter [tilespmem:s31], [sflag:$0x7], $0x4000, $0x38;
	[tilespmem:$0x1C400] =	vst v63  }
0x110: {  	_ =	swait.ge [sflag:s0], $0x4000  }
0x111: {  	s11 =	sadd.s32 $0x1, s11;
	s30 =	rddreg [dreg:$0xd]  }
0x112: {  	p0 =	sne.s32 s11, s30  }
.Ltmp3:
0x113: {  	_ = 	snop;
	(pc) =	sbr.rel @p0 .LBB2_1-.Ltmp3, $4  }
.Ltmp4:
0x114: {  	_ = 	snop;
	(pc) =	sbr.rel @!p0 .LBB2_7-.Ltmp4, $4  }
0x115: {  	_ = 	snop  }
0x116: {  	[sflag:s0] =	ssyncset.done $0x0  }
0x117: {  	[sflag:s0] =	ssyncadd.s32 $0xFFFFC000  }
0x118: {  	_ = 	snop  }
.LBB2_2:
.Ltmp5:
0x119: {  	(pc) =	sbr.rel .LBB2_6-.Ltmp5, $3  }
0x11a: {  	_ =	sdelay $0x1  }
0x11b: {  	s22 =	rddreg [dreg:$0x17];
	s16 =	simm.s32 $0x0;
	s23 =	smov.u32 s17  }
0x11c: {  	s18 =	simm.s32 $0x0;
	s24 =	smov.u32 s15;
	s25 =	smov.u32 s12  }
.LBB2_4:
.Ltmp6:
0x11d: {  	(pc) =	sbr.rel .LBB2_6-.Ltmp6, $2  }
0x11e: {  	_ =	sdelay $0x2  }
0x11f: {  	s18 =	simm.s32 $0x4  }
.LBB2_7:
0x120: {  	_ =	sfence.sel $0x180000  }
0x121: {  	[bflag:$0x0] =	sbarrier.arrive $0xFFFF  }
0x122: {  	_ =	strace $0x9000004D  }
0x123: {  	s0 =	stileid.u32;
	[bflag:$0x2] =	sbarrier.arrive $0xFFFF  }
0x124: {  	p0 =	sne.s32 s0, $0x0;
	s0 =	rddreg [dreg:$0x2]  }
0x125: {  	s0 =	sadd.s32 @!p0 $0x100000, s0  }
0x126: {  	[sflag:s0] =	ssyncadd.tile.s32 @!p0 $0x1;
	_ =	shalt  }
.Lfunc_end2:
_tile_overlayer_lowered:
.L_overlay_start_2:
0x127: {  	(tag) =	ssettag $0x2  }
0x128: {  	s0 =	rddreg [dreg:$0x0];
	s2 =	stileid.u32  }
0x129: {  	s1 =	rddreg [dreg:$0x1];
	p0 =	sne.s32 s2, $0x0  }
0x12a: {  	s3 =	rddreg [dreg:$0x2];
	[bflag:$0x3] =	sbarrier.arrive $0xFFFF;
	s2 =	simm.s32 @!p0 $0x1C07  }
0x12b: {  	[timem:s3], [sflag:s2] =	dma.local @!p0 [hbm:s0], s1  }
0x12c: {  	s0 =	simm.s32 @!p0 $0x7  }
0x12d: {  	_ =	swait.ge @!p0 [sflag:s0], s1  }
0x12e: {  	s1 =	ssub.s32 @!p0 $0x0, s1;
	[sflag:s0] =	ssyncset.done @!p0 $0x0  }
0x12f: {  	[sflag:s0] =	ssyncadd.s32 @!p0 s1  }
0x130: {  	[bflag:$0x3] =	sbarrier.arrive $0xFFFF  }
0x131: {  	_ =	shalt  }

</sc_bundles>
